<compile_context>
chip_gen: v7x
topology: tpu7x:2x2x1
jax: 0.10.2.dev20260603
libtpu: 0.0.44.dev20260713+nightly
codegen_flags: <defaults>
</compile_context>

<pallas_src>
import functools

import jax
import jax.numpy as jnp
from jax import lax
from jax.experimental import pallas as pl
from jax.experimental.pallas import tpu as pltpu
from jax.experimental.pallas import tpu_sc as plsc

N = 10000
D = 128
E = 320000
NC = 2
NS = 16
NACC = 10240
WACC = 136
CHUNK = 32
EPW = E // (NC * NS)
NCHUNK = (EPW + CHUNK - 1) // CHUNK
STRIPE = NACC // NS
MM_BLK = 1000
UNROLL = 16


def _matmul_body(h_ref, w_ref, o_ref):
    o_ref[...] = jnp.dot(h_ref[...], w_ref[...], preferred_element_type=jnp.float32)


def _matmul(H, W):
    return pl.pallas_call(
        _matmul_body,
        grid=(N // MM_BLK,),
        in_specs=[
            pl.BlockSpec((MM_BLK, D), lambda i: (i, 0)),
            pl.BlockSpec((D, D), lambda i: (0, 0)),
        ],
        out_specs=pl.BlockSpec((MM_BLK, D), lambda i: (i, 0)),
        out_shape=jax.ShapeDtypeStruct((N, D), jnp.float32),
    )(H, W)


@functools.partial(
    pl.kernel,
    out_type=jax.ShapeDtypeStruct((NC, NACC, WACC), jnp.float32),
    mesh=plsc.VectorSubcoreMesh(core_axis_name="c", subcore_axis_name="s"),
    compiler_params=pltpu.CompilerParams(
        needs_layout_passes=False, use_tc_tiling_on_sc=False
    ),
    scratch_types=[
        pltpu.VMEM((3, CHUNK), jnp.int32),
        pltpu.VMEM((3, CHUNK), jnp.int32),
        pltpu.VMEM((3, CHUNK), jnp.int32),
        pltpu.VMEM((3, CHUNK, D), jnp.float32),
        pltpu.VMEM((3, CHUNK, D), jnp.float32),
        pltpu.VMEM((3, CHUNK, WACC), jnp.float32),
        pltpu.VMEM_SHARED((NACC, WACC), jnp.float32),
        pltpu.SemaphoreType.DMA,
        pltpu.SemaphoreType.DMA,
        pltpu.SemaphoreType.DMA,
        pltpu.SemaphoreType.DMA,
        pltpu.SemaphoreType.DMA,
        pltpu.SemaphoreType.DMA,
        pltpu.SemaphoreType.DMA,
        pltpu.SemaphoreType.DMA,
        pltpu.SemaphoreType.DMA,
    ],
)
def _sc_edge_pass(hp, src, dst, acc, g_idx_s, g_idx_d, scat_idx,
                  src_buf, dst_buf, out_buf, acc_sh,
                  isem0, isem1, isem2, gsem0, gsem1, gsem2, ssem0, ssem1, ssem2):
    cid = lax.axis_index("c")
    sid = lax.axis_index("s")
    lane = lax.iota(jnp.int32, 16)
    zero16 = jnp.zeros((16,), jnp.float32)
    col_p = jnp.full((16,), D, jnp.int32)
    isems = (isem0, isem1, isem2)
    gsems = (gsem0, gsem1, gsem2)
    ssems = (ssem0, ssem1, ssem2)

    def zrow(i, carry):
        for b in range(3):
            for j in range(8):
                out_buf[b, i, pl.ds(j * 16, 16)] = zero16
            out_buf[b, i, pl.ds(WACC - 16, 16)] = zero16
        return carry

    lax.fori_loop(0, CHUNK, zrow, 0)

    r0 = sid * STRIPE

    def zstripe(k, carry):
        pltpu.sync_copy(out_buf.at[0], acc_sh.at[pl.ds(r0 + k * CHUNK, CHUNK)])
        return carry

    lax.fori_loop(0, STRIPE // CHUNK, zstripe, 0)
    plsc.subcore_barrier()

    ebase = (cid * NS + sid) * EPW

    def chunk_off(c):
        return jnp.minimum(c * CHUNK, EPW - CHUNK)

    def fetch_idx(c, b):
        off = ebase + chunk_off(c)
        pltpu.async_copy(src.at[pl.ds(off, CHUNK)], g_idx_s.at[b], isems[b])
        pltpu.async_copy(dst.at[pl.ds(off, CHUNK)], g_idx_d.at[b], isems[b])

    def wait_idx(c, b):
        off = ebase + chunk_off(c)
        pltpu.make_async_copy(src.at[pl.ds(off, CHUNK)], g_idx_s.at[b], isems[b]).wait()
        pltpu.make_async_copy(dst.at[pl.ds(off, CHUNK)], g_idx_d.at[b], isems[b]).wait()

    def start_gathers(b):
        pltpu.async_copy(hp.at[g_idx_s.at[b]], src_buf.at[b], gsems[b])
        pltpu.async_copy(hp.at[g_idx_d.at[b]], dst_buf.at[b], gsems[b])

    def wait_gathers(b):
        pltpu.make_async_copy(hp.at[g_idx_s.at[b]], src_buf.at[b], gsems[b]).wait()
        pltpu.make_async_copy(hp.at[g_idx_d.at[b]], dst_buf.at[b], gsems[b]).wait()

    def scatter(b):
        pltpu.async_copy(out_buf.at[b], acc_sh.at[scat_idx.at[b]], ssems[b], add=True)

    def wait_scatter(b):
        pltpu.make_async_copy(out_buf.at[b], acc_sh.at[scat_idx.at[b]], ssems[b]).wait()

    def compute(c, b):
        vf = jnp.maximum(0, c * CHUNK - (EPW - CHUNK))
        sb = src_buf.at[b]
        db = dst_buf.at[b]
        ob = out_buf.at[b]

        def group_body(g, carry):
            rows = g * 16 + lane

            @plsc.parallel_loop(0, D, unroll=UNROLL, carry=zero16)
            def dot_body(d, a):
                r = (lane + d) & (D - 1)
                return a + plsc.load_gather(sb, [rows, r]) * plsc.load_gather(db, [rows, r])

            e = dot_body
            e = jnp.where(e >= 0.0, e, 0.2 * e)
            p = jnp.exp(e)
            p = jnp.where(rows >= vf, p, 0.0)
            plsc.store_scatter(ob, [rows, col_p], p)

            @plsc.parallel_loop(0, D, unroll=UNROLL)
            def scale_body(d):
                tv = plsc.load_gather(db, [rows, (lane + d) & (D - 1)])
                plsc.store_scatter(ob, [rows, (lane + d) & (D - 1)], p * tv)

            return carry

        lax.fori_loop(0, CHUNK // 16, group_body, 0)

    def step(c, b, first_triple):
        bnn = (b + 2) % 3
        wait_idx(c + 2, bnn)
        start_gathers(bnn)
        wait_gathers(b)

        @pl.when(jnp.logical_not(first_triple))
        def _():
            wait_scatter(b)

        for g in range(CHUNK // 16):
            scat_idx[b, pl.ds(g * 16, 16)] = g_idx_s[b, pl.ds(g * 16, 16)]
        fetch_idx(c + 3, b)
        compute(c, b)
        scatter(b)

    fetch_idx(0, 0)
    fetch_idx(1, 1)
    fetch_idx(2, 2)
    wait_idx(0, 0)
    start_gathers(0)
    wait_idx(1, 1)
    start_gathers(1)

    def triple_body(cc, carry):
        c0 = 3 * cc
        step(c0, 0, cc == 0)
        step(c0 + 1, 1, cc == 0)
        step(c0 + 2, 2, cc == 0)
        return carry

    lax.fori_loop(0, (NCHUNK - 1) // 3, triple_body, 0)

    wait_gathers(0)
    wait_scatter(0)
    for g in range(CHUNK // 16):
        scat_idx[0, pl.ds(g * 16, 16)] = g_idx_s[0, pl.ds(g * 16, 16)]
    compute(NCHUNK - 1, 0)
    wait_scatter(1)
    wait_scatter(2)
    pltpu.sync_copy(out_buf.at[0], acc_sh.at[scat_idx.at[0]], add=True)
    wait_gathers(1)
    wait_idx(NCHUNK + 1, 2)

    plsc.subcore_barrier()
    pltpu.sync_copy(acc_sh.at[pl.ds(r0, STRIPE)], acc.at[cid, pl.ds(r0, STRIPE)])


def _final_body(acc_ref, b_ref, o_ref):
    a0 = acc_ref[0]
    a1 = acc_ref[1]
    num = a0[:, :D] + a1[:, :D]
    den = a0[:, D:D + 1] + a1[:, D:D + 1]
    o_ref[...] = num / (den + 1e-10) + b_ref[...]


def _final(acc, bias2d):
    return pl.pallas_call(
        _final_body,
        grid=(N // MM_BLK,),
        in_specs=[
            pl.BlockSpec((NC, MM_BLK, WACC), lambda i: (0, i, 0)),
            pl.BlockSpec((1, D), lambda i: (0, 0)),
        ],
        out_specs=pl.BlockSpec((MM_BLK, D), lambda i: (i, 0)),
        out_shape=jax.ShapeDtypeStruct((N, D), jnp.float32),
    )(acc, bias2d)


def kernel(structure, H, m, W, bias):
    hp = _matmul(H, W)
    acc = _sc_edge_pass(hp, structure[0], structure[1])
    return _final(acc, bias.reshape(1, D))

# --- scband reference (transcript-rebuilt; emitter-appended) ---
"""Pipeline reference for scband-hyper-graph-sage-88055419503320 (READ-ONLY COPY).

The authoritative reference and input builder live on the scoring server;
editing this copy changes nothing except your own understanding.
"""

import jax, jax.numpy as jnp
import numpy as np

N = 10000
E = 320000
D_IN = 128
D_OUT = 128


def setup_inputs(seed: int = 0) -> dict:
    key = jax.random.key(seed)
    kH, kE, kW, kB = jax.random.split(key, 4)
    H = jax.random.normal(kH, (N, D_IN), dtype=jnp.float32)
    # structure (dict node->neighbors) is represented as an edge list [2, E]
    # row 0 = source node i (rows of the attention matrix), row 1 = neighbor j
    structure = jax.random.randint(kE, (2, E), 0, N, dtype=jnp.int32)
    std = 1.0 / np.sqrt(D_OUT)
    W = jax.random.uniform(kW, (D_IN, D_OUT), dtype=jnp.float32, minval=-std, maxval=std)
    bias = jax.random.uniform(kB, (D_OUT,), dtype=jnp.float32, minval=-std, maxval=std)
    m = N  # scalar, unused by the forward math (kept for signature fidelity)
    return {"structure": structure, "H": H, "m": m, "W": W, "bias": bias}


def reference(structure, H, m, W, bias):
    # H' = H W
    H_prime = jnp.dot(H, W)
    src = structure[0]
    dst = structure[1]
    # per-edge attention logits: leaky_relu(<H'[i], H'[j]>)
    e = jnp.sum(H_prime[src] * H_prime[dst], axis=1)
    e = jax.nn.leaky_relu(e, negative_slope=0.2)
    # sparse row-wise softmax: exp / (row-sum of exp + 1e-10)
    exp_e = jnp.exp(e)
    row_sum = jax.ops.segment_sum(exp_e, src, num_segments=N)
    att = exp_e / (row_sum[src] + 1e-10)
    # sparse @ dense: H_out[i] = sum_j att_ij * H'[j]
    H_out = jax.ops.segment_sum(att[:, None] * H_prime[dst], src, num_segments=N)
    return H_out + bias

if __name__ == "__main__":
    import jax
    _d = setup_inputs()
    print(jax.jit(kernel)(*tuple(_d.values())))

</pallas_src>

<mosaic_0001>
#map = affine_map<(d0, d1) -> (0, 0)>
#map1 = affine_map<(d0, d1) -> (0)>
#map2 = affine_map<(d0, d1) -> (0, 0, 0)>
module attributes {stable_mosaic.version = 14 : i64} {
  func.func @_sc_edge_pass(%arg0: i32, %arg1: i32, %arg2: memref<10000x128xf32, #tpu.memory_space<hbm>>, %arg3: memref<320000xi32, #tpu.memory_space<hbm>>, %arg4: memref<320000xi32, #tpu.memory_space<hbm>>, %arg5: memref<2x10240x136xf32, #tpu.memory_space<hbm>>, %arg6: memref<3x32xi32, #tpu.memory_space<vmem>>, %arg7: memref<3x32xi32, #tpu.memory_space<vmem>>, %arg8: memref<3x32xi32, #tpu.memory_space<vmem>>, %arg9: memref<3x32x128xf32, #tpu.memory_space<vmem>>, %arg10: memref<3x32x128xf32, #tpu.memory_space<vmem>>, %arg11: memref<3x32x136xf32, #tpu.memory_space<vmem>>, %arg12: memref<10240x136xf32, #tpu.memory_space<vmem_shared>>, %arg13: memref<!tpu.dma_semaphore, #tpu.memory_space<semaphore_mem>>, %arg14: memref<!tpu.dma_semaphore, #tpu.memory_space<semaphore_mem>>, %arg15: memref<!tpu.dma_semaphore, #tpu.memory_space<semaphore_mem>>, %arg16: memref<!tpu.dma_semaphore, #tpu.memory_space<semaphore_mem>>, %arg17: memref<!tpu.dma_semaphore, #tpu.memory_space<semaphore_mem>>, %arg18: memref<!tpu.dma_semaphore, #tpu.memory_space<semaphore_mem>>, %arg19: memref<!tpu.dma_semaphore, #tpu.memory_space<semaphore_mem>>, %arg20: memref<!tpu.dma_semaphore, #tpu.memory_space<semaphore_mem>>, %arg21: memref<!tpu.dma_semaphore, #tpu.memory_space<semaphore_mem>>) attributes {dimension_semantics = [#tpu.dimension_semantics<core_parallel>, #tpu.dimension_semantics<subcore_parallel>], iteration_bounds = array<i64: 2, 16>, scalar_prefetch = 0 : i64, scratch_operands = 16 : i64, tpu.core_type = #tpu.core_type<sc_vector_subcore>, window_params = [{transform_indices = #map}, {transform_indices = #map1}, {transform_indices = #map1}, {transform_indices = #map2}]} {
    %iota3A = tpu.iota {dimensions = array<i32: 0>} : vector<16xi32>
    %broadcast_in_dim3A = arith.constant 0.000000e+00 : f32
    %broadcast_in_dim3A_0 = vector.broadcast %broadcast_in_dim3A : f32 to vector<16xf32>
    %broadcast_in_dim3A_1 = arith.constant 128 : i32
    %broadcast_in_dim3A_2 = vector.broadcast %broadcast_in_dim3A_1 : i32 to vector<16xi32>
    %scan3A = arith.constant 0 : i32
    %scan3A_3 = arith.constant 0 : i32
    %scan3A_4 = arith.constant 32 : i32
    %scan3A_5 = arith.addi %scan3A_3, %scan3A_4 : i32
    %scan3A_6 = arith.constant 1 : i32
    scf.for %scan3A_313 = %scan3A_3 to %scan3A_5 step %scan3A_6  : i32 {
      %swap3A_314 = arith.constant 0 : i32
      %swap3A_315 = arith.index_cast %swap3A_314 : i32 to index
      %swap3A_316 = arith.index_cast %scan3A_313 : i32 to index
      %swap3A_317 = arith.constant 0 : index
      %swap3A_318 = tpu.vector_load %arg11[%swap3A_315, %swap3A_316, %swap3A_317] {strides = array<i32>} : memref<3x32x136xf32, #tpu.memory_space<vmem>>, vector<16xf32>,
      tpu.vector_store %arg11[%swap3A_315, %swap3A_316, %swap3A_317], %broadcast_in_dim3A_0 {strides = array<i32>} : memref<3x32x136xf32, #tpu.memory_space<vmem>>, vector<16xf32>,
      %swap3A_319 = arith.constant 0 : i32
      %swap3A_320 = arith.index_cast %swap3A_319 : i32 to index
      %swap3A_321 = arith.index_cast %scan3A_313 : i32 to index
      %swap3A_322 = arith.constant 16 : index
      %swap3A_323 = tpu.vector_load %arg11[%swap3A_320, %swap3A_321, %swap3A_322] {strides = array<i32>} : memref<3x32x136xf32, #tpu.memory_space<vmem>>, vector<16xf32>,
      tpu.vector_store %arg11[%swap3A_320, %swap3A_321, %swap3A_322], %broadcast_in_dim3A_0 {strides = array<i32>} : memref<3x32x136xf32, #tpu.memory_space<vmem>>, vector<16xf32>,
      %swap3A_324 = arith.constant 0 : i32
      %swap3A_325 = arith.index_cast %swap3A_324 : i32 to index
      %swap3A_326 = arith.index_cast %scan3A_313 : i32 to index
      %swap3A_327 = arith.constant 32 : index
      %swap3A_328 = tpu.vector_load %arg11[%swap3A_325, %swap3A_326, %swap3A_327] {strides = array<i32>} : memref<3x32x136xf32, #tpu.memory_space<vmem>>, vector<16xf32>,
      tpu.vector_store %arg11[%swap3A_325, %swap3A_326, %swap3A_327], %broadcast_in_dim3A_0 {strides = array<i32>} : memref<3x32x136xf32, #tpu.memory_space<vmem>>, vector<16xf32>,
      %swap3A_329 = arith.constant 0 : i32
      %swap3A_330 = arith.index_cast %swap3A_329 : i32 to index
      %swap3A_331 = arith.index_cast %scan3A_313 : i32 to index
      %swap3A_332 = arith.constant 48 : index
      %swap3A_333 = tpu.vector_load %arg11[%swap3A_330, %swap3A_331, %swap3A_332] {strides = array<i32>} : memref<3x32x136xf32, #tpu.memory_space<vmem>>, vector<16xf32>,
      tpu.vector_store %arg11[%swap3A_330, %swap3A_331, %swap3A_332], %broadcast_in_dim3A_0 {strides = array<i32>} : memref<3x32x136xf32, #tpu.memory_space<vmem>>, vector<16xf32>,
      %swap3A_334 = arith.constant 0 : i32
      %swap3A_335 = arith.index_cast %swap3A_334 : i32 to index
      %swap3A_336 = arith.index_cast %scan3A_313 : i32 to index
      %swap3A_337 = arith.constant 64 : index
      %swap3A_338 = tpu.vector_load %arg11[%swap3A_335, %swap3A_336, %swap3A_337] {strides = array<i32>} : memref<3x32x136xf32, #tpu.memory_space<vmem>>, vector<16xf32>,
      tpu.vector_store %arg11[%swap3A_335, %swap3A_336, %swap3A_337], %broadcast_in_dim3A_0 {strides = array<i32>} : memref<3x32x136xf32, #tpu.memory_space<vmem>>, vector<16xf32>,
      %swap3A_339 = arith.constant 0 : i32
      %swap3A_340 = arith.index_cast %swap3A_339 : i32 to index
      %swap3A_341 = arith.index_cast %scan3A_313 : i32 to index
      %swap3A_342 = arith.constant 80 : index
      %swap3A_343 = tpu.vector_load %arg11[%swap3A_340, %swap3A_341, %swap3A_342] {strides = array<i32>} : memref<3x32x136xf32, #tpu.memory_space<vmem>>, vector<16xf32>,
      tpu.vector_store %arg11[%swap3A_340, %swap3A_341, %swap3A_342], %broadcast_in_dim3A_0 {strides = array<i32>} : memref<3x32x136xf32, #tpu.memory_space<vmem>>, vector<16xf32>,
      %swap3A_344 = arith.constant 0 : i32
      %swap3A_345 = arith.index_cast %swap3A_344 : i32 to index
      %swap3A_346 = arith.index_cast %scan3A_313 : i32 to index
      %swap3A_347 = arith.constant 96 : index
      %swap3A_348 = tpu.vector_load %arg11[%swap3A_345, %swap3A_346, %swap3A_347] {strides = array<i32>} : memref<3x32x136xf32, #tpu.memory_space<vmem>>, vector<16xf32>,
      tpu.vector_store %arg11[%swap3A_345, %swap3A_346, %swap3A_347], %broadcast_in_dim3A_0 {strides = array<i32>} : memref<3x32x136xf32, #tpu.memory_space<vmem>>, vector<16xf32>,
      %swap3A_349 = arith.constant 0 : i32
      %swap3A_350 = arith.index_cast %swap3A_349 : i32 to index
      %swap3A_351 = arith.index_cast %scan3A_313 : i32 to index
      %swap3A_352 = arith.constant 112 : index
      %swap3A_353 = tpu.vector_load %arg11[%swap3A_350, %swap3A_351, %swap3A_352] {strides = array<i32>} : memref<3x32x136xf32, #tpu.memory_space<vmem>>, vector<16xf32>,
      tpu.vector_store %arg11[%swap3A_350, %swap3A_351, %swap3A_352], %broadcast_in_dim3A_0 {strides = array<i32>} : memref<3x32x136xf32, #tpu.memory_space<vmem>>, vector<16xf32>,
      %swap3A_354 = arith.constant 0 : i32
      %swap3A_355 = arith.index_cast %swap3A_354 : i32 to index
      %swap3A_356 = arith.index_cast %scan3A_313 : i32 to index
      %swap3A_357 = arith.constant 120 : index
      %swap3A_358 = tpu.vector_load %arg11[%swap3A_355, %swap3A_356, %swap3A_357] {strides = array<i32>} : memref<3x32x136xf32, #tpu.memory_space<vmem>>, vector<16xf32>,
      tpu.vector_store %arg11[%swap3A_355, %swap3A_356, %swap3A_357], %broadcast_in_dim3A_0 {strides = array<i32>} : memref<3x32x136xf32, #tpu.memory_space<vmem>>, vector<16xf32>,
      %swap3A_359 = arith.constant 1 : i32
      %swap3A_360 = arith.index_cast %swap3A_359 : i32 to index
      %swap3A_361 = arith.index_cast %scan3A_313 : i32 to index
      %swap3A_362 = arith.constant 0 : index
      %swap3A_363 = tpu.vector_load %arg11[%swap3A_360, %swap3A_361, %swap3A_362] {strides = array<i32>} : memref<3x32x136xf32, #tpu.memory_space<vmem>>, vector<16xf32>,
      tpu.vector_store %arg11[%swap3A_360, %swap3A_361, %swap3A_362], %broadcast_in_dim3A_0 {strides = array<i32>} : memref<3x32x136xf32, #tpu.memory_space<vmem>>, vector<16xf32>,
      %swap3A_364 = arith.constant 1 : i32
      %swap3A_365 = arith.index_cast %swap3A_364 : i32 to index
      %swap3A_366 = arith.index_cast %scan3A_313 : i32 to index
      %swap3A_367 = arith.constant 16 : index
      %swap3A_368 = tpu.vector_load %arg11[%swap3A_365, %swap3A_366, %swap3A_367] {strides = array<i32>} : memref<3x32x136xf32, #tpu.memory_space<vmem>>, vector<16xf32>,
      tpu.vector_store %arg11[%swap3A_365, %swap3A_366, %swap3A_367], %broadcast_in_dim3A_0 {strides = array<i32>} : memref<3x32x136xf32, #tpu.memory_space<vmem>>, vector<16xf32>,
      %swap3A_369 = arith.constant 1 : i32
      %swap3A_370 = arith.index_cast %swap3A_369 : i32 to index
      %swap3A_371 = arith.index_cast %scan3A_313 : i32 to index
      %swap3A_372 = arith.constant 32 : index
      %swap3A_373 = tpu.vector_load %arg11[%swap3A_370, %swap3A_371, %swap3A_372] {strides = array<i32>} : memref<3x32x136xf32, #tpu.memory_space<vmem>>, vector<16xf32>,
      tpu.vector_store %arg11[%swap3A_370, %swap3A_371, %swap3A_372], %broadcast_in_dim3A_0 {strides = array<i32>} : memref<3x32x136xf32, #tpu.memory_space<vmem>>, vector<16xf32>,
      %swap3A_374 = arith.constant 1 : i32
      %swap3A_375 = arith.index_cast %swap3A_374 : i32 to index
      %swap3A_376 = arith.index_cast %scan3A_313 : i32 to index
      %swap3A_377 = arith.constant 48 : index
      %swap3A_378 = tpu.vector_load %arg11[%swap3A_375, %swap3A_376, %swap3A_377] {strides = array<i32>} : memref<3x32x136xf32, #tpu.memory_space<vmem>>, vector<16xf32>,
      tpu.vector_store %arg11[%swap3A_375, %swap3A_376, %swap3A_377], %broadcast_in_dim3A_0 {strides = array<i32>} : memref<3x32x136xf32, #tpu.memory_space<vmem>>, vector<16xf32>,
      %swap3A_379 = arith.constant 1 : i32
      %swap3A_380 = arith.index_cast %swap3A_379 : i32 to index
      %swap3A_381 = arith.index_cast %scan3A_313 : i32 to index
      %swap3A_382 = arith.constant 64 : index
      %swap3A_383 = tpu.vector_load %arg11[%swap3A_380, %swap3A_381, %swap3A_382] {strides = array<i32>} : memref<3x32x136xf32, #tpu.memory_space<vmem>>, vector<16xf32>,
      tpu.vector_store %arg11[%swap3A_380, %swap3A_381, %swap3A_382], %broadcast_in_dim3A_0 {strides = array<i32>} : memref<3x32x136xf32, #tpu.memory_space<vmem>>, vector<16xf32>,
      %swap3A_384 = arith.constant 1 : i32
      %swap3A_385 = arith.index_cast %swap3A_384 : i32 to index
      %swap3A_386 = arith.index_cast %scan3A_313 : i32 to index
      %swap3A_387 = arith.constant 80 : index
      %swap3A_388 = tpu.vector_load %arg11[%swap3A_385, %swap3A_386, %swap3A_387] {strides = array<i32>} : memref<3x32x136xf32, #tpu.memory_space<vmem>>, vector<16xf32>,
      tpu.vector_store %arg11[%swap3A_385, %swap3A_386, %swap3A_387], %broadcast_in_dim3A_0 {strides = array<i32>} : memref<3x32x136xf32, #tpu.memory_space<vmem>>, vector<16xf32>,
      %swap3A_389 = arith.constant 1 : i32
      %swap3A_390 = arith.index_cast %swap3A_389 : i32 to index
      %swap3A_391 = arith.index_cast %scan3A_313 : i32 to index
      %swap3A_392 = arith.constant 96 : index
      %swap3A_393 = tpu.vector_load %arg11[%swap3A_390, %swap3A_391, %swap3A_392] {strides = array<i32>} : memref<3x32x136xf32, #tpu.memory_space<vmem>>, vector<16xf32>,
      tpu.vector_store %arg11[%swap3A_390, %swap3A_391, %swap3A_392], %broadcast_in_dim3A_0 {strides = array<i32>} : memref<3x32x136xf32, #tpu.memory_space<vmem>>, vector<16xf32>,
      %swap3A_394 = arith.constant 1 : i32
      %swap3A_395 = arith.index_cast %swap3A_394 : i32 to index
      %swap3A_396 = arith.index_cast %scan3A_313 : i32 to index
      %swap3A_397 = arith.constant 112 : index
      %swap3A_398 = tpu.vector_load %arg11[%swap3A_395, %swap3A_396, %swap3A_397] {strides = array<i32>} : memref<3x32x136xf32, #tpu.memory_space<vmem>>, vector<16xf32>,
      tpu.vector_store %arg11[%swap3A_395, %swap3A_396, %swap3A_397], %broadcast_in_dim3A_0 {strides = array<i32>} : memref<3x32x136xf32, #tpu.memory_space<vmem>>, vector<16xf32>,
      %swap3A_399 = arith.constant 1 : i32
      %swap3A_400 = arith.index_cast %swap3A_399 : i32 to index
      %swap3A_401 = arith.index_cast %scan3A_313 : i32 to index
      %swap3A_402 = arith.constant 120 : index
      %swap3A_403 = tpu.vector_load %arg11[%swap3A_400, %swap3A_401, %swap3A_402] {strides = array<i32>} : memref<3x32x136xf32, #tpu.memory_space<vmem>>, vector<16xf32>,
      tpu.vector_store %arg11[%swap3A_400, %swap3A_401, %swap3A_402], %broadcast_in_dim3A_0 {strides = array<i32>} : memref<3x32x136xf32, #tpu.memory_space<vmem>>, vector<16xf32>,
      %swap3A_404 = arith.constant 2 : i32
      %swap3A_405 = arith.index_cast %swap3A_404 : i32 to index
      %swap3A_406 = arith.index_cast %scan3A_313 : i32 to index
      %swap3A_407 = arith.constant 0 : index
      %swap3A_408 = tpu.vector_load %arg11[%swap3A_405, %swap3A_406, %swap3A_407] {strides = array<i32>} : memref<3x32x136xf32, #tpu.memory_space<vmem>>, vector<16xf32>,
      tpu.vector_store %arg11[%swap3A_405, %swap3A_406, %swap3A_407], %broadcast_in_dim3A_0 {strides = array<i32>} : memref<3x32x136xf32, #tpu.memory_space<vmem>>, vector<16xf32>,
      %swap3A_409 = arith.constant 2 : i32
      %swap3A_410 = arith.index_cast %swap3A_409 : i32 to index
      %swap3A_411 = arith.index_cast %scan3A_313 : i32 to index
      %swap3A_412 = arith.constant 16 : index
      %swap3A_413 = tpu.vector_load %arg11[%swap3A_410, %swap3A_411, %swap3A_412] {strides = array<i32>} : memref<3x32x136xf32, #tpu.memory_space<vmem>>, vector<16xf32>,
      tpu.vector_store %arg11[%swap3A_410, %swap3A_411, %swap3A_412], %broadcast_in_dim3A_0 {strides = array<i32>} : memref<3x32x136xf32, #tpu.memory_space<vmem>>, vector<16xf32>,
      %swap3A_414 = arith.constant 2 : i32
      %swap3A_415 = arith.index_cast %swap3A_414 : i32 to index
      %swap3A_416 = arith.index_cast %scan3A_313 : i32 to index
      %swap3A_417 = arith.constant 32 : index
      %swap3A_418 = tpu.vector_load %arg11[%swap3A_415, %swap3A_416, %swap3A_417] {strides = array<i32>} : memref<3x32x136xf32, #tpu.memory_space<vmem>>, vector<16xf32>,
      tpu.vector_store %arg11[%swap3A_415, %swap3A_416, %swap3A_417], %broadcast_in_dim3A_0 {strides = array<i32>} : memref<3x32x136xf32, #tpu.memory_space<vmem>>, vector<16xf32>,
      %swap3A_419 = arith.constant 2 : i32
      %swap3A_420 = arith.index_cast %swap3A_419 : i32 to index
      %swap3A_421 = arith.index_cast %scan3A_313 : i32 to index
      %swap3A_422 = arith.constant 48 : index
      %swap3A_423 = tpu.vector_load %arg11[%swap3A_420, %swap3A_421, %swap3A_422] {strides = array<i32>} : memref<3x32x136xf32, #tpu.memory_space<vmem>>, vector<16xf32>,
      tpu.vector_store %arg11[%swap3A_420, %swap3A_421, %swap3A_422], %broadcast_in_dim3A_0 {strides = array<i32>} : memref<3x32x136xf32, #tpu.memory_space<vmem>>, vector<16xf32>,
      %swap3A_424 = arith.constant 2 : i32
      %swap3A_425 = arith.index_cast %swap3A_424 : i32 to index
      %swap3A_426 = arith.index_cast %scan3A_313 : i32 to index
      %swap3A_427 = arith.constant 64 : index
      %swap3A_428 = tpu.vector_load %arg11[%swap3A_425, %swap3A_426, %swap3A_427] {strides = array<i32>} : memref<3x32x136xf32, #tpu.memory_space<vmem>>, vector<16xf32>,
      tpu.vector_store %arg11[%swap3A_425, %swap3A_426, %swap3A_427], %broadcast_in_dim3A_0 {strides = array<i32>} : memref<3x32x136xf32, #tpu.memory_space<vmem>>, vector<16xf32>,
      %swap3A_429 = arith.constant 2 : i32
      %swap3A_430 = arith.index_cast %swap3A_429 : i32 to index
      %swap3A_431 = arith.index_cast %scan3A_313 : i32 to index
      %swap3A_432 = arith.constant 80 : index
      %swap3A_433 = tpu.vector_load %arg11[%swap3A_430, %swap3A_431, %swap3A_432] {strides = array<i32>} : memref<3x32x136xf32, #tpu.memory_space<vmem>>, vector<16xf32>,
      tpu.vector_store %arg11[%swap3A_430, %swap3A_431, %swap3A_432], %broadcast_in_dim3A_0 {strides = array<i32>} : memref<3x32x136xf32, #tpu.memory_space<vmem>>, vector<16xf32>,
      %swap3A_434 = arith.constant 2 : i32
      %swap3A_435 = arith.index_cast %swap3A_434 : i32 to index
      %swap3A_436 = arith.index_cast %scan3A_313 : i32 to index
      %swap3A_437 = arith.constant 96 : index
      %swap3A_438 = tpu.vector_load %arg11[%swap3A_435, %swap3A_436, %swap3A_437] {strides = array<i32>} : memref<3x32x136xf32, #tpu.memory_space<vmem>>, vector<16xf32>,
      tpu.vector_store %arg11[%swap3A_435, %swap3A_436, %swap3A_437], %broadcast_in_dim3A_0 {strides = array<i32>} : memref<3x32x136xf32, #tpu.memory_space<vmem>>, vector<16xf32>,
      %swap3A_439 = arith.constant 2 : i32
      %swap3A_440 = arith.index_cast %swap3A_439 : i32 to index
      %swap3A_441 = arith.index_cast %scan3A_313 : i32 to index
      %swap3A_442 = arith.constant 112 : index
      %swap3A_443 = tpu.vector_load %arg11[%swap3A_440, %swap3A_441, %swap3A_442] {strides = array<i32>} : memref<3x32x136xf32, #tpu.memory_space<vmem>>, vector<16xf32>,
      tpu.vector_store %arg11[%swap3A_440, %swap3A_441, %swap3A_442], %broadcast_in_dim3A_0 {strides = array<i32>} : memref<3x32x136xf32, #tpu.memory_space<vmem>>, vector<16xf32>,
      %swap3A_444 = arith.constant 2 : i32
      %swap3A_445 = arith.index_cast %swap3A_444 : i32 to index
      %swap3A_446 = arith.index_cast %scan3A_313 : i32 to index
      %swap3A_447 = arith.constant 120 : index
      %swap3A_448 = tpu.vector_load %arg11[%swap3A_445, %swap3A_446, %swap3A_447] {strides = array<i32>} : memref<3x32x136xf32, #tpu.memory_space<vmem>>, vector<16xf32>,
      tpu.vector_store %arg11[%swap3A_445, %swap3A_446, %swap3A_447], %broadcast_in_dim3A_0 {strides = array<i32>} : memref<3x32x136xf32, #tpu.memory_space<vmem>>, vector<16xf32>,
    }
    %scan3A_7 = arith.constant 32 : i32
    %mul3A = arith.constant 640 : i32
    %mul3A_8 = arith.muli %arg1, %mul3A : i32
    %scan3A_9 = arith.constant 0 : i32
    %scan3A_10 = arith.constant 0 : i32
    %scan3A_11 = arith.constant 20 : i32
    %scan3A_12 = arith.addi %scan3A_10, %scan3A_11 : i32
    %scan3A_13 = arith.constant 1 : i32
    scf.for %scan3A_313 = %scan3A_10 to %scan3A_12 step %scan3A_13  : i32 {
      %mul3A_314 = arith.constant 32 : i32
      %mul3A_315 = arith.muli %scan3A_313, %mul3A_314 : i32
      %add3A_316 = arith.addi %mul3A_8, %mul3A_315 : i32
      %run_scoped3A_317 = arith.constant 0 : i32
      "tpu.region"() ({
        %run_scoped3A_318 = tpu.sem_alloc : memref<!tpu.dma_semaphore, #tpu.memory_space<semaphore_mem>>
        %dma_start3A_319 = arith.constant 0 : i32
        %dma_start3A_320 = arith.constant 0 : i32
        %dma_start3A_321 = tpu.memref_slice %arg11[%run_scoped3A_317, %dma_start3A_319, %dma_start3A_320] : memref<3x32x136xf32, #tpu.memory_space<vmem>> -> memref<1x32x136xf32, #tpu.memory_space<vmem>>
        %dma_start3A_322 = tpu.memref_squeeze %dma_start3A_321 : memref<1x32x136xf32, #tpu.memory_space<vmem>> -> memref<32x136xf32, #tpu.memory_space<vmem>>
        %dma_start3A_323 = arith.constant 0 : i32
        %dma_start3A_324 = tpu.memref_slice %arg12[%add3A_316, %dma_start3A_323] : memref<10240x136xf32, #tpu.memory_space<vmem_shared>> -> memref<32x136xf32, #tpu.memory_space<vmem_shared>>
        %dma_start3A_325 = arith.constant 0 : i32
        %dma_start3A_326 = tpu.memref_slice %arg12[%add3A_316, %dma_start3A_325] : memref<10240x136xf32, #tpu.memory_space<vmem_shared>> -> memref<32x136xf32, #tpu.memory_space<vmem_shared>>
        %dma_start3A_327 = arith.constant 0 : i32
        %dma_start3A_328 = arith.constant 0 : i32
        %dma_start3A_329 = tpu.memref_slice %arg11[%run_scoped3A_317, %dma_start3A_327, %dma_start3A_328] : memref<3x32x136xf32, #tpu.memory_space<vmem>> -> memref<1x32x136xf32, #tpu.memory_space<vmem>>
        %dma_start3A_330 = tpu.memref_squeeze %dma_start3A_329 : memref<1x32x136xf32, #tpu.memory_space<vmem>> -> memref<32x136xf32, #tpu.memory_space<vmem>>
        tpu.enqueue_dma source(%dma_start3A_330 : memref<32x136xf32, #tpu.memory_space<vmem>>) target(%dma_start3A_326 : memref<32x136xf32, #tpu.memory_space<vmem_shared>>) target_semaphore(%run_scoped3A_318 : memref<!tpu.dma_semaphore, #tpu.memory_space<semaphore_mem>>)
        %dma_wait3A_331 = arith.constant 0 : i32
        %dma_wait3A_332 = arith.constant 0 : i32
        %dma_wait3A_333 = tpu.memref_slice %arg11[%run_scoped3A_317, %dma_wait3A_331, %dma_wait3A_332] : memref<3x32x136xf32, #tpu.memory_space<vmem>> -> memref<1x32x136xf32, #tpu.memory_space<vmem>>
        %dma_wait3A_334 = tpu.memref_squeeze %dma_wait3A_333 : memref<1x32x136xf32, #tpu.memory_space<vmem>> -> memref<32x136xf32, #tpu.memory_space<vmem>>
        %dma_wait3A_335 = arith.constant 0 : i32
        %dma_wait3A_336 = tpu.memref_slice %arg12[%add3A_316, %dma_wait3A_335] : memref<10240x136xf32, #tpu.memory_space<vmem_shared>> -> memref<32x136xf32, #tpu.memory_space<vmem_shared>>
        %dma_wait3A_337 = arith.constant 0 : i32
        %dma_wait3A_338 = tpu.memref_slice %arg12[%add3A_316, %dma_wait3A_337] : memref<10240x136xf32, #tpu.memory_space<vmem_shared>> -> memref<32x136xf32, #tpu.memory_space<vmem_shared>>
        %dma_wait3A_339 = arith.constant 0 : i32
        %dma_wait3A_340 = arith.constant 0 : i32
        %dma_wait3A_341 = tpu.memref_slice %arg11[%run_scoped3A_317, %dma_wait3A_339, %dma_wait3A_340] : memref<3x32x136xf32, #tpu.memory_space<vmem>> -> memref<1x32x136xf32, #tpu.memory_space<vmem>>
        %dma_wait3A_342 = tpu.memref_squeeze %dma_wait3A_341 : memref<1x32x136xf32, #tpu.memory_space<vmem>> -> memref<32x136xf32, #tpu.memory_space<vmem>>
        tpu.wait_dma2 semaphore(%run_scoped3A_318 : memref<!tpu.dma_semaphore, #tpu.memory_space<semaphore_mem>>) src(%dma_wait3A_342 : memref<32x136xf32, #tpu.memory_space<vmem>>) dst(%dma_wait3A_338 : memref<32x136xf32, #tpu.memory_space<vmem_shared>>)
        tpu.yield
      }) : () -> ()
    }
    %scan3A_14 = arith.constant 20 : i32
    %barrier3A = arith.constant 0 : index
    tpu.barrier barrier_id(%barrier3A)
    %mul3A_15 = arith.constant 16 : i32
    %mul3A_16 = arith.muli %arg0, %mul3A_15 : i32
    %add3A = arith.addi %mul3A_16, %arg1 : i32
    %mul3A_17 = arith.constant 10000 : i32
    %mul3A_18 = arith.muli %add3A, %mul3A_17 : i32
    %min3A = arith.constant 0 : i32
    %min3A_19 = arith.constant 9968 : i32
    %min3A_20 = arith.minsi %min3A, %min3A_19 : i32
    %add3A_21 = arith.addi %mul3A_18, %min3A_20 : i32
    %dma_start3A = arith.constant 0 : i32
    %dma_start3A_22 = arith.constant 0 : i32
    %dma_start3A_23 = tpu.memref_slice %arg6[%dma_start3A, %dma_start3A_22] : memref<3x32xi32, #tpu.memory_space<vmem>> -> memref<1x32xi32, #tpu.memory_space<vmem>>
    %dma_start3A_24 = tpu.memref_squeeze %dma_start3A_23 : memref<1x32xi32, #tpu.memory_space<vmem>> -> memref<32xi32, #tpu.memory_space<vmem>>
    %dma_start3A_25 = tpu.memref_slice %arg3[%add3A_21] : memref<320000xi32, #tpu.memory_space<hbm>> -> memref<32xi32, #tpu.memory_space<hbm>>
    %dma_start3A_26 = arith.constant 0 : i32
    %dma_start3A_27 = tpu.memref_slice %arg6[%dma_start3A, %dma_start3A_26] : memref<3x32xi32, #tpu.memory_space<vmem>> -> memref<1x32xi32, #tpu.memory_space<vmem>>
    %dma_start3A_28 = tpu.memref_squeeze %dma_start3A_27 : memref<1x32xi32, #tpu.memory_space<vmem>> -> memref<32xi32, #tpu.memory_space<vmem>>
    %dma_start3A_29 = tpu.memref_slice %arg3[%add3A_21] : memref<320000xi32, #tpu.memory_space<hbm>> -> memref<32xi32, #tpu.memory_space<hbm>>
    tpu.enqueue_dma source(%dma_start3A_29 : memref<32xi32, #tpu.memory_space<hbm>>) target(%dma_start3A_28 : memref<32xi32, #tpu.memory_space<vmem>>) target_semaphore(%arg13 : memref<!tpu.dma_semaphore, #tpu.memory_space<semaphore_mem>>)
    %dma_start3A_30 = arith.constant 0 : i32
    %dma_start3A_31 = arith.constant 0 : i32
    %dma_start3A_32 = tpu.memref_slice %arg7[%dma_start3A_30, %dma_start3A_31] : memref<3x32xi32, #tpu.memory_space<vmem>> -> memref<1x32xi32, #tpu.memory_space<vmem>>
    %dma_start3A_33 = tpu.memref_squeeze %dma_start3A_32 : memref<1x32xi32, #tpu.memory_space<vmem>> -> memref<32xi32, #tpu.memory_space<vmem>>
    %dma_start3A_34 = tpu.memref_slice %arg4[%add3A_21] : memref<320000xi32, #tpu.memory_space<hbm>> -> memref<32xi32, #tpu.memory_space<hbm>>
    %dma_start3A_35 = arith.constant 0 : i32
    %dma_start3A_36 = tpu.memref_slice %arg7[%dma_start3A_30, %dma_start3A_35] : memref<3x32xi32, #tpu.memory_space<vmem>> -> memref<1x32xi32, #tpu.memory_space<vmem>>
    %dma_start3A_37 = tpu.memref_squeeze %dma_start3A_36 : memref<1x32xi32, #tpu.memory_space<vmem>> -> memref<32xi32, #tpu.memory_space<vmem>>
    %dma_start3A_38 = tpu.memref_slice %arg4[%add3A_21] : memref<320000xi32, #tpu.memory_space<hbm>> -> memref<32xi32, #tpu.memory_space<hbm>>
    tpu.enqueue_dma source(%dma_start3A_38 : memref<32xi32, #tpu.memory_space<hbm>>) target(%dma_start3A_37 : memref<32xi32, #tpu.memory_space<vmem>>) target_semaphore(%arg13 : memref<!tpu.dma_semaphore, #tpu.memory_space<semaphore_mem>>)
    %min3A_39 = arith.constant 32 : i32
    %min3A_40 = arith.constant 9968 : i32
    %min3A_41 = arith.minsi %min3A_39, %min3A_40 : i32
    %add3A_42 = arith.addi %mul3A_18, %min3A_41 : i32
    %dma_start3A_43 = arith.constant 1 : i32
    %dma_start3A_44 = arith.constant 0 : i32
    %dma_start3A_45 = tpu.memref_slice %arg6[%dma_start3A_43, %dma_start3A_44] : memref<3x32xi32, #tpu.memory_space<vmem>> -> memref<1x32xi32, #tpu.memory_space<vmem>>
    %dma_start3A_46 = tpu.memref_squeeze %dma_start3A_45 : memref<1x32xi32, #tpu.memory_space<vmem>> -> memref<32xi32, #tpu.memory_space<vmem>>
    %dma_start3A_47 = tpu.memref_slice %arg3[%add3A_42] : memref<320000xi32, #tpu.memory_space<hbm>> -> memref<32xi32, #tpu.memory_space<hbm>>
    %dma_start3A_48 = arith.constant 0 : i32
    %dma_start3A_49 = tpu.memref_slice %arg6[%dma_start3A_43, %dma_start3A_48] : memref<3x32xi32, #tpu.memory_space<vmem>> -> memref<1x32xi32, #tpu.memory_space<vmem>>
    %dma_start3A_50 = tpu.memref_squeeze %dma_start3A_49 : memref<1x32xi32, #tpu.memory_space<vmem>> -> memref<32xi32, #tpu.memory_space<vmem>>
    %dma_start3A_51 = tpu.memref_slice %arg3[%add3A_42] : memref<320000xi32, #tpu.memory_space<hbm>> -> memref<32xi32, #tpu.memory_space<hbm>>
    tpu.enqueue_dma source(%dma_start3A_51 : memref<32xi32, #tpu.memory_space<hbm>>) target(%dma_start3A_50 : memref<32xi32, #tpu.memory_space<vmem>>) target_semaphore(%arg14 : memref<!tpu.dma_semaphore, #tpu.memory_space<semaphore_mem>>)
    %dma_start3A_52 = arith.constant 1 : i32
    %dma_start3A_53 = arith.constant 0 : i32
    %dma_start3A_54 = tpu.memref_slice %arg7[%dma_start3A_52, %dma_start3A_53] : memref<3x32xi32, #tpu.memory_space<vmem>> -> memref<1x32xi32, #tpu.memory_space<vmem>>
    %dma_start3A_55 = tpu.memref_squeeze %dma_start3A_54 : memref<1x32xi32, #tpu.memory_space<vmem>> -> memref<32xi32, #tpu.memory_space<vmem>>
    %dma_start3A_56 = tpu.memref_slice %arg4[%add3A_42] : memref<320000xi32, #tpu.memory_space<hbm>> -> memref<32xi32, #tpu.memory_space<hbm>>
    %dma_start3A_57 = arith.constant 0 : i32
    %dma_start3A_58 = tpu.memref_slice %arg7[%dma_start3A_52, %dma_start3A_57] : memref<3x32xi32, #tpu.memory_space<vmem>> -> memref<1x32xi32, #tpu.memory_space<vmem>>
    %dma_start3A_59 = tpu.memref_squeeze %dma_start3A_58 : memref<1x32xi32, #tpu.memory_space<vmem>> -> memref<32xi32, #tpu.memory_space<vmem>>
    %dma_start3A_60 = tpu.memref_slice %arg4[%add3A_42] : memref<320000xi32, #tpu.memory_space<hbm>> -> memref<32xi32, #tpu.memory_space<hbm>>
    tpu.enqueue_dma source(%dma_start3A_60 : memref<32xi32, #tpu.memory_space<hbm>>) target(%dma_start3A_59 : memref<32xi32, #tpu.memory_space<vmem>>) target_semaphore(%arg14 : memref<!tpu.dma_semaphore, #tpu.memory_space<semaphore_mem>>)
    %min3A_61 = arith.constant 64 : i32
    %min3A_62 = arith.constant 9968 : i32
    %min3A_63 = arith.minsi %min3A_61, %min3A_62 : i32
    %add3A_64 = arith.addi %mul3A_18, %min3A_63 : i32
    %dma_start3A_65 = arith.constant 2 : i32
    %dma_start3A_66 = arith.constant 0 : i32
    %dma_start3A_67 = tpu.memref_slice %arg6[%dma_start3A_65, %dma_start3A_66] : memref<3x32xi32, #tpu.memory_space<vmem>> -> memref<1x32xi32, #tpu.memory_space<vmem>>
    %dma_start3A_68 = tpu.memref_squeeze %dma_start3A_67 : memref<1x32xi32, #tpu.memory_space<vmem>> -> memref<32xi32, #tpu.memory_space<vmem>>
    %dma_start3A_69 = tpu.memref_slice %arg3[%add3A_64] : memref<320000xi32, #tpu.memory_space<hbm>> -> memref<32xi32, #tpu.memory_space<hbm>>
    %dma_start3A_70 = arith.constant 0 : i32
    %dma_start3A_71 = tpu.memref_slice %arg6[%dma_start3A_65, %dma_start3A_70] : memref<3x32xi32, #tpu.memory_space<vmem>> -> memref<1x32xi32, #tpu.memory_space<vmem>>
    %dma_start3A_72 = tpu.memref_squeeze %dma_start3A_71 : memref<1x32xi32, #tpu.memory_space<vmem>> -> memref<32xi32, #tpu.memory_space<vmem>>
    %dma_start3A_73 = tpu.memref_slice %arg3[%add3A_64] : memref<320000xi32, #tpu.memory_space<hbm>> -> memref<32xi32, #tpu.memory_space<hbm>>
    tpu.enqueue_dma source(%dma_start3A_73 : memref<32xi32, #tpu.memory_space<hbm>>) target(%dma_start3A_72 : memref<32xi32, #tpu.memory_space<vmem>>) target_semaphore(%arg15 : memref<!tpu.dma_semaphore, #tpu.memory_space<semaphore_mem>>)
    %dma_start3A_74 = arith.constant 2 : i32
    %dma_start3A_75 = arith.constant 0 : i32
    %dma_start3A_76 = tpu.memref_slice %arg7[%dma_start3A_74, %dma_start3A_75] : memref<3x32xi32, #tpu.memory_space<vmem>> -> memref<1x32xi32, #tpu.memory_space<vmem>>
    %dma_start3A_77 = tpu.memref_squeeze %dma_start3A_76 : memref<1x32xi32, #tpu.memory_space<vmem>> -> memref<32xi32, #tpu.memory_space<vmem>>
    %dma_start3A_78 = tpu.memref_slice %arg4[%add3A_64] : memref<320000xi32, #tpu.memory_space<hbm>> -> memref<32xi32, #tpu.memory_space<hbm>>
    %dma_start3A_79 = arith.constant 0 : i32
    %dma_start3A_80 = tpu.memref_slice %arg7[%dma_start3A_74, %dma_start3A_79] : memref<3x32xi32, #tpu.memory_space<vmem>> -> memref<1x32xi32, #tpu.memory_space<vmem>>
    %dma_start3A_81 = tpu.memref_squeeze %dma_start3A_80 : memref<1x32xi32, #tpu.memory_space<vmem>> -> memref<32xi32, #tpu.memory_space<vmem>>
    %dma_start3A_82 = tpu.memref_slice %arg4[%add3A_64] : memref<320000xi32, #tpu.memory_space<hbm>> -> memref<32xi32, #tpu.memory_space<hbm>>
    tpu.enqueue_dma source(%dma_start3A_82 : memref<32xi32, #tpu.memory_space<hbm>>) target(%dma_start3A_81 : memref<32xi32, #tpu.memory_space<vmem>>) target_semaphore(%arg15 : memref<!tpu.dma_semaphore, #tpu.memory_space<semaphore_mem>>)
    %min3A_83 = arith.constant 0 : i32
    %min3A_84 = arith.constant 9968 : i32
    %min3A_85 = arith.minsi %min3A_83, %min3A_84 : i32
    %add3A_86 = arith.addi %mul3A_18, %min3A_85 : i32
    %dma_wait3A = arith.constant 0 : i32
    %dma_wait3A_87 = arith.constant 0 : i32
    %dma_wait3A_88 = tpu.memref_slice %arg6[%dma_wait3A, %dma_wait3A_87] : memref<3x32xi32, #tpu.memory_space<vmem>> -> memref<1x32xi32, #tpu.memory_space<vmem>>
    %dma_wait3A_89 = tpu.memref_squeeze %dma_wait3A_88 : memref<1x32xi32, #tpu.memory_space<vmem>> -> memref<32xi32, #tpu.memory_space<vmem>>
    %dma_wait3A_90 = tpu.memref_slice %arg3[%add3A_86] : memref<320000xi32, #tpu.memory_space<hbm>> -> memref<32xi32, #tpu.memory_space<hbm>>
    %dma_wait3A_91 = arith.constant 0 : i32
    %dma_wait3A_92 = tpu.memref_slice %arg6[%dma_wait3A, %dma_wait3A_91] : memref<3x32xi32, #tpu.memory_space<vmem>> -> memref<1x32xi32, #tpu.memory_space<vmem>>
    %dma_wait3A_93 = tpu.memref_squeeze %dma_wait3A_92 : memref<1x32xi32, #tpu.memory_space<vmem>> -> memref<32xi32, #tpu.memory_space<vmem>>
    %dma_wait3A_94 = tpu.memref_slice %arg3[%add3A_86] : memref<320000xi32, #tpu.memory_space<hbm>> -> memref<32xi32, #tpu.memory_space<hbm>>
    tpu.wait_dma2 semaphore(%arg13 : memref<!tpu.dma_semaphore, #tpu.memory_space<semaphore_mem>>) src(%dma_wait3A_94 : memref<32xi32, #tpu.memory_space<hbm>>) dst(%dma_wait3A_93 : memref<32xi32, #tpu.memory_space<vmem>>)
    %dma_wait3A_95 = arith.constant 0 : i32
    %dma_wait3A_96 = arith.constant 0 : i32
    %dma_wait3A_97 = tpu.memref_slice %arg7[%dma_wait3A_95, %dma_wait3A_96] : memref<3x32xi32, #tpu.memory_space<vmem>> -> memref<1x32xi32, #tpu.memory_space<vmem>>
    %dma_wait3A_98 = tpu.memref_squeeze %dma_wait3A_97 : memref<1x32xi32, #tpu.memory_space<vmem>> -> memref<32xi32, #tpu.memory_space<vmem>>
    %dma_wait3A_99 = tpu.memref_slice %arg4[%add3A_86] : memref<320000xi32, #tpu.memory_space<hbm>> -> memref<32xi32, #tpu.memory_space<hbm>>
    %dma_wait3A_100 = arith.constant 0 : i32
    %dma_wait3A_101 = tpu.memref_slice %arg7[%dma_wait3A_95, %dma_wait3A_100] : memref<3x32xi32, #tpu.memory_space<vmem>> -> memref<1x32xi32, #tpu.memory_space<vmem>>
    %dma_wait3A_102 = tpu.memref_squeeze %dma_wait3A_101 : memref<1x32xi32, #tpu.memory_space<vmem>> -> memref<32xi32, #tpu.memory_space<vmem>>
    %dma_wait3A_103 = tpu.memref_slice %arg4[%add3A_86] : memref<320000xi32, #tpu.memory_space<hbm>> -> memref<32xi32, #tpu.memory_space<hbm>>
    tpu.wait_dma2 semaphore(%arg13 : memref<!tpu.dma_semaphore, #tpu.memory_space<semaphore_mem>>) src(%dma_wait3A_103 : memref<32xi32, #tpu.memory_space<hbm>>) dst(%dma_wait3A_102 : memref<32xi32, #tpu.memory_space<vmem>>)
    %dma_start3A_104 = arith.constant 0 : i32
    %dma_start3A_105 = arith.constant 0 : i32
    %dma_start3A_106 = arith.constant 0 : i32
    %dma_start3A_107 = arith.constant 0 : i32
    %dma_start3A_108 = tpu.memref_slice %arg9[%dma_start3A_105, %dma_start3A_106, %dma_start3A_107] : memref<3x32x128xf32, #tpu.memory_space<vmem>> -> memref<1x32x128xf32, #tpu.memory_space<vmem>>
    %dma_start3A_109 = tpu.memref_squeeze %dma_start3A_108 : memref<1x32x128xf32, #tpu.memory_space<vmem>> -> memref<32x128xf32, #tpu.memory_space<vmem>>
    %dma_start3A_110 = arith.constant 0 : i32
    %dma_start3A_111 = tpu.memref_slice %arg6[%dma_start3A_104, %dma_start3A_110] : memref<3x32xi32, #tpu.memory_space<vmem>> -> memref<1x32xi32, #tpu.memory_space<vmem>>
    %dma_start3A_112 = tpu.memref_squeeze %dma_start3A_111 : memref<1x32xi32, #tpu.memory_space<vmem>> -> memref<32xi32, #tpu.memory_space<vmem>>
    %dma_start3A_113 = arith.constant 0 : i32
    %dma_start3A_114 = arith.constant 0 : i32
    %dma_start3A_115 = tpu.memref_slice %arg2[%dma_start3A_113, %dma_start3A_114] : memref<10000x128xf32, #tpu.memory_space<hbm>> -> memref<10000x128xf32, #tpu.memory_space<hbm>>
    tpu.enqueue_indirect_dma source(%dma_start3A_115 : memref<10000x128xf32, #tpu.memory_space<hbm>>) target(%dma_start3A_109 : memref<32x128xf32, #tpu.memory_space<vmem>>) offsets(%dma_start3A_112 : memref<32xi32, #tpu.memory_space<vmem>>) semaphore(%arg16 : memref<!tpu.dma_semaphore, #tpu.memory_space<semaphore_mem>>)
    %dma_start3A_116 = arith.constant 0 : i32
    %dma_start3A_117 = arith.constant 0 : i32
    %dma_start3A_118 = arith.constant 0 : i32
    %dma_start3A_119 = arith.constant 0 : i32
    %dma_start3A_120 = tpu.memref_slice %arg10[%dma_start3A_117, %dma_start3A_118, %dma_start3A_119] : memref<3x32x128xf32, #tpu.memory_space<vmem>> -> memref<1x32x128xf32, #tpu.memory_space<vmem>>
    %dma_start3A_121 = tpu.memref_squeeze %dma_start3A_120 : memref<1x32x128xf32, #tpu.memory_space<vmem>> -> memref<32x128xf32, #tpu.memory_space<vmem>>
    %dma_start3A_122 = arith.constant 0 : i32
    %dma_start3A_123 = tpu.memref_slice %arg7[%dma_start3A_116, %dma_start3A_122] : memref<3x32xi32, #tpu.memory_space<vmem>> -> memref<1x32xi32, #tpu.memory_space<vmem>>
    %dma_start3A_124 = tpu.memref_squeeze %dma_start3A_123 : memref<1x32xi32, #tpu.memory_space<vmem>> -> memref<32xi32, #tpu.memory_space<vmem>>
    %dma_start3A_125 = arith.constant 0 : i32
    %dma_start3A_126 = arith.constant 0 : i32
    %dma_start3A_127 = tpu.memref_slice %arg2[%dma_start3A_125, %dma_start3A_126] : memref<10000x128xf32, #tpu.memory_space<hbm>> -> memref<10000x128xf32, #tpu.memory_space<hbm>>
    tpu.enqueue_indirect_dma source(%dma_start3A_127 : memref<10000x128xf32, #tpu.memory_space<hbm>>) target(%dma_start3A_121 : memref<32x128xf32, #tpu.memory_space<vmem>>) offsets(%dma_start3A_124 : memref<32xi32, #tpu.memory_space<vmem>>) semaphore(%arg16 : memref<!tpu.dma_semaphore, #tpu.memory_space<semaphore_mem>>)
    %min3A_128 = arith.constant 32 : i32
    %min3A_129 = arith.constant 9968 : i32
    %min3A_130 = arith.minsi %min3A_128, %min3A_129 : i32
    %add3A_131 = arith.addi %mul3A_18, %min3A_130 : i32
    %dma_wait3A_132 = arith.constant 1 : i32
    %dma_wait3A_133 = arith.constant 0 : i32
    %dma_wait3A_134 = tpu.memref_slice %arg6[%dma_wait3A_132, %dma_wait3A_133] : memref<3x32xi32, #tpu.memory_space<vmem>> -> memref<1x32xi32, #tpu.memory_space<vmem>>
    %dma_wait3A_135 = tpu.memref_squeeze %dma_wait3A_134 : memref<1x32xi32, #tpu.memory_space<vmem>> -> memref<32xi32, #tpu.memory_space<vmem>>
    %dma_wait3A_136 = tpu.memref_slice %arg3[%add3A_131] : memref<320000xi32, #tpu.memory_space<hbm>> -> memref<32xi32, #tpu.memory_space<hbm>>
    %dma_wait3A_137 = arith.constant 0 : i32
    %dma_wait3A_138 = tpu.memref_slice %arg6[%dma_wait3A_132, %dma_wait3A_137] : memref<3x32xi32, #tpu.memory_space<vmem>> -> memref<1x32xi32, #tpu.memory_space<vmem>>
    %dma_wait3A_139 = tpu.memref_squeeze %dma_wait3A_138 : memref<1x32xi32, #tpu.memory_space<vmem>> -> memref<32xi32, #tpu.memory_space<vmem>>
    %dma_wait3A_140 = tpu.memref_slice %arg3[%add3A_131] : memref<320000xi32, #tpu.memory_space<hbm>> -> memref<32xi32, #tpu.memory_space<hbm>>
    tpu.wait_dma2 semaphore(%arg14 : memref<!tpu.dma_semaphore, #tpu.memory_space<semaphore_mem>>) src(%dma_wait3A_140 : memref<32xi32, #tpu.memory_space<hbm>>) dst(%dma_wait3A_139 : memref<32xi32, #tpu.memory_space<vmem>>)
    %dma_wait3A_141 = arith.constant 1 : i32
    %dma_wait3A_142 = arith.constant 0 : i32
    %dma_wait3A_143 = tpu.memref_slice %arg7[%dma_wait3A_141, %dma_wait3A_142] : memref<3x32xi32, #tpu.memory_space<vmem>> -> memref<1x32xi32, #tpu.memory_space<vmem>>
    %dma_wait3A_144 = tpu.memref_squeeze %dma_wait3A_143 : memref<1x32xi32, #tpu.memory_space<vmem>> -> memref<32xi32, #tpu.memory_space<vmem>>
    %dma_wait3A_145 = tpu.memref_slice %arg4[%add3A_131] : memref<320000xi32, #tpu.memory_space<hbm>> -> memref<32xi32, #tpu.memory_space<hbm>>
    %dma_wait3A_146 = arith.constant 0 : i32
    %dma_wait3A_147 = tpu.memref_slice %arg7[%dma_wait3A_141, %dma_wait3A_146] : memref<3x32xi32, #tpu.memory_space<vmem>> -> memref<1x32xi32, #tpu.memory_space<vmem>>
    %dma_wait3A_148 = tpu.memref_squeeze %dma_wait3A_147 : memref<1x32xi32, #tpu.memory_space<vmem>> -> memref<32xi32, #tpu.memory_space<vmem>>
    %dma_wait3A_149 = tpu.memref_slice %arg4[%add3A_131] : memref<320000xi32, #tpu.memory_space<hbm>> -> memref<32xi32, #tpu.memory_space<hbm>>
    tpu.wait_dma2 semaphore(%arg14 : memref<!tpu.dma_semaphore, #tpu.memory_space<semaphore_mem>>) src(%dma_wait3A_149 : memref<32xi32, #tpu.memory_space<hbm>>) dst(%dma_wait3A_148 : memref<32xi32, #tpu.memory_space<vmem>>)
    %dma_start3A_150 = arith.constant 1 : i32
    %dma_start3A_151 = arith.constant 1 : i32
    %dma_start3A_152 = arith.constant 0 : i32
    %dma_start3A_153 = arith.constant 0 : i32
    %dma_start3A_154 = tpu.memref_slice %arg9[%dma_start3A_151, %dma_start3A_152, %dma_start3A_153] : memref<3x32x128xf32, #tpu.memory_space<vmem>> -> memref<1x32x128xf32, #tpu.memory_space<vmem>>
    %dma_start3A_155 = tpu.memref_squeeze %dma_start3A_154 : memref<1x32x128xf32, #tpu.memory_space<vmem>> -> memref<32x128xf32, #tpu.memory_space<vmem>>
    %dma_start3A_156 = arith.constant 0 : i32
    %dma_start3A_157 = tpu.memref_slice %arg6[%dma_start3A_150, %dma_start3A_156] : memref<3x32xi32, #tpu.memory_space<vmem>> -> memref<1x32xi32, #tpu.memory_space<vmem>>
    %dma_start3A_158 = tpu.memref_squeeze %dma_start3A_157 : memref<1x32xi32, #tpu.memory_space<vmem>> -> memref<32xi32, #tpu.memory_space<vmem>>
    %dma_start3A_159 = arith.constant 0 : i32
    %dma_start3A_160 = arith.constant 0 : i32
    %dma_start3A_161 = tpu.memref_slice %arg2[%dma_start3A_159, %dma_start3A_160] : memref<10000x128xf32, #tpu.memory_space<hbm>> -> memref<10000x128xf32, #tpu.memory_space<hbm>>
    tpu.enqueue_indirect_dma source(%dma_start3A_161 : memref<10000x128xf32, #tpu.memory_space<hbm>>) target(%dma_start3A_155 : memref<32x128xf32, #tpu.memory_space<vmem>>) offsets(%dma_start3A_158 : memref<32xi32, #tpu.memory_space<vmem>>) semaphore(%arg17 : memref<!tpu.dma_semaphore, #tpu.memory_space<semaphore_mem>>)
    %dma_start3A_162 = arith.constant 1 : i32
    %dma_start3A_163 = arith.constant 1 : i32
    %dma_start3A_164 = arith.constant 0 : i32
    %dma_start3A_165 = arith.constant 0 : i32
    %dma_start3A_166 = tpu.memref_slice %arg10[%dma_start3A_163, %dma_start3A_164, %dma_start3A_165] : memref<3x32x128xf32, #tpu.memory_space<vmem>> -> memref<1x32x128xf32, #tpu.memory_space<vmem>>
    %dma_start3A_167 = tpu.memref_squeeze %dma_start3A_166 : memref<1x32x128xf32, #tpu.memory_space<vmem>> -> memref<32x128xf32, #tpu.memory_space<vmem>>
    %dma_start3A_168 = arith.constant 0 : i32
    %dma_start3A_169 = tpu.memref_slice %arg7[%dma_start3A_162, %dma_start3A_168] : memref<3x32xi32, #tpu.memory_space<vmem>> -> memref<1x32xi32, #tpu.memory_space<vmem>>
    %dma_start3A_170 = tpu.memref_squeeze %dma_start3A_169 : memref<1x32xi32, #tpu.memory_space<vmem>> -> memref<32xi32, #tpu.memory_space<vmem>>
    %dma_start3A_171 = arith.constant 0 : i32
    %dma_start3A_172 = arith.constant 0 : i32
    %dma_start3A_173 = tpu.memref_slice %arg2[%dma_start3A_171, %dma_start3A_172] : memref<10000x128xf32, #tpu.memory_space<hbm>> -> memref<10000x128xf32, #tpu.memory_space<hbm>>
    tpu.enqueue_indirect_dma source(%dma_start3A_173 : memref<10000x128xf32, #tpu.memory_space<hbm>>) target(%dma_start3A_167 : memref<32x128xf32, #tpu.memory_space<vmem>>) offsets(%dma_start3A_170 : memref<32xi32, #tpu.memory_space<vmem>>) semaphore(%arg17 : memref<!tpu.dma_semaphore, #tpu.memory_space<semaphore_mem>>)
    %scan3A_174 = arith.constant 0 : i32
    %scan3A_175 = arith.constant 0 : i32
    %scan3A_176 = arith.constant 104 : i32
    %scan3A_177 = arith.addi %scan3A_175, %scan3A_176 : i32
    %scan3A_178 = arith.constant 1 : i32
    scf.for %scan3A_313 = %scan3A_175 to %scan3A_177 step %scan3A_178  : i32 {
      %mul3A_314 = arith.constant 3 : i32
      %mul3A_315 = arith.muli %mul3A_314, %scan3A_313 : i32
      %eq3A = arith.constant 0 : i32
      %eq3A_316 = arith.cmpi eq, %scan3A_313, %eq3A : i32
      %add3A_317 = arith.constant 2 : i32
      %add3A_318 = arith.addi %mul3A_315, %add3A_317 : i32
      %mul3A_319 = arith.constant 32 : i32
      %mul3A_320 = arith.muli %add3A_318, %mul3A_319 : i32
      %min3A_321 = arith.constant 9968 : i32
      %min3A_322 = arith.minsi %mul3A_320, %min3A_321 : i32
      %add3A_323 = arith.addi %mul3A_18, %min3A_322 : i32
      %dma_wait3A_324 = arith.constant 2 : i32
      %dma_wait3A_325 = arith.constant 0 : i32
      %dma_wait3A_326 = tpu.memref_slice %arg6[%dma_wait3A_324, %dma_wait3A_325] : memref<3x32xi32, #tpu.memory_space<vmem>> -> memref<1x32xi32, #tpu.memory_space<vmem>>
      %dma_wait3A_327 = tpu.memref_squeeze %dma_wait3A_326 : memref<1x32xi32, #tpu.memory_space<vmem>> -> memref<32xi32, #tpu.memory_space<vmem>>
      %dma_wait3A_328 = tpu.memref_slice %arg3[%add3A_323] : memref<320000xi32, #tpu.memory_space<hbm>> -> memref<32xi32, #tpu.memory_space<hbm>>
      %dma_wait3A_329 = arith.constant 0 : i32
      %dma_wait3A_330 = tpu.memref_slice %arg6[%dma_wait3A_324, %dma_wait3A_329] : memref<3x32xi32, #tpu.memory_space<vmem>> -> memref<1x32xi32, #tpu.memory_space<vmem>>
      %dma_wait3A_331 = tpu.memref_squeeze %dma_wait3A_330 : memref<1x32xi32, #tpu.memory_space<vmem>> -> memref<32xi32, #tpu.memory_space<vmem>>
      %dma_wait3A_332 = tpu.memref_slice %arg3[%add3A_323] : memref<320000xi32, #tpu.memory_space<hbm>> -> memref<32xi32, #tpu.memory_space<hbm>>
      tpu.wait_dma2 semaphore(%arg15 : memref<!tpu.dma_semaphore, #tpu.memory_space<semaphore_mem>>) src(%dma_wait3A_332 : memref<32xi32, #tpu.memory_space<hbm>>) dst(%dma_wait3A_331 : memref<32xi32, #tpu.memory_space<vmem>>)
      %dma_wait3A_333 = arith.constant 2 : i32
      %dma_wait3A_334 = arith.constant 0 : i32
      %dma_wait3A_335 = tpu.memref_slice %arg7[%dma_wait3A_333, %dma_wait3A_334] : memref<3x32xi32, #tpu.memory_space<vmem>> -> memref<1x32xi32, #tpu.memory_space<vmem>>
      %dma_wait3A_336 = tpu.memref_squeeze %dma_wait3A_335 : memref<1x32xi32, #tpu.memory_space<vmem>> -> memref<32xi32, #tpu.memory_space<vmem>>
      %dma_wait3A_337 = tpu.memref_slice %arg4[%add3A_323] : memref<320000xi32, #tpu.memory_space<hbm>> -> memref<32xi32, #tpu.memory_space<hbm>>
      %dma_wait3A_338 = arith.constant 0 : i32
      %dma_wait3A_339 = tpu.memref_slice %arg7[%dma_wait3A_333, %dma_wait3A_338] : memref<3x32xi32, #tpu.memory_space<vmem>> -> memref<1x32xi32, #tpu.memory_space<vmem>>
      %dma_wait3A_340 = tpu.memref_squeeze %dma_wait3A_339 : memref<1x32xi32, #tpu.memory_space<vmem>> -> memref<32xi32, #tpu.memory_space<vmem>>
      %dma_wait3A_341 = tpu.memref_slice %arg4[%add3A_323] : memref<320000xi32, #tpu.memory_space<hbm>> -> memref<32xi32, #tpu.memory_space<hbm>>
      tpu.wait_dma2 semaphore(%arg15 : memref<!tpu.dma_semaphore, #tpu.memory_space<semaphore_mem>>) src(%dma_wait3A_341 : memref<32xi32, #tpu.memory_space<hbm>>) dst(%dma_wait3A_340 : memref<32xi32, #tpu.memory_space<vmem>>)
      %dma_start3A_342 = arith.constant 2 : i32
      %dma_start3A_343 = arith.constant 2 : i32
      %dma_start3A_344 = arith.constant 0 : i32
      %dma_start3A_345 = arith.constant 0 : i32
      %dma_start3A_346 = tpu.memref_slice %arg9[%dma_start3A_343, %dma_start3A_344, %dma_start3A_345] : memref<3x32x128xf32, #tpu.memory_space<vmem>> -> memref<1x32x128xf32, #tpu.memory_space<vmem>>
      %dma_start3A_347 = tpu.memref_squeeze %dma_start3A_346 : memref<1x32x128xf32, #tpu.memory_space<vmem>> -> memref<32x128xf32, #tpu.memory_space<vmem>>
      %dma_start3A_348 = arith.constant 0 : i32
      %dma_start3A_349 = tpu.memref_slice %arg6[%dma_start3A_342, %dma_start3A_348] : memref<3x32xi32, #tpu.memory_space<vmem>> -> memref<1x32xi32, #tpu.memory_space<vmem>>
      %dma_start3A_350 = tpu.memref_squeeze %dma_start3A_349 : memref<1x32xi32, #tpu.memory_space<vmem>> -> memref<32xi32, #tpu.memory_space<vmem>>
      %dma_start3A_351 = arith.constant 0 : i32
      %dma_start3A_352 = arith.constant 0 : i32
      %dma_start3A_353 = tpu.memref_slice %arg2[%dma_start3A_351, %dma_start3A_352] : memref<10000x128xf32, #tpu.memory_space<hbm>> -> memref<10000x128xf32, #tpu.memory_space<hbm>>
      tpu.enqueue_indirect_dma source(%dma_start3A_353 : memref<10000x128xf32, #tpu.memory_space<hbm>>) target(%dma_start3A_347 : memref<32x128xf32, #tpu.memory_space<vmem>>) offsets(%dma_start3A_350 : memref<32xi32, #tpu.memory_space<vmem>>) semaphore(%arg18 : memref<!tpu.dma_semaphore, #tpu.memory_space<semaphore_mem>>)
      %dma_start3A_354 = arith.constant 2 : i32
      %dma_start3A_355 = arith.constant 2 : i32
      %dma_start3A_356 = arith.constant 0 : i32
      %dma_start3A_357 = arith.constant 0 : i32
      %dma_start3A_358 = tpu.memref_slice %arg10[%dma_start3A_355, %dma_start3A_356, %dma_start3A_357] : memref<3x32x128xf32, #tpu.memory_space<vmem>> -> memref<1x32x128xf32, #tpu.memory_space<vmem>>
      %dma_start3A_359 = tpu.memref_squeeze %dma_start3A_358 : memref<1x32x128xf32, #tpu.memory_space<vmem>> -> memref<32x128xf32, #tpu.memory_space<vmem>>
      %dma_start3A_360 = arith.constant 0 : i32
      %dma_start3A_361 = tpu.memref_slice %arg7[%dma_start3A_354, %dma_start3A_360] : memref<3x32xi32, #tpu.memory_space<vmem>> -> memref<1x32xi32, #tpu.memory_space<vmem>>
      %dma_start3A_362 = tpu.memref_squeeze %dma_start3A_361 : memref<1x32xi32, #tpu.memory_space<vmem>> -> memref<32xi32, #tpu.memory_space<vmem>>
      %dma_start3A_363 = arith.constant 0 : i32
      %dma_start3A_364 = arith.constant 0 : i32
      %dma_start3A_365 = tpu.memref_slice %arg2[%dma_start3A_363, %dma_start3A_364] : memref<10000x128xf32, #tpu.memory_space<hbm>> -> memref<10000x128xf32, #tpu.memory_space<hbm>>
      tpu.enqueue_indirect_dma source(%dma_start3A_365 : memref<10000x128xf32, #tpu.memory_space<hbm>>) target(%dma_start3A_359 : memref<32x128xf32, #tpu.memory_space<vmem>>) offsets(%dma_start3A_362 : memref<32xi32, #tpu.memory_space<vmem>>) semaphore(%arg18 : memref<!tpu.dma_semaphore, #tpu.memory_space<semaphore_mem>>)
      %dma_wait3A_366 = arith.constant 0 : i32
      %dma_wait3A_367 = arith.constant 0 : i32
      %dma_wait3A_368 = arith.constant 0 : i32
      %dma_wait3A_369 = arith.constant 0 : i32
      %dma_wait3A_370 = tpu.memref_slice %arg9[%dma_wait3A_367, %dma_wait3A_368, %dma_wait3A_369] : memref<3x32x128xf32, #tpu.memory_space<vmem>> -> memref<1x32x128xf32, #tpu.memory_space<vmem>>
      %dma_wait3A_371 = tpu.memref_squeeze %dma_wait3A_370 : memref<1x32x128xf32, #tpu.memory_space<vmem>> -> memref<32x128xf32, #tpu.memory_space<vmem>>
      %dma_wait3A_372 = arith.constant 0 : i32
      %dma_wait3A_373 = tpu.memref_slice %arg6[%dma_wait3A_366, %dma_wait3A_372] : memref<3x32xi32, #tpu.memory_space<vmem>> -> memref<1x32xi32, #tpu.memory_space<vmem>>
      %dma_wait3A_374 = tpu.memref_squeeze %dma_wait3A_373 : memref<1x32xi32, #tpu.memory_space<vmem>> -> memref<32xi32, #tpu.memory_space<vmem>>
      %dma_wait3A_375 = arith.constant 0 : i32
      %dma_wait3A_376 = arith.constant 0 : i32
      %dma_wait3A_377 = tpu.memref_slice %arg2[%dma_wait3A_375, %dma_wait3A_376] : memref<10000x128xf32, #tpu.memory_space<hbm>> -> memref<10000x128xf32, #tpu.memory_space<hbm>>
      tpu.wait_indirect_dma semaphore(%arg16 : memref<!tpu.dma_semaphore, #tpu.memory_space<semaphore_mem>>) src(%dma_wait3A_377 : memref<10000x128xf32, #tpu.memory_space<hbm>>) dst(%dma_wait3A_371 : memref<32x128xf32, #tpu.memory_space<vmem>>)
      %dma_wait3A_378 = arith.constant 0 : i32
      %dma_wait3A_379 = arith.constant 0 : i32
      %dma_wait3A_380 = arith.constant 0 : i32
      %dma_wait3A_381 = arith.constant 0 : i32
      %dma_wait3A_382 = tpu.memref_slice %arg10[%dma_wait3A_379, %dma_wait3A_380, %dma_wait3A_381] : memref<3x32x128xf32, #tpu.memory_space<vmem>> -> memref<1x32x128xf32, #tpu.memory_space<vmem>>
      %dma_wait3A_383 = tpu.memref_squeeze %dma_wait3A_382 : memref<1x32x128xf32, #tpu.memory_space<vmem>> -> memref<32x128xf32, #tpu.memory_space<vmem>>
      %dma_wait3A_384 = arith.constant 0 : i32
      %dma_wait3A_385 = tpu.memref_slice %arg7[%dma_wait3A_378, %dma_wait3A_384] : memref<3x32xi32, #tpu.memory_space<vmem>> -> memref<1x32xi32, #tpu.memory_space<vmem>>
      %dma_wait3A_386 = tpu.memref_squeeze %dma_wait3A_385 : memref<1x32xi32, #tpu.memory_space<vmem>> -> memref<32xi32, #tpu.memory_space<vmem>>
      %dma_wait3A_387 = arith.constant 0 : i32
      %dma_wait3A_388 = arith.constant 0 : i32
      %dma_wait3A_389 = tpu.memref_slice %arg2[%dma_wait3A_387, %dma_wait3A_388] : memref<10000x128xf32, #tpu.memory_space<hbm>> -> memref<10000x128xf32, #tpu.memory_space<hbm>>
      tpu.wait_indirect_dma semaphore(%arg16 : memref<!tpu.dma_semaphore, #tpu.memory_space<semaphore_mem>>) src(%dma_wait3A_389 : memref<10000x128xf32, #tpu.memory_space<hbm>>) dst(%dma_wait3A_383 : memref<32x128xf32, #tpu.memory_space<vmem>>)
      %not3A = arith.constant true
      %not3A_390 = arith.xori %eq3A_316, %not3A : i1
      %convert_element_type3A = arith.extui %not3A_390 : i1 to i32
      %cond3A = arith.constant 0 : i32
      %cond3A_391 = arith.cmpi ne, %convert_element_type3A, %cond3A : i32
      scf.if %cond3A_391 {
        %dma_wait3A_759 = arith.constant 0 : i32
        %dma_wait3A_760 = arith.constant 0 : i32
        %dma_wait3A_761 = arith.constant 0 : i32
        %dma_wait3A_762 = arith.constant 0 : i32
        %dma_wait3A_763 = tpu.memref_slice %arg11[%dma_wait3A_759, %dma_wait3A_761, %dma_wait3A_762] : memref<3x32x136xf32, #tpu.memory_space<vmem>> -> memref<1x32x136xf32, #tpu.memory_space<vmem>>
        %dma_wait3A_764 = tpu.memref_squeeze %dma_wait3A_763 : memref<1x32x136xf32, #tpu.memory_space<vmem>> -> memref<32x136xf32, #tpu.memory_space<vmem>>
        %dma_wait3A_765 = arith.constant 0 : i32
        %dma_wait3A_766 = tpu.memref_slice %arg8[%dma_wait3A_760, %dma_wait3A_765] : memref<3x32xi32, #tpu.memory_space<vmem>> -> memref<1x32xi32, #tpu.memory_space<vmem>>
        %dma_wait3A_767 = tpu.memref_squeeze %dma_wait3A_766 : memref<1x32xi32, #tpu.memory_space<vmem>> -> memref<32xi32, #tpu.memory_space<vmem>>
        %dma_wait3A_768 = arith.constant 0 : i32
        %dma_wait3A_769 = arith.constant 0 : i32
        %dma_wait3A_770 = tpu.memref_slice %arg12[%dma_wait3A_768, %dma_wait3A_769] : memref<10240x136xf32, #tpu.memory_space<vmem_shared>> -> memref<10240x136xf32, #tpu.memory_space<vmem_shared>>
        tpu.wait_indirect_dma semaphore(%arg19 : memref<!tpu.dma_semaphore, #tpu.memory_space<semaphore_mem>>) src(%dma_wait3A_764 : memref<32x136xf32, #tpu.memory_space<vmem>>) dst(%dma_wait3A_770 : memref<10240x136xf32, #tpu.memory_space<vmem_shared>>)
      } else {
      }
      %get3A_392 = arith.constant 0 : i32
      %get3A_393 = arith.index_cast %get3A_392 : i32 to index
      %get3A_394 = arith.constant 0 : index
      %get3A_395 = tpu.vector_load %arg6[%get3A_393, %get3A_394] {strides = array<i32>} : memref<3x32xi32, #tpu.memory_space<vmem>>, vector<16xi32>,
      %swap3A_396 = arith.constant 0 : i32
      %swap3A_397 = arith.index_cast %swap3A_396 : i32 to index
      %swap3A_398 = arith.constant 0 : index
      %swap3A_399 = tpu.vector_load %arg8[%swap3A_397, %swap3A_398] {strides = array<i32>} : memref<3x32xi32, #tpu.memory_space<vmem>>, vector<16xi32>,
      tpu.vector_store %arg8[%swap3A_397, %swap3A_398], %get3A_395 {strides = array<i32>} : memref<3x32xi32, #tpu.memory_space<vmem>>, vector<16xi32>,
      %get3A_400 = arith.constant 0 : i32
      %get3A_401 = arith.index_cast %get3A_400 : i32 to index
      %get3A_402 = arith.constant 16 : index
      %get3A_403 = tpu.vector_load %arg6[%get3A_401, %get3A_402] {strides = array<i32>} : memref<3x32xi32, #tpu.memory_space<vmem>>, vector<16xi32>,
      %swap3A_404 = arith.constant 0 : i32
      %swap3A_405 = arith.index_cast %swap3A_404 : i32 to index
      %swap3A_406 = arith.constant 16 : index
      %swap3A_407 = tpu.vector_load %arg8[%swap3A_405, %swap3A_406] {strides = array<i32>} : memref<3x32xi32, #tpu.memory_space<vmem>>, vector<16xi32>,
      tpu.vector_store %arg8[%swap3A_405, %swap3A_406], %get3A_403 {strides = array<i32>} : memref<3x32xi32, #tpu.memory_space<vmem>>, vector<16xi32>,
      %add3A_408 = arith.constant 3 : i32
      %add3A_409 = arith.addi %mul3A_315, %add3A_408 : i32
      %mul3A_410 = arith.constant 32 : i32
      %mul3A_411 = arith.muli %add3A_409, %mul3A_410 : i32
      %min3A_412 = arith.constant 9968 : i32
      %min3A_413 = arith.minsi %mul3A_411, %min3A_412 : i32
      %add3A_414 = arith.addi %mul3A_18, %min3A_413 : i32
      %dma_start3A_415 = arith.constant 0 : i32
      %dma_start3A_416 = arith.constant 0 : i32
      %dma_start3A_417 = tpu.memref_slice %arg6[%dma_start3A_415, %dma_start3A_416] : memref<3x32xi32, #tpu.memory_space<vmem>> -> memref<1x32xi32, #tpu.memory_space<vmem>>
      %dma_start3A_418 = tpu.memref_squeeze %dma_start3A_417 : memref<1x32xi32, #tpu.memory_space<vmem>> -> memref<32xi32, #tpu.memory_space<vmem>>
      %dma_start3A_419 = tpu.memref_slice %arg3[%add3A_414] : memref<320000xi32, #tpu.memory_space<hbm>> -> memref<32xi32, #tpu.memory_space<hbm>>
      %dma_start3A_420 = arith.constant 0 : i32
      %dma_start3A_421 = tpu.memref_slice %arg6[%dma_start3A_415, %dma_start3A_420] : memref<3x32xi32, #tpu.memory_space<vmem>> -> memref<1x32xi32, #tpu.memory_space<vmem>>
      %dma_start3A_422 = tpu.memref_squeeze %dma_start3A_421 : memref<1x32xi32, #tpu.memory_space<vmem>> -> memref<32xi32, #tpu.memory_space<vmem>>
      %dma_start3A_423 = tpu.memref_slice %arg3[%add3A_414] : memref<320000xi32, #tpu.memory_space<hbm>> -> memref<32xi32, #tpu.memory_space<hbm>>
      tpu.enqueue_dma source(%dma_start3A_423 : memref<32xi32, #tpu.memory_space<hbm>>) target(%dma_start3A_422 : memref<32xi32, #tpu.memory_space<vmem>>) target_semaphore(%arg13 : memref<!tpu.dma_semaphore, #tpu.memory_space<semaphore_mem>>)
      %dma_start3A_424 = arith.constant 0 : i32
      %dma_start3A_425 = arith.constant 0 : i32
      %dma_start3A_426 = tpu.memref_slice %arg7[%dma_start3A_424, %dma_start3A_425] : memref<3x32xi32, #tpu.memory_space<vmem>> -> memref<1x32xi32, #tpu.memory_space<vmem>>
      %dma_start3A_427 = tpu.memref_squeeze %dma_start3A_426 : memref<1x32xi32, #tpu.memory_space<vmem>> -> memref<32xi32, #tpu.memory_space<vmem>>
      %dma_start3A_428 = tpu.memref_slice %arg4[%add3A_414] : memref<320000xi32, #tpu.memory_space<hbm>> -> memref<32xi32, #tpu.memory_space<hbm>>
      %dma_start3A_429 = arith.constant 0 : i32
      %dma_start3A_430 = tpu.memref_slice %arg7[%dma_start3A_424, %dma_start3A_429] : memref<3x32xi32, #tpu.memory_space<vmem>> -> memref<1x32xi32, #tpu.memory_space<vmem>>
      %dma_start3A_431 = tpu.memref_squeeze %dma_start3A_430 : memref<1x32xi32, #tpu.memory_space<vmem>> -> memref<32xi32, #tpu.memory_space<vmem>>
      %dma_start3A_432 = tpu.memref_slice %arg4[%add3A_414] : memref<320000xi32, #tpu.memory_space<hbm>> -> memref<32xi32, #tpu.memory_space<hbm>>
      tpu.enqueue_dma source(%dma_start3A_432 : memref<32xi32, #tpu.memory_space<hbm>>) target(%dma_start3A_431 : memref<32xi32, #tpu.memory_space<vmem>>) target_semaphore(%arg13 : memref<!tpu.dma_semaphore, #tpu.memory_space<semaphore_mem>>)
      %mul3A_433 = arith.constant 32 : i32
      %mul3A_434 = arith.muli %mul3A_315, %mul3A_433 : i32
      %sub3A = arith.constant 9968 : i32
      %sub3A_435 = arith.subi %mul3A_434, %sub3A : i32
      %max3A_436 = arith.constant 0 : i32
      %max3A_437 = arith.maxsi %max3A_436, %sub3A_435 : i32
      %scan3A_438 = arith.constant 0 : i32
      %scan3A_439 = arith.constant 0 : i32
      %scan3A_440 = arith.constant 0 : i32
      %scan3A_441 = arith.constant 0 : i32
      %scan3A_442 = arith.constant 0 : i32
      %scan3A_443 = arith.constant 2 : i32
      %scan3A_444 = arith.addi %scan3A_442, %scan3A_443 : i32
      %scan3A_445 = arith.constant 1 : i32
      scf.for %scan3A_759 = %scan3A_442 to %scan3A_444 step %scan3A_445  : i32 {
        %mul3A_760 = arith.constant 16 : i32
        %mul3A_761 = arith.muli %scan3A_759, %mul3A_760 : i32
        %add3A_762 = vector.broadcast %mul3A_761 : i32 to vector<16xi32>
        %add3A_763 = arith.addi %add3A_762, %iota3A : vector<16xi32>
        %parallel_loop3A = arith.constant 0 : i32
        %parallel_loop3A_764 = arith.constant 128 : i32
        %parallel_loop3A_765 = arith.constant 1 : i32
        %parallel_loop3A_766 = scf.for %parallel_loop3A_782 = %parallel_loop3A to %parallel_loop3A_764 step %parallel_loop3A_765 iter_args(%parallel_loop3A_783 = %broadcast_in_dim3A_0) -> (vector<16xf32>)  : i32 {
          %parallel_loop3A_784 = vector.broadcast %parallel_loop3A_782 : i32 to vector<16xi32>
          %parallel_loop3A_785 = arith.addi %iota3A, %parallel_loop3A_784 : vector<16xi32>
          %parallel_loop3A_786 = arith.constant 127 : i32
          %parallel_loop3A_787 = vector.broadcast %parallel_loop3A_786 : i32 to vector<16xi32>
          %parallel_loop3A_788 = arith.andi %parallel_loop3A_785, %parallel_loop3A_787 : vector<16xi32>
          %parallel_loop3A_789 = arith.constant 0 : i32
          %parallel_loop3A_790 = arith.constant 0 : i32
          %parallel_loop3A_791 = tpu.memref_slice %arg9[%scan3A_439, %parallel_loop3A_789, %parallel_loop3A_790] : memref<3x32x128xf32, #tpu.memory_space<vmem>> -> memref<1x32x128xf32, #tpu.memory_space<vmem>>
          %parallel_loop3A_792 = tpu.memref_squeeze %parallel_loop3A_791 : memref<1x32x128xf32, #tpu.memory_space<vmem>> -> memref<32x128xf32, #tpu.memory_space<vmem>>
          %parallel_loop3A_793 = tpu.vector_load_idx %parallel_loop3A_792[%add3A_763, %parallel_loop3A_788] : memref<32x128xf32, #tpu.memory_space<vmem>>[vector<16xi32>, vector<16xi32>], vector<16xf32>,
          %parallel_loop3A_794 = arith.constant 0 : i32
          %parallel_loop3A_795 = arith.constant 0 : i32
          %parallel_loop3A_796 = tpu.memref_slice %arg10[%scan3A_440, %parallel_loop3A_794, %parallel_loop3A_795] : memref<3x32x128xf32, #tpu.memory_space<vmem>> -> memref<1x32x128xf32, #tpu.memory_space<vmem>>
          %parallel_loop3A_797 = tpu.memref_squeeze %parallel_loop3A_796 : memref<1x32x128xf32, #tpu.memory_space<vmem>> -> memref<32x128xf32, #tpu.memory_space<vmem>>
          %parallel_loop3A_798 = tpu.vector_load_idx %parallel_loop3A_797[%add3A_763, %parallel_loop3A_788] : memref<32x128xf32, #tpu.memory_space<vmem>>[vector<16xi32>, vector<16xi32>], vector<16xf32>,
          %parallel_loop3A_799 = arith.mulf %parallel_loop3A_793, %parallel_loop3A_798 : vector<16xf32>
          %parallel_loop3A_800 = arith.addf %parallel_loop3A_783, %parallel_loop3A_799 : vector<16xf32>
          scf.yield %parallel_loop3A_800 : vector<16xf32>
        } {sc.loop_unroll_factor = 16 : i64, sc.parallel_access}
        %ge3A = arith.constant 0.000000e+00 : f32
        %ge3A_767 = vector.broadcast %ge3A : f32 to vector<16xf32>
        %ge3A_768 = arith.cmpf oge, %parallel_loop3A_766, %ge3A_767 : vector<16xf32>
        %mul3A_769 = arith.constant 2.000000e-01 : f32
        %mul3A_770 = vector.broadcast %mul3A_769 : f32 to vector<16xf32>
        %mul3A_771 = arith.mulf %mul3A_770, %parallel_loop3A_766 : vector<16xf32>
        %select_n3A = arith.select %ge3A_768, %parallel_loop3A_766, %mul3A_771 : vector<16xi1>, vector<16xf32>
        %exp3A = math.exp %select_n3A : vector<16xf32>
        %ge3A_772 = vector.broadcast %max3A_437 : i32 to vector<16xi32>
        %ge3A_773 = arith.cmpi sge, %add3A_763, %ge3A_772 : vector<16xi32>
        %jit3A = arith.constant 0.000000e+00 : f32
        %broadcast_in_dim3A_774 = vector.broadcast %jit3A : f32 to vector<16xf32>
        %select_n3A_775 = arith.select %ge3A_773, %exp3A, %broadcast_in_dim3A_774 : vector<16xi1>, vector<16xf32>
        %scatter3A = arith.constant 0 : i32
        %scatter3A_776 = arith.constant 0 : i32
        %scatter3A_777 = tpu.memref_slice %arg11[%scan3A_441, %scatter3A, %scatter3A_776] : memref<3x32x136xf32, #tpu.memory_space<vmem>> -> memref<1x32x136xf32, #tpu.memory_space<vmem>>
        %scatter3A_778 = tpu.memref_squeeze %scatter3A_777 : memref<1x32x136xf32, #tpu.memory_space<vmem>> -> memref<32x136xf32, #tpu.memory_space<vmem>>
        tpu.vector_store_idx %scatter3A_778[%add3A_763, %broadcast_in_dim3A_2], %select_n3A_775 : memref<32x136xf32, #tpu.memory_space<vmem>>[vector<16xi32>, vector<16xi32>], vector<16xf32>,
        %parallel_loop3A_779 = arith.constant 0 : i32
        %parallel_loop3A_780 = arith.constant 128 : i32
        %parallel_loop3A_781 = arith.constant 1 : i32
        scf.for %parallel_loop3A_782 = %parallel_loop3A_779 to %parallel_loop3A_780 step %parallel_loop3A_781  : i32 {
          %parallel_loop3A_783 = vector.broadcast %parallel_loop3A_782 : i32 to vector<16xi32>
          %parallel_loop3A_784 = arith.addi %iota3A, %parallel_loop3A_783 : vector<16xi32>
          %parallel_loop3A_785 = arith.constant 127 : i32
          %parallel_loop3A_786 = vector.broadcast %parallel_loop3A_785 : i32 to vector<16xi32>
          %parallel_loop3A_787 = arith.andi %parallel_loop3A_784, %parallel_loop3A_786 : vector<16xi32>
          %parallel_loop3A_788 = arith.constant 0 : i32
          %parallel_loop3A_789 = arith.constant 0 : i32
          %parallel_loop3A_790 = tpu.memref_slice %arg10[%scan3A_440, %parallel_loop3A_788, %parallel_loop3A_789] : memref<3x32x128xf32, #tpu.memory_space<vmem>> -> memref<1x32x128xf32, #tpu.memory_space<vmem>>
          %parallel_loop3A_791 = tpu.memref_squeeze %parallel_loop3A_790 : memref<1x32x128xf32, #tpu.memory_space<vmem>> -> memref<32x128xf32, #tpu.memory_space<vmem>>
          %parallel_loop3A_792 = tpu.vector_load_idx %parallel_loop3A_791[%add3A_763, %parallel_loop3A_787] : memref<32x128xf32, #tpu.memory_space<vmem>>[vector<16xi32>, vector<16xi32>], vector<16xf32>,
          %parallel_loop3A_793 = vector.broadcast %parallel_loop3A_782 : i32 to vector<16xi32>
          %parallel_loop3A_794 = arith.addi %iota3A, %parallel_loop3A_793 : vector<16xi32>
          %parallel_loop3A_795 = arith.constant 127 : i32
          %parallel_loop3A_796 = vector.broadcast %parallel_loop3A_795 : i32 to vector<16xi32>
          %parallel_loop3A_797 = arith.andi %parallel_loop3A_794, %parallel_loop3A_796 : vector<16xi32>
          %parallel_loop3A_798 = arith.mulf %select_n3A_775, %parallel_loop3A_792 : vector<16xf32>
          %parallel_loop3A_799 = arith.constant 0 : i32
          %parallel_loop3A_800 = arith.constant 0 : i32
          %parallel_loop3A_801 = tpu.memref_slice %arg11[%scan3A_441, %parallel_loop3A_799, %parallel_loop3A_800] : memref<3x32x136xf32, #tpu.memory_space<vmem>> -> memref<1x32x136xf32, #tpu.memory_space<vmem>>
          %parallel_loop3A_802 = tpu.memref_squeeze %parallel_loop3A_801 : memref<1x32x136xf32, #tpu.memory_space<vmem>> -> memref<32x136xf32, #tpu.memory_space<vmem>>
          tpu.vector_store_idx %parallel_loop3A_802[%add3A_763, %parallel_loop3A_797], %parallel_loop3A_798 : memref<32x136xf32, #tpu.memory_space<vmem>>[vector<16xi32>, vector<16xi32>], vector<16xf32>,
        } {sc.loop_unroll_factor = 16 : i64, sc.parallel_access}
      }
      %scan3A_446 = arith.constant 2 : i32
      %dma_start3A_447 = arith.constant 0 : i32
      %dma_start3A_448 = arith.constant 0 : i32
      %dma_start3A_449 = arith.constant 0 : i32
      %dma_start3A_450 = arith.constant 0 : i32
      %dma_start3A_451 = tpu.memref_slice %arg11[%dma_start3A_447, %dma_start3A_449, %dma_start3A_450] : memref<3x32x136xf32, #tpu.memory_space<vmem>> -> memref<1x32x136xf32, #tpu.memory_space<vmem>>
      %dma_start3A_452 = tpu.memref_squeeze %dma_start3A_451 : memref<1x32x136xf32, #tpu.memory_space<vmem>> -> memref<32x136xf32, #tpu.memory_space<vmem>>
      %dma_start3A_453 = arith.constant 0 : i32
      %dma_start3A_454 = tpu.memref_slice %arg8[%dma_start3A_448, %dma_start3A_453] : memref<3x32xi32, #tpu.memory_space<vmem>> -> memref<1x32xi32, #tpu.memory_space<vmem>>
      %dma_start3A_455 = tpu.memref_squeeze %dma_start3A_454 : memref<1x32xi32, #tpu.memory_space<vmem>> -> memref<32xi32, #tpu.memory_space<vmem>>
      %dma_start3A_456 = arith.constant 0 : i32
      %dma_start3A_457 = arith.constant 0 : i32
      %dma_start3A_458 = tpu.memref_slice %arg12[%dma_start3A_456, %dma_start3A_457] : memref<10240x136xf32, #tpu.memory_space<vmem_shared>> -> memref<10240x136xf32, #tpu.memory_space<vmem_shared>>
      tpu.enqueue_indirect_dma source(%dma_start3A_452 : memref<32x136xf32, #tpu.memory_space<vmem>>) target(%dma_start3A_458 : memref<10240x136xf32, #tpu.memory_space<vmem_shared>>) offsets(%dma_start3A_455 : memref<32xi32, #tpu.memory_space<vmem>>) semaphore(%arg19 : memref<!tpu.dma_semaphore, #tpu.memory_space<semaphore_mem>>) {add = true}
      %add3A_459 = arith.constant 1 : i32
      %add3A_460 = arith.addi %mul3A_315, %add3A_459 : i32
      %eq3A_461 = arith.constant 0 : i32
      %eq3A_462 = arith.cmpi eq, %scan3A_313, %eq3A_461 : i32
      %add3A_463 = arith.constant 2 : i32
      %add3A_464 = arith.addi %add3A_460, %add3A_463 : i32
      %mul3A_465 = arith.constant 32 : i32
      %mul3A_466 = arith.muli %add3A_464, %mul3A_465 : i32
      %min3A_467 = arith.constant 9968 : i32
      %min3A_468 = arith.minsi %mul3A_466, %min3A_467 : i32
      %add3A_469 = arith.addi %mul3A_18, %min3A_468 : i32
      %dma_wait3A_470 = arith.constant 0 : i32
      %dma_wait3A_471 = arith.constant 0 : i32
      %dma_wait3A_472 = tpu.memref_slice %arg6[%dma_wait3A_470, %dma_wait3A_471] : memref<3x32xi32, #tpu.memory_space<vmem>> -> memref<1x32xi32, #tpu.memory_space<vmem>>
      %dma_wait3A_473 = tpu.memref_squeeze %dma_wait3A_472 : memref<1x32xi32, #tpu.memory_space<vmem>> -> memref<32xi32, #tpu.memory_space<vmem>>
      %dma_wait3A_474 = tpu.memref_slice %arg3[%add3A_469] : memref<320000xi32, #tpu.memory_space<hbm>> -> memref<32xi32, #tpu.memory_space<hbm>>
      %dma_wait3A_475 = arith.constant 0 : i32
      %dma_wait3A_476 = tpu.memref_slice %arg6[%dma_wait3A_470, %dma_wait3A_475] : memref<3x32xi32, #tpu.memory_space<vmem>> -> memref<1x32xi32, #tpu.memory_space<vmem>>
      %dma_wait3A_477 = tpu.memref_squeeze %dma_wait3A_476 : memref<1x32xi32, #tpu.memory_space<vmem>> -> memref<32xi32, #tpu.memory_space<vmem>>
      %dma_wait3A_478 = tpu.memref_slice %arg3[%add3A_469] : memref<320000xi32, #tpu.memory_space<hbm>> -> memref<32xi32, #tpu.memory_space<hbm>>
      tpu.wait_dma2 semaphore(%arg13 : memref<!tpu.dma_semaphore, #tpu.memory_space<semaphore_mem>>) src(%dma_wait3A_478 : memref<32xi32, #tpu.memory_space<hbm>>) dst(%dma_wait3A_477 : memref<32xi32, #tpu.memory_space<vmem>>)
      %dma_wait3A_479 = arith.constant 0 : i32
      %dma_wait3A_480 = arith.constant 0 : i32
      %dma_wait3A_481 = tpu.memref_slice %arg7[%dma_wait3A_479, %dma_wait3A_480] : memref<3x32xi32, #tpu.memory_space<vmem>> -> memref<1x32xi32, #tpu.memory_space<vmem>>
      %dma_wait3A_482 = tpu.memref_squeeze %dma_wait3A_481 : memref<1x32xi32, #tpu.memory_space<vmem>> -> memref<32xi32, #tpu.memory_space<vmem>>
      %dma_wait3A_483 = tpu.memref_slice %arg4[%add3A_469] : memref<320000xi32, #tpu.memory_space<hbm>> -> memref<32xi32, #tpu.memory_space<hbm>>
      %dma_wait3A_484 = arith.constant 0 : i32
      %dma_wait3A_485 = tpu.memref_slice %arg7[%dma_wait3A_479, %dma_wait3A_484] : memref<3x32xi32, #tpu.memory_space<vmem>> -> memref<1x32xi32, #tpu.memory_space<vmem>>
      %dma_wait3A_486 = tpu.memref_squeeze %dma_wait3A_485 : memref<1x32xi32, #tpu.memory_space<vmem>> -> memref<32xi32, #tpu.memory_space<vmem>>
      %dma_wait3A_487 = tpu.memref_slice %arg4[%add3A_469] : memref<320000xi32, #tpu.memory_space<hbm>> -> memref<32xi32, #tpu.memory_space<hbm>>
      tpu.wait_dma2 semaphore(%arg13 : memref<!tpu.dma_semaphore, #tpu.memory_space<semaphore_mem>>) src(%dma_wait3A_487 : memref<32xi32, #tpu.memory_space<hbm>>) dst(%dma_wait3A_486 : memref<32xi32, #tpu.memory_space<vmem>>)
      %dma_start3A_488 = arith.constant 0 : i32
      %dma_start3A_489 = arith.constant 0 : i32
      %dma_start3A_490 = arith.constant 0 : i32
      %dma_start3A_491 = arith.constant 0 : i32
      %dma_start3A_492 = tpu.memref_slice %arg9[%dma_start3A_489, %dma_start3A_490, %dma_start3A_491] : memref<3x32x128xf32, #tpu.memory_space<vmem>> -> memref<1x32x128xf32, #tpu.memory_space<vmem>>
      %dma_start3A_493 = tpu.memref_squeeze %dma_start3A_492 : memref<1x32x128xf32, #tpu.memory_space<vmem>> -> memref<32x128xf32, #tpu.memory_space<vmem>>
      %dma_start3A_494 = arith.constant 0 : i32
      %dma_start3A_495 = tpu.memref_slice %arg6[%dma_start3A_488, %dma_start3A_494] : memref<3x32xi32, #tpu.memory_space<vmem>> -> memref<1x32xi32, #tpu.memory_space<vmem>>
      %dma_start3A_496 = tpu.memref_squeeze %dma_start3A_495 : memref<1x32xi32, #tpu.memory_space<vmem>> -> memref<32xi32, #tpu.memory_space<vmem>>
      %dma_start3A_497 = arith.constant 0 : i32
      %dma_start3A_498 = arith.constant 0 : i32
      %dma_start3A_499 = tpu.memref_slice %arg2[%dma_start3A_497, %dma_start3A_498] : memref<10000x128xf32, #tpu.memory_space<hbm>> -> memref<10000x128xf32, #tpu.memory_space<hbm>>
      tpu.enqueue_indirect_dma source(%dma_start3A_499 : memref<10000x128xf32, #tpu.memory_space<hbm>>) target(%dma_start3A_493 : memref<32x128xf32, #tpu.memory_space<vmem>>) offsets(%dma_start3A_496 : memref<32xi32, #tpu.memory_space<vmem>>) semaphore(%arg16 : memref<!tpu.dma_semaphore, #tpu.memory_space<semaphore_mem>>)
      %dma_start3A_500 = arith.constant 0 : i32
      %dma_start3A_501 = arith.constant 0 : i32
      %dma_start3A_502 = arith.constant 0 : i32
      %dma_start3A_503 = arith.constant 0 : i32
      %dma_start3A_504 = tpu.memref_slice %arg10[%dma_start3A_501, %dma_start3A_502, %dma_start3A_503] : memref<3x32x128xf32, #tpu.memory_space<vmem>> -> memref<1x32x128xf32, #tpu.memory_space<vmem>>
      %dma_start3A_505 = tpu.memref_squeeze %dma_start3A_504 : memref<1x32x128xf32, #tpu.memory_space<vmem>> -> memref<32x128xf32, #tpu.memory_space<vmem>>
      %dma_start3A_506 = arith.constant 0 : i32
      %dma_start3A_507 = tpu.memref_slice %arg7[%dma_start3A_500, %dma_start3A_506] : memref<3x32xi32, #tpu.memory_space<vmem>> -> memref<1x32xi32, #tpu.memory_space<vmem>>
      %dma_start3A_508 = tpu.memref_squeeze %dma_start3A_507 : memref<1x32xi32, #tpu.memory_space<vmem>> -> memref<32xi32, #tpu.memory_space<vmem>>
      %dma_start3A_509 = arith.constant 0 : i32
      %dma_start3A_510 = arith.constant 0 : i32
      %dma_start3A_511 = tpu.memref_slice %arg2[%dma_start3A_509, %dma_start3A_510] : memref<10000x128xf32, #tpu.memory_space<hbm>> -> memref<10000x128xf32, #tpu.memory_space<hbm>>
      tpu.enqueue_indirect_dma source(%dma_start3A_511 : memref<10000x128xf32, #tpu.memory_space<hbm>>) target(%dma_start3A_505 : memref<32x128xf32, #tpu.memory_space<vmem>>) offsets(%dma_start3A_508 : memref<32xi32, #tpu.memory_space<vmem>>) semaphore(%arg16 : memref<!tpu.dma_semaphore, #tpu.memory_space<semaphore_mem>>)
      %dma_wait3A_512 = arith.constant 1 : i32
      %dma_wait3A_513 = arith.constant 1 : i32
      %dma_wait3A_514 = arith.constant 0 : i32
      %dma_wait3A_515 = arith.constant 0 : i32
      %dma_wait3A_516 = tpu.memref_slice %arg9[%dma_wait3A_513, %dma_wait3A_514, %dma_wait3A_515] : memref<3x32x128xf32, #tpu.memory_space<vmem>> -> memref<1x32x128xf32, #tpu.memory_space<vmem>>
      %dma_wait3A_517 = tpu.memref_squeeze %dma_wait3A_516 : memref<1x32x128xf32, #tpu.memory_space<vmem>> -> memref<32x128xf32, #tpu.memory_space<vmem>>
      %dma_wait3A_518 = arith.constant 0 : i32
      %dma_wait3A_519 = tpu.memref_slice %arg6[%dma_wait3A_512, %dma_wait3A_518] : memref<3x32xi32, #tpu.memory_space<vmem>> -> memref<1x32xi32, #tpu.memory_space<vmem>>
      %dma_wait3A_520 = tpu.memref_squeeze %dma_wait3A_519 : memref<1x32xi32, #tpu.memory_space<vmem>> -> memref<32xi32, #tpu.memory_space<vmem>>
      %dma_wait3A_521 = arith.constant 0 : i32
      %dma_wait3A_522 = arith.constant 0 : i32
      %dma_wait3A_523 = tpu.memref_slice %arg2[%dma_wait3A_521, %dma_wait3A_522] : memref<10000x128xf32, #tpu.memory_space<hbm>> -> memref<10000x128xf32, #tpu.memory_space<hbm>>
      tpu.wait_indirect_dma semaphore(%arg17 : memref<!tpu.dma_semaphore, #tpu.memory_space<semaphore_mem>>) src(%dma_wait3A_523 : memref<10000x128xf32, #tpu.memory_space<hbm>>) dst(%dma_wait3A_517 : memref<32x128xf32, #tpu.memory_space<vmem>>)
      %dma_wait3A_524 = arith.constant 1 : i32
      %dma_wait3A_525 = arith.constant 1 : i32
      %dma_wait3A_526 = arith.constant 0 : i32
      %dma_wait3A_527 = arith.constant 0 : i32
      %dma_wait3A_528 = tpu.memref_slice %arg10[%dma_wait3A_525, %dma_wait3A_526, %dma_wait3A_527] : memref<3x32x128xf32, #tpu.memory_space<vmem>> -> memref<1x32x128xf32, #tpu.memory_space<vmem>>
      %dma_wait3A_529 = tpu.memref_squeeze %dma_wait3A_528 : memref<1x32x128xf32, #tpu.memory_space<vmem>> -> memref<32x128xf32, #tpu.memory_space<vmem>>
      %dma_wait3A_530 = arith.constant 0 : i32
      %dma_wait3A_531 = tpu.memref_slice %arg7[%dma_wait3A_524, %dma_wait3A_530] : memref<3x32xi32, #tpu.memory_space<vmem>> -> memref<1x32xi32, #tpu.memory_space<vmem>>
      %dma_wait3A_532 = tpu.memref_squeeze %dma_wait3A_531 : memref<1x32xi32, #tpu.memory_space<vmem>> -> memref<32xi32, #tpu.memory_space<vmem>>
      %dma_wait3A_533 = arith.constant 0 : i32
      %dma_wait3A_534 = arith.constant 0 : i32
      %dma_wait3A_535 = tpu.memref_slice %arg2[%dma_wait3A_533, %dma_wait3A_534] : memref<10000x128xf32, #tpu.memory_space<hbm>> -> memref<10000x128xf32, #tpu.memory_space<hbm>>
      tpu.wait_indirect_dma semaphore(%arg17 : memref<!tpu.dma_semaphore, #tpu.memory_space<semaphore_mem>>) src(%dma_wait3A_535 : memref<10000x128xf32, #tpu.memory_space<hbm>>) dst(%dma_wait3A_529 : memref<32x128xf32, #tpu.memory_space<vmem>>)
      %not3A_536 = arith.constant true
      %not3A_537 = arith.xori %eq3A_462, %not3A_536 : i1
      %convert_element_type3A_538 = arith.extui %not3A_537 : i1 to i32
      %cond3A_539 = arith.constant 0 : i32
      %cond3A_540 = arith.cmpi ne, %convert_element_type3A_538, %cond3A_539 : i32
      scf.if %cond3A_540 {
        %dma_wait3A_759 = arith.constant 1 : i32
        %dma_wait3A_760 = arith.constant 1 : i32
        %dma_wait3A_761 = arith.constant 0 : i32
        %dma_wait3A_762 = arith.constant 0 : i32
        %dma_wait3A_763 = tpu.memref_slice %arg11[%dma_wait3A_759, %dma_wait3A_761, %dma_wait3A_762] : memref<3x32x136xf32, #tpu.memory_space<vmem>> -> memref<1x32x136xf32, #tpu.memory_space<vmem>>
        %dma_wait3A_764 = tpu.memref_squeeze %dma_wait3A_763 : memref<1x32x136xf32, #tpu.memory_space<vmem>> -> memref<32x136xf32, #tpu.memory_space<vmem>>
        %dma_wait3A_765 = arith.constant 0 : i32
        %dma_wait3A_766 = tpu.memref_slice %arg8[%dma_wait3A_760, %dma_wait3A_765] : memref<3x32xi32, #tpu.memory_space<vmem>> -> memref<1x32xi32, #tpu.memory_space<vmem>>
        %dma_wait3A_767 = tpu.memref_squeeze %dma_wait3A_766 : memref<1x32xi32, #tpu.memory_space<vmem>> -> memref<32xi32, #tpu.memory_space<vmem>>
        %dma_wait3A_768 = arith.constant 0 : i32
        %dma_wait3A_769 = arith.constant 0 : i32
        %dma_wait3A_770 = tpu.memref_slice %arg12[%dma_wait3A_768, %dma_wait3A_769] : memref<10240x136xf32, #tpu.memory_space<vmem_shared>> -> memref<10240x136xf32, #tpu.memory_space<vmem_shared>>
        tpu.wait_indirect_dma semaphore(%arg20 : memref<!tpu.dma_semaphore, #tpu.memory_space<semaphore_mem>>) src(%dma_wait3A_764 : memref<32x136xf32, #tpu.memory_space<vmem>>) dst(%dma_wait3A_770 : memref<10240x136xf32, #tpu.memory_space<vmem_shared>>)
      } else {
      }
      %get3A_541 = arith.constant 1 : i32
      %get3A_542 = arith.index_cast %get3A_541 : i32 to index
      %get3A_543 = arith.constant 0 : index
      %get3A_544 = tpu.vector_load %arg6[%get3A_542, %get3A_543] {strides = array<i32>} : memref<3x32xi32, #tpu.memory_space<vmem>>, vector<16xi32>,
      %swap3A_545 = arith.constant 1 : i32
      %swap3A_546 = arith.index_cast %swap3A_545 : i32 to index
      %swap3A_547 = arith.constant 0 : index
      %swap3A_548 = tpu.vector_load %arg8[%swap3A_546, %swap3A_547] {strides = array<i32>} : memref<3x32xi32, #tpu.memory_space<vmem>>, vector<16xi32>,
      tpu.vector_store %arg8[%swap3A_546, %swap3A_547], %get3A_544 {strides = array<i32>} : memref<3x32xi32, #tpu.memory_space<vmem>>, vector<16xi32>,
      %get3A_549 = arith.constant 1 : i32
      %get3A_550 = arith.index_cast %get3A_549 : i32 to index
      %get3A_551 = arith.constant 16 : index
      %get3A_552 = tpu.vector_load %arg6[%get3A_550, %get3A_551] {strides = array<i32>} : memref<3x32xi32, #tpu.memory_space<vmem>>, vector<16xi32>,
      %swap3A_553 = arith.constant 1 : i32
      %swap3A_554 = arith.index_cast %swap3A_553 : i32 to index
      %swap3A_555 = arith.constant 16 : index
      %swap3A_556 = tpu.vector_load %arg8[%swap3A_554, %swap3A_555] {strides = array<i32>} : memref<3x32xi32, #tpu.memory_space<vmem>>, vector<16xi32>,
      tpu.vector_store %arg8[%swap3A_554, %swap3A_555], %get3A_552 {strides = array<i32>} : memref<3x32xi32, #tpu.memory_space<vmem>>, vector<16xi32>,
      %add3A_557 = arith.constant 3 : i32
      %add3A_558 = arith.addi %add3A_460, %add3A_557 : i32
      %mul3A_559 = arith.constant 32 : i32
      %mul3A_560 = arith.muli %add3A_558, %mul3A_559 : i32
      %min3A_561 = arith.constant 9968 : i32
      %min3A_562 = arith.minsi %mul3A_560, %min3A_561 : i32
      %add3A_563 = arith.addi %mul3A_18, %min3A_562 : i32
      %dma_start3A_564 = arith.constant 1 : i32
      %dma_start3A_565 = arith.constant 0 : i32
      %dma_start3A_566 = tpu.memref_slice %arg6[%dma_start3A_564, %dma_start3A_565] : memref<3x32xi32, #tpu.memory_space<vmem>> -> memref<1x32xi32, #tpu.memory_space<vmem>>
      %dma_start3A_567 = tpu.memref_squeeze %dma_start3A_566 : memref<1x32xi32, #tpu.memory_space<vmem>> -> memref<32xi32, #tpu.memory_space<vmem>>
      %dma_start3A_568 = tpu.memref_slice %arg3[%add3A_563] : memref<320000xi32, #tpu.memory_space<hbm>> -> memref<32xi32, #tpu.memory_space<hbm>>
      %dma_start3A_569 = arith.constant 0 : i32
      %dma_start3A_570 = tpu.memref_slice %arg6[%dma_start3A_564, %dma_start3A_569] : memref<3x32xi32, #tpu.memory_space<vmem>> -> memref<1x32xi32, #tpu.memory_space<vmem>>
      %dma_start3A_571 = tpu.memref_squeeze %dma_start3A_570 : memref<1x32xi32, #tpu.memory_space<vmem>> -> memref<32xi32, #tpu.memory_space<vmem>>
      %dma_start3A_572 = tpu.memref_slice %arg3[%add3A_563] : memref<320000xi32, #tpu.memory_space<hbm>> -> memref<32xi32, #tpu.memory_space<hbm>>
      tpu.enqueue_dma source(%dma_start3A_572 : memref<32xi32, #tpu.memory_space<hbm>>) target(%dma_start3A_571 : memref<32xi32, #tpu.memory_space<vmem>>) target_semaphore(%arg14 : memref<!tpu.dma_semaphore, #tpu.memory_space<semaphore_mem>>)
      %dma_start3A_573 = arith.constant 1 : i32
      %dma_start3A_574 = arith.constant 0 : i32
      %dma_start3A_575 = tpu.memref_slice %arg7[%dma_start3A_573, %dma_start3A_574] : memref<3x32xi32, #tpu.memory_space<vmem>> -> memref<1x32xi32, #tpu.memory_space<vmem>>
      %dma_start3A_576 = tpu.memref_squeeze %dma_start3A_575 : memref<1x32xi32, #tpu.memory_space<vmem>> -> memref<32xi32, #tpu.memory_space<vmem>>
      %dma_start3A_577 = tpu.memref_slice %arg4[%add3A_563] : memref<320000xi32, #tpu.memory_space<hbm>> -> memref<32xi32, #tpu.memory_space<hbm>>
      %dma_start3A_578 = arith.constant 0 : i32
      %dma_start3A_579 = tpu.memref_slice %arg7[%dma_start3A_573, %dma_start3A_578] : memref<3x32xi32, #tpu.memory_space<vmem>> -> memref<1x32xi32, #tpu.memory_space<vmem>>
      %dma_start3A_580 = tpu.memref_squeeze %dma_start3A_579 : memref<1x32xi32, #tpu.memory_space<vmem>> -> memref<32xi32, #tpu.memory_space<vmem>>
      %dma_start3A_581 = tpu.memref_slice %arg4[%add3A_563] : memref<320000xi32, #tpu.memory_space<hbm>> -> memref<32xi32, #tpu.memory_space<hbm>>
      tpu.enqueue_dma source(%dma_start3A_581 : memref<32xi32, #tpu.memory_space<hbm>>) target(%dma_start3A_580 : memref<32xi32, #tpu.memory_space<vmem>>) target_semaphore(%arg14 : memref<!tpu.dma_semaphore, #tpu.memory_space<semaphore_mem>>)
      %mul3A_582 = arith.constant 32 : i32
      %mul3A_583 = arith.muli %add3A_460, %mul3A_582 : i32
      %sub3A_584 = arith.constant 9968 : i32
      %sub3A_585 = arith.subi %mul3A_583, %sub3A_584 : i32
      %max3A_586 = arith.constant 0 : i32
      %max3A_587 = arith.maxsi %max3A_586, %sub3A_585 : i32
      %scan3A_588 = arith.constant 0 : i32
      %scan3A_589 = arith.constant 1 : i32
      %scan3A_590 = arith.constant 1 : i32
      %scan3A_591 = arith.constant 1 : i32
      %scan3A_592 = arith.constant 0 : i32
      %scan3A_593 = arith.constant 2 : i32
      %scan3A_594 = arith.addi %scan3A_592, %scan3A_593 : i32
      %scan3A_595 = arith.constant 1 : i32
      scf.for %scan3A_759 = %scan3A_592 to %scan3A_594 step %scan3A_595  : i32 {
        %mul3A_760 = arith.constant 16 : i32
        %mul3A_761 = arith.muli %scan3A_759, %mul3A_760 : i32
        %add3A_762 = vector.broadcast %mul3A_761 : i32 to vector<16xi32>
        %add3A_763 = arith.addi %add3A_762, %iota3A : vector<16xi32>
        %parallel_loop3A = arith.constant 0 : i32
        %parallel_loop3A_764 = arith.constant 128 : i32
        %parallel_loop3A_765 = arith.constant 1 : i32
        %parallel_loop3A_766 = scf.for %parallel_loop3A_782 = %parallel_loop3A to %parallel_loop3A_764 step %parallel_loop3A_765 iter_args(%parallel_loop3A_783 = %broadcast_in_dim3A_0) -> (vector<16xf32>)  : i32 {
          %parallel_loop3A_784 = vector.broadcast %parallel_loop3A_782 : i32 to vector<16xi32>
          %parallel_loop3A_785 = arith.addi %iota3A, %parallel_loop3A_784 : vector<16xi32>
          %parallel_loop3A_786 = arith.constant 127 : i32
          %parallel_loop3A_787 = vector.broadcast %parallel_loop3A_786 : i32 to vector<16xi32>
          %parallel_loop3A_788 = arith.andi %parallel_loop3A_785, %parallel_loop3A_787 : vector<16xi32>
          %parallel_loop3A_789 = arith.constant 0 : i32
          %parallel_loop3A_790 = arith.constant 0 : i32
          %parallel_loop3A_791 = tpu.memref_slice %arg9[%scan3A_589, %parallel_loop3A_789, %parallel_loop3A_790] : memref<3x32x128xf32, #tpu.memory_space<vmem>> -> memref<1x32x128xf32, #tpu.memory_space<vmem>>
          %parallel_loop3A_792 = tpu.memref_squeeze %parallel_loop3A_791 : memref<1x32x128xf32, #tpu.memory_space<vmem>> -> memref<32x128xf32, #tpu.memory_space<vmem>>
          %parallel_loop3A_793 = tpu.vector_load_idx %parallel_loop3A_792[%add3A_763, %parallel_loop3A_788] : memref<32x128xf32, #tpu.memory_space<vmem>>[vector<16xi32>, vector<16xi32>], vector<16xf32>,
          %parallel_loop3A_794 = arith.constant 0 : i32
          %parallel_loop3A_795 = arith.constant 0 : i32
          %parallel_loop3A_796 = tpu.memref_slice %arg10[%scan3A_590, %parallel_loop3A_794, %parallel_loop3A_795] : memref<3x32x128xf32, #tpu.memory_space<vmem>> -> memref<1x32x128xf32, #tpu.memory_space<vmem>>
          %parallel_loop3A_797 = tpu.memref_squeeze %parallel_loop3A_796 : memref<1x32x128xf32, #tpu.memory_space<vmem>> -> memref<32x128xf32, #tpu.memory_space<vmem>>
          %parallel_loop3A_798 = tpu.vector_load_idx %parallel_loop3A_797[%add3A_763, %parallel_loop3A_788] : memref<32x128xf32, #tpu.memory_space<vmem>>[vector<16xi32>, vector<16xi32>], vector<16xf32>,
          %parallel_loop3A_799 = arith.mulf %parallel_loop3A_793, %parallel_loop3A_798 : vector<16xf32>
          %parallel_loop3A_800 = arith.addf %parallel_loop3A_783, %parallel_loop3A_799 : vector<16xf32>
          scf.yield %parallel_loop3A_800 : vector<16xf32>
        } {sc.loop_unroll_factor = 16 : i64, sc.parallel_access}
        %ge3A = arith.constant 0.000000e+00 : f32
        %ge3A_767 = vector.broadcast %ge3A : f32 to vector<16xf32>
        %ge3A_768 = arith.cmpf oge, %parallel_loop3A_766, %ge3A_767 : vector<16xf32>
        %mul3A_769 = arith.constant 2.000000e-01 : f32
        %mul3A_770 = vector.broadcast %mul3A_769 : f32 to vector<16xf32>
        %mul3A_771 = arith.mulf %mul3A_770, %parallel_loop3A_766 : vector<16xf32>
        %select_n3A = arith.select %ge3A_768, %parallel_loop3A_766, %mul3A_771 : vector<16xi1>, vector<16xf32>
        %exp3A = math.exp %select_n3A : vector<16xf32>
        %ge3A_772 = vector.broadcast %max3A_587 : i32 to vector<16xi32>
        %ge3A_773 = arith.cmpi sge, %add3A_763, %ge3A_772 : vector<16xi32>
        %jit3A = arith.constant 0.000000e+00 : f32
        %broadcast_in_dim3A_774 = vector.broadcast %jit3A : f32 to vector<16xf32>
        %select_n3A_775 = arith.select %ge3A_773, %exp3A, %broadcast_in_dim3A_774 : vector<16xi1>, vector<16xf32>
        %scatter3A = arith.constant 0 : i32
        %scatter3A_776 = arith.constant 0 : i32
        %scatter3A_777 = tpu.memref_slice %arg11[%scan3A_591, %scatter3A, %scatter3A_776] : memref<3x32x136xf32, #tpu.memory_space<vmem>> -> memref<1x32x136xf32, #tpu.memory_space<vmem>>
        %scatter3A_778 = tpu.memref_squeeze %scatter3A_777 : memref<1x32x136xf32, #tpu.memory_space<vmem>> -> memref<32x136xf32, #tpu.memory_space<vmem>>
        tpu.vector_store_idx %scatter3A_778[%add3A_763, %broadcast_in_dim3A_2], %select_n3A_775 : memref<32x136xf32, #tpu.memory_space<vmem>>[vector<16xi32>, vector<16xi32>], vector<16xf32>,
        %parallel_loop3A_779 = arith.constant 0 : i32
        %parallel_loop3A_780 = arith.constant 128 : i32
        %parallel_loop3A_781 = arith.constant 1 : i32
        scf.for %parallel_loop3A_782 = %parallel_loop3A_779 to %parallel_loop3A_780 step %parallel_loop3A_781  : i32 {
          %parallel_loop3A_783 = vector.broadcast %parallel_loop3A_782 : i32 to vector<16xi32>
          %parallel_loop3A_784 = arith.addi %iota3A, %parallel_loop3A_783 : vector<16xi32>
          %parallel_loop3A_785 = arith.constant 127 : i32
          %parallel_loop3A_786 = vector.broadcast %parallel_loop3A_785 : i32 to vector<16xi32>
          %parallel_loop3A_787 = arith.andi %parallel_loop3A_784, %parallel_loop3A_786 : vector<16xi32>
          %parallel_loop3A_788 = arith.constant 0 : i32
          %parallel_loop3A_789 = arith.constant 0 : i32
          %parallel_loop3A_790 = tpu.memref_slice %arg10[%scan3A_590, %parallel_loop3A_788, %parallel_loop3A_789] : memref<3x32x128xf32, #tpu.memory_space<vmem>> -> memref<1x32x128xf32, #tpu.memory_space<vmem>>
          %parallel_loop3A_791 = tpu.memref_squeeze %parallel_loop3A_790 : memref<1x32x128xf32, #tpu.memory_space<vmem>> -> memref<32x128xf32, #tpu.memory_space<vmem>>
          %parallel_loop3A_792 = tpu.vector_load_idx %parallel_loop3A_791[%add3A_763, %parallel_loop3A_787] : memref<32x128xf32, #tpu.memory_space<vmem>>[vector<16xi32>, vector<16xi32>], vector<16xf32>,
          %parallel_loop3A_793 = vector.broadcast %parallel_loop3A_782 : i32 to vector<16xi32>
          %parallel_loop3A_794 = arith.addi %iota3A, %parallel_loop3A_793 : vector<16xi32>
          %parallel_loop3A_795 = arith.constant 127 : i32
          %parallel_loop3A_796 = vector.broadcast %parallel_loop3A_795 : i32 to vector<16xi32>
          %parallel_loop3A_797 = arith.andi %parallel_loop3A_794, %parallel_loop3A_796 : vector<16xi32>
          %parallel_loop3A_798 = arith.mulf %select_n3A_775, %parallel_loop3A_792 : vector<16xf32>
          %parallel_loop3A_799 = arith.constant 0 : i32
          %parallel_loop3A_800 = arith.constant 0 : i32
          %parallel_loop3A_801 = tpu.memref_slice %arg11[%scan3A_591, %parallel_loop3A_799, %parallel_loop3A_800] : memref<3x32x136xf32, #tpu.memory_space<vmem>> -> memref<1x32x136xf32, #tpu.memory_space<vmem>>
          %parallel_loop3A_802 = tpu.memref_squeeze %parallel_loop3A_801 : memref<1x32x136xf32, #tpu.memory_space<vmem>> -> memref<32x136xf32, #tpu.memory_space<vmem>>
          tpu.vector_store_idx %parallel_loop3A_802[%add3A_763, %parallel_loop3A_797], %parallel_loop3A_798 : memref<32x136xf32, #tpu.memory_space<vmem>>[vector<16xi32>, vector<16xi32>], vector<16xf32>,
        } {sc.loop_unroll_factor = 16 : i64, sc.parallel_access}
      }
      %scan3A_596 = arith.constant 2 : i32
      %dma_start3A_597 = arith.constant 1 : i32
      %dma_start3A_598 = arith.constant 1 : i32
      %dma_start3A_599 = arith.constant 0 : i32
      %dma_start3A_600 = arith.constant 0 : i32
      %dma_start3A_601 = tpu.memref_slice %arg11[%dma_start3A_597, %dma_start3A_599, %dma_start3A_600] : memref<3x32x136xf32, #tpu.memory_space<vmem>> -> memref<1x32x136xf32, #tpu.memory_space<vmem>>
      %dma_start3A_602 = tpu.memref_squeeze %dma_start3A_601 : memref<1x32x136xf32, #tpu.memory_space<vmem>> -> memref<32x136xf32, #tpu.memory_space<vmem>>
      %dma_start3A_603 = arith.constant 0 : i32
      %dma_start3A_604 = tpu.memref_slice %arg8[%dma_start3A_598, %dma_start3A_603] : memref<3x32xi32, #tpu.memory_space<vmem>> -> memref<1x32xi32, #tpu.memory_space<vmem>>
      %dma_start3A_605 = tpu.memref_squeeze %dma_start3A_604 : memref<1x32xi32, #tpu.memory_space<vmem>> -> memref<32xi32, #tpu.memory_space<vmem>>
      %dma_start3A_606 = arith.constant 0 : i32
      %dma_start3A_607 = arith.constant 0 : i32
      %dma_start3A_608 = tpu.memref_slice %arg12[%dma_start3A_606, %dma_start3A_607] : memref<10240x136xf32, #tpu.memory_space<vmem_shared>> -> memref<10240x136xf32, #tpu.memory_space<vmem_shared>>
      tpu.enqueue_indirect_dma source(%dma_start3A_602 : memref<32x136xf32, #tpu.memory_space<vmem>>) target(%dma_start3A_608 : memref<10240x136xf32, #tpu.memory_space<vmem_shared>>) offsets(%dma_start3A_605 : memref<32xi32, #tpu.memory_space<vmem>>) semaphore(%arg20 : memref<!tpu.dma_semaphore, #tpu.memory_space<semaphore_mem>>) {add = true}
      %add3A_609 = arith.constant 2 : i32
      %add3A_610 = arith.addi %mul3A_315, %add3A_609 : i32
      %eq3A_611 = arith.constant 0 : i32
      %eq3A_612 = arith.cmpi eq, %scan3A_313, %eq3A_611 : i32
      %add3A_613 = arith.constant 2 : i32
      %add3A_614 = arith.addi %add3A_610, %add3A_613 : i32
      %mul3A_615 = arith.constant 32 : i32
      %mul3A_616 = arith.muli %add3A_614, %mul3A_615 : i32
      %min3A_617 = arith.constant 9968 : i32
      %min3A_618 = arith.minsi %mul3A_616, %min3A_617 : i32
      %add3A_619 = arith.addi %mul3A_18, %min3A_618 : i32
      %dma_wait3A_620 = arith.constant 1 : i32
      %dma_wait3A_621 = arith.constant 0 : i32
      %dma_wait3A_622 = tpu.memref_slice %arg6[%dma_wait3A_620, %dma_wait3A_621] : memref<3x32xi32, #tpu.memory_space<vmem>> -> memref<1x32xi32, #tpu.memory_space<vmem>>
      %dma_wait3A_623 = tpu.memref_squeeze %dma_wait3A_622 : memref<1x32xi32, #tpu.memory_space<vmem>> -> memref<32xi32, #tpu.memory_space<vmem>>
      %dma_wait3A_624 = tpu.memref_slice %arg3[%add3A_619] : memref<320000xi32, #tpu.memory_space<hbm>> -> memref<32xi32, #tpu.memory_space<hbm>>
      %dma_wait3A_625 = arith.constant 0 : i32
      %dma_wait3A_626 = tpu.memref_slice %arg6[%dma_wait3A_620, %dma_wait3A_625] : memref<3x32xi32, #tpu.memory_space<vmem>> -> memref<1x32xi32, #tpu.memory_space<vmem>>
      %dma_wait3A_627 = tpu.memref_squeeze %dma_wait3A_626 : memref<1x32xi32, #tpu.memory_space<vmem>> -> memref<32xi32, #tpu.memory_space<vmem>>
      %dma_wait3A_628 = tpu.memref_slice %arg3[%add3A_619] : memref<320000xi32, #tpu.memory_space<hbm>> -> memref<32xi32, #tpu.memory_space<hbm>>
      tpu.wait_dma2 semaphore(%arg14 : memref<!tpu.dma_semaphore, #tpu.memory_space<semaphore_mem>>) src(%dma_wait3A_628 : memref<32xi32, #tpu.memory_space<hbm>>) dst(%dma_wait3A_627 : memref<32xi32, #tpu.memory_space<vmem>>)
      %dma_wait3A_629 = arith.constant 1 : i32
      %dma_wait3A_630 = arith.constant 0 : i32
      %dma_wait3A_631 = tpu.memref_slice %arg7[%dma_wait3A_629, %dma_wait3A_630] : memref<3x32xi32, #tpu.memory_space<vmem>> -> memref<1x32xi32, #tpu.memory_space<vmem>>
      %dma_wait3A_632 = tpu.memref_squeeze %dma_wait3A_631 : memref<1x32xi32, #tpu.memory_space<vmem>> -> memref<32xi32, #tpu.memory_space<vmem>>
      %dma_wait3A_633 = tpu.memref_slice %arg4[%add3A_619] : memref<320000xi32, #tpu.memory_space<hbm>> -> memref<32xi32, #tpu.memory_space<hbm>>
      %dma_wait3A_634 = arith.constant 0 : i32
      %dma_wait3A_635 = tpu.memref_slice %arg7[%dma_wait3A_629, %dma_wait3A_634] : memref<3x32xi32, #tpu.memory_space<vmem>> -> memref<1x32xi32, #tpu.memory_space<vmem>>
      %dma_wait3A_636 = tpu.memref_squeeze %dma_wait3A_635 : memref<1x32xi32, #tpu.memory_space<vmem>> -> memref<32xi32, #tpu.memory_space<vmem>>
      %dma_wait3A_637 = tpu.memref_slice %arg4[%add3A_619] : memref<320000xi32, #tpu.memory_space<hbm>> -> memref<32xi32, #tpu.memory_space<hbm>>
      tpu.wait_dma2 semaphore(%arg14 : memref<!tpu.dma_semaphore, #tpu.memory_space<semaphore_mem>>) src(%dma_wait3A_637 : memref<32xi32, #tpu.memory_space<hbm>>) dst(%dma_wait3A_636 : memref<32xi32, #tpu.memory_space<vmem>>)
      %dma_start3A_638 = arith.constant 1 : i32
      %dma_start3A_639 = arith.constant 1 : i32
      %dma_start3A_640 = arith.constant 0 : i32
      %dma_start3A_641 = arith.constant 0 : i32
      %dma_start3A_642 = tpu.memref_slice %arg9[%dma_start3A_639, %dma_start3A_640, %dma_start3A_641] : memref<3x32x128xf32, #tpu.memory_space<vmem>> -> memref<1x32x128xf32, #tpu.memory_space<vmem>>
      %dma_start3A_643 = tpu.memref_squeeze %dma_start3A_642 : memref<1x32x128xf32, #tpu.memory_space<vmem>> -> memref<32x128xf32, #tpu.memory_space<vmem>>
      %dma_start3A_644 = arith.constant 0 : i32
      %dma_start3A_645 = tpu.memref_slice %arg6[%dma_start3A_638, %dma_start3A_644] : memref<3x32xi32, #tpu.memory_space<vmem>> -> memref<1x32xi32, #tpu.memory_space<vmem>>
      %dma_start3A_646 = tpu.memref_squeeze %dma_start3A_645 : memref<1x32xi32, #tpu.memory_space<vmem>> -> memref<32xi32, #tpu.memory_space<vmem>>
      %dma_start3A_647 = arith.constant 0 : i32
      %dma_start3A_648 = arith.constant 0 : i32
      %dma_start3A_649 = tpu.memref_slice %arg2[%dma_start3A_647, %dma_start3A_648] : memref<10000x128xf32, #tpu.memory_space<hbm>> -> memref<10000x128xf32, #tpu.memory_space<hbm>>
      tpu.enqueue_indirect_dma source(%dma_start3A_649 : memref<10000x128xf32, #tpu.memory_space<hbm>>) target(%dma_start3A_643 : memref<32x128xf32, #tpu.memory_space<vmem>>) offsets(%dma_start3A_646 : memref<32xi32, #tpu.memory_space<vmem>>) semaphore(%arg17 : memref<!tpu.dma_semaphore, #tpu.memory_space<semaphore_mem>>)
      %dma_start3A_650 = arith.constant 1 : i32
      %dma_start3A_651 = arith.constant 1 : i32
      %dma_start3A_652 = arith.constant 0 : i32
      %dma_start3A_653 = arith.constant 0 : i32
      %dma_start3A_654 = tpu.memref_slice %arg10[%dma_start3A_651, %dma_start3A_652, %dma_start3A_653] : memref<3x32x128xf32, #tpu.memory_space<vmem>> -> memref<1x32x128xf32, #tpu.memory_space<vmem>>
      %dma_start3A_655 = tpu.memref_squeeze %dma_start3A_654 : memref<1x32x128xf32, #tpu.memory_space<vmem>> -> memref<32x128xf32, #tpu.memory_space<vmem>>
      %dma_start3A_656 = arith.constant 0 : i32
      %dma_start3A_657 = tpu.memref_slice %arg7[%dma_start3A_650, %dma_start3A_656] : memref<3x32xi32, #tpu.memory_space<vmem>> -> memref<1x32xi32, #tpu.memory_space<vmem>>
      %dma_start3A_658 = tpu.memref_squeeze %dma_start3A_657 : memref<1x32xi32, #tpu.memory_space<vmem>> -> memref<32xi32, #tpu.memory_space<vmem>>
      %dma_start3A_659 = arith.constant 0 : i32
      %dma_start3A_660 = arith.constant 0 : i32
      %dma_start3A_661 = tpu.memref_slice %arg2[%dma_start3A_659, %dma_start3A_660] : memref<10000x128xf32, #tpu.memory_space<hbm>> -> memref<10000x128xf32, #tpu.memory_space<hbm>>
      tpu.enqueue_indirect_dma source(%dma_start3A_661 : memref<10000x128xf32, #tpu.memory_space<hbm>>) target(%dma_start3A_655 : memref<32x128xf32, #tpu.memory_space<vmem>>) offsets(%dma_start3A_658 : memref<32xi32, #tpu.memory_space<vmem>>) semaphore(%arg17 : memref<!tpu.dma_semaphore, #tpu.memory_space<semaphore_mem>>)
      %dma_wait3A_662 = arith.constant 2 : i32
      %dma_wait3A_663 = arith.constant 2 : i32
      %dma_wait3A_664 = arith.constant 0 : i32
      %dma_wait3A_665 = arith.constant 0 : i32
      %dma_wait3A_666 = tpu.memref_slice %arg9[%dma_wait3A_663, %dma_wait3A_664, %dma_wait3A_665] : memref<3x32x128xf32, #tpu.memory_space<vmem>> -> memref<1x32x128xf32, #tpu.memory_space<vmem>>
      %dma_wait3A_667 = tpu.memref_squeeze %dma_wait3A_666 : memref<1x32x128xf32, #tpu.memory_space<vmem>> -> memref<32x128xf32, #tpu.memory_space<vmem>>
      %dma_wait3A_668 = arith.constant 0 : i32
      %dma_wait3A_669 = tpu.memref_slice %arg6[%dma_wait3A_662, %dma_wait3A_668] : memref<3x32xi32, #tpu.memory_space<vmem>> -> memref<1x32xi32, #tpu.memory_space<vmem>>
      %dma_wait3A_670 = tpu.memref_squeeze %dma_wait3A_669 : memref<1x32xi32, #tpu.memory_space<vmem>> -> memref<32xi32, #tpu.memory_space<vmem>>
      %dma_wait3A_671 = arith.constant 0 : i32
      %dma_wait3A_672 = arith.constant 0 : i32
      %dma_wait3A_673 = tpu.memref_slice %arg2[%dma_wait3A_671, %dma_wait3A_672] : memref<10000x128xf32, #tpu.memory_space<hbm>> -> memref<10000x128xf32, #tpu.memory_space<hbm>>
      tpu.wait_indirect_dma semaphore(%arg18 : memref<!tpu.dma_semaphore, #tpu.memory_space<semaphore_mem>>) src(%dma_wait3A_673 : memref<10000x128xf32, #tpu.memory_space<hbm>>) dst(%dma_wait3A_667 : memref<32x128xf32, #tpu.memory_space<vmem>>)
      %dma_wait3A_674 = arith.constant 2 : i32
      %dma_wait3A_675 = arith.constant 2 : i32
      %dma_wait3A_676 = arith.constant 0 : i32
      %dma_wait3A_677 = arith.constant 0 : i32
      %dma_wait3A_678 = tpu.memref_slice %arg10[%dma_wait3A_675, %dma_wait3A_676, %dma_wait3A_677] : memref<3x32x128xf32, #tpu.memory_space<vmem>> -> memref<1x32x128xf32, #tpu.memory_space<vmem>>
      %dma_wait3A_679 = tpu.memref_squeeze %dma_wait3A_678 : memref<1x32x128xf32, #tpu.memory_space<vmem>> -> memref<32x128xf32, #tpu.memory_space<vmem>>
      %dma_wait3A_680 = arith.constant 0 : i32
      %dma_wait3A_681 = tpu.memref_slice %arg7[%dma_wait3A_674, %dma_wait3A_680] : memref<3x32xi32, #tpu.memory_space<vmem>> -> memref<1x32xi32, #tpu.memory_space<vmem>>
      %dma_wait3A_682 = tpu.memref_squeeze %dma_wait3A_681 : memref<1x32xi32, #tpu.memory_space<vmem>> -> memref<32xi32, #tpu.memory_space<vmem>>
      %dma_wait3A_683 = arith.constant 0 : i32
      %dma_wait3A_684 = arith.constant 0 : i32
      %dma_wait3A_685 = tpu.memref_slice %arg2[%dma_wait3A_683, %dma_wait3A_684] : memref<10000x128xf32, #tpu.memory_space<hbm>> -> memref<10000x128xf32, #tpu.memory_space<hbm>>
      tpu.wait_indirect_dma semaphore(%arg18 : memref<!tpu.dma_semaphore, #tpu.memory_space<semaphore_mem>>) src(%dma_wait3A_685 : memref<10000x128xf32, #tpu.memory_space<hbm>>) dst(%dma_wait3A_679 : memref<32x128xf32, #tpu.memory_space<vmem>>)
      %not3A_686 = arith.constant true
      %not3A_687 = arith.xori %eq3A_612, %not3A_686 : i1
      %convert_element_type3A_688 = arith.extui %not3A_687 : i1 to i32
      %cond3A_689 = arith.constant 0 : i32
      %cond3A_690 = arith.cmpi ne, %convert_element_type3A_688, %cond3A_689 : i32
      scf.if %cond3A_690 {
        %dma_wait3A_759 = arith.constant 2 : i32
        %dma_wait3A_760 = arith.constant 2 : i32
        %dma_wait3A_761 = arith.constant 0 : i32
        %dma_wait3A_762 = arith.constant 0 : i32
        %dma_wait3A_763 = tpu.memref_slice %arg11[%dma_wait3A_759, %dma_wait3A_761, %dma_wait3A_762] : memref<3x32x136xf32, #tpu.memory_space<vmem>> -> memref<1x32x136xf32, #tpu.memory_space<vmem>>
        %dma_wait3A_764 = tpu.memref_squeeze %dma_wait3A_763 : memref<1x32x136xf32, #tpu.memory_space<vmem>> -> memref<32x136xf32, #tpu.memory_space<vmem>>
        %dma_wait3A_765 = arith.constant 0 : i32
        %dma_wait3A_766 = tpu.memref_slice %arg8[%dma_wait3A_760, %dma_wait3A_765] : memref<3x32xi32, #tpu.memory_space<vmem>> -> memref<1x32xi32, #tpu.memory_space<vmem>>
        %dma_wait3A_767 = tpu.memref_squeeze %dma_wait3A_766 : memref<1x32xi32, #tpu.memory_space<vmem>> -> memref<32xi32, #tpu.memory_space<vmem>>
        %dma_wait3A_768 = arith.constant 0 : i32
        %dma_wait3A_769 = arith.constant 0 : i32
        %dma_wait3A_770 = tpu.memref_slice %arg12[%dma_wait3A_768, %dma_wait3A_769] : memref<10240x136xf32, #tpu.memory_space<vmem_shared>> -> memref<10240x136xf32, #tpu.memory_space<vmem_shared>>
        tpu.wait_indirect_dma semaphore(%arg21 : memref<!tpu.dma_semaphore, #tpu.memory_space<semaphore_mem>>) src(%dma_wait3A_764 : memref<32x136xf32, #tpu.memory_space<vmem>>) dst(%dma_wait3A_770 : memref<10240x136xf32, #tpu.memory_space<vmem_shared>>)
      } else {
      }
      %get3A_691 = arith.constant 2 : i32
      %get3A_692 = arith.index_cast %get3A_691 : i32 to index
      %get3A_693 = arith.constant 0 : index
      %get3A_694 = tpu.vector_load %arg6[%get3A_692, %get3A_693] {strides = array<i32>} : memref<3x32xi32, #tpu.memory_space<vmem>>, vector<16xi32>,
      %swap3A_695 = arith.constant 2 : i32
      %swap3A_696 = arith.index_cast %swap3A_695 : i32 to index
      %swap3A_697 = arith.constant 0 : index
      %swap3A_698 = tpu.vector_load %arg8[%swap3A_696, %swap3A_697] {strides = array<i32>} : memref<3x32xi32, #tpu.memory_space<vmem>>, vector<16xi32>,
      tpu.vector_store %arg8[%swap3A_696, %swap3A_697], %get3A_694 {strides = array<i32>} : memref<3x32xi32, #tpu.memory_space<vmem>>, vector<16xi32>,
      %get3A_699 = arith.constant 2 : i32
      %get3A_700 = arith.index_cast %get3A_699 : i32 to index
      %get3A_701 = arith.constant 16 : index
      %get3A_702 = tpu.vector_load %arg6[%get3A_700, %get3A_701] {strides = array<i32>} : memref<3x32xi32, #tpu.memory_space<vmem>>, vector<16xi32>,
      %swap3A_703 = arith.constant 2 : i32
      %swap3A_704 = arith.index_cast %swap3A_703 : i32 to index
      %swap3A_705 = arith.constant 16 : index
      %swap3A_706 = tpu.vector_load %arg8[%swap3A_704, %swap3A_705] {strides = array<i32>} : memref<3x32xi32, #tpu.memory_space<vmem>>, vector<16xi32>,
      tpu.vector_store %arg8[%swap3A_704, %swap3A_705], %get3A_702 {strides = array<i32>} : memref<3x32xi32, #tpu.memory_space<vmem>>, vector<16xi32>,
      %add3A_707 = arith.constant 3 : i32
      %add3A_708 = arith.addi %add3A_610, %add3A_707 : i32
      %mul3A_709 = arith.constant 32 : i32
      %mul3A_710 = arith.muli %add3A_708, %mul3A_709 : i32
      %min3A_711 = arith.constant 9968 : i32
      %min3A_712 = arith.minsi %mul3A_710, %min3A_711 : i32
      %add3A_713 = arith.addi %mul3A_18, %min3A_712 : i32
      %dma_start3A_714 = arith.constant 2 : i32
      %dma_start3A_715 = arith.constant 0 : i32
      %dma_start3A_716 = tpu.memref_slice %arg6[%dma_start3A_714, %dma_start3A_715] : memref<3x32xi32, #tpu.memory_space<vmem>> -> memref<1x32xi32, #tpu.memory_space<vmem>>
      %dma_start3A_717 = tpu.memref_squeeze %dma_start3A_716 : memref<1x32xi32, #tpu.memory_space<vmem>> -> memref<32xi32, #tpu.memory_space<vmem>>
      %dma_start3A_718 = tpu.memref_slice %arg3[%add3A_713] : memref<320000xi32, #tpu.memory_space<hbm>> -> memref<32xi32, #tpu.memory_space<hbm>>
      %dma_start3A_719 = arith.constant 0 : i32
      %dma_start3A_720 = tpu.memref_slice %arg6[%dma_start3A_714, %dma_start3A_719] : memref<3x32xi32, #tpu.memory_space<vmem>> -> memref<1x32xi32, #tpu.memory_space<vmem>>
      %dma_start3A_721 = tpu.memref_squeeze %dma_start3A_720 : memref<1x32xi32, #tpu.memory_space<vmem>> -> memref<32xi32, #tpu.memory_space<vmem>>
      %dma_start3A_722 = tpu.memref_slice %arg3[%add3A_713] : memref<320000xi32, #tpu.memory_space<hbm>> -> memref<32xi32, #tpu.memory_space<hbm>>
      tpu.enqueue_dma source(%dma_start3A_722 : memref<32xi32, #tpu.memory_space<hbm>>) target(%dma_start3A_721 : memref<32xi32, #tpu.memory_space<vmem>>) target_semaphore(%arg15 : memref<!tpu.dma_semaphore, #tpu.memory_space<semaphore_mem>>)
      %dma_start3A_723 = arith.constant 2 : i32
      %dma_start3A_724 = arith.constant 0 : i32
      %dma_start3A_725 = tpu.memref_slice %arg7[%dma_start3A_723, %dma_start3A_724] : memref<3x32xi32, #tpu.memory_space<vmem>> -> memref<1x32xi32, #tpu.memory_space<vmem>>
      %dma_start3A_726 = tpu.memref_squeeze %dma_start3A_725 : memref<1x32xi32, #tpu.memory_space<vmem>> -> memref<32xi32, #tpu.memory_space<vmem>>
      %dma_start3A_727 = tpu.memref_slice %arg4[%add3A_713] : memref<320000xi32, #tpu.memory_space<hbm>> -> memref<32xi32, #tpu.memory_space<hbm>>
      %dma_start3A_728 = arith.constant 0 : i32
      %dma_start3A_729 = tpu.memref_slice %arg7[%dma_start3A_723, %dma_start3A_728] : memref<3x32xi32, #tpu.memory_space<vmem>> -> memref<1x32xi32, #tpu.memory_space<vmem>>
      %dma_start3A_730 = tpu.memref_squeeze %dma_start3A_729 : memref<1x32xi32, #tpu.memory_space<vmem>> -> memref<32xi32, #tpu.memory_space<vmem>>
      %dma_start3A_731 = tpu.memref_slice %arg4[%add3A_713] : memref<320000xi32, #tpu.memory_space<hbm>> -> memref<32xi32, #tpu.memory_space<hbm>>
      tpu.enqueue_dma source(%dma_start3A_731 : memref<32xi32, #tpu.memory_space<hbm>>) target(%dma_start3A_730 : memref<32xi32, #tpu.memory_space<vmem>>) target_semaphore(%arg15 : memref<!tpu.dma_semaphore, #tpu.memory_space<semaphore_mem>>)
      %mul3A_732 = arith.constant 32 : i32
      %mul3A_733 = arith.muli %add3A_610, %mul3A_732 : i32
      %sub3A_734 = arith.constant 9968 : i32
      %sub3A_735 = arith.subi %mul3A_733, %sub3A_734 : i32
      %max3A_736 = arith.constant 0 : i32
      %max3A_737 = arith.maxsi %max3A_736, %sub3A_735 : i32
      %scan3A_738 = arith.constant 0 : i32
      %scan3A_739 = arith.constant 2 : i32
      %scan3A_740 = arith.constant 2 : i32
      %scan3A_741 = arith.constant 2 : i32
      %scan3A_742 = arith.constant 0 : i32
      %scan3A_743 = arith.constant 2 : i32
      %scan3A_744 = arith.addi %scan3A_742, %scan3A_743 : i32
      %scan3A_745 = arith.constant 1 : i32
      scf.for %scan3A_759 = %scan3A_742 to %scan3A_744 step %scan3A_745  : i32 {
        %mul3A_760 = arith.constant 16 : i32
        %mul3A_761 = arith.muli %scan3A_759, %mul3A_760 : i32
        %add3A_762 = vector.broadcast %mul3A_761 : i32 to vector<16xi32>
        %add3A_763 = arith.addi %add3A_762, %iota3A : vector<16xi32>
        %parallel_loop3A = arith.constant 0 : i32
        %parallel_loop3A_764 = arith.constant 128 : i32
        %parallel_loop3A_765 = arith.constant 1 : i32
        %parallel_loop3A_766 = scf.for %parallel_loop3A_782 = %parallel_loop3A to %parallel_loop3A_764 step %parallel_loop3A_765 iter_args(%parallel_loop3A_783 = %broadcast_in_dim3A_0) -> (vector<16xf32>)  : i32 {
          %parallel_loop3A_784 = vector.broadcast %parallel_loop3A_782 : i32 to vector<16xi32>
          %parallel_loop3A_785 = arith.addi %iota3A, %parallel_loop3A_784 : vector<16xi32>
          %parallel_loop3A_786 = arith.constant 127 : i32
          %parallel_loop3A_787 = vector.broadcast %parallel_loop3A_786 : i32 to vector<16xi32>
          %parallel_loop3A_788 = arith.andi %parallel_loop3A_785, %parallel_loop3A_787 : vector<16xi32>
          %parallel_loop3A_789 = arith.constant 0 : i32
          %parallel_loop3A_790 = arith.constant 0 : i32
          %parallel_loop3A_791 = tpu.memref_slice %arg9[%scan3A_739, %parallel_loop3A_789, %parallel_loop3A_790] : memref<3x32x128xf32, #tpu.memory_space<vmem>> -> memref<1x32x128xf32, #tpu.memory_space<vmem>>
          %parallel_loop3A_792 = tpu.memref_squeeze %parallel_loop3A_791 : memref<1x32x128xf32, #tpu.memory_space<vmem>> -> memref<32x128xf32, #tpu.memory_space<vmem>>
          %parallel_loop3A_793 = tpu.vector_load_idx %parallel_loop3A_792[%add3A_763, %parallel_loop3A_788] : memref<32x128xf32, #tpu.memory_space<vmem>>[vector<16xi32>, vector<16xi32>], vector<16xf32>,
          %parallel_loop3A_794 = arith.constant 0 : i32
          %parallel_loop3A_795 = arith.constant 0 : i32
          %parallel_loop3A_796 = tpu.memref_slice %arg10[%scan3A_740, %parallel_loop3A_794, %parallel_loop3A_795] : memref<3x32x128xf32, #tpu.memory_space<vmem>> -> memref<1x32x128xf32, #tpu.memory_space<vmem>>
          %parallel_loop3A_797 = tpu.memref_squeeze %parallel_loop3A_796 : memref<1x32x128xf32, #tpu.memory_space<vmem>> -> memref<32x128xf32, #tpu.memory_space<vmem>>
          %parallel_loop3A_798 = tpu.vector_load_idx %parallel_loop3A_797[%add3A_763, %parallel_loop3A_788] : memref<32x128xf32, #tpu.memory_space<vmem>>[vector<16xi32>, vector<16xi32>], vector<16xf32>,
          %parallel_loop3A_799 = arith.mulf %parallel_loop3A_793, %parallel_loop3A_798 : vector<16xf32>
          %parallel_loop3A_800 = arith.addf %parallel_loop3A_783, %parallel_loop3A_799 : vector<16xf32>
          scf.yield %parallel_loop3A_800 : vector<16xf32>
        } {sc.loop_unroll_factor = 16 : i64, sc.parallel_access}
        %ge3A = arith.constant 0.000000e+00 : f32
        %ge3A_767 = vector.broadcast %ge3A : f32 to vector<16xf32>
        %ge3A_768 = arith.cmpf oge, %parallel_loop3A_766, %ge3A_767 : vector<16xf32>
        %mul3A_769 = arith.constant 2.000000e-01 : f32
        %mul3A_770 = vector.broadcast %mul3A_769 : f32 to vector<16xf32>
        %mul3A_771 = arith.mulf %mul3A_770, %parallel_loop3A_766 : vector<16xf32>
        %select_n3A = arith.select %ge3A_768, %parallel_loop3A_766, %mul3A_771 : vector<16xi1>, vector<16xf32>
        %exp3A = math.exp %select_n3A : vector<16xf32>
        %ge3A_772 = vector.broadcast %max3A_737 : i32 to vector<16xi32>
        %ge3A_773 = arith.cmpi sge, %add3A_763, %ge3A_772 : vector<16xi32>
        %jit3A = arith.constant 0.000000e+00 : f32
        %broadcast_in_dim3A_774 = vector.broadcast %jit3A : f32 to vector<16xf32>
        %select_n3A_775 = arith.select %ge3A_773, %exp3A, %broadcast_in_dim3A_774 : vector<16xi1>, vector<16xf32>
        %scatter3A = arith.constant 0 : i32
        %scatter3A_776 = arith.constant 0 : i32
        %scatter3A_777 = tpu.memref_slice %arg11[%scan3A_741, %scatter3A, %scatter3A_776] : memref<3x32x136xf32, #tpu.memory_space<vmem>> -> memref<1x32x136xf32, #tpu.memory_space<vmem>>
        %scatter3A_778 = tpu.memref_squeeze %scatter3A_777 : memref<1x32x136xf32, #tpu.memory_space<vmem>> -> memref<32x136xf32, #tpu.memory_space<vmem>>
        tpu.vector_store_idx %scatter3A_778[%add3A_763, %broadcast_in_dim3A_2], %select_n3A_775 : memref<32x136xf32, #tpu.memory_space<vmem>>[vector<16xi32>, vector<16xi32>], vector<16xf32>,
        %parallel_loop3A_779 = arith.constant 0 : i32
        %parallel_loop3A_780 = arith.constant 128 : i32
        %parallel_loop3A_781 = arith.constant 1 : i32
        scf.for %parallel_loop3A_782 = %parallel_loop3A_779 to %parallel_loop3A_780 step %parallel_loop3A_781  : i32 {
          %parallel_loop3A_783 = vector.broadcast %parallel_loop3A_782 : i32 to vector<16xi32>
          %parallel_loop3A_784 = arith.addi %iota3A, %parallel_loop3A_783 : vector<16xi32>
          %parallel_loop3A_785 = arith.constant 127 : i32
          %parallel_loop3A_786 = vector.broadcast %parallel_loop3A_785 : i32 to vector<16xi32>
          %parallel_loop3A_787 = arith.andi %parallel_loop3A_784, %parallel_loop3A_786 : vector<16xi32>
          %parallel_loop3A_788 = arith.constant 0 : i32
          %parallel_loop3A_789 = arith.constant 0 : i32
          %parallel_loop3A_790 = tpu.memref_slice %arg10[%scan3A_740, %parallel_loop3A_788, %parallel_loop3A_789] : memref<3x32x128xf32, #tpu.memory_space<vmem>> -> memref<1x32x128xf32, #tpu.memory_space<vmem>>
          %parallel_loop3A_791 = tpu.memref_squeeze %parallel_loop3A_790 : memref<1x32x128xf32, #tpu.memory_space<vmem>> -> memref<32x128xf32, #tpu.memory_space<vmem>>
          %parallel_loop3A_792 = tpu.vector_load_idx %parallel_loop3A_791[%add3A_763, %parallel_loop3A_787] : memref<32x128xf32, #tpu.memory_space<vmem>>[vector<16xi32>, vector<16xi32>], vector<16xf32>,
          %parallel_loop3A_793 = vector.broadcast %parallel_loop3A_782 : i32 to vector<16xi32>
          %parallel_loop3A_794 = arith.addi %iota3A, %parallel_loop3A_793 : vector<16xi32>
          %parallel_loop3A_795 = arith.constant 127 : i32
          %parallel_loop3A_796 = vector.broadcast %parallel_loop3A_795 : i32 to vector<16xi32>
          %parallel_loop3A_797 = arith.andi %parallel_loop3A_794, %parallel_loop3A_796 : vector<16xi32>
          %parallel_loop3A_798 = arith.mulf %select_n3A_775, %parallel_loop3A_792 : vector<16xf32>
          %parallel_loop3A_799 = arith.constant 0 : i32
          %parallel_loop3A_800 = arith.constant 0 : i32
          %parallel_loop3A_801 = tpu.memref_slice %arg11[%scan3A_741, %parallel_loop3A_799, %parallel_loop3A_800] : memref<3x32x136xf32, #tpu.memory_space<vmem>> -> memref<1x32x136xf32, #tpu.memory_space<vmem>>
          %parallel_loop3A_802 = tpu.memref_squeeze %parallel_loop3A_801 : memref<1x32x136xf32, #tpu.memory_space<vmem>> -> memref<32x136xf32, #tpu.memory_space<vmem>>
          tpu.vector_store_idx %parallel_loop3A_802[%add3A_763, %parallel_loop3A_797], %parallel_loop3A_798 : memref<32x136xf32, #tpu.memory_space<vmem>>[vector<16xi32>, vector<16xi32>], vector<16xf32>,
        } {sc.loop_unroll_factor = 16 : i64, sc.parallel_access}
      }
      %scan3A_746 = arith.constant 2 : i32
      %dma_start3A_747 = arith.constant 2 : i32
      %dma_start3A_748 = arith.constant 2 : i32
      %dma_start3A_749 = arith.constant 0 : i32
      %dma_start3A_750 = arith.constant 0 : i32
      %dma_start3A_751 = tpu.memref_slice %arg11[%dma_start3A_747, %dma_start3A_749, %dma_start3A_750] : memref<3x32x136xf32, #tpu.memory_space<vmem>> -> memref<1x32x136xf32, #tpu.memory_space<vmem>>
      %dma_start3A_752 = tpu.memref_squeeze %dma_start3A_751 : memref<1x32x136xf32, #tpu.memory_space<vmem>> -> memref<32x136xf32, #tpu.memory_space<vmem>>
      %dma_start3A_753 = arith.constant 0 : i32
      %dma_start3A_754 = tpu.memref_slice %arg8[%dma_start3A_748, %dma_start3A_753] : memref<3x32xi32, #tpu.memory_space<vmem>> -> memref<1x32xi32, #tpu.memory_space<vmem>>
      %dma_start3A_755 = tpu.memref_squeeze %dma_start3A_754 : memref<1x32xi32, #tpu.memory_space<vmem>> -> memref<32xi32, #tpu.memory_space<vmem>>
      %dma_start3A_756 = arith.constant 0 : i32
      %dma_start3A_757 = arith.constant 0 : i32
      %dma_start3A_758 = tpu.memref_slice %arg12[%dma_start3A_756, %dma_start3A_757] : memref<10240x136xf32, #tpu.memory_space<vmem_shared>> -> memref<10240x136xf32, #tpu.memory_space<vmem_shared>>
      tpu.enqueue_indirect_dma source(%dma_start3A_752 : memref<32x136xf32, #tpu.memory_space<vmem>>) target(%dma_start3A_758 : memref<10240x136xf32, #tpu.memory_space<vmem_shared>>) offsets(%dma_start3A_755 : memref<32xi32, #tpu.memory_space<vmem>>) semaphore(%arg21 : memref<!tpu.dma_semaphore, #tpu.memory_space<semaphore_mem>>) {add = true}
    }
    %scan3A_179 = arith.constant 104 : i32
    %dma_wait3A_180 = arith.constant 0 : i32
    %dma_wait3A_181 = arith.constant 0 : i32
    %dma_wait3A_182 = arith.constant 0 : i32
    %dma_wait3A_183 = arith.constant 0 : i32
    %dma_wait3A_184 = tpu.memref_slice %arg9[%dma_wait3A_181, %dma_wait3A_182, %dma_wait3A_183] : memref<3x32x128xf32, #tpu.memory_space<vmem>> -> memref<1x32x128xf32, #tpu.memory_space<vmem>>
    %dma_wait3A_185 = tpu.memref_squeeze %dma_wait3A_184 : memref<1x32x128xf32, #tpu.memory_space<vmem>> -> memref<32x128xf32, #tpu.memory_space<vmem>>
    %dma_wait3A_186 = arith.constant 0 : i32
    %dma_wait3A_187 = tpu.memref_slice %arg6[%dma_wait3A_180, %dma_wait3A_186] : memref<3x32xi32, #tpu.memory_space<vmem>> -> memref<1x32xi32, #tpu.memory_space<vmem>>
    %dma_wait3A_188 = tpu.memref_squeeze %dma_wait3A_187 : memref<1x32xi32, #tpu.memory_space<vmem>> -> memref<32xi32, #tpu.memory_space<vmem>>
    %dma_wait3A_189 = arith.constant 0 : i32
    %dma_wait3A_190 = arith.constant 0 : i32
    %dma_wait3A_191 = tpu.memref_slice %arg2[%dma_wait3A_189, %dma_wait3A_190] : memref<10000x128xf32, #tpu.memory_space<hbm>> -> memref<10000x128xf32, #tpu.memory_space<hbm>>
    tpu.wait_indirect_dma semaphore(%arg16 : memref<!tpu.dma_semaphore, #tpu.memory_space<semaphore_mem>>) src(%dma_wait3A_191 : memref<10000x128xf32, #tpu.memory_space<hbm>>) dst(%dma_wait3A_185 : memref<32x128xf32, #tpu.memory_space<vmem>>)
    %dma_wait3A_192 = arith.constant 0 : i32
    %dma_wait3A_193 = arith.constant 0 : i32
    %dma_wait3A_194 = arith.constant 0 : i32
    %dma_wait3A_195 = arith.constant 0 : i32
    %dma_wait3A_196 = tpu.memref_slice %arg10[%dma_wait3A_193, %dma_wait3A_194, %dma_wait3A_195] : memref<3x32x128xf32, #tpu.memory_space<vmem>> -> memref<1x32x128xf32, #tpu.memory_space<vmem>>
    %dma_wait3A_197 = tpu.memref_squeeze %dma_wait3A_196 : memref<1x32x128xf32, #tpu.memory_space<vmem>> -> memref<32x128xf32, #tpu.memory_space<vmem>>
    %dma_wait3A_198 = arith.constant 0 : i32
    %dma_wait3A_199 = tpu.memref_slice %arg7[%dma_wait3A_192, %dma_wait3A_198] : memref<3x32xi32, #tpu.memory_space<vmem>> -> memref<1x32xi32, #tpu.memory_space<vmem>>
    %dma_wait3A_200 = tpu.memref_squeeze %dma_wait3A_199 : memref<1x32xi32, #tpu.memory_space<vmem>> -> memref<32xi32, #tpu.memory_space<vmem>>
    %dma_wait3A_201 = arith.constant 0 : i32
    %dma_wait3A_202 = arith.constant 0 : i32
    %dma_wait3A_203 = tpu.memref_slice %arg2[%dma_wait3A_201, %dma_wait3A_202] : memref<10000x128xf32, #tpu.memory_space<hbm>> -> memref<10000x128xf32, #tpu.memory_space<hbm>>
    tpu.wait_indirect_dma semaphore(%arg16 : memref<!tpu.dma_semaphore, #tpu.memory_space<semaphore_mem>>) src(%dma_wait3A_203 : memref<10000x128xf32, #tpu.memory_space<hbm>>) dst(%dma_wait3A_197 : memref<32x128xf32, #tpu.memory_space<vmem>>)
    %dma_wait3A_204 = arith.constant 0 : i32
    %dma_wait3A_205 = arith.constant 0 : i32
    %dma_wait3A_206 = arith.constant 0 : i32
    %dma_wait3A_207 = arith.constant 0 : i32
    %dma_wait3A_208 = tpu.memref_slice %arg11[%dma_wait3A_204, %dma_wait3A_206, %dma_wait3A_207] : memref<3x32x136xf32, #tpu.memory_space<vmem>> -> memref<1x32x136xf32, #tpu.memory_space<vmem>>
    %dma_wait3A_209 = tpu.memref_squeeze %dma_wait3A_208 : memref<1x32x136xf32, #tpu.memory_space<vmem>> -> memref<32x136xf32, #tpu.memory_space<vmem>>
    %dma_wait3A_210 = arith.constant 0 : i32
    %dma_wait3A_211 = tpu.memref_slice %arg8[%dma_wait3A_205, %dma_wait3A_210] : memref<3x32xi32, #tpu.memory_space<vmem>> -> memref<1x32xi32, #tpu.memory_space<vmem>>
    %dma_wait3A_212 = tpu.memref_squeeze %dma_wait3A_211 : memref<1x32xi32, #tpu.memory_space<vmem>> -> memref<32xi32, #tpu.memory_space<vmem>>
    %dma_wait3A_213 = arith.constant 0 : i32
    %dma_wait3A_214 = arith.constant 0 : i32
    %dma_wait3A_215 = tpu.memref_slice %arg12[%dma_wait3A_213, %dma_wait3A_214] : memref<10240x136xf32, #tpu.memory_space<vmem_shared>> -> memref<10240x136xf32, #tpu.memory_space<vmem_shared>>
    tpu.wait_indirect_dma semaphore(%arg19 : memref<!tpu.dma_semaphore, #tpu.memory_space<semaphore_mem>>) src(%dma_wait3A_209 : memref<32x136xf32, #tpu.memory_space<vmem>>) dst(%dma_wait3A_215 : memref<10240x136xf32, #tpu.memory_space<vmem_shared>>)
    %get3A = arith.constant 0 : i32
    %get3A_216 = arith.index_cast %get3A : i32 to index
    %get3A_217 = arith.constant 0 : index
    %get3A_218 = tpu.vector_load %arg6[%get3A_216, %get3A_217] {strides = array<i32>} : memref<3x32xi32, #tpu.memory_space<vmem>>, vector<16xi32>,
    %swap3A = arith.constant 0 : i32
    %swap3A_219 = arith.index_cast %swap3A : i32 to index
    %swap3A_220 = arith.constant 0 : index
    %swap3A_221 = tpu.vector_load %arg8[%swap3A_219, %swap3A_220] {strides = array<i32>} : memref<3x32xi32, #tpu.memory_space<vmem>>, vector<16xi32>,
    tpu.vector_store %arg8[%swap3A_219, %swap3A_220], %get3A_218 {strides = array<i32>} : memref<3x32xi32, #tpu.memory_space<vmem>>, vector<16xi32>,
    %get3A_222 = arith.constant 0 : i32
    %get3A_223 = arith.index_cast %get3A_222 : i32 to index
    %get3A_224 = arith.constant 16 : index
    %get3A_225 = tpu.vector_load %arg6[%get3A_223, %get3A_224] {strides = array<i32>} : memref<3x32xi32, #tpu.memory_space<vmem>>, vector<16xi32>,
    %swap3A_226 = arith.constant 0 : i32
    %swap3A_227 = arith.index_cast %swap3A_226 : i32 to index
    %swap3A_228 = arith.constant 16 : index
    %swap3A_229 = tpu.vector_load %arg8[%swap3A_227, %swap3A_228] {strides = array<i32>} : memref<3x32xi32, #tpu.memory_space<vmem>>, vector<16xi32>,
    tpu.vector_store %arg8[%swap3A_227, %swap3A_228], %get3A_225 {strides = array<i32>} : memref<3x32xi32, #tpu.memory_space<vmem>>, vector<16xi32>,
    %max3A = arith.constant 0 : i32
    %max3A_230 = arith.constant 16 : i32
    %max3A_231 = arith.maxsi %max3A, %max3A_230 : i32
    %scan3A_232 = arith.constant 0 : i32
    %scan3A_233 = arith.constant 0 : i32
    %scan3A_234 = arith.constant 0 : i32
    %scan3A_235 = arith.constant 0 : i32
    %scan3A_236 = arith.constant 0 : i32
    %scan3A_237 = arith.constant 2 : i32
    %scan3A_238 = arith.addi %scan3A_236, %scan3A_237 : i32
    %scan3A_239 = arith.constant 1 : i32
    scf.for %scan3A_313 = %scan3A_236 to %scan3A_238 step %scan3A_239  : i32 {
      %mul3A_314 = arith.constant 16 : i32
      %mul3A_315 = arith.muli %scan3A_313, %mul3A_314 : i32
      %add3A_316 = vector.broadcast %mul3A_315 : i32 to vector<16xi32>
      %add3A_317 = arith.addi %add3A_316, %iota3A : vector<16xi32>
      %parallel_loop3A = arith.constant 0 : i32
      %parallel_loop3A_318 = arith.constant 128 : i32
      %parallel_loop3A_319 = arith.constant 1 : i32
      %parallel_loop3A_320 = scf.for %parallel_loop3A_336 = %parallel_loop3A to %parallel_loop3A_318 step %parallel_loop3A_319 iter_args(%parallel_loop3A_337 = %broadcast_in_dim3A_0) -> (vector<16xf32>)  : i32 {
        %parallel_loop3A_338 = vector.broadcast %parallel_loop3A_336 : i32 to vector<16xi32>
        %parallel_loop3A_339 = arith.addi %iota3A, %parallel_loop3A_338 : vector<16xi32>
        %parallel_loop3A_340 = arith.constant 127 : i32
        %parallel_loop3A_341 = vector.broadcast %parallel_loop3A_340 : i32 to vector<16xi32>
        %parallel_loop3A_342 = arith.andi %parallel_loop3A_339, %parallel_loop3A_341 : vector<16xi32>
        %parallel_loop3A_343 = arith.constant 0 : i32
        %parallel_loop3A_344 = arith.constant 0 : i32
        %parallel_loop3A_345 = tpu.memref_slice %arg9[%scan3A_233, %parallel_loop3A_343, %parallel_loop3A_344] : memref<3x32x128xf32, #tpu.memory_space<vmem>> -> memref<1x32x128xf32, #tpu.memory_space<vmem>>
        %parallel_loop3A_346 = tpu.memref_squeeze %parallel_loop3A_345 : memref<1x32x128xf32, #tpu.memory_space<vmem>> -> memref<32x128xf32, #tpu.memory_space<vmem>>
        %parallel_loop3A_347 = tpu.vector_load_idx %parallel_loop3A_346[%add3A_317, %parallel_loop3A_342] : memref<32x128xf32, #tpu.memory_space<vmem>>[vector<16xi32>, vector<16xi32>], vector<16xf32>,
        %parallel_loop3A_348 = arith.constant 0 : i32
        %parallel_loop3A_349 = arith.constant 0 : i32
        %parallel_loop3A_350 = tpu.memref_slice %arg10[%scan3A_234, %parallel_loop3A_348, %parallel_loop3A_349] : memref<3x32x128xf32, #tpu.memory_space<vmem>> -> memref<1x32x128xf32, #tpu.memory_space<vmem>>
        %parallel_loop3A_351 = tpu.memref_squeeze %parallel_loop3A_350 : memref<1x32x128xf32, #tpu.memory_space<vmem>> -> memref<32x128xf32, #tpu.memory_space<vmem>>
        %parallel_loop3A_352 = tpu.vector_load_idx %parallel_loop3A_351[%add3A_317, %parallel_loop3A_342] : memref<32x128xf32, #tpu.memory_space<vmem>>[vector<16xi32>, vector<16xi32>], vector<16xf32>,
        %parallel_loop3A_353 = arith.mulf %parallel_loop3A_347, %parallel_loop3A_352 : vector<16xf32>
        %parallel_loop3A_354 = arith.addf %parallel_loop3A_337, %parallel_loop3A_353 : vector<16xf32>
        scf.yield %parallel_loop3A_354 : vector<16xf32>
      } {sc.loop_unroll_factor = 16 : i64, sc.parallel_access}
      %ge3A = arith.constant 0.000000e+00 : f32
      %ge3A_321 = vector.broadcast %ge3A : f32 to vector<16xf32>
      %ge3A_322 = arith.cmpf oge, %parallel_loop3A_320, %ge3A_321 : vector<16xf32>
      %mul3A_323 = arith.constant 2.000000e-01 : f32
      %mul3A_324 = vector.broadcast %mul3A_323 : f32 to vector<16xf32>
      %mul3A_325 = arith.mulf %mul3A_324, %parallel_loop3A_320 : vector<16xf32>
      %select_n3A = arith.select %ge3A_322, %parallel_loop3A_320, %mul3A_325 : vector<16xi1>, vector<16xf32>
      %exp3A = math.exp %select_n3A : vector<16xf32>
      %ge3A_326 = vector.broadcast %max3A_231 : i32 to vector<16xi32>
      %ge3A_327 = arith.cmpi sge, %add3A_317, %ge3A_326 : vector<16xi32>
      %jit3A = arith.constant 0.000000e+00 : f32
      %broadcast_in_dim3A_328 = vector.broadcast %jit3A : f32 to vector<16xf32>
      %select_n3A_329 = arith.select %ge3A_327, %exp3A, %broadcast_in_dim3A_328 : vector<16xi1>, vector<16xf32>
      %scatter3A = arith.constant 0 : i32
      %scatter3A_330 = arith.constant 0 : i32
      %scatter3A_331 = tpu.memref_slice %arg11[%scan3A_235, %scatter3A, %scatter3A_330] : memref<3x32x136xf32, #tpu.memory_space<vmem>> -> memref<1x32x136xf32, #tpu.memory_space<vmem>>
      %scatter3A_332 = tpu.memref_squeeze %scatter3A_331 : memref<1x32x136xf32, #tpu.memory_space<vmem>> -> memref<32x136xf32, #tpu.memory_space<vmem>>
      tpu.vector_store_idx %scatter3A_332[%add3A_317, %broadcast_in_dim3A_2], %select_n3A_329 : memref<32x136xf32, #tpu.memory_space<vmem>>[vector<16xi32>, vector<16xi32>], vector<16xf32>,
      %parallel_loop3A_333 = arith.constant 0 : i32
      %parallel_loop3A_334 = arith.constant 128 : i32
      %parallel_loop3A_335 = arith.constant 1 : i32
      scf.for %parallel_loop3A_336 = %parallel_loop3A_333 to %parallel_loop3A_334 step %parallel_loop3A_335  : i32 {
        %parallel_loop3A_337 = vector.broadcast %parallel_loop3A_336 : i32 to vector<16xi32>
        %parallel_loop3A_338 = arith.addi %iota3A, %parallel_loop3A_337 : vector<16xi32>
        %parallel_loop3A_339 = arith.constant 127 : i32
        %parallel_loop3A_340 = vector.broadcast %parallel_loop3A_339 : i32 to vector<16xi32>
        %parallel_loop3A_341 = arith.andi %parallel_loop3A_338, %parallel_loop3A_340 : vector<16xi32>
        %parallel_loop3A_342 = arith.constant 0 : i32
        %parallel_loop3A_343 = arith.constant 0 : i32
        %parallel_loop3A_344 = tpu.memref_slice %arg10[%scan3A_234, %parallel_loop3A_342, %parallel_loop3A_343] : memref<3x32x128xf32, #tpu.memory_space<vmem>> -> memref<1x32x128xf32, #tpu.memory_space<vmem>>
        %parallel_loop3A_345 = tpu.memref_squeeze %parallel_loop3A_344 : memref<1x32x128xf32, #tpu.memory_space<vmem>> -> memref<32x128xf32, #tpu.memory_space<vmem>>
        %parallel_loop3A_346 = tpu.vector_load_idx %parallel_loop3A_345[%add3A_317, %parallel_loop3A_341] : memref<32x128xf32, #tpu.memory_space<vmem>>[vector<16xi32>, vector<16xi32>], vector<16xf32>,
        %parallel_loop3A_347 = vector.broadcast %parallel_loop3A_336 : i32 to vector<16xi32>
        %parallel_loop3A_348 = arith.addi %iota3A, %parallel_loop3A_347 : vector<16xi32>
        %parallel_loop3A_349 = arith.constant 127 : i32
        %parallel_loop3A_350 = vector.broadcast %parallel_loop3A_349 : i32 to vector<16xi32>
        %parallel_loop3A_351 = arith.andi %parallel_loop3A_348, %parallel_loop3A_350 : vector<16xi32>
        %parallel_loop3A_352 = arith.mulf %select_n3A_329, %parallel_loop3A_346 : vector<16xf32>
        %parallel_loop3A_353 = arith.constant 0 : i32
        %parallel_loop3A_354 = arith.constant 0 : i32
        %parallel_loop3A_355 = tpu.memref_slice %arg11[%scan3A_235, %parallel_loop3A_353, %parallel_loop3A_354] : memref<3x32x136xf32, #tpu.memory_space<vmem>> -> memref<1x32x136xf32, #tpu.memory_space<vmem>>
        %parallel_loop3A_356 = tpu.memref_squeeze %parallel_loop3A_355 : memref<1x32x136xf32, #tpu.memory_space<vmem>> -> memref<32x136xf32, #tpu.memory_space<vmem>>
        tpu.vector_store_idx %parallel_loop3A_356[%add3A_317, %parallel_loop3A_351], %parallel_loop3A_352 : memref<32x136xf32, #tpu.memory_space<vmem>>[vector<16xi32>, vector<16xi32>], vector<16xf32>,
      } {sc.loop_unroll_factor = 16 : i64, sc.parallel_access}
    }
    %scan3A_240 = arith.constant 2 : i32
    %dma_wait3A_241 = arith.constant 1 : i32
    %dma_wait3A_242 = arith.constant 1 : i32
    %dma_wait3A_243 = arith.constant 0 : i32
    %dma_wait3A_244 = arith.constant 0 : i32
    %dma_wait3A_245 = tpu.memref_slice %arg11[%dma_wait3A_241, %dma_wait3A_243, %dma_wait3A_244] : memref<3x32x136xf32, #tpu.memory_space<vmem>> -> memref<1x32x136xf32, #tpu.memory_space<vmem>>
    %dma_wait3A_246 = tpu.memref_squeeze %dma_wait3A_245 : memref<1x32x136xf32, #tpu.memory_space<vmem>> -> memref<32x136xf32, #tpu.memory_space<vmem>>
    %dma_wait3A_247 = arith.constant 0 : i32
    %dma_wait3A_248 = tpu.memref_slice %arg8[%dma_wait3A_242, %dma_wait3A_247] : memref<3x32xi32, #tpu.memory_space<vmem>> -> memref<1x32xi32, #tpu.memory_space<vmem>>
    %dma_wait3A_249 = tpu.memref_squeeze %dma_wait3A_248 : memref<1x32xi32, #tpu.memory_space<vmem>> -> memref<32xi32, #tpu.memory_space<vmem>>
    %dma_wait3A_250 = arith.constant 0 : i32
    %dma_wait3A_251 = arith.constant 0 : i32
    %dma_wait3A_252 = tpu.memref_slice %arg12[%dma_wait3A_250, %dma_wait3A_251] : memref<10240x136xf32, #tpu.memory_space<vmem_shared>> -> memref<10240x136xf32, #tpu.memory_space<vmem_shared>>
    tpu.wait_indirect_dma semaphore(%arg20 : memref<!tpu.dma_semaphore, #tpu.memory_space<semaphore_mem>>) src(%dma_wait3A_246 : memref<32x136xf32, #tpu.memory_space<vmem>>) dst(%dma_wait3A_252 : memref<10240x136xf32, #tpu.memory_space<vmem_shared>>)
    %dma_wait3A_253 = arith.constant 2 : i32
    %dma_wait3A_254 = arith.constant 2 : i32
    %dma_wait3A_255 = arith.constant 0 : i32
    %dma_wait3A_256 = arith.constant 0 : i32
    %dma_wait3A_257 = tpu.memref_slice %arg11[%dma_wait3A_253, %dma_wait3A_255, %dma_wait3A_256] : memref<3x32x136xf32, #tpu.memory_space<vmem>> -> memref<1x32x136xf32, #tpu.memory_space<vmem>>
    %dma_wait3A_258 = tpu.memref_squeeze %dma_wait3A_257 : memref<1x32x136xf32, #tpu.memory_space<vmem>> -> memref<32x136xf32, #tpu.memory_space<vmem>>
    %dma_wait3A_259 = arith.constant 0 : i32
    %dma_wait3A_260 = tpu.memref_slice %arg8[%dma_wait3A_254, %dma_wait3A_259] : memref<3x32xi32, #tpu.memory_space<vmem>> -> memref<1x32xi32, #tpu.memory_space<vmem>>
    %dma_wait3A_261 = tpu.memref_squeeze %dma_wait3A_260 : memref<1x32xi32, #tpu.memory_space<vmem>> -> memref<32xi32, #tpu.memory_space<vmem>>
    %dma_wait3A_262 = arith.constant 0 : i32
    %dma_wait3A_263 = arith.constant 0 : i32
    %dma_wait3A_264 = tpu.memref_slice %arg12[%dma_wait3A_262, %dma_wait3A_263] : memref<10240x136xf32, #tpu.memory_space<vmem_shared>> -> memref<10240x136xf32, #tpu.memory_space<vmem_shared>>
    tpu.wait_indirect_dma semaphore(%arg21 : memref<!tpu.dma_semaphore, #tpu.memory_space<semaphore_mem>>) src(%dma_wait3A_258 : memref<32x136xf32, #tpu.memory_space<vmem>>) dst(%dma_wait3A_264 : memref<10240x136xf32, #tpu.memory_space<vmem_shared>>)
    %run_scoped3A = arith.constant 0 : i32
    %run_scoped3A_265 = arith.constant 0 : i32
    "tpu.region"() ({
      %run_scoped3A_313 = tpu.sem_alloc : memref<!tpu.dma_semaphore, #tpu.memory_space<semaphore_mem>>
      %dma_start3A_314 = arith.constant 0 : i32
      %dma_start3A_315 = arith.constant 0 : i32
      %dma_start3A_316 = tpu.memref_slice %arg11[%run_scoped3A, %dma_start3A_314, %dma_start3A_315] : memref<3x32x136xf32, #tpu.memory_space<vmem>> -> memref<1x32x136xf32, #tpu.memory_space<vmem>>
      %dma_start3A_317 = tpu.memref_squeeze %dma_start3A_316 : memref<1x32x136xf32, #tpu.memory_space<vmem>> -> memref<32x136xf32, #tpu.memory_space<vmem>>
      %dma_start3A_318 = arith.constant 0 : i32
      %dma_start3A_319 = tpu.memref_slice %arg8[%run_scoped3A_265, %dma_start3A_318] : memref<3x32xi32, #tpu.memory_space<vmem>> -> memref<1x32xi32, #tpu.memory_space<vmem>>
      %dma_start3A_320 = tpu.memref_squeeze %dma_start3A_319 : memref<1x32xi32, #tpu.memory_space<vmem>> -> memref<32xi32, #tpu.memory_space<vmem>>
      %dma_start3A_321 = arith.constant 0 : i32
      %dma_start3A_322 = arith.constant 0 : i32
      %dma_start3A_323 = tpu.memref_slice %arg12[%dma_start3A_321, %dma_start3A_322] : memref<10240x136xf32, #tpu.memory_space<vmem_shared>> -> memref<10240x136xf32, #tpu.memory_space<vmem_shared>>
      tpu.enqueue_indirect_dma source(%dma_start3A_317 : memref<32x136xf32, #tpu.memory_space<vmem>>) target(%dma_start3A_323 : memref<10240x136xf32, #tpu.memory_space<vmem_shared>>) offsets(%dma_start3A_320 : memref<32xi32, #tpu.memory_space<vmem>>) semaphore(%run_scoped3A_313 : memref<!tpu.dma_semaphore, #tpu.memory_space<semaphore_mem>>) {add = true}
      %dma_wait3A_324 = arith.constant 0 : i32
      %dma_wait3A_325 = arith.constant 0 : i32
      %dma_wait3A_326 = tpu.memref_slice %arg11[%run_scoped3A, %dma_wait3A_324, %dma_wait3A_325] : memref<3x32x136xf32, #tpu.memory_space<vmem>> -> memref<1x32x136xf32, #tpu.memory_space<vmem>>
      %dma_wait3A_327 = tpu.memref_squeeze %dma_wait3A_326 : memref<1x32x136xf32, #tpu.memory_space<vmem>> -> memref<32x136xf32, #tpu.memory_space<vmem>>
      %dma_wait3A_328 = arith.constant 0 : i32
      %dma_wait3A_329 = tpu.memref_slice %arg8[%run_scoped3A_265, %dma_wait3A_328] : memref<3x32xi32, #tpu.memory_space<vmem>> -> memref<1x32xi32, #tpu.memory_space<vmem>>
      %dma_wait3A_330 = tpu.memref_squeeze %dma_wait3A_329 : memref<1x32xi32, #tpu.memory_space<vmem>> -> memref<32xi32, #tpu.memory_space<vmem>>
      %dma_wait3A_331 = arith.constant 0 : i32
      %dma_wait3A_332 = arith.constant 0 : i32
      %dma_wait3A_333 = tpu.memref_slice %arg12[%dma_wait3A_331, %dma_wait3A_332] : memref<10240x136xf32, #tpu.memory_space<vmem_shared>> -> memref<10240x136xf32, #tpu.memory_space<vmem_shared>>
      tpu.wait_indirect_dma semaphore(%run_scoped3A_313 : memref<!tpu.dma_semaphore, #tpu.memory_space<semaphore_mem>>) src(%dma_wait3A_327 : memref<32x136xf32, #tpu.memory_space<vmem>>) dst(%dma_wait3A_333 : memref<10240x136xf32, #tpu.memory_space<vmem_shared>>)
      tpu.yield
    }) : () -> ()
    %dma_wait3A_266 = arith.constant 1 : i32
    %dma_wait3A_267 = arith.constant 1 : i32
    %dma_wait3A_268 = arith.constant 0 : i32
    %dma_wait3A_269 = arith.constant 0 : i32
    %dma_wait3A_270 = tpu.memref_slice %arg9[%dma_wait3A_267, %dma_wait3A_268, %dma_wait3A_269] : memref<3x32x128xf32, #tpu.memory_space<vmem>> -> memref<1x32x128xf32, #tpu.memory_space<vmem>>
    %dma_wait3A_271 = tpu.memref_squeeze %dma_wait3A_270 : memref<1x32x128xf32, #tpu.memory_space<vmem>> -> memref<32x128xf32, #tpu.memory_space<vmem>>
    %dma_wait3A_272 = arith.constant 0 : i32
    %dma_wait3A_273 = tpu.memref_slice %arg6[%dma_wait3A_266, %dma_wait3A_272] : memref<3x32xi32, #tpu.memory_space<vmem>> -> memref<1x32xi32, #tpu.memory_space<vmem>>
    %dma_wait3A_274 = tpu.memref_squeeze %dma_wait3A_273 : memref<1x32xi32, #tpu.memory_space<vmem>> -> memref<32xi32, #tpu.memory_space<vmem>>
    %dma_wait3A_275 = arith.constant 0 : i32
    %dma_wait3A_276 = arith.constant 0 : i32
    %dma_wait3A_277 = tpu.memref_slice %arg2[%dma_wait3A_275, %dma_wait3A_276] : memref<10000x128xf32, #tpu.memory_space<hbm>> -> memref<10000x128xf32, #tpu.memory_space<hbm>>
    tpu.wait_indirect_dma semaphore(%arg17 : memref<!tpu.dma_semaphore, #tpu.memory_space<semaphore_mem>>) src(%dma_wait3A_277 : memref<10000x128xf32, #tpu.memory_space<hbm>>) dst(%dma_wait3A_271 : memref<32x128xf32, #tpu.memory_space<vmem>>)
    %dma_wait3A_278 = arith.constant 1 : i32
    %dma_wait3A_279 = arith.constant 1 : i32
    %dma_wait3A_280 = arith.constant 0 : i32
    %dma_wait3A_281 = arith.constant 0 : i32
    %dma_wait3A_282 = tpu.memref_slice %arg10[%dma_wait3A_279, %dma_wait3A_280, %dma_wait3A_281] : memref<3x32x128xf32, #tpu.memory_space<vmem>> -> memref<1x32x128xf32, #tpu.memory_space<vmem>>
    %dma_wait3A_283 = tpu.memref_squeeze %dma_wait3A_282 : memref<1x32x128xf32, #tpu.memory_space<vmem>> -> memref<32x128xf32, #tpu.memory_space<vmem>>
    %dma_wait3A_284 = arith.constant 0 : i32
    %dma_wait3A_285 = tpu.memref_slice %arg7[%dma_wait3A_278, %dma_wait3A_284] : memref<3x32xi32, #tpu.memory_space<vmem>> -> memref<1x32xi32, #tpu.memory_space<vmem>>
    %dma_wait3A_286 = tpu.memref_squeeze %dma_wait3A_285 : memref<1x32xi32, #tpu.memory_space<vmem>> -> memref<32xi32, #tpu.memory_space<vmem>>
    %dma_wait3A_287 = arith.constant 0 : i32
    %dma_wait3A_288 = arith.constant 0 : i32
    %dma_wait3A_289 = tpu.memref_slice %arg2[%dma_wait3A_287, %dma_wait3A_288] : memref<10000x128xf32, #tpu.memory_space<hbm>> -> memref<10000x128xf32, #tpu.memory_space<hbm>>
    tpu.wait_indirect_dma semaphore(%arg17 : memref<!tpu.dma_semaphore, #tpu.memory_space<semaphore_mem>>) src(%dma_wait3A_289 : memref<10000x128xf32, #tpu.memory_space<hbm>>) dst(%dma_wait3A_283 : memref<32x128xf32, #tpu.memory_space<vmem>>)
    %min3A_290 = arith.constant 10048 : i32
    %min3A_291 = arith.constant 9968 : i32
    %min3A_292 = arith.minsi %min3A_290, %min3A_291 : i32
    %add3A_293 = arith.addi %mul3A_18, %min3A_292 : i32
    %dma_wait3A_294 = arith.constant 2 : i32
    %dma_wait3A_295 = arith.constant 0 : i32
    %dma_wait3A_296 = tpu.memref_slice %arg6[%dma_wait3A_294, %dma_wait3A_295] : memref<3x32xi32, #tpu.memory_space<vmem>> -> memref<1x32xi32, #tpu.memory_space<vmem>>
    %dma_wait3A_297 = tpu.memref_squeeze %dma_wait3A_296 : memref<1x32xi32, #tpu.memory_space<vmem>> -> memref<32xi32, #tpu.memory_space<vmem>>
    %dma_wait3A_298 = tpu.memref_slice %arg3[%add3A_293] : memref<320000xi32, #tpu.memory_space<hbm>> -> memref<32xi32, #tpu.memory_space<hbm>>
    %dma_wait3A_299 = arith.constant 0 : i32
    %dma_wait3A_300 = tpu.memref_slice %arg6[%dma_wait3A_294, %dma_wait3A_299] : memref<3x32xi32, #tpu.memory_space<vmem>> -> memref<1x32xi32, #tpu.memory_space<vmem>>
    %dma_wait3A_301 = tpu.memref_squeeze %dma_wait3A_300 : memref<1x32xi32, #tpu.memory_space<vmem>> -> memref<32xi32, #tpu.memory_space<vmem>>
    %dma_wait3A_302 = tpu.memref_slice %arg3[%add3A_293] : memref<320000xi32, #tpu.memory_space<hbm>> -> memref<32xi32, #tpu.memory_space<hbm>>
    tpu.wait_dma2 semaphore(%arg15 : memref<!tpu.dma_semaphore, #tpu.memory_space<semaphore_mem>>) src(%dma_wait3A_302 : memref<32xi32, #tpu.memory_space<hbm>>) dst(%dma_wait3A_301 : memref<32xi32, #tpu.memory_space<vmem>>)
    %dma_wait3A_303 = arith.constant 2 : i32
    %dma_wait3A_304 = arith.constant 0 : i32
    %dma_wait3A_305 = tpu.memref_slice %arg7[%dma_wait3A_303, %dma_wait3A_304] : memref<3x32xi32, #tpu.memory_space<vmem>> -> memref<1x32xi32, #tpu.memory_space<vmem>>
    %dma_wait3A_306 = tpu.memref_squeeze %dma_wait3A_305 : memref<1x32xi32, #tpu.memory_space<vmem>> -> memref<32xi32, #tpu.memory_space<vmem>>
    %dma_wait3A_307 = tpu.memref_slice %arg4[%add3A_293] : memref<320000xi32, #tpu.memory_space<hbm>> -> memref<32xi32, #tpu.memory_space<hbm>>
    %dma_wait3A_308 = arith.constant 0 : i32
    %dma_wait3A_309 = tpu.memref_slice %arg7[%dma_wait3A_303, %dma_wait3A_308] : memref<3x32xi32, #tpu.memory_space<vmem>> -> memref<1x32xi32, #tpu.memory_space<vmem>>
    %dma_wait3A_310 = tpu.memref_squeeze %dma_wait3A_309 : memref<1x32xi32, #tpu.memory_space<vmem>> -> memref<32xi32, #tpu.memory_space<vmem>>
    %dma_wait3A_311 = tpu.memref_slice %arg4[%add3A_293] : memref<320000xi32, #tpu.memory_space<hbm>> -> memref<32xi32, #tpu.memory_space<hbm>>
    tpu.wait_dma2 semaphore(%arg15 : memref<!tpu.dma_semaphore, #tpu.memory_space<semaphore_mem>>) src(%dma_wait3A_311 : memref<32xi32, #tpu.memory_space<hbm>>) dst(%dma_wait3A_310 : memref<32xi32, #tpu.memory_space<vmem>>)
    %barrier3A_312 = arith.constant 0 : index
    tpu.barrier barrier_id(%barrier3A_312)
    "tpu.region"() ({
      %run_scoped3A_313 = tpu.sem_alloc : memref<!tpu.dma_semaphore, #tpu.memory_space<semaphore_mem>>
      %dma_start3A_314 = arith.constant 0 : i32
      %dma_start3A_315 = tpu.memref_slice %arg5[%arg0, %mul3A_8, %dma_start3A_314] : memref<2x10240x136xf32, #tpu.memory_space<hbm>> -> memref<1x640x136xf32, #tpu.memory_space<hbm>>
      %dma_start3A_316 = tpu.memref_squeeze %dma_start3A_315 : memref<1x640x136xf32, #tpu.memory_space<hbm>> -> memref<640x136xf32, #tpu.memory_space<hbm>>
      %dma_start3A_317 = arith.constant 0 : i32
      %dma_start3A_318 = tpu.memref_slice %arg12[%mul3A_8, %dma_start3A_317] : memref<10240x136xf32, #tpu.memory_space<vmem_shared>> -> memref<640x136xf32, #tpu.memory_space<vmem_shared>>
      tpu.enqueue_dma source(%dma_start3A_318 : memref<640x136xf32, #tpu.memory_space<vmem_shared>>) target(%dma_start3A_316 : memref<640x136xf32, #tpu.memory_space<hbm>>) target_semaphore(%run_scoped3A_313 : memref<!tpu.dma_semaphore, #tpu.memory_space<semaphore_mem>>)
      %dma_wait3A_319 = arith.constant 0 : i32
      %dma_wait3A_320 = tpu.memref_slice %arg5[%arg0, %mul3A_8, %dma_wait3A_319] : memref<2x10240x136xf32, #tpu.memory_space<hbm>> -> memref<1x640x136xf32, #tpu.memory_space<hbm>>
      %dma_wait3A_321 = tpu.memref_squeeze %dma_wait3A_320 : memref<1x640x136xf32, #tpu.memory_space<hbm>> -> memref<640x136xf32, #tpu.memory_space<hbm>>
      %dma_wait3A_322 = arith.constant 0 : i32
      %dma_wait3A_323 = tpu.memref_slice %arg12[%mul3A_8, %dma_wait3A_322] : memref<10240x136xf32, #tpu.memory_space<vmem_shared>> -> memref<640x136xf32, #tpu.memory_space<vmem_shared>>
      tpu.wait_dma2 semaphore(%run_scoped3A_313 : memref<!tpu.dma_semaphore, #tpu.memory_space<semaphore_mem>>) src(%dma_wait3A_323 : memref<640x136xf32, #tpu.memory_space<vmem_shared>>) dst(%dma_wait3A_321 : memref<640x136xf32, #tpu.memory_space<hbm>>)
      tpu.yield
    }) : () -> ()
    return
  }
}

module attributes {stable_mosaic.version = 14 : i64} {
  func.func @_final_body(%arg0: i32, %arg1: memref<2x1000x136xf32, #tpu.memory_space<vmem>>, %arg2: memref<1x128xf32, #tpu.memory_space<vmem>>, %arg3: memref<1000x128xf32, #tpu.memory_space<vmem>>) attributes {dimension_semantics = [#tpu.dimension_semantics<arbitrary>], iteration_bounds = array<i64: 10>, scalar_prefetch = 0 : i64, scratch_operands = 0 : i64, tpu.core_type = #tpu.core_type<tc>, window_params = [{transform_indices = @transform_0, window_bounds = array<i64: 2, 1000, 136>}, {pipeline_mode = #tpu.pipeline_mode<synchronous>, transform_indices = @transform_1, window_bounds = array<i64: 1, 128>}, {transform_indices = @transform_2, window_bounds = array<i64: 1000, 128>}]} {
    %get3A = arith.constant 0 : index
    %get3A_0 = arith.constant 0 : index
    %get3A_1 = arith.constant 0 : index
    %get3A_2 = vector.load %arg1[%get3A, %get3A_0, %get3A_1] : memref<2x1000x136xf32, #tpu.memory_space<vmem>>, vector<1x1000x136xf32>
    %get3A_3 = vector.shape_cast %get3A_2 : vector<1x1000x136xf32> to vector<1000x136xf32>
    %get3A_4 = arith.constant 1 : index
    %get3A_5 = arith.constant 0 : index
    %get3A_6 = arith.constant 0 : index
    %get3A_7 = vector.load %arg1[%get3A_4, %get3A_5, %get3A_6] : memref<2x1000x136xf32, #tpu.memory_space<vmem>>, vector<1x1000x136xf32>
    %get3A_8 = vector.shape_cast %get3A_7 : vector<1x1000x136xf32> to vector<1000x136xf32>
    %slice3A = vector.extract_strided_slice %get3A_3 {offsets = [0, 0], sizes = [1000, 128], strides = [1, 1]} : vector<1000x136xf32> to vector<1000x128xf32>
    %slice3A_9 = vector.extract_strided_slice %get3A_8 {offsets = [0, 0], sizes = [1000, 128], strides = [1, 1]} : vector<1000x136xf32> to vector<1000x128xf32>
    %add3A = arith.addf %slice3A, %slice3A_9 : vector<1000x128xf32>
    %slice3A_10 = vector.extract_strided_slice %get3A_3 {offsets = [0, 128], sizes = [1000, 1], strides = [1, 1]} : vector<1000x136xf32> to vector<1000x1xf32>
    %slice3A_11 = vector.extract_strided_slice %get3A_8 {offsets = [0, 128], sizes = [1000, 1], strides = [1, 1]} : vector<1000x136xf32> to vector<1000x1xf32>
    %add3A_12 = arith.addf %slice3A_10, %slice3A_11 : vector<1000x1xf32>
    %add3A_13 = arith.constant 1.000000e-10 : f32
    %add3A_14 = vector.broadcast %add3A_13 : f32 to vector<1000x1xf32>
    %add3A_15 = arith.addf %add3A_12, %add3A_14 : vector<1000x1xf32>
    %div3A = vector.broadcast %add3A_15 : vector<1000x1xf32> to vector<1000x128xf32>
    %div3A_16 = arith.divf %add3A, %div3A : vector<1000x128xf32>
    %get3A_17 = arith.constant 0 : index
    %get3A_18 = arith.constant 0 : index
    %get3A_19 = vector.load %arg2[%get3A_17, %get3A_18] : memref<1x128xf32, #tpu.memory_space<vmem>>, vector<1x128xf32>
    %add3A_20 = vector.broadcast %get3A_19 : vector<1x128xf32> to vector<1000x128xf32>
    %add3A_21 = arith.addf %div3A_16, %add3A_20 : vector<1000x128xf32>
    %swap3A = arith.constant 0 : index
    %swap3A_22 = arith.constant 0 : index
    %swap3A_23 = vector.load %arg3[%swap3A, %swap3A_22] : memref<1000x128xf32, #tpu.memory_space<vmem>>, vector<1000x128xf32>
    tpu.vector_store %arg3[%swap3A, %swap3A_22], %add3A_21 {strides = array<i32>} : memref<1000x128xf32, #tpu.memory_space<vmem>>, vector<1000x128xf32>,
    return
  }
  func.func @transform_0(%arg0: i32) -> (i32, i32, i32) {
    %c0_i32 = arith.constant 0 : i32
    %c0_i32_0 = arith.constant 0 : i32
    %c0_i32_1 = arith.constant 0 : i32
    return %c0_i32, %arg0, %c0_i32_0 : i32, i32, i32
  }
  func.func @transform_1(%arg0: i32) -> (i32, i32) {
    %c0_i32 = arith.constant 0 : i32
    %c0_i32_0 = arith.constant 0 : i32
    %c0_i32_1 = arith.constant 0 : i32
    return %c0_i32, %c0_i32_0 : i32, i32
  }
  func.func @transform_2(%arg0: i32) -> (i32, i32) {
    %c0_i32 = arith.constant 0 : i32
    %c0_i32_0 = arith.constant 0 : i32
    return %arg0, %c0_i32 : i32, i32
  }
}

module attributes {stable_mosaic.version = 14 : i64} {
  func.func @_matmul_body(%arg0: i32, %arg1: memref<1000x128xf32, #tpu.memory_space<vmem>>, %arg2: memref<128x128xf32, #tpu.memory_space<vmem>>, %arg3: memref<1000x128xf32, #tpu.memory_space<vmem>>) attributes {dimension_semantics = [#tpu.dimension_semantics<arbitrary>], iteration_bounds = array<i64: 10>, scalar_prefetch = 0 : i64, scratch_operands = 0 : i64, tpu.core_type = #tpu.core_type<tc>, window_params = [{transform_indices = @transform_0, window_bounds = array<i64: 1000, 128>}, {pipeline_mode = #tpu.pipeline_mode<synchronous>, transform_indices = @transform_1, window_bounds = array<i64: 128, 128>}, {transform_indices = @transform_2, window_bounds = array<i64: 1000, 128>}]} {
    %get3A = arith.constant 0 : index
    %get3A_0 = arith.constant 0 : index
    %get3A_1 = vector.load %arg1[%get3A, %get3A_0] : memref<1000x128xf32, #tpu.memory_space<vmem>>, vector<1000x128xf32>
    %get3A_2 = arith.constant 0 : index
    %get3A_3 = arith.constant 0 : index
    %get3A_4 = vector.load %arg2[%get3A_2, %get3A_3] : memref<128x128xf32, #tpu.memory_space<vmem>>, vector<128x128xf32>
    %dot_general3A = arith.constant dense<0.000000e+00> : vector<1000x128xf32>
    %dot_general3A_5 = tpu.matmul %get3A_1, %get3A_4, %dot_general3A {dimension_numbers = #tpu.dot_dimension_numbers<[1], [0], [0], [1], [0, 0, 1, 1], [], []>, transpose_lhs_hint = false} : vector<1000x128xf32>, vector<128x128xf32>, vector<1000x128xf32> -> vector<1000x128xf32>
    %swap3A = arith.constant 0 : index
    %swap3A_6 = arith.constant 0 : index
    %swap3A_7 = vector.load %arg3[%swap3A, %swap3A_6] : memref<1000x128xf32, #tpu.memory_space<vmem>>, vector<1000x128xf32>
    tpu.vector_store %arg3[%swap3A, %swap3A_6], %dot_general3A_5 {strides = array<i32>} : memref<1000x128xf32, #tpu.memory_space<vmem>>, vector<1000x128xf32>,
    return
  }
  func.func @transform_0(%arg0: i32) -> (i32, i32) {
    %c0_i32 = arith.constant 0 : i32
    %c0_i32_0 = arith.constant 0 : i32
    return %arg0, %c0_i32 : i32, i32
  }
  func.func @transform_1(%arg0: i32) -> (i32, i32) {
    %c0_i32 = arith.constant 0 : i32
    %c0_i32_0 = arith.constant 0 : i32
    %c0_i32_1 = arith.constant 0 : i32
    return %c0_i32, %c0_i32_0 : i32, i32
  }
  func.func @transform_2(%arg0: i32) -> (i32, i32) {
    %c0_i32 = arith.constant 0 : i32
    %c0_i32_0 = arith.constant 0 : i32
    return %arg0, %c0_i32 : i32, i32
  }
}

</mosaic_0001>

<sc_bundles>
// kernel: kernel.5.cloned.1.call-start
scs
__scs_entry_jumppad:
0x0: {  	(pc) =	sbr.rel $0x88, $3  }
0x1: {  	(tag) =	ssettag $0x0;
	lr =	simm.s32 $0x1  }
0x2: {  	[smem:$0x3F9D] =	sst lr;
	_ =	strace $0xD0000000  }
0x3: {  	_ = 	snop  }
0x4: {  	_ = 	snop  }
0x5: {  	_ = 	snop  }
0x6: {  	_ = 	snop  }
0x7: {  	_ = 	snop  }
__scs_overlays_trampoline_lowered:
0x8: {  	[smem:$0x3FAC] =	sst s0  }
0x9: {  	[smem:$0x3FAD] =	sst s1  }
0xa: {  	[smem:$0x3FAE] =	sst s2  }
0xb: {  	[smem:$0x3FAF] =	sst s3  }
0xc: {  	[smem:$0x3FB0] =	sst s4  }
0xd: {  	[smem:$0x3FB1] =	sst s5  }
0xe: {  	[smem:$0x3FB2] =	sst s6  }
0xf: {  	[smem:$0x3FB3] =	sst s7  }
0x10: {  	[smem:$0x3FB4] =	sst s8  }
0x11: {  	[smem:$0x3FB5] =	sst s9;
	s0 =	simm.s32 @!p0 $0x0  }
0x12: {  	s1 =	sld [smem:$0x3F9B];
	s0 =	simm.s32 @p0 $0x1  }
0x13: {  	[smem:$0x3FB6] =	sst s0;
	s0 =	simm.s32 @!p1 $0x0  }
0x14: {  	s2 =	sld [smem:$0x3F9A];
	s0 =	simm.s32 @p1 $0x1  }
0x15: {  	[smem:$0x3FB7] =	sst s0;
	s0 =	simm.s32 @!p2 $0x0  }
0x16: {  	s3 =	sld [smem:$0x3FDB];
	s0 =	simm.s32 @p2 $0x1  }
0x17: {  	s4 =	simm.s32 $0x1BF5;
	[smem:$0x3FB9] =	sst s0  }
0x18: {  	s0 =	sld [smem:$0x3F9C];
	_ =	swait.ge [sflag:s4], $0x0  }
0x19: {  	s7 =	sld [smem:$0x3F9D]  }
0x1a: {  	s8 =	sadd.s32 $0xFFFFE003, lr  }
0x1b: {  	s9 =	sadd.s32 $0xFFFFFEF7, lr;
	s5 =	simm.s32 $0xFFFFFFFF;
	p2 =	slt.u32 s8, $0xFFFFF086  }
0x1c: {  	p1 =	slt.u32 s9, $0xF7A;
	s5 =	simm.s32 @!p2 $0x0  }
0x1d: {  	s5 =	simm.s32 @p1 $0x1;
	p0 =	seq.s32 s7, s2  }
0x1e: {  	s7 =	smul.u32 @!p0 $0xF7A, s2;
	p2 =	seq.s32 @!p0 s5, $0x0  }
0x1f: {  	s9 =	smul.u32 $0xF7A, s1;
	s8 =	simm.s32 @!p0 $0x1BF5;
	p2 =	por !p2, p0  }
0x20: {  	[sflag:s8] =	ssyncset.s32 @!p0 $0xFFFFF086;
	s6 =	sadd.s32 @!p0 s3, s7;
	s7 =	simm.s32 @!p0 $0x108  }
0x21: {  	s3 =	sadd.s32 s3, s9;
	s6 =	sadd.s32 @!p0 $0x88, s6;
	s7 =	simm.s32 @p2 $0x1082  }
0x22: {  	[simem:s7], [sflag:s8] =	dma.local @!p0 [hbm:s6], $0xF7A  }
0x23: {  	s9 =	sor.u32 $0xD0000000, s2;
	s6 =	simm.s32 $0x108;
	_ =	swait.ge @!p0 [sflag:s8], $0x0  }
0x24: {  	s3 =	sadd.s32 $0x88, s3;
	s6 =	simm.s32 @!p1 $0x1082;
	[sflag:s4] =	ssyncset.s32 $0xFFFFF086  }
0x25: {  	[simem:s6], [sflag:s4] =	dma.local [hbm:s3], $0xF7A  }
0x26: {  	[smem:$0x3F9D] =	sst s1;
	(tag) =	ssettag s2;
	_ =	strace s9  }
0x27: {  	s1 =	sld [smem:$0x3FAD]  }
0x28: {  	s2 =	sld [smem:$0x3FAE]  }
0x29: {  	s4 =	sld [smem:$0x3FB0]  }
0x2a: {  	p0 =	seq.s32 s5, $0x0;
	s5 =	sld [smem:$0x3FB1]  }
0x2b: {  	s6 =	sld [smem:$0x3FB2]  }
0x2c: {  	s7 =	sld [smem:$0x3FB3]  }
0x2d: {  	s3 =	simm.s32 $0x108;
	s8 =	sld [smem:$0x3FB4]  }
0x2e: {  	s3 =	simm.s32 @!p0 $0x1082;
	s9 =	sld [smem:$0x3FB5]  }
0x2f: {  	lr =	sadd.s32 s0, s3;
	s0 =	sld [smem:$0x3FAC]  }
0x30: {  	s3 =	sld [smem:$0x3FAF]  }
0x31: {  	[smem:$0x3FB8] =	sst s10  }
0x32: {  	s10 =	sld [smem:$0x3FB6];
	_ =	sdelay $0x3  }
0x33: {  	p0 =	seq.s32 s10, $0x1;
	s10 =	sld [smem:$0x3FB8];
	_ =	sdelay $0x3  }
0x34: {  	[smem:$0x3FB8] =	sst s10  }
0x35: {  	s10 =	sld [smem:$0x3FB7];
	_ =	sdelay $0x3  }
0x36: {  	p1 =	seq.s32 s10, $0x1;
	s10 =	sld [smem:$0x3FB8];
	_ =	sdelay $0x3  }
0x37: {  	[smem:$0x3FB8] =	sst s10  }
0x38: {  	s10 =	sld [smem:$0x3FB9]  }
0x39: {  	_ = 	snop;
	(pc) =	sbr.ind lr, $3  }
0x3a: {  	_ = 	snop  }
0x3b: {  	_ = 	snop  }
0x3c: {  	p2 =	seq.s32 s10, $0x1;
	s10 =	sld [smem:$0x3FB8]  }
0x3d: {  	_ =	shalt  }
0x3e: {  	_ =	shalt  }
0x3f: {  	_ =	shalt  }
0x40: {  	_ =	shalt  }
0x41: {  	_ =	shalt  }
0x42: {  	_ =	shalt  }
0x43: {  	_ =	shalt  }
0x44: {  	_ =	shalt  }
0x45: {  	_ =	shalt  }
0x46: {  	_ =	shalt  }
0x47: {  	_ =	shalt  }
0x48: {  	_ =	shalt  }
0x49: {  	_ =	shalt  }
0x4a: {  	_ =	shalt  }
0x4b: {  	_ =	shalt  }
0x4c: {  	_ =	shalt  }
0x4d: {  	_ =	shalt  }
0x4e: {  	_ =	shalt  }
0x4f: {  	_ =	shalt  }
0x50: {  	_ =	shalt  }
0x51: {  	_ =	shalt  }
0x52: {  	_ =	shalt  }
0x53: {  	_ =	shalt  }
0x54: {  	_ =	shalt  }
0x55: {  	_ =	shalt  }
0x56: {  	_ =	shalt  }
0x57: {  	_ =	shalt  }
0x58: {  	_ =	shalt  }
0x59: {  	_ =	shalt  }
0x5a: {  	_ =	shalt  }
0x5b: {  	_ =	shalt  }
0x5c: {  	_ =	shalt  }
0x5d: {  	_ =	shalt  }
0x5e: {  	_ =	shalt  }
0x5f: {  	_ =	shalt  }
0x60: {  	_ =	shalt  }
0x61: {  	_ =	shalt  }
0x62: {  	_ =	shalt  }
0x63: {  	_ =	shalt  }
0x64: {  	_ =	shalt  }
0x65: {  	_ =	shalt  }
0x66: {  	_ =	shalt  }
0x67: {  	_ =	shalt  }
0x68: {  	_ =	shalt  }
0x69: {  	_ =	shalt  }
0x6a: {  	_ =	shalt  }
0x6b: {  	_ =	shalt  }
0x6c: {  	_ =	shalt  }
0x6d: {  	_ =	shalt  }
0x6e: {  	_ =	shalt  }
0x6f: {  	_ =	shalt  }
0x70: {  	_ =	shalt  }
0x71: {  	_ =	shalt  }
0x72: {  	_ =	shalt  }
0x73: {  	_ =	shalt  }
0x74: {  	_ =	shalt  }
0x75: {  	_ =	shalt  }
0x76: {  	_ =	shalt  }
0x77: {  	_ =	shalt  }
0x78: {  	_ =	shalt  }
0x79: {  	_ =	shalt  }
0x7a: {  	_ =	shalt  }
0x7b: {  	_ =	shalt  }
0x7c: {  	_ =	shalt  }
0x7d: {  	_ =	shalt  }
0x7e: {  	_ =	shalt  }
0x7f: {  	_ =	shalt  }
0x80: {  	_ =	shalt  }
0x81: {  	_ =	shalt  }
0x82: {  	_ =	shalt  }
0x83: {  	_ =	shalt  }
0x84: {  	_ =	shalt  }
0x85: {  	_ =	shalt  }
0x86: {  	_ =	shalt  }
0x87: {  	_ =	shalt  }
.Lfunc_end0:
.L_simem_size_0:
called_computation_lowered:
.L_overlay_start_0:
0x88: {  	s2 =	sld [smem:$0x3FD9]  }
0x89: {  	s3 =	sld [smem:$0x3FFE];
	_ =	sdelay $0x1  }
0x8a: {  	s1 =	srdreg.scid  }
0x8b: {  	s0 =	sand.u32 $0x1, s1  }
0x8c: {  	s17 =	sshll.u32 s0, $0xA;
	s2 =	sadd.s32 s3, s2  }
0x8d: {  	s2 =	sadd.s32 s2, s17  }
0x8e: {  	[smem:$0x3FC4] =	sst s2  }
0x8f: {  	_ = 	snop  }
0x90: {  	s2 =	sld [smem:$0x3FD0];
	(tm) =	ssettm $0x1  }
0x91: {  	s18 =	sld [smem:$0x3FFB];
	_ =	sdelay $0x3  }
0x92: {  	_ =	strace s18  }
0x93: {  	s3 =	sld [smem:$0x3FFC];
	_ =	sdelay $0x3  }
0x94: {  	_ =	strace s3  }
0x95: {  	s3 =	sld [smem:$0x3FFD];
	_ =	sdelay $0x3  }
0x96: {  	_ =	strace s3  }
0x97: {  	_ =	strace $0x8FFFFFFF  }
0x98: {  	s19 =	sld [smem:$0x3FDB];
	_ =	sdelay $0x1  }
0x99: {  	s4 =	simm.s32 $_scs_section_size  }
0x9a: {  	s5 =	simm.s32 $_size__tile_overlayer_lowered;
	s6 =	simm.s32 $_tile_overlayer_lowered  }
0x9b: {  	s22 =	simm.s32 $0x1BFF;
	s21 =	sshll.u32 s6, $0x1;
	s3 =	sadd.s32 s4, s19  }
0x9c: {  	s7 =	simm.s32 $0x0;
	s20 =	sshll.u32 s5, $0x1;
	s5 =	sadd.s32 s21, s3  }
0x9d: {  	[timem:s7], [sflag:s22] =	dma.local [hbm:s5], s20  }
0x9e: {  	_ =	swait.ge [sflag:s22], s20  }
0x9f: {  	s4 =	ssub.s32 $0x0, s20;
	[sflag:s22] =	ssyncset.done $0x0  }
0xa0: {  	[sflag:s22] =	ssyncadd.s32 s4;
	_ =	sdelay $0x1  }
0xa1: {  	s23 =	simm.s32 $0x1B8B  }
0xa2: {  	_ =	swait.ge [sflag:s23], $0x1  }
0xa3: {  	[sflag:s23] =	ssyncset.done $0x0  }
0xa4: {  	s25 =	simm.s32 $0x1B8E;
	s24 =	sld [smem:$0x3FFE];
	[sflag:s23] =	ssyncadd.s32 $0xFFFFFFFF  }
0xa5: {  	s26 =	simm.s32 $execute0_lowered;
	[smem:$0x3FD2] =	sst s25  }
0xa6: {  	s5 =	sshll.u32 s26, $0x1;
	_ =	strace $0x80000046;
	[dreg:$0x1] =	wrdreg $0xFFFFFFFF  }
0xa7: {  	s28 =	simm.s32 $_size_execute0_lowered;
	s3 =	sadd.s32 s3, s5;
	[dreg:$0x0] =	wrdreg $0x0  }
0xa8: {  	s5 =	sshll.u32 s28, $0x1;
	[dreg:$0x2] =	wrdreg s3  }
0xa9: {  	[dreg:$0x3] =	wrdreg s5  }
0xaa: {  	[dreg:$0x4] =	wrdreg $0xC0  }
0xab: {  	_ =	task [dreg:s7], $0x5FFFF  }
0xac: {  	[dreg:$0x1] =	wrdreg $0xFFFFFFFF  }
0xad: {  	[dreg:$0x0] =	wrdreg $0x60  }
0xae: {  	[dreg:$0x2] =	wrdreg s2  }
0xaf: {  	[dreg:$0x3] =	wrdreg s24  }
0xb0: {  	[dreg:$0x4] =	wrdreg $0x94200  }
0xb1: {  	[dreg:$0x5] =	wrdreg $0x9  }
0xb2: {  	_ =	task.clear_ibuf [dreg:s7], $0x6FFFF;
	_ =	strace $0x90000046  }
0xb3: {  	s29 =	simm.s32 $0x9;
	_ =	strace $0x80000048  }
0xb4: {  	_ =	swait.ge [sflag:s29], $0x1  }
0xb5: {  	[sflag:s29] =	ssyncadd.s32 $0xFFFFFFFF  }
0xb6: {  	_ =	strace $0x90000048  }
0xb7: {  	_ =	sfence  }
0xb8: {  	s30 =	sld [smem:$0x0];
	_ =	sdelay $0x2  }
0xb9: {  	s31 =	sshll.u32 s1, $0xD;
	s1 =	sshrl.u32 s1, $0x2  }
0xba: {  	s3 =	sand.u32 $0x4000, s31;
	s1 =	sadd.s32 s1, s30  }
0xbb: {  	s0 =	sor.u32 s3, s0;
	s1 =	sshll.u32 s1, $0x11  }
0xbc: {  	s0 =	sor.u32 s1, s0  }
0xbd: {  	s0 =	sadd.s32 $0x8F2B, s0  }
0xbe: {  	[sflag:s0] =	ssyncadd.remote.s32 $0x1  }
0xbf: {  	_ =	sfence.sel $0xFFFF  }
0xc0: {  	[dreg:$0x0] =	wrdreg $0xFFFFFFFF;
	(pc) =	sbr.abs _section_cstart, $3  }
0xc1: {  	[dreg:$0x1] =	wrdreg $0xFFFFFFFF  }
0xc2: {  	_ =	task.clear_ibuf [dreg:s7], $0x2FFFF;
	_ =	strace $0x9FFFFFFF  }
0xc3: {  	(tm) =	ssettm $0x7FFFFFFF  }
tec
execute0_lowered:
.L_overlay_start_1:
0x0: {  	(tag) =	ssettag $0x1  }
0x1: {  	s1 =	rddreg [dreg:$0x0]  }
0x2: {  	s0 =	rddreg [dreg:$0x1]  }
0x3: {  	s2 =	rddreg [dreg:$0x2]  }
0x4: {  	s3 =	srdreg.scid;
	s6 =	simm.s32 $0x0;
	s11 =	stileid.u32  }
0x5: {  	s28 =	simm.s32 $0x1;
	s29 =	simm.s32 $0x120;
	s30 =	simm.s32 $0x3120  }
0x6: {  	s31 =	simm.s32 $0x2;
	s12 =	simm.s32 $0x5;
	s7 =	smul.u32 $0x15400, s11  }
0x7: {  	s13 =	simm.s32 $0x0;
	s3 =	sand.u32 $0x1, s3;
	s23 =	smul.u32 $0x55000, s11  }
0x8: {  	[smem:$0x7FF] =	sst s6;
	s6 =	sadd.s32 $0x400, s0;
	s4 =	smul.u32 $0x154000, s3  }
0x9: {  	s5 =	sshll.u32 s3, $0x4;
	_ =	strace $0x80000047;
	s3 =	ssub.s32 $0x2, s3  }
0xa: {  	s14 =	sor.u32 s11, s5;
	s5 =	sadd.s32 $0xA200, s0;
	s9 =	sshrl.u32 s3, $0x1  }
0xb: {  	s25 =	sadd.s32 s7, s2;
	s26 =	sshrl.u32 s23, $0x2;
	s23 =	simm.s32 $0x60  }
0xc: {  	s8 =	smul.u32 $0x2710, s14;
	s4 =	sadd.s32 s7, s4;
	s3 =	ssub.s32 s3, s9  }
0xd: {  	s7 =	simm.s32 $0x3;
	s9 =	simm.s32 $0x5120;
	s4 =	sshrl.u32 s4, $0x3  }
0xe: {  	s3 =	smax.u32 s3, $0x1;
	s10 =	sshrl.u32 s8, $0x3;
	s0 =	sadd.s32 s4, s0  }
0xf: {  	s22 =	sadd.s32 $0x60, s8;
	s24 =	sadd.s32 $0x80, s8;
	[dreg:$0xe] =	wrdreg s3  }
0x10: {  	s8 =	sadd.s32 $0xA0, s8;
	s3 =	simm.s32 $0x4120;
	[dreg:$0xa] =	wrdreg s22  }
0x11: {  	s15 =	sadd.s32 s5, s10;
	s16 =	sadd.s32 s6, s10;
	[dreg:$0xb] =	wrdreg s24  }
0x12: {  	s17 =	sadd.s32 $0x4, s10;
	s18 =	sadd.s32 $0x8, s10;
	[dreg:$0xc] =	wrdreg s8  }
0x13: {  	s0 =	sadd.s32 $0x14000, s0;
	s22 =	simm.s32 $0x20;
	[dreg:$0x4] =	wrdreg s15  }
0x14: {  	s8 =	simm.s32 $0x2120;
	s10 =	simm.s32 $0x4;
	[dreg:$0x5] =	wrdreg s16  }
0x15: {  	s19 =	sadd.s32 s5, s17;
	s4 =	sadd.s32 s6, s17;
	[dreg:$0xd] =	wrdreg s0  }
0x16: {  	s20 =	sadd.s32 s5, s18;
	s21 =	sadd.s32 s6, s18;
	[dreg:$0x6] =	wrdreg s19  }
0x17: {  	s18 =	sadd.s32 s26, s2;
	s0 =	sshrl.u32 s25, $0x3;
	[dreg:$0x7] =	wrdreg s4  }
0x18: {  	v0 =	vlaneseq.u32;
	s16 =	simm.s32 $0x7220;
	s25 =	simm.s32 $0x6;
	[dreg:$0x8] =	wrdreg s20  }
0x19: {  	v3 =	vshrl.u32 v0, $0x3;
	[dreg:$0x9] =	wrdreg s21;
	s19 =	simm.s32 $0x6120;
	s20 =	simm.s32 $0xA  }
0x1a: {  	v1 =	vimm.f32 $0.0e+00;
	v2 =	vand.u32 $0x7, v0;
	v3 =	vmul.u32 $0x8, v3;
	[dreg:$0xf] =	wrdreg s0;
	s0 =	simm.s32 $0x1120;
	s4 =	simm.s32 $0x8320  }
.LBB2_1:
0x1b: {  	s11 =	simm.s32 $0xFFFFEF00  }
0x1c: {  	[tilespmem:s11+$0x7290] =	vst v1  }
0x1d: {  	[tilespmem:s11+$0x8390] =	vst v1  }
0x1e: {  	[tilespmem:s11+$0x9490] =	vst v1  }
0x1f: {  	[tilespmem:s11+$0x7298] =	vst v1  }
0x20: {  	[dreg:$0x10] =	wrdreg s13;
	s13 =	simm.s32 $0xFFFFBE20;
	[tilespmem:s11+$0x8398] =	vst v1  }
.LBB2_2:
0x21: {  	p0 =	sne.s32 s13, $0xFFFFFDE0;
	[tilespmem:s11+$0x9498] =	vst v1  }
0x22: {  	[tilespmem:s11+$0x7220] =	vst v1  }
0x23: {  	[tilespmem:s11+$0x7230] =	vst v1  }
0x24: {  	[tilespmem:s11+$0x7240] =	vst v1  }
0x25: {  	[tilespmem:s11+$0x7250] =	vst v1  }
0x26: {  	[tilespmem:s11+$0x7260] =	vst v1  }
0x27: {  	[tilespmem:s11+$0x7270] =	vst v1  }
0x28: {  	[tilespmem:s11+$0x7280] =	vst v1  }
0x29: {  	[tilespmem:s11+$0x8320] =	vst v1  }
0x2a: {  	[tilespmem:s11+$0x8330] =	vst v1  }
0x2b: {  	[tilespmem:s11+$0x8340] =	vst v1  }
0x2c: {  	[tilespmem:s11+$0x8350] =	vst v1  }
0x2d: {  	[tilespmem:s11+$0x8360] =	vst v1  }
0x2e: {  	[tilespmem:s11+$0x8370] =	vst v1  }
0x2f: {  	[tilespmem:s11+$0x8380] =	vst v1  }
0x30: {  	[tilespmem:s11+$0x9420] =	vst v1  }
0x31: {  	[tilespmem:s11+$0x9430] =	vst v1  }
0x32: {  	[tilespmem:s11+$0x9440] =	vst v1  }
0x33: {  	[tilespmem:s11+$0x9450] =	vst v1  }
0x34: {  	[tilespmem:s11+$0x9460] =	vst v1  }
0x35: {  	[tilespmem:s11+$0x9470] =	vst v1  }
0x36: {  	[tilespmem:s11+$0x9480] =	vst v1;
	s11 =	sshra.s32 s13, $0x2  }
.Ltmp0:
0x37: {  	[tilespmem:s11+$0x7290] =	vst v1;
	(pc) =	sbr.rel @p0 .LBB2_2-.Ltmp0, $4  }
0x38: {  	[tilespmem:s11+$0x7298] =	vst v1  }
0x39: {  	[tilespmem:s11+$0x8390] =	vst v1  }
0x3a: {  	[tilespmem:s11+$0x8398] =	vst v1  }
0x3b: {  	s13 =	sadd.s32 $0x220, s13;
	[tilespmem:s11+$0x9490] =	vst v1  }
0x3c: {  	[tilespmem:s11+$0x9498] =	vst v1  }
0x3d: {  	[tilespmem:s11+$0x7220] =	vst v1  }
0x3e: {  	[tilespmem:s11+$0x7230] =	vst v1  }
0x3f: {  	[tilespmem:s11+$0x7240] =	vst v1  }
0x40: {  	[tilespmem:s11+$0x7250] =	vst v1  }
0x41: {  	[tilespmem:s11+$0x7260] =	vst v1  }
0x42: {  	[tilespmem:s11+$0x7270] =	vst v1  }
0x43: {  	[tilespmem:s11+$0x7280] =	vst v1  }
0x44: {  	[tilespmem:s11+$0x8320] =	vst v1  }
0x45: {  	[tilespmem:s11+$0x8330] =	vst v1  }
0x46: {  	[tilespmem:s11+$0x8340] =	vst v1  }
0x47: {  	[tilespmem:s11+$0x8350] =	vst v1  }
0x48: {  	[tilespmem:s11+$0x8360] =	vst v1  }
0x49: {  	[tilespmem:s11+$0x8370] =	vst v1  }
0x4a: {  	[tilespmem:s11+$0x8380] =	vst v1  }
0x4b: {  	[tilespmem:s11+$0x9420] =	vst v1  }
0x4c: {  	[tilespmem:s11+$0x9430] =	vst v1  }
0x4d: {  	[tilespmem:s11+$0x9440] =	vst v1  }
0x4e: {  	[tilespmem:s11+$0x9450] =	vst v1  }
0x4f: {  	[tilespmem:s11+$0x9460] =	vst v1  }
0x50: {  	[tilespmem:s11+$0x9470] =	vst v1  }
0x51: {  	[tilespmem:s11+$0x9480] =	vst v1;
	s26 =	sadd.s32 $0x0, s18  }
0x52: {  	[spmem:s26] =	stream.linear.scatter [tilespmem:s19], [sflag:$0xA], $0x1100, $0x38;
	[tilespmem:$0x1E820] =	vst v63  }
0x53: {  	s11 =	simm.s32 $0x4400;
	_ =	swait.ge [sflag:s20], $0x1100  }
.LBB2_4:
0x54: {  	s13 =	sshra.s32 s11, $0x2;
	[sflag:s20] =	ssyncset.done $0x0;
	p0 =	sne.s32 s11, $0x50C00  }
.Ltmp1:
0x55: {  	s13 =	sadd.s32 s13, s18;
	[sflag:s20] =	ssyncadd.s32 $0xFFFFEF00;
	(pc) =	sbr.rel @p0 .LBB2_4-.Ltmp1, $3  }
0x56: {  	[spmem:s13] =	stream.linear.scatter [tilespmem:s19], [sflag:$0xA], $0x1100, $0x38;
	[tilespmem:$0x1E820] =	vst v63  }
0x57: {  	s11 =	sadd.s32 $0x4400, s11;
	_ =	sdelay $0x1  }
0x58: {  	_ =	swait.ge [sflag:s20], $0x1100  }
0x59: {  	[sflag:s20] =	ssyncset.done $0x0  }
0x5a: {  	[sflag:s20] =	ssyncadd.s32 $0xFFFFEF00  }
0x5b: {  	[bflag:$0x0] =	sbarrier.arrive $0xFFFF  }
0x5c: {  	s17 =	simm.s32 $0x0;
	s11 =	rddreg [dreg:$0x4]  }
0x5d: {  	[tilespmem:s17], [sflag:$0x1] =	stream.linear.gather [hbm4b:s11+s17], $0x20, $0x38;
	[tilespmem:$0x1E820] =	vst v63  }
0x5e: {  	s13 =	rddreg [dreg:$0x5]  }
0x5f: {  	[tilespmem:s23], [sflag:$0x1] =	stream.linear.gather [hbm4b:s13+s17], $0x20, $0x38;
	[tilespmem:$0x1E820] =	vst v63  }
0x60: {  	s14 =	rddreg [dreg:$0x6]  }
0x61: {  	[tilespmem:s22], [sflag:$0x2] =	stream.linear.gather [hbm4b:s14+s17], $0x20, $0x38;
	[tilespmem:$0x1E820] =	vst v63  }
0x62: {  	s15 =	rddreg [dreg:$0x7];
	s13 =	simm.s32 $0x80  }
0x63: {  	[tilespmem:s13], [sflag:$0x2] =	stream.linear.gather [hbm4b:s15+s17], $0x20, $0x38;
	[tilespmem:$0x1E820] =	vst v63  }
0x64: {  	s21 =	rddreg [dreg:$0x8];
	s14 =	simm.s32 $0x40  }
0x65: {  	[tilespmem:s14], [sflag:$0x3] =	stream.linear.gather [hbm4b:s21+s17], $0x20, $0x38;
	[tilespmem:$0x1E820] =	vst v63  }
0x66: {  	s26 =	simm.s32 $0xA0;
	s24 =	rddreg [dreg:$0x9]  }
0x67: {  	[tilespmem:s26], [sflag:$0x3] =	stream.linear.gather [hbm4b:s24+s17], $0x20, $0x38;
	[tilespmem:$0x1E820] =	vst v63  }
0x68: {  	_ =	swait.ge [sflag:s28], $0x20  }
0x69: {  	[sflag:s28] =	ssyncset.done $0x0  }
0x6a: {  	[sflag:s28] =	ssyncadd.s32 $0xFFFFFFE0  }
0x6b: {  	_ =	swait.ge [sflag:s28], $0x20  }
0x6c: {  	[sflag:s28] =	ssyncset.done $0x0  }
0x6d: {  	[sflag:s28] =	ssyncadd.s32 $0xFFFFFFE0  }
0x6e: {  	[tilespmem:s29], [sflag:$0x4] =	stream.indirect.gather [hbm4b:s1+s22], $0x80, s17, s22, $0xb8;
	[tilespmem:$0x1E820] =	vst v63  }
0x6f: {  	_ = 	snop  }
0x70: {  	[tilespmem:s30], [sflag:$0x4] =	stream.indirect.gather [hbm4b:s1+s22], $0x80, s23, s22, $0xb8;
	[tilespmem:$0x1E820] =	vst v63  }
0x71: {  	_ =	swait.ge [sflag:s31], $0x20  }
0x72: {  	[sflag:s31] =	ssyncset.done $0x0  }
0x73: {  	[sflag:s31] =	ssyncadd.s32 $0xFFFFFFE0  }
0x74: {  	_ =	swait.ge [sflag:s31], $0x20  }
0x75: {  	[sflag:s31] =	ssyncset.done $0x0  }
0x76: {  	[sflag:s31] =	ssyncadd.s32 $0xFFFFFFE0  }
0x77: {  	[tilespmem:s0], [sflag:$0x5] =	stream.indirect.gather [hbm4b:s1+s22], $0x80, s22, s22, $0xb8;
	[tilespmem:$0x1E820] =	vst v63  }
0x78: {  	s11 =	simm.s32 $0x0  }
0x79: {  	[tilespmem:s3], [sflag:$0x5] =	stream.indirect.gather [hbm4b:s1+s22], $0x80, s13, s22, $0xb8;
	[tilespmem:$0x1E820] =	vst v63  }
.LBB2_6:
0x7a: {  	_ =	swait.ge [sflag:s7], $0x20  }
0x7b: {  	[sflag:s7] =	ssyncset.done $0x0  }
0x7c: {  	[sflag:s7] =	ssyncadd.s32 $0xFFFFFFE0  }
0x7d: {  	_ =	swait.ge [sflag:s7], $0x20  }
0x7e: {  	[sflag:s7] =	ssyncset.done $0x0  }
0x7f: {  	s13 =	simm.s32 $0x40;
	[sflag:s7] =	ssyncadd.s32 $0xFFFFFFE0  }
0x80: {  	[tilespmem:s8], [sflag:$0x6] =	stream.indirect.gather [hbm4b:s1+s22], $0x80, s13, s22, $0xb8;
	[tilespmem:$0x1E820] =	vst v63  }
0x81: {  	s24 =	simm.s32 $0xA0  }
0x82: {  	[tilespmem:s9], [sflag:$0x6] =	stream.indirect.gather [hbm4b:s1+s22], $0x80, s24, s22, $0xb8;
	[tilespmem:$0x1E820] =	vst v63  }
0x83: {  	_ =	swait.ge [sflag:s10], $0x1000  }
0x84: {  	[sflag:s10] =	ssyncset.done $0x0  }
0x85: {  	[sflag:s10] =	ssyncadd.s32 $0xFFFFF000  }
0x86: {  	_ =	swait.ge [sflag:s10], $0x1000  }
0x87: {  	p0 =	seq.s32 s11, $0x0;
	[sflag:s10] =	ssyncset.done $0x0  }
0x88: {  	s13 =	simm.s32 @!p0 $0x7;
	[sflag:s10] =	ssyncadd.s32 $0xFFFFF000  }
0x89: {  	_ =	swait.ge @!p0 [sflag:s13], $0x1100  }
0x8a: {  	[sflag:s13] =	ssyncset.done @!p0 $0x0  }
0x8b: {  	[sflag:s13] =	ssyncadd.s32 @!p0 $0xFFFFEF00  }
0x8c: {  	v4 =	vld [tilespmem:$0x0]  }
0x8d: {  	s13 =	smul.u32 $0x60, s11;
	v5 =	vld [tilespmem:$0x10];
	_ =	sdelay $0x1  }
0x8e: {  	s15 =	rddreg [dreg:$0xa];
	s14 =	smin.u32 s13, $0x2690  }
0x8f: {  	s14 =	sadd.s32 s14, s15  }
0x90: {  	s14 =	sshrl.u32 s14, $0x3;
	[tilespmem:$0xC0] =	vst v4  }
0x91: {  	s26 =	sadd.s32 s5, s14;
	[tilespmem:$0xD0] =	vst v5  }
0x92: {  	[tilespmem:s17], [sflag:$0x1] =	stream.linear.gather [hbm4b:s26+s17], $0x20, $0x38;
	[tilespmem:$0x1E820] =	vst v63  }
0x93: {  	s14 =	sadd.s32 s6, s14  }
0x94: {  	[tilespmem:s23], [sflag:$0x1] =	stream.linear.gather [hbm4b:s14+s17], $0x20, $0x38;
	[tilespmem:$0x1E820] =	vst v63  }
0x95: {  	p2 =	por $0x1, $0x1;
	s14 =	simm.s32 $0x0  }
.LBB2_7:
0x96: {  	v7 =	vor.u32 s14, v0  }
0x97: {  	v4 =	vshll.u32 v7, $0x7  }
0x98: {  	s26 =	simm.s32 $0x0;
	s15 =	simm.s32 $0x1;
	v5 =	vor.u32 v0, v4  }
0x99: {  	v8 =	vadd.s32 s15, v0;
	v6 =	vor.u32 s26, v5  }
0x9a: {  	s21 =	simm.s32 $0x2;
	v8 =	vand.u32 $0x7F, v8  }
0x9b: {  	v9 =	vadd.s32 s21, v0;
	v8 =	vor.u32 v4, v8  }
0x9c: {  	s24 =	simm.s32 $0x3;
	v9 =	vand.u32 $0x7F, v9  }
0x9d: {  	v10 =	vadd.s32 s24, v0;
	v9 =	vor.u32 v4, v9  }
0x9e: {  	v10 =	vand.u32 $0x7F, v10;
	s26 =	simm.s32 $0x4;
	v11 =	vld.idx.msk [tilespmem:v6+s29+$0x0], $0xffff  }
0x9f: {  	v10 =	vor.u32 v4, v10;
	v12 =	vadd.s32 s26, v0;
	v6 =	vld.idx.msk [tilespmem:v6+s30+$0x0], $0xffff  }
0xa0: {  	s15 =	simm.s32 $0x5;
	v12 =	vand.u32 $0x7F, v12;
	v13 =	vld.idx.msk [tilespmem:v8+s29+$0x0], $0xffff  }
0xa1: {  	v14 =	vadd.s32 s15, v0;
	v12 =	vor.u32 v4, v12;
	v8 =	vld.idx.msk [tilespmem:v8+s30+$0x0], $0xffff  }
0xa2: {  	s21 =	simm.s32 $0x6;
	v14 =	vand.u32 $0x7F, v14;
	v15 =	vld.idx.msk [tilespmem:v9+s29+$0x0], $0xffff  }
0xa3: {  	v16 =	vadd.s32 s21, v0;
	v14 =	vor.u32 v4, v14;
	v9 =	vld.idx.msk [tilespmem:v9+s30+$0x0], $0xffff  }
0xa4: {  	s24 =	simm.s32 $0x7;
	v16 =	vand.u32 $0x7F, v16;
	v17 =	vld.idx.msk [tilespmem:v10+s29+$0x0], $0xffff  }
0xa5: {  	v18 =	vadd.s32 s24, v0;
	s26 =	simm.s32 $0x8;
	v10 =	vld.idx.msk [tilespmem:v10+s30+$0x0], $0xffff;
	v6 =	vmul.f32 v6, v11;
	v11 =	vor.u32 v4, v16  }
0xa6: {  	v18 =	vand.u32 $0x7F, v18;
	v20 =	vadd.s32 s26, v0;
	v19 =	vld.idx.msk [tilespmem:v12+s29+$0x0], $0xffff;
	v16 =	vimm.f32 $0.0e+00  }
0xa7: {  	s15 =	simm.s32 $0x9;
	v12 =	vld.idx.msk [tilespmem:v12+s30+$0x0], $0xffff;
	v8 =	vmul.f32 v8, v13;
	v13 =	vor.u32 v4, v18;
	v16 =	vadd.f32 v6, v16  }
0xa8: {  	v21 =	vadd.s32 s15, v0;
	v20 =	vand.u32 $0x78, v20;
	v18 =	vld.idx.msk [tilespmem:v14+s29+$0x0], $0xffff;
	v6 =	vor.u32 v2, v4  }
0xa9: {  	s21 =	simm.s32 $0xA;
	v9 =	vmul.f32 v9, v15;
	v14 =	vld.idx.msk [tilespmem:v14+s30+$0x0], $0xffff;
	v15 =	vor.u32 v20, v6;
	v8 =	vadd.f32 v8, v16  }
0xaa: {  	v59 =	vadd.s32 s21, v0;
	v20 =	vand.u32 $0x7F, v21;
	v16 =	vld.idx.msk [tilespmem:v11+s29+$0x0], $0xffff  }
0xab: {  	s24 =	simm.s32 $0xB;
	v8 =	vadd.f32 v9, v8;
	v9 =	vmul.f32 v10, v17;
	v10 =	vld.idx.msk [tilespmem:v11+s30+$0x0], $0xffff;
	v11 =	vor.u32 v4, v20  }
0xac: {  	v60 =	vadd.s32 s24, v0;
	v17 =	vld.idx.msk [tilespmem:v13+s29+$0x0], $0xffff;
	v20 =	vand.u32 $0x7F, v59  }
0xad: {  	s26 =	simm.s32 $0xC;
	v8 =	vadd.f32 v9, v8;
	v9 =	vmul.f32 v12, v19;
	v12 =	vld.idx.msk [tilespmem:v13+s30+$0x0], $0xffff;
	v13 =	vor.u32 v4, v20  }
0xae: {  	v61 =	vadd.s32 s26, v0;
	v19 =	vld.idx.msk [tilespmem:v15+s29+$0x0], $0xffff;
	v20 =	vand.u32 $0x7F, v60  }
0xaf: {  	v8 =	vadd.f32 v9, v8;
	v9 =	vmul.f32 v14, v18;
	v14 =	vld.idx.msk [tilespmem:v15+s30+$0x0], $0xffff;
	v15 =	vor.u32 v4, v20  }
0xb0: {  	v20 =	vand.u32 $0x7F, v61;
	v18 =	vld.idx.msk [tilespmem:v11+s29+$0x0], $0xffff  }
0xb1: {  	s15 =	simm.s32 $0xD;
	v11 =	vld.idx.msk [tilespmem:v11+s30+$0x0], $0xffff;
	v8 =	vadd.f32 v9, v8;
	v9 =	vmul.f32 v10, v16;
	v16 =	vor.u32 v4, v20  }
0xb2: {  	v62 =	vadd.s32 s15, v0;
	v20 =	vld.idx.msk [tilespmem:v13+s29+$0x0], $0xffff  }
0xb3: {  	v10 =	vand.u32 $0x7F, v62;
	v63 =	vld.idx.msk [tilespmem:v13+s30+$0x0], $0xffff;
	v8 =	vadd.f32 v9, v8;
	v9 =	vmul.f32 v12, v17  }
0xb4: {  	s21 =	simm.s32 $0xE;
	v22 =	vor.u32 v4, v10;
	v10 =	vld.idx.msk [tilespmem:v15+s29+$0x0], $0xffff  }
0xb5: {  	v12 =	vadd.s32 s21, v0;
	v13 =	vmul.f32 v14, v19;
	v14 =	vld.idx.msk [tilespmem:v15+s30+$0x0], $0xffff;
	v8 =	vadd.f32 v9, v8  }
0xb6: {  	s24 =	simm.s32 $0xF;
	v12 =	vand.u32 $0x7F, v12;
	v9 =	vld.idx.msk [tilespmem:v16+s29+$0x0], $0xffff  }
0xb7: {  	v15 =	vadd.s32 s24, v0;
	v17 =	vadd.f32 v13, v8;
	v13 =	vld.idx.msk [tilespmem:v16+s30+$0x0], $0xffff;
	v16 =	vor.u32 v4, v12  }
0xb8: {  	v15 =	vand.u32 $0x7F, v15  }
0xb9: {  	s26 =	simm.s32 $0x11;
	v19 =	vmul.f32 v11, v18;
	v12 =	vor.u32 v4, v15  }
0xba: {  	s14 =	simm.s32 $0x10;
	v18 =	vadd.s32 s26, v0;
	v11 =	vld.idx.msk [tilespmem:v22+s29+$0x0], $0xffff  }
0xbb: {  	p1 =	por p2, p2;
	s15 =	simm.s32 $0x20;
	s24 =	simm.s32 $0x12;
	v8 =	vor.u32 s14, v5;
	v15 =	vld.idx.msk [tilespmem:v22+s30+$0x0], $0xffff;
	v17 =	vadd.f32 v19, v17;
	v19 =	vmul.f32 v63, v20  }
.LBB2_8:
0xbc: {  	p2 =	slt.u32 s15, $0x70;
	v18 =	vand.u32 $0x7F, v18;
	v20 =	vadd.s32 s24, v0;
	v21 =	vld.idx.msk [tilespmem:v16+s29+$0x0], $0xffff  }
0xbd: {  	s24 =	sadd.s32 $0x3, s14;
	v10 =	vmul.f32 v14, v10;
	v18 =	vor.u32 v4, v18;
	v17 =	vadd.f32 v19, v17;
	v14 =	vld.idx.msk [tilespmem:v16+s30+$0x0], $0xffff  }
0xbe: {  	v16 =	vand.u32 $0x7F, v20;
	v19 =	vadd.s32 s24, v0;
	v20 =	vld.idx.msk [tilespmem:v12+s29+$0x0], $0xffff  }
0xbf: {  	s24 =	sadd.s32 $0x4, s14;
	v16 =	vor.u32 v4, v16;
	v9 =	vmul.f32 v13, v9;
	v10 =	vadd.f32 v10, v17;
	v12 =	vld.idx.msk [tilespmem:v12+s30+$0x0], $0xffff  }
0xc0: {  	v17 =	vand.u32 $0x7F, v19;
	v19 =	vadd.s32 s24, v0;
	v13 =	vld.idx.msk [tilespmem:v8+s29+$0x0], $0xffff  }
0xc1: {  	s24 =	sadd.s32 $0x5, s14;
	v17 =	vor.u32 v4, v17;
	v8 =	vld.idx.msk [tilespmem:v8+s30+$0x0], $0xffff;
	v9 =	vadd.f32 v9, v10;
	v10 =	vmul.f32 v15, v11  }
0xc2: {  	v15 =	vand.u32 $0x7F, v19;
	v19 =	vadd.s32 s24, v0;
	v11 =	vld.idx.msk [tilespmem:v18+s29+$0x0], $0xffff  }
0xc3: {  	s24 =	sadd.s32 $0x6, s14;
	v15 =	vor.u32 v4, v15;
	v18 =	vld.idx.msk [tilespmem:v18+s30+$0x0], $0xffff;
	v9 =	vadd.f32 v10, v9;
	v10 =	vmul.f32 v14, v21  }
0xc4: {  	v19 =	vand.u32 $0x7F, v19;
	v21 =	vadd.s32 s24, v0;
	v14 =	vld.idx.msk [tilespmem:v16+s29+$0x0], $0xffff  }
0xc5: {  	v19 =	vor.u32 v4, v19;
	s24 =	sadd.s32 $0x7, s14;
	v16 =	vld.idx.msk [tilespmem:v16+s30+$0x0], $0xffff;
	v9 =	vadd.f32 v10, v9;
	v10 =	vmul.f32 v12, v20  }
0xc6: {  	v20 =	vand.u32 $0x7F, v21;
	v21 =	vadd.s32 s24, v0;
	v12 =	vld.idx.msk [tilespmem:v17+s29+$0x0], $0xffff  }
0xc7: {  	s24 =	sadd.s32 $0x8, s14;
	v8 =	vmul.f32 v8, v13;
	v13 =	vld.idx.msk [tilespmem:v17+s30+$0x0], $0xffff;
	v17 =	vor.u32 v4, v20;
	v9 =	vadd.f32 v10, v9  }
0xc8: {  	v20 =	vand.u32 $0x7F, v21;
	v21 =	vadd.s32 s24, v0;
	v10 =	vld.idx.msk [tilespmem:v15+s29+$0x0], $0xffff  }
0xc9: {  	s24 =	sadd.s32 $0x9, s14;
	v8 =	vadd.f32 v8, v9;
	v9 =	vmul.f32 v18, v11;
	v11 =	vld.idx.msk [tilespmem:v15+s30+$0x0], $0xffff;
	v15 =	vor.u32 v4, v20  }
0xca: {  	v20 =	vand.u32 $0x78, v21;
	v21 =	vadd.s32 s24, v0;
	v18 =	vld.idx.msk [tilespmem:v19+s29+$0x0], $0xffff  }
0xcb: {  	s24 =	sadd.s32 $0xA, s14;
	v8 =	vadd.f32 v9, v8;
	v9 =	vmul.f32 v16, v14;
	v14 =	vld.idx.msk [tilespmem:v19+s30+$0x0], $0xffff;
	v16 =	vor.u32 v20, v6  }
0xcc: {  	v20 =	vand.u32 $0x7F, v21;
	v21 =	vadd.s32 s24, v0;
	v19 =	vld.idx.msk [tilespmem:v17+s29+$0x0], $0xffff  }
0xcd: {  	s24 =	sadd.s32 $0xB, s14;
	v8 =	vadd.f32 v9, v8;
	v9 =	vmul.f32 v13, v12;
	v12 =	vld.idx.msk [tilespmem:v17+s30+$0x0], $0xffff;
	v13 =	vor.u32 v4, v20  }
0xce: {  	v20 =	vand.u32 $0x7F, v21;
	v21 =	vadd.s32 s24, v0;
	v17 =	vld.idx.msk [tilespmem:v15+s29+$0x0], $0xffff  }
0xcf: {  	s24 =	sadd.s32 $0xC, s14;
	v8 =	vadd.f32 v9, v8;
	v9 =	vmul.f32 v11, v10;
	v10 =	vld.idx.msk [tilespmem:v15+s30+$0x0], $0xffff;
	v11 =	vor.u32 v4, v20  }
0xd0: {  	v20 =	vand.u32 $0x7F, v21;
	v21 =	vadd.s32 s24, v0;
	v15 =	vld.idx.msk [tilespmem:v16+s29+$0x0], $0xffff  }
0xd1: {  	s24 =	sadd.s32 $0xD, s14;
	v8 =	vadd.f32 v9, v8;
	v9 =	vmul.f32 v14, v18;
	v14 =	vld.idx.msk [tilespmem:v16+s30+$0x0], $0xffff;
	v16 =	vor.u32 v4, v20  }
0xd2: {  	v20 =	vand.u32 $0x7F, v21;
	v21 =	vadd.s32 s24, v0;
	v18 =	vld.idx.msk [tilespmem:v13+s29+$0x0], $0xffff  }
0xd3: {  	s24 =	sadd.s32 $0xE, s14;
	v8 =	vadd.f32 v9, v8;
	v9 =	vmul.f32 v12, v19;
	v12 =	vld.idx.msk [tilespmem:v13+s30+$0x0], $0xffff;
	v13 =	vor.u32 v4, v20  }
0xd4: {  	v20 =	vand.u32 $0x7F, v21;
	v21 =	vadd.s32 s24, v0;
	v19 =	vld.idx.msk [tilespmem:v11+s29+$0x0], $0xffff  }
0xd5: {  	s24 =	sadd.s32 $0xF, s14;
	s14 =	smov.u32 s15;
	v20 =	vor.u32 v4, v20;
	v8 =	vadd.f32 v9, v8;
	v9 =	vmul.f32 v10, v17;
	v22 =	vld.idx.msk [tilespmem:v11+s30+$0x0], $0xffff  }
0xd6: {  	v11 =	vand.u32 $0x7F, v21;
	v17 =	vadd.s32 s24, v0;
	v10 =	vld.idx.msk [tilespmem:v16+s29+$0x0], $0xffff  }
.Ltmp2:
0xd7: {  	v15 =	vmul.f32 v14, v15;
	v8 =	vadd.f32 v9, v8;
	v14 =	vld.idx.msk [tilespmem:v16+s30+$0x0], $0xffff;
	v16 =	vor.u32 v4, v11;
	(pc) =	sbr.rel @p2 .LBB2_8-.Ltmp2, $4  }
0xd8: {  	v11 =	vand.u32 $0x7F, v17;
	v9 =	vld.idx.msk [tilespmem:v13+s29+$0x0], $0xffff  }
0xd9: {  	v17 =	vmul.f32 v12, v18;
	v12 =	vor.u32 v4, v11;
	v15 =	vadd.f32 v15, v8;
	v13 =	vld.idx.msk [tilespmem:v13+s30+$0x0], $0xffff  }
0xda: {  	s24 =	sadd.s32 $0x1, s15;
	v8 =	vor.u32 s15, v5;
	v11 =	vld.idx.msk [tilespmem:v20+s29+$0x0], $0xffff  }
0xdb: {  	v18 =	vadd.s32 s24, v0;
	s24 =	sadd.s32 $0x2, s14;
	s15 =	sadd.s32 $0x10, s15;
	v19 =	vmul.f32 v22, v19;
	v17 =	vadd.f32 v17, v15;
	v15 =	vld.idx.msk [tilespmem:v20+s30+$0x0], $0xffff  }
0xdc: {  	_ =	sdelay $0x3  }
0xdd: {  	v18 =	vand.u32 $0x7F, v18;
	v20 =	vld.idx.msk [tilespmem:v16+s29+$0x0], $0xffff;
	v10 =	vmul.f32 v14, v10;
	v17 =	vadd.f32 v19, v17  }
0xde: {  	v14 =	vadd.s32 s24, v0;
	v16 =	vld.idx.msk [tilespmem:v16+s30+$0x0], $0xffff;
	v18 =	vor.u32 v4, v18  }
0xdf: {  	s15 =	sadd.s32 $0x3, s14;
	v14 =	vand.u32 $0x7F, v14;
	v19 =	vld.idx.msk [tilespmem:v12+s29+$0x0], $0xffff;
	v9 =	vmul.f32 v13, v9;
	v10 =	vadd.f32 v10, v17  }
0xe0: {  	v12 =	vld.idx.msk [tilespmem:v12+s30+$0x0], $0xffff;
	v13 =	vadd.s32 s15, v0;
	v14 =	vor.u32 v4, v14  }
0xe1: {  	s24 =	sadd.s32 $0x4, s14;
	v17 =	vld.idx.msk [tilespmem:v8+s29+$0x0], $0xffff;
	v13 =	vand.u32 $0x7F, v13;
	v9 =	vadd.f32 v9, v10;
	v10 =	vmul.f32 v15, v11  }
0xe2: {  	v8 =	vld.idx.msk [tilespmem:v8+s30+$0x0], $0xffff;
	v13 =	vor.u32 v4, v13;
	v11 =	vadd.s32 s24, v0  }
0xe3: {  	s26 =	sadd.s32 $0x5, s14;
	v15 =	vld.idx.msk [tilespmem:v18+s29+$0x0], $0xffff;
	v11 =	vand.u32 $0x7F, v11;
	v9 =	vadd.f32 v10, v9;
	v10 =	vmul.f32 v16, v20  }
0xe4: {  	v18 =	vld.idx.msk [tilespmem:v18+s30+$0x0], $0xffff;
	v16 =	vadd.s32 s26, v0;
	v11 =	vor.u32 v4, v11  }
0xe5: {  	s21 =	sadd.s32 $0x6, s14;
	v20 =	vld.idx.msk [tilespmem:v14+s29+$0x0], $0xffff;
	v16 =	vand.u32 $0x7F, v16;
	v9 =	vadd.f32 v10, v9;
	v10 =	vmul.f32 v12, v19  }
0xe6: {  	v14 =	vld.idx.msk [tilespmem:v14+s30+$0x0], $0xffff;
	v12 =	vadd.s32 s21, v0;
	v16 =	vor.u32 v4, v16  }
0xe7: {  	s24 =	sadd.s32 $0x7, s14;
	v8 =	vmul.f32 v8, v17;
	v19 =	vld.idx.msk [tilespmem:v13+s29+$0x0], $0xffff;
	v12 =	vand.u32 $0x7F, v12;
	v9 =	vadd.f32 v10, v9  }
0xe8: {  	v13 =	vld.idx.msk [tilespmem:v13+s30+$0x0], $0xffff;
	v10 =	vadd.s32 s24, v0;
	v12 =	vor.u32 v4, v12  }
0xe9: {  	s26 =	sadd.s32 $0x8, s14;
	v17 =	vld.idx.msk [tilespmem:v11+s29+$0x0], $0xffff;
	v10 =	vand.u32 $0x7F, v10;
	v8 =	vadd.f32 v8, v9;
	v9 =	vmul.f32 v18, v15  }
0xea: {  	v11 =	vld.idx.msk [tilespmem:v11+s30+$0x0], $0xffff;
	v15 =	vadd.s32 s26, v0;
	v10 =	vor.u32 v4, v10  }
0xeb: {  	s21 =	sadd.s32 $0x9, s14;
	v18 =	vld.idx.msk [tilespmem:v16+s29+$0x0], $0xffff;
	v15 =	vand.u32 $0x78, v15;
	v8 =	vadd.f32 v9, v8;
	v9 =	vmul.f32 v14, v20  }
0xec: {  	v16 =	vld.idx.msk [tilespmem:v16+s30+$0x0], $0xffff;
	v14 =	vadd.s32 s21, v0;
	v15 =	vor.u32 v15, v6  }
0xed: {  	s24 =	sadd.s32 $0xA, s14;
	v20 =	vld.idx.msk [tilespmem:v12+s29+$0x0], $0xffff;
	v14 =	vand.u32 $0x7F, v14;
	v8 =	vadd.f32 v9, v8;
	v9 =	vmul.f32 v13, v19  }
0xee: {  	v12 =	vld.idx.msk [tilespmem:v12+s30+$0x0], $0xffff;
	v13 =	vadd.s32 s24, v0;
	v14 =	vor.u32 v4, v14  }
0xef: {  	s26 =	sadd.s32 $0xB, s14;
	v19 =	vld.idx.msk [tilespmem:v10+s29+$0x0], $0xffff;
	v13 =	vand.u32 $0x7F, v13;
	v8 =	vadd.f32 v9, v8;
	v9 =	vmul.f32 v11, v17  }
0xf0: {  	v10 =	vld.idx.msk [tilespmem:v10+s30+$0x0], $0xffff;
	v11 =	vadd.s32 s26, v0;
	v13 =	vor.u32 v4, v13  }
0xf1: {  	s21 =	sadd.s32 $0xC, s14;
	v17 =	vld.idx.msk [tilespmem:v15+s29+$0x0], $0xffff;
	v11 =	vand.u32 $0x7F, v11;
	v8 =	vadd.f32 v9, v8;
	v9 =	vmul.f32 v16, v18  }
0xf2: {  	v15 =	vld.idx.msk [tilespmem:v15+s30+$0x0], $0xffff;
	v16 =	vadd.s32 s21, v0;
	v11 =	vor.u32 v4, v11  }
0xf3: {  	s24 =	sadd.s32 $0xD, s14;
	v18 =	vld.idx.msk [tilespmem:v14+s29+$0x0], $0xffff;
	v16 =	vand.u32 $0x7F, v16;
	v8 =	vadd.f32 v9, v8;
	v9 =	vmul.f32 v12, v20  }
0xf4: {  	v14 =	vld.idx.msk [tilespmem:v14+s30+$0x0], $0xffff;
	v12 =	vadd.s32 s24, v0;
	v16 =	vor.u32 v4, v16  }
0xf5: {  	s26 =	sadd.s32 $0xE, s14;
	v20 =	vld.idx.msk [tilespmem:v13+s29+$0x0], $0xffff;
	v12 =	vand.u32 $0x7F, v12;
	v8 =	vadd.f32 v9, v8;
	v9 =	vmul.f32 v10, v19  }
0xf6: {  	v13 =	vld.idx.msk [tilespmem:v13+s30+$0x0], $0xffff;
	v10 =	vadd.s32 s26, v0;
	v12 =	vor.u32 v4, v12  }
0xf7: {  	s21 =	sadd.s32 $0xF, s14;
	v19 =	vld.idx.msk [tilespmem:v11+s29+$0x0], $0xffff;
	v10 =	vand.u32 $0x7F, v10;
	v8 =	vadd.f32 v9, v8;
	v9 =	vmul.f32 v15, v17  }
0xf8: {  	v11 =	vld.idx.msk [tilespmem:v11+s30+$0x0], $0xffff;
	v15 =	vadd.s32 s21, v0;
	v10 =	vor.u32 v4, v10  }
0xf9: {  	v17 =	vld.idx.msk [tilespmem:v16+s29+$0x0], $0xffff;
	v15 =	vand.u32 $0x7F, v15;
	v8 =	vadd.f32 v9, v8;
	v9 =	vmul.f32 v14, v18  }
0xfa: {  	v14 =	vld.idx.msk [tilespmem:v16+s30+$0x0], $0xffff;
	v15 =	vor.u32 v4, v15  }
0xfb: {  	v16 =	vld.idx.msk [tilespmem:v12+s29+$0x0], $0xffff;
	v8 =	vadd.f32 v9, v8;
	v9 =	vmul.f32 v13, v20  }
0xfc: {  	v12 =	vld.idx.msk [tilespmem:v12+s30+$0x0], $0xffff  }
0xfd: {  	v13 =	vld.idx.msk [tilespmem:v10+s29+$0x0], $0xffff;
	v8 =	vadd.f32 v9, v8;
	v9 =	vmul.f32 v11, v19  }
0xfe: {  	v10 =	vld.idx.msk [tilespmem:v10+s30+$0x0], $0xffff  }
0xff: {  	v11 =	vld.idx.msk [tilespmem:v15+s29+$0x0], $0xffff;
	v8 =	vadd.f32 v9, v8;
	v9 =	vmul.f32 v14, v17  }
0x100: {  	v14 =	vld.idx.msk [tilespmem:v15+s30+$0x0], $0xffff  }
0x101: {  	v8 =	vadd.f32 v9, v8;
	v9 =	vmul.f32 v12, v16;
	_ =	sdelay $0x1  }
0x102: {  	v8 =	vadd.f32 v9, v8;
	v9 =	vmul.f32 v10, v13;
	_ =	sdelay $0x1  }
0x103: {  	v8 =	vadd.f32 v9, v8;
	v9 =	vmul.f32 v14, v11;
	_ =	sdelay $0x1  }
0x104: {  	v8 =	vadd.f32 v9, v8;
	_ =	sdelay $0x1  }
0x105: {  	v9 =	vmul.f32 $2.000000030e-01, v8  }
0x106: {  	vm0 =	vge.f32 v8, $0.0e+00  }
0x107: {  	v8 =	vsel vm0, v8, v9  }
0x108: {  	s24 =	simm.s32 $0x1;
	v8 =	vmul.f32 $1.442695020e+00, v8  }
0x109: {  	s15 =	simm.s32 $0xB;
	v12 =	vadd.s32 s24, v0;
	s24 =	simm.s32 $0x4  }
0x10a: {  	v39 =	vadd.s32 s15, v0;
	s21 =	simm.s32 $0x2;
	v15 =	vadd.s32 s24, v0;
	s24 =	simm.s32 $0x9;
	(erf) = vpow2.f32 v8  }
0x10b: {  	v46 =	vand.u32 $0x78, v12;
	v13 =	vadd.s32 s21, v0;
	s21 =	simm.s32 $0x7;
	v19 =	vadd.s32 s24, v0  }
0x10c: {  	v23 =	vand.u32 $0x78, v15;
	s24 =	simm.s32 $0xC;
	v15 =	vand.u32 $0x7, v15;
	v18 =	vadd.s32 s21, v0  }
0x10d: {  	v24 =	vand.u32 $0x78, v19;
	v25 =	vadd.s32 s24, v0;
	v8 =	vmul.u32 $0x88, v7  }
0x10e: {  	v35 =	vand.u32 $0x7, v19;
	v41 =	vand.u32 $0x7, v13;
	v13 =	vand.u32 $0x78, v13  }
0x10f: {  	s14 =	simm.s32 $0x0;
	s26 =	simm.s32 $0x3;
	v51 =	vor.u32 v4, v23;
	v10 =	vadd.s32 $0x80, v8;
	v9 =	vor.u32 v2, v8  }
0x110: {  	v11 =	vor.u32 s14, v5;
	v14 =	vadd.s32 s26, v0;
	v7 =	vadd.s32 s14, v9  }
0x111: {  	s24 =	simm.s32 $0x6;
	s26 =	simm.s32 $0x5;
	v29 =	vand.u32 $0x78, v25;
	v25 =	vand.u32 $0x7, v25;
	v36 =	vand.u32 $0x7, v18  }
0x112: {  	v48 =	vadd.s32 s24, v0;
	v57 =	vand.u32 $0x78, v18;
	v16 =	vadd.s32 s26, v0  }
0x113: {  	s21 =	simm.s32 $0xD;
	v22 =	vand.u32 $0x7, v14;
	v14 =	vand.u32 $0x78, v14;
	v17 =	vadd.s32 v3, v7;
	v7 =	vpop (erf)  }
0x114: {  	v32 =	vor.u32 v4, v29;
	v52 =	vand.u32 $0x78, v48;
	[tilespmem:v10+s19+$0x0] =	vst.idx.msk $0xffff, v7;
	v10 =	vadd.s32 s21, v0  }
0x115: {  	s26 =	simm.s32 $0xA;
	v63 =	vand.u32 $0x7, v48;
	v20 =	vand.u32 $0x78, v16;
	v26 =	vand.u32 $0x78, v10  }
0x116: {  	v21 =	vadd.s32 s26, v0;
	v28 =	vand.u32 $0x7, v10;
	v10 =	vor.u32 v4, v26  }
0x117: {  	s26 =	simm.s32 $0xE;
	v37 =	vand.u32 $0x7, v16;
	v32 =	vor.u32 v25, v32;
	v31 =	vor.u32 v28, v10  }
0x118: {  	v53 =	vor.u32 v4, v52;
	v27 =	vadd.s32 s26, v0;
	v19 =	vor.u32 v4, v20  }
0x119: {  	v16 =	vand.u32 $0x78, v21;
	v21 =	vand.u32 $0x7, v21;
	v33 =	vand.u32 $0x78, v27  }
0x11a: {  	s26 =	simm.s32 $0x8;
	v27 =	vand.u32 $0x7, v27;
	v38 =	vor.u32 v4, v16;
	v47 =	vor.u32 v37, v19  }
0x11b: {  	v19 =	vor.u32 v4, v13;
	v49 =	vadd.s32 s26, v0;
	v34 =	vor.u32 v4, v33  }
0x11c: {  	v38 =	vor.u32 v21, v38;
	v49 =	vand.u32 $0x78, v49;
	v34 =	vor.u32 v27, v34;
	v31 =	vld.idx.msk [tilespmem:v31+s30+$0x0], $0xffff  }
0x11d: {  	v30 =	vadd.s32 v8, v24;
	v40 =	vadd.s32 v8, v20;
	v20 =	vand.u32 $0x78, v39  }
0x11e: {  	v24 =	vor.u32 v4, v24;
	v39 =	vand.u32 $0x7, v39;
	v42 =	vor.u32 v4, v20;
	v11 =	vld.idx.msk [tilespmem:v11+s30+$0x0], $0xffff  }
0x11f: {  	v43 =	vadd.s32 v8, v16;
	v58 =	vadd.s32 v8, v46;
	v42 =	vor.u32 v39, v42;
	s21 =	simm.s32 $0xF  }
0x120: {  	v59 =	vadd.s32 v8, v13;
	v13 =	vadd.s32 v8, v33;
	v16 =	vadd.s32 s21, v0  }
0x121: {  	v62 =	vadd.s32 v8, v57;
	v44 =	vmul.f32 v31, v7;
	v31 =	vand.u32 $0x78, v16  }
0x122: {  	v24 =	vor.u32 v35, v24;
	v16 =	vand.u32 $0x7, v16;
	v45 =	vor.u32 v4, v31  }
0x123: {  	v11 =	vmul.f32 v11, v7;
	v31 =	vadd.s32 v8, v31;
	v45 =	vor.u32 v16, v45  }
0x124: {  	v31 =	vor.u32 v16, v31;
	v16 =	vld.idx.msk [tilespmem:v42+s30+$0x0], $0xffff;
	v42 =	vand.u32 $0x7, v12;
	v12 =	vor.u32 v4, v46  }
0x125: {  	v20 =	vadd.s32 v8, v20;
	v50 =	vor.u32 v42, v12;
	v12 =	vor.u32 v41, v19  }
0x126: {  	v60 =	vor.u32 v39, v20;
	v26 =	vadd.s32 v8, v26;
	[tilespmem:v17+s19+$0x0] =	vst.idx.msk $0xffff, v11;
	v11 =	vld.idx.msk [tilespmem:v32+s30+$0x0], $0xffff  }
0x127: {  	v24 =	vld.idx.msk [tilespmem:v24+s30+$0x0], $0xffff;
	v10 =	vadd.s32 v8, v14;
	v14 =	vor.u32 v4, v14;
	v61 =	vor.u32 v28, v26  }
0x128: {  	v10 =	vor.u32 v22, v10;
	v18 =	vor.u32 v22, v14;
	v14 =	vadd.s32 v8, v29;
	v17 =	vld.idx.msk [tilespmem:v45+s30+$0x0], $0xffff  }
0x129: {  	v22 =	vor.u32 v4, v57;
	v54 =	vmul.f32 v16, v7;
	v16 =	vor.u32 v27, v13;
	v27 =	vld.idx.msk [tilespmem:v34+s30+$0x0], $0xffff  }
0x12a: {  	v28 =	vor.u32 v49, v6;
	v22 =	vor.u32 v36, v22;
	v19 =	vor.u32 v25, v14;
	v14 =	vld.idx.msk [tilespmem:v12+s30+$0x0], $0xffff  }
0x12b: {  	v20 =	vmul.f32 v11, v7;
	v11 =	vor.u32 v21, v43;
	v13 =	vadd.s32 v8, v23  }
0x12c: {  	v21 =	vor.u32 v37, v40;
	v13 =	vor.u32 v15, v13;
	v15 =	vor.u32 v15, v51;
	v32 =	vld.idx.msk [tilespmem:v50+s30+$0x0], $0xffff  }
0x12d: {  	[tilespmem:v61+s19+$0x0] =	vst.idx.msk $0xffff, v44;
	v25 =	vor.u32 v41, v59;
	v26 =	vmul.f32 v17, v7;
	v17 =	vld.idx.msk [tilespmem:v38+s30+$0x0], $0xffff  }
0x12e: {  	v23 =	vmul.f32 v24, v7;
	v24 =	vadd.s32 v8, v52;
	v12 =	vadd.s32 v9, v49  }
0x12f: {  	v33 =	vmul.f32 v27, v7;
	v29 =	vmul.f32 v14, v7;
	v14 =	vor.u32 v35, v30  }
0x130: {  	v27 =	vld.idx.msk [tilespmem:v47+s30+$0x0], $0xffff;
	v30 =	vor.u32 v42, v58;
	[tilespmem:v31+s19+$0x0] =	vst.idx.msk $0xffff, v26;
	v31 =	vor.u32 v63, v53  }
0x131: {  	s14 =	simm.s32 $0x10;
	v24 =	vor.u32 v63, v24;
	[tilespmem:v60+s19+$0x0] =	vst.idx.msk $0xffff, v54;
	v26 =	vld.idx.msk [tilespmem:v15+s30+$0x0], $0xffff;
	v15 =	vor.u32 v36, v62  }
.LBB2_10:
0x132: {  	v34 =	vor.u32 s14, v5;
	s15 =	sadd.s32 $0x1, s14;
	s24 =	sadd.s32 $0x2, s14;
	s26 =	sadd.s32 $0x3, s14;
	v32 =	vmul.f32 v32, v7;
	v35 =	vmul.f32 v17, v7;
	[tilespmem:v16+s19+$0x0] =	vst.idx.msk $0xffff, v33  }
0x133: {  	v17 =	vadd.s32 s15, v0;
	v16 =	vadd.s32 s24, v0;
	v33 =	vadd.s32 s26, v0;
	s24 =	sadd.s32 $0x4, s14;
	s26 =	sadd.s32 $0x5, s14;
	s15 =	sadd.s32 $0x6, s14;
	v28 =	vld.idx.msk [tilespmem:v28+s30+$0x0], $0xffff  }
0x134: {  	v36 =	vadd.s32 s14, v9;
	s21 =	sadd.s32 $0xA, s14;
	v37 =	vadd.s32 s24, v0;
	v38 =	vadd.s32 s26, v0;
	s24 =	sadd.s32 $0x7, s14;
	s26 =	sadd.s32 $0x9, s14;
	[tilespmem:v25+s19+$0x0] =	vst.idx.msk $0xffff, v29  }
0x135: {  	p2 =	slt.u32 s14, $0x70;
	v25 =	vadd.s32 v3, v36;
	v29 =	vadd.s32 s24, v0;
	v36 =	vadd.s32 s26, v0;
	[tilespmem:v30+s19+$0x0] =	vst.idx.msk $0xffff, v32;
	v30 =	vld.idx.msk [tilespmem:v31+s30+$0x0], $0xffff;
	s24 =	smov.u32 s14;
	s14 =	sadd.s32 $0x10, s14  }
0x136: {  	v27 =	vmul.f32 v27, v7;
	v31 =	vand.u32 $0x78, v38;
	v32 =	vadd.s32 s21, v0;
	v18 =	vld.idx.msk [tilespmem:v18+s30+$0x0], $0xffff;
	[tilespmem:v19+s19+$0x0] =	vst.idx.msk $0xffff, v20  }
0x137: {  	v20 =	vand.u32 $0x7, v33;
	v39 =	vand.u32 $0x78, v36;
	s21 =	sadd.s32 $0xC, s24;
	s26 =	sadd.s32 $0xD, s24;
	v19 =	vld.idx.msk [tilespmem:v34+s30+$0x0], $0xffff;
	v34 =	vand.u32 $0x78, v37  }
0x138: {  	v26 =	vmul.f32 v26, v7;
	v40 =	vadd.s32 s21, v0;
	v41 =	vadd.s32 s26, v0;
	s21 =	sadd.s32 $0xE, s24;
	[tilespmem:v21+s19+$0x0] =	vst.idx.msk $0xffff, v27;
	v21 =	vld.idx.msk [tilespmem:v22+s30+$0x0], $0xffff  }
0x139: {  	v22 =	vand.u32 $0x78, v41;
	v27 =	vadd.s32 s21, v0;
	v28 =	vmul.f32 v28, v7;
	[tilespmem:v14+s19+$0x0] =	vst.idx.msk $0xffff, v23  }
0x13a: {  	v14 =	vadd.s32 v8, v39;
	v23 =	vand.u32 $0x7, v41;
	v41 =	vor.u32 v4, v22  }
0x13b: {  	v42 =	vand.u32 $0x78, v40;
	v41 =	vor.u32 v23, v41;
	[tilespmem:v13+s19+$0x0] =	vst.idx.msk $0xffff, v26;
	v13 =	vmul.f32 v30, v7  }
0x13c: {  	v26 =	vand.u32 $0x78, v33;
	v30 =	vor.u32 v4, v42;
	v33 =	vand.u32 $0x78, v27;
	[tilespmem:v12+s19+$0x0] =	vst.idx.msk $0xffff, v28  }
0x13d: {  	v27 =	vand.u32 $0x7, v27;
	v12 =	vadd.s32 v8, v26;
	v28 =	vand.u32 $0x7, v40;
	[tilespmem:v24+s19+$0x0] =	vst.idx.msk $0xffff, v13  }
0x13e: {  	v12 =	vor.u32 v20, v12;
	v13 =	vor.u32 v4, v39;
	v24 =	vor.u32 v4, v33  }
0x13f: {  	v36 =	vand.u32 $0x7, v36;
	v37 =	vand.u32 $0x7, v37;
	v19 =	vmul.f32 v19, v7;
	[tilespmem:v11+s19+$0x0] =	vst.idx.msk $0xffff, v35  }
0x140: {  	v18 =	vmul.f32 v18, v7;
	v11 =	vor.u32 v4, v31;
	v35 =	vand.u32 $0x7, v29  }
0x141: {  	v38 =	vand.u32 $0x7, v38;
	s21 =	sadd.s32 $0xB, s24;
	v21 =	vmul.f32 v21, v7;
	[tilespmem:v25+s19+$0x0] =	vst.idx.msk $0xffff, v19;
	v19 =	vand.u32 $0x78, v32;
	v25 =	vld.idx.msk [tilespmem:v41+s30+$0x0], $0xffff  }
0x142: {  	v26 =	vor.u32 v4, v26;
	v40 =	vadd.s32 s21, v0;
	v39 =	vor.u32 v4, v19;
	[tilespmem:v10+s19+$0x0] =	vst.idx.msk $0xffff, v18  }
0x143: {  	v31 =	vadd.s32 v8, v31;
	v32 =	vand.u32 $0x7, v32;
	v18 =	vand.u32 $0x78, v40;
	v10 =	vmovc v12;
	[tilespmem:v15+s19+$0x0] =	vst.idx.msk $0xffff, v21  }
0x144: {  	v12 =	vand.u32 $0x7, v40;
	v15 =	vand.u32 $0x7, v16;
	v21 =	vor.u32 v4, v18  }
0x145: {  	s21 =	sadd.s32 $0xF, s24;
	v39 =	vor.u32 v32, v39;
	v40 =	vadd.s32 v8, v18;
	v21 =	vor.u32 v12, v21  }
0x146: {  	v22 =	vadd.s32 v8, v22;
	v41 =	vadd.s32 v8, v19;
	v18 =	vadd.s32 s21, v0  }
0x147: {  	v13 =	vor.u32 v36, v13;
	v19 =	vand.u32 $0x78, v18;
	v43 =	vmul.f32 v25, v7  }
0x148: {  	v18 =	vand.u32 $0x7, v18;
	v25 =	vor.u32 v28, v30;
	v30 =	vor.u32 v4, v19  }
0x149: {  	v24 =	vor.u32 v27, v24;
	v19 =	vadd.s32 v8, v19;
	v30 =	vor.u32 v18, v30  }
0x14a: {  	v44 =	vand.u32 $0x78, v17;
	v45 =	vor.u32 v38, v11;
	v46 =	vor.u32 v18, v19;
	v11 =	vld.idx.msk [tilespmem:v21+s30+$0x0], $0xffff  }
0x14b: {  	v47 =	vand.u32 $0x7, v17;
	v17 =	vor.u32 v4, v44;
	v16 =	vand.u32 $0x78, v16;
	s21 =	sadd.s32 $0x8, s24  }
0x14c: {  	v48 =	vadd.s32 s15, v0;
	v18 =	vor.u32 v4, v16;
	v19 =	vadd.s32 s21, v0  }
0x14d: {  	v49 =	vor.u32 v4, v34;
	v21 =	vor.u32 v47, v17;
	v17 =	vor.u32 v15, v18;
	v25 =	vld.idx.msk [tilespmem:v25+s30+$0x0], $0xffff  }
0x14e: {  	v50 =	vand.u32 $0x78, v48;
	v29 =	vand.u32 $0x78, v29;
	v51 =	vand.u32 $0x78, v19;
	v30 =	vld.idx.msk [tilespmem:v30+s30+$0x0], $0xffff  }
0x14f: {  	v44 =	vadd.s32 v8, v44;
	v52 =	vadd.s32 v8, v16;
	v53 =	vld.idx.msk [tilespmem:v13+s30+$0x0], $0xffff;
	v13 =	vadd.s32 v8, v33  }
0x150: {  	v54 =	vor.u32 v4, v50;
	v55 =	vmul.f32 v11, v7;
	v24 =	vld.idx.msk [tilespmem:v24+s30+$0x0], $0xffff;
	v16 =	vor.u32 v27, v13  }
0x151: {  	v19 =	vadd.s32 v8, v42;
	v18 =	vor.u32 v20, v26;
	v11 =	vadd.s32 v8, v34  }
0x152: {  	v19 =	vor.u32 v28, v19;
	v34 =	vor.u32 v12, v40;
	v13 =	vor.u32 v37, v11;
	v26 =	vld.idx.msk [tilespmem:v17+s30+$0x0], $0xffff  }
0x153: {  	v12 =	vadd.s32 v9, v51;
	v20 =	vmul.f32 v25, v7;
	v17 =	vld.idx.msk [tilespmem:v39+s30+$0x0], $0xffff;
	v39 =	vor.u32 v23, v22  }
0x154: {  	v11 =	vor.u32 v32, v41;
	v22 =	vor.u32 v4, v29;
	v27 =	vmul.f32 v30, v7  }
0x155: {  	v25 =	vor.u32 v15, v52;
	v15 =	vor.u32 v37, v49;
	v32 =	vld.idx.msk [tilespmem:v21+s30+$0x0], $0xffff;
	v21 =	vor.u32 v38, v31  }
.Ltmp3:
0x156: {  	v28 =	vor.u32 v51, v6;
	v37 =	vadd.s32 v8, v29;
	v22 =	vor.u32 v35, v22;
	(pc) =	sbr.rel @p2 .LBB2_10-.Ltmp3, $4  }
0x157: {  	v23 =	vmul.f32 v53, v7;
	v38 =	vand.u32 $0x7, v48;
	v33 =	vmul.f32 v24, v7;
	[tilespmem:v46+s19+$0x0] =	vst.idx.msk $0xffff, v27  }
0x158: {  	v14 =	vor.u32 v36, v14;
	v24 =	vadd.s32 v8, v50;
	v29 =	vmul.f32 v26, v7;
	v27 =	vld.idx.msk [tilespmem:v45+s30+$0x0], $0xffff  }
0x159: {  	v30 =	vor.u32 v47, v44;
	v31 =	vor.u32 v38, v54;
	[tilespmem:v34+s19+$0x0] =	vst.idx.msk $0xffff, v55  }
0x15a: {  	v24 =	vor.u32 v38, v24;
	v26 =	vld.idx.msk [tilespmem:v15+s30+$0x0], $0xffff;
	v15 =	vor.u32 v35, v37;
	[tilespmem:v39+s19+$0x0] =	vst.idx.msk $0xffff, v43  }
0x15b: {  	_ =	sdelay $0x3  }
0x15c: {  	v4 =	vmul.f32 v32, v7;
	[tilespmem:v16+s19+$0x0] =	vst.idx.msk $0xffff, v33  }
0x15d: {  	v5 =	vld.idx.msk [tilespmem:v28+s30+$0x0], $0xffff;
	[tilespmem:v25+s19+$0x0] =	vst.idx.msk $0xffff, v29  }
0x15e: {  	v6 =	vld.idx.msk [tilespmem:v31+s30+$0x0], $0xffff;
	[tilespmem:v30+s19+$0x0] =	vst.idx.msk $0xffff, v4;
	v4 =	vmul.f32 v27, v7  }
0x15f: {  	v8 =	vld.idx.msk [tilespmem:v18+s30+$0x0], $0xffff;
	[tilespmem:v19+s19+$0x0] =	vst.idx.msk $0xffff, v20  }
0x160: {  	v63 =	vmul.f32 v17, v7;
	[tilespmem:v21+s19+$0x0] =	vst.idx.msk $0xffff, v4;
	v4 =	vld.idx.msk [tilespmem:v22+s30+$0x0], $0xffff  }
0x161: {  	[tilespmem:v14+s19+$0x0] =	vst.idx.msk $0xffff, v23;
	v9 =	vmul.f32 v26, v7  }
0x162: {  	[tilespmem:v11+s19+$0x0] =	vst.idx.msk $0xffff, v63;
	v5 =	vmul.f32 v5, v7  }
.Ltmp4:
0x163: {  	v6 =	vmul.f32 v6, v7;
	[tilespmem:v13+s19+$0x0] =	vst.idx.msk $0xffff, v9;
	(pc) =	sbr.rel @p1 .LBB2_7-.Ltmp4, $4  }
0x164: {  	[tilespmem:v12+s19+$0x0] =	vst.idx.msk $0xffff, v5;
	v5 =	vmul.f32 v8, v7  }
0x165: {  	[tilespmem:v24+s19+$0x0] =	vst.idx.msk $0xffff, v6;
	v4 =	vmul.f32 v4, v7  }
0x166: {  	[tilespmem:v10+s19+$0x0] =	vst.idx.msk $0xffff, v5  }
0x167: {  	s14 =	simm.s32 $0x10;
	p2 =	por $0x0, $0x0;
	[tilespmem:v15+s19+$0x0] =	vst.idx.msk $0xffff, v4  }
0x168: {  	s14 =	simm.s32 $0xC0  }
0x169: {  	[spmem:s2] =	stream.indirect.scatter.add.f32 [tilespmem:s19], [sflag:$0x7], $0x88, s14, s22, $0xb8;
	[tilespmem:$0x1E820] =	vst v63  }
0x16a: {  	_ =	swait.ge [sflag:s28], $0x20  }
0x16b: {  	[sflag:s28] =	ssyncset.done $0x0  }
0x16c: {  	[sflag:s28] =	ssyncadd.s32 $0xFFFFFFE0  }
0x16d: {  	_ =	swait.ge [sflag:s28], $0x20  }
0x16e: {  	[sflag:s28] =	ssyncset.done $0x0  }
0x16f: {  	s24 =	simm.s32 $0x0;
	[sflag:s28] =	ssyncadd.s32 $0xFFFFFFE0  }
0x170: {  	[tilespmem:s29], [sflag:$0x4] =	stream.indirect.gather [hbm4b:s1+s22], $0x80, s24, s22, $0xb8;
	[tilespmem:$0x1E820] =	vst v63  }
0x171: {  	_ = 	snop  }
0x172: {  	[tilespmem:s30], [sflag:$0x4] =	stream.indirect.gather [hbm4b:s1+s22], $0x80, s23, s22, $0xb8;
	[tilespmem:$0x1E820] =	vst v63  }
0x173: {  	_ =	swait.ge [sflag:s12], $0x1000  }
0x174: {  	[sflag:s12] =	ssyncset.done $0x0  }
0x175: {  	[sflag:s12] =	ssyncadd.s32 $0xFFFFF000  }
0x176: {  	_ =	swait.ge [sflag:s12], $0x1000  }
0x177: {  	[sflag:s12] =	ssyncset.done $0x0  }
0x178: {  	s14 =	simm.s32 @!p0 $0x8;
	[sflag:s12] =	ssyncadd.s32 $0xFFFFF000  }
0x179: {  	_ =	swait.ge @!p0 [sflag:s14], $0x1100  }
0x17a: {  	[sflag:s14] =	ssyncset.done @!p0 $0x0  }
0x17b: {  	[sflag:s14] =	ssyncadd.s32 @!p0 $0xFFFFEF00  }
0x17c: {  	v4 =	vld [tilespmem:$0x20]  }
0x17d: {  	v5 =	vld [tilespmem:$0x30]  }
0x17e: {  	p1 =	slt.s32 s13, $0x2670;
	s14 =	smov.u32 s13  }
0x17f: {  	s15 =	rddreg [dreg:$0xb];
	s14 =	simm.s32 @!p1 $0x2670  }
0x180: {  	s14 =	sadd.s32 s14, s15  }
0x181: {  	s15 =	sshrl.u32 s14, $0x3;
	[tilespmem:$0xE0] =	vst v4  }
0x182: {  	s14 =	simm.s32 $0x0;
	s21 =	sadd.s32 s5, s15;
	[tilespmem:$0xF0] =	vst v5  }
0x183: {  	[tilespmem:s22], [sflag:$0x2] =	stream.linear.gather [hbm4b:s21+s14], $0x20, $0x38;
	[tilespmem:$0x1E820] =	vst v63  }
0x184: {  	s26 =	simm.s32 $0x80;
	s15 =	sadd.s32 s6, s15  }
0x185: {  	[tilespmem:s26], [sflag:$0x2] =	stream.linear.gather [hbm4b:s15+s14], $0x20, $0x38;
	[tilespmem:$0x1E820] =	vst v63  }
0x186: {  	p2 =	por $0x1, $0x1;
	s15 =	simm.s32 $0x0  }
.LBB2_13:
0x187: {  	v7 =	vor.u32 s15, v0  }
0x188: {  	v4 =	vshll.u32 v7, $0x7  }
0x189: {  	s23 =	simm.s32 $0x1;
	v5 =	vor.u32 v0, v4  }
0x18a: {  	v8 =	vadd.s32 s23, v0;
	v6 =	vor.u32 s14, v5  }
0x18b: {  	s24 =	simm.s32 $0x2;
	v8 =	vand.u32 $0x7F, v8  }
0x18c: {  	v9 =	vadd.s32 s24, v0;
	v8 =	vor.u32 v4, v8  }
0x18d: {  	s26 =	simm.s32 $0x3;
	v9 =	vand.u32 $0x7F, v9  }
0x18e: {  	v10 =	vadd.s32 s26, v0;
	v9 =	vor.u32 v4, v9  }
0x18f: {  	s21 =	simm.s32 $0x4;
	v10 =	vand.u32 $0x7F, v10;
	v11 =	vld.idx.msk [tilespmem:v6+s0+$0x0], $0xffff  }
0x190: {  	v12 =	vadd.s32 s21, v0;
	v10 =	vor.u32 v4, v10;
	v6 =	vld.idx.msk [tilespmem:v6+s3+$0x0], $0xffff  }
0x191: {  	s23 =	simm.s32 $0x5;
	v12 =	vand.u32 $0x7F, v12;
	v13 =	vld.idx.msk [tilespmem:v8+s0+$0x0], $0xffff  }
0x192: {  	v14 =	vadd.s32 s23, v0;
	v12 =	vor.u32 v4, v12;
	v8 =	vld.idx.msk [tilespmem:v8+s3+$0x0], $0xffff  }
0x193: {  	s24 =	simm.s32 $0x6;
	v14 =	vand.u32 $0x7F, v14;
	v15 =	vld.idx.msk [tilespmem:v9+s0+$0x0], $0xffff  }
0x194: {  	v16 =	vadd.s32 s24, v0;
	v14 =	vor.u32 v4, v14;
	v9 =	vld.idx.msk [tilespmem:v9+s3+$0x0], $0xffff  }
0x195: {  	s26 =	simm.s32 $0x7;
	v16 =	vand.u32 $0x7F, v16;
	v17 =	vld.idx.msk [tilespmem:v10+s0+$0x0], $0xffff  }
0x196: {  	s21 =	simm.s32 $0x8;
	v18 =	vadd.s32 s26, v0;
	v10 =	vld.idx.msk [tilespmem:v10+s3+$0x0], $0xffff;
	v6 =	vmul.f32 v6, v11;
	v11 =	vor.u32 v4, v16  }
0x197: {  	v20 =	vadd.s32 s21, v0;
	v18 =	vand.u32 $0x7F, v18;
	v19 =	vld.idx.msk [tilespmem:v12+s0+$0x0], $0xffff;
	v16 =	vimm.f32 $0.0e+00  }
0x198: {  	s23 =	simm.s32 $0x9;
	v12 =	vld.idx.msk [tilespmem:v12+s3+$0x0], $0xffff;
	v8 =	vmul.f32 v8, v13;
	v13 =	vor.u32 v4, v18;
	v16 =	vadd.f32 v6, v16  }
0x199: {  	v20 =	vand.u32 $0x78, v20;
	v21 =	vadd.s32 s23, v0;
	v18 =	vld.idx.msk [tilespmem:v14+s0+$0x0], $0xffff;
	v6 =	vor.u32 v2, v4  }
0x19a: {  	s24 =	simm.s32 $0xA;
	v9 =	vmul.f32 v9, v15;
	v14 =	vld.idx.msk [tilespmem:v14+s3+$0x0], $0xffff;
	v15 =	vor.u32 v20, v6;
	v8 =	vadd.f32 v8, v16  }
0x19b: {  	v59 =	vadd.s32 s24, v0;
	v20 =	vand.u32 $0x7F, v21;
	v16 =	vld.idx.msk [tilespmem:v11+s0+$0x0], $0xffff  }
0x19c: {  	s26 =	simm.s32 $0xB;
	v8 =	vadd.f32 v9, v8;
	v9 =	vmul.f32 v10, v17;
	v10 =	vld.idx.msk [tilespmem:v11+s3+$0x0], $0xffff;
	v11 =	vor.u32 v4, v20  }
0x19d: {  	v60 =	vadd.s32 s26, v0;
	v17 =	vld.idx.msk [tilespmem:v13+s0+$0x0], $0xffff;
	v20 =	vand.u32 $0x7F, v59  }
0x19e: {  	s21 =	simm.s32 $0xC;
	v8 =	vadd.f32 v9, v8;
	v9 =	vmul.f32 v12, v19;
	v12 =	vld.idx.msk [tilespmem:v13+s3+$0x0], $0xffff;
	v13 =	vor.u32 v4, v20  }
0x19f: {  	v61 =	vadd.s32 s21, v0;
	v19 =	vld.idx.msk [tilespmem:v15+s0+$0x0], $0xffff;
	v20 =	vand.u32 $0x7F, v60  }
0x1a0: {  	v8 =	vadd.f32 v9, v8;
	v9 =	vmul.f32 v14, v18;
	v14 =	vld.idx.msk [tilespmem:v15+s3+$0x0], $0xffff;
	v15 =	vor.u32 v4, v20  }
0x1a1: {  	v20 =	vand.u32 $0x7F, v61;
	v18 =	vld.idx.msk [tilespmem:v11+s0+$0x0], $0xffff  }
0x1a2: {  	s23 =	simm.s32 $0xD;
	v11 =	vld.idx.msk [tilespmem:v11+s3+$0x0], $0xffff;
	v8 =	vadd.f32 v9, v8;
	v9 =	vmul.f32 v10, v16;
	v16 =	vor.u32 v4, v20  }
0x1a3: {  	v62 =	vadd.s32 s23, v0;
	v20 =	vld.idx.msk [tilespmem:v13+s0+$0x0], $0xffff  }
0x1a4: {  	v10 =	vand.u32 $0x7F, v62;
	v63 =	vld.idx.msk [tilespmem:v13+s3+$0x0], $0xffff;
	v8 =	vadd.f32 v9, v8;
	v9 =	vmul.f32 v12, v17  }
0x1a5: {  	s24 =	simm.s32 $0xE;
	v22 =	vor.u32 v4, v10;
	v10 =	vld.idx.msk [tilespmem:v15+s0+$0x0], $0xffff  }
0x1a6: {  	v12 =	vadd.s32 s24, v0;
	v13 =	vmul.f32 v14, v19;
	v14 =	vld.idx.msk [tilespmem:v15+s3+$0x0], $0xffff;
	v8 =	vadd.f32 v9, v8  }
0x1a7: {  	s26 =	simm.s32 $0xF;
	v12 =	vand.u32 $0x7F, v12;
	v9 =	vld.idx.msk [tilespmem:v16+s0+$0x0], $0xffff  }
0x1a8: {  	v15 =	vadd.s32 s26, v0;
	v17 =	vadd.f32 v13, v8;
	v13 =	vld.idx.msk [tilespmem:v16+s3+$0x0], $0xffff;
	v16 =	vor.u32 v4, v12  }
0x1a9: {  	v15 =	vand.u32 $0x7F, v15  }
0x1aa: {  	s21 =	simm.s32 $0x11;
	v19 =	vmul.f32 v11, v18;
	v12 =	vor.u32 v4, v15  }
0x1ab: {  	s15 =	simm.s32 $0x10;
	v18 =	vadd.s32 s21, v0;
	v11 =	vld.idx.msk [tilespmem:v22+s0+$0x0], $0xffff  }
0x1ac: {  	p1 =	por p2, p2;
	s24 =	simm.s32 $0x20;
	s26 =	simm.s32 $0x12;
	v8 =	vor.u32 s15, v5;
	v15 =	vld.idx.msk [tilespmem:v22+s3+$0x0], $0xffff;
	v17 =	vadd.f32 v19, v17;
	v19 =	vmul.f32 v63, v20  }
.LBB2_14:
0x1ad: {  	p2 =	slt.u32 s24, $0x70;
	v18 =	vand.u32 $0x7F, v18;
	v20 =	vadd.s32 s26, v0;
	v21 =	vld.idx.msk [tilespmem:v16+s0+$0x0], $0xffff  }
0x1ae: {  	s21 =	sadd.s32 $0x3, s15;
	v10 =	vmul.f32 v14, v10;
	v18 =	vor.u32 v4, v18;
	v17 =	vadd.f32 v19, v17;
	v14 =	vld.idx.msk [tilespmem:v16+s3+$0x0], $0xffff  }
0x1af: {  	v16 =	vand.u32 $0x7F, v20;
	v19 =	vadd.s32 s21, v0;
	v20 =	vld.idx.msk [tilespmem:v12+s0+$0x0], $0xffff  }
0x1b0: {  	s21 =	sadd.s32 $0x4, s15;
	v16 =	vor.u32 v4, v16;
	v9 =	vmul.f32 v13, v9;
	v10 =	vadd.f32 v10, v17;
	v12 =	vld.idx.msk [tilespmem:v12+s3+$0x0], $0xffff  }
0x1b1: {  	v17 =	vand.u32 $0x7F, v19;
	v19 =	vadd.s32 s21, v0;
	v13 =	vld.idx.msk [tilespmem:v8+s0+$0x0], $0xffff  }
0x1b2: {  	s21 =	sadd.s32 $0x5, s15;
	v17 =	vor.u32 v4, v17;
	v8 =	vld.idx.msk [tilespmem:v8+s3+$0x0], $0xffff;
	v9 =	vadd.f32 v9, v10;
	v10 =	vmul.f32 v15, v11  }
0x1b3: {  	v15 =	vand.u32 $0x7F, v19;
	v19 =	vadd.s32 s21, v0;
	v11 =	vld.idx.msk [tilespmem:v18+s0+$0x0], $0xffff  }
0x1b4: {  	s21 =	sadd.s32 $0x6, s15;
	v15 =	vor.u32 v4, v15;
	v18 =	vld.idx.msk [tilespmem:v18+s3+$0x0], $0xffff;
	v9 =	vadd.f32 v10, v9;
	v10 =	vmul.f32 v14, v21  }
0x1b5: {  	v19 =	vand.u32 $0x7F, v19;
	v21 =	vadd.s32 s21, v0;
	v14 =	vld.idx.msk [tilespmem:v16+s0+$0x0], $0xffff  }
0x1b6: {  	v19 =	vor.u32 v4, v19;
	s21 =	sadd.s32 $0x7, s15;
	v16 =	vld.idx.msk [tilespmem:v16+s3+$0x0], $0xffff;
	v9 =	vadd.f32 v10, v9;
	v10 =	vmul.f32 v12, v20  }
0x1b7: {  	v20 =	vand.u32 $0x7F, v21;
	v21 =	vadd.s32 s21, v0;
	v12 =	vld.idx.msk [tilespmem:v17+s0+$0x0], $0xffff  }
0x1b8: {  	s21 =	sadd.s32 $0x8, s15;
	v8 =	vmul.f32 v8, v13;
	v13 =	vld.idx.msk [tilespmem:v17+s3+$0x0], $0xffff;
	v17 =	vor.u32 v4, v20;
	v9 =	vadd.f32 v10, v9  }
0x1b9: {  	v20 =	vand.u32 $0x7F, v21;
	v21 =	vadd.s32 s21, v0;
	v10 =	vld.idx.msk [tilespmem:v15+s0+$0x0], $0xffff  }
0x1ba: {  	s21 =	sadd.s32 $0x9, s15;
	v8 =	vadd.f32 v8, v9;
	v9 =	vmul.f32 v18, v11;
	v11 =	vld.idx.msk [tilespmem:v15+s3+$0x0], $0xffff;
	v15 =	vor.u32 v4, v20  }
0x1bb: {  	v20 =	vand.u32 $0x78, v21;
	v21 =	vadd.s32 s21, v0;
	v18 =	vld.idx.msk [tilespmem:v19+s0+$0x0], $0xffff  }
0x1bc: {  	s21 =	sadd.s32 $0xA, s15;
	v8 =	vadd.f32 v9, v8;
	v9 =	vmul.f32 v16, v14;
	v14 =	vld.idx.msk [tilespmem:v19+s3+$0x0], $0xffff;
	v16 =	vor.u32 v20, v6  }
0x1bd: {  	v20 =	vand.u32 $0x7F, v21;
	v21 =	vadd.s32 s21, v0;
	v19 =	vld.idx.msk [tilespmem:v17+s0+$0x0], $0xffff  }
0x1be: {  	s21 =	sadd.s32 $0xB, s15;
	v8 =	vadd.f32 v9, v8;
	v9 =	vmul.f32 v13, v12;
	v12 =	vld.idx.msk [tilespmem:v17+s3+$0x0], $0xffff;
	v13 =	vor.u32 v4, v20  }
0x1bf: {  	v20 =	vand.u32 $0x7F, v21;
	v21 =	vadd.s32 s21, v0;
	v17 =	vld.idx.msk [tilespmem:v15+s0+$0x0], $0xffff  }
0x1c0: {  	s21 =	sadd.s32 $0xC, s15;
	v8 =	vadd.f32 v9, v8;
	v9 =	vmul.f32 v11, v10;
	v10 =	vld.idx.msk [tilespmem:v15+s3+$0x0], $0xffff;
	v11 =	vor.u32 v4, v20  }
0x1c1: {  	v20 =	vand.u32 $0x7F, v21;
	v21 =	vadd.s32 s21, v0;
	v15 =	vld.idx.msk [tilespmem:v16+s0+$0x0], $0xffff  }
0x1c2: {  	s21 =	sadd.s32 $0xD, s15;
	v8 =	vadd.f32 v9, v8;
	v9 =	vmul.f32 v14, v18;
	v14 =	vld.idx.msk [tilespmem:v16+s3+$0x0], $0xffff;
	v16 =	vor.u32 v4, v20  }
0x1c3: {  	v20 =	vand.u32 $0x7F, v21;
	v21 =	vadd.s32 s21, v0;
	v18 =	vld.idx.msk [tilespmem:v13+s0+$0x0], $0xffff  }
0x1c4: {  	s21 =	sadd.s32 $0xE, s15;
	v8 =	vadd.f32 v9, v8;
	v9 =	vmul.f32 v12, v19;
	v12 =	vld.idx.msk [tilespmem:v13+s3+$0x0], $0xffff;
	v13 =	vor.u32 v4, v20  }
0x1c5: {  	v20 =	vand.u32 $0x7F, v21;
	v21 =	vadd.s32 s21, v0;
	v19 =	vld.idx.msk [tilespmem:v11+s0+$0x0], $0xffff  }
0x1c6: {  	s21 =	sadd.s32 $0xF, s15;
	s15 =	smov.u32 s24;
	v20 =	vor.u32 v4, v20;
	v8 =	vadd.f32 v9, v8;
	v9 =	vmul.f32 v10, v17;
	v22 =	vld.idx.msk [tilespmem:v11+s3+$0x0], $0xffff  }
0x1c7: {  	v11 =	vand.u32 $0x7F, v21;
	v17 =	vadd.s32 s21, v0;
	v10 =	vld.idx.msk [tilespmem:v16+s0+$0x0], $0xffff  }
.Ltmp5:
0x1c8: {  	v15 =	vmul.f32 v14, v15;
	v8 =	vadd.f32 v9, v8;
	v14 =	vld.idx.msk [tilespmem:v16+s3+$0x0], $0xffff;
	v16 =	vor.u32 v4, v11;
	(pc) =	sbr.rel @p2 .LBB2_14-.Ltmp5, $4  }
0x1c9: {  	v11 =	vand.u32 $0x7F, v17;
	v9 =	vld.idx.msk [tilespmem:v13+s0+$0x0], $0xffff  }
0x1ca: {  	v17 =	vmul.f32 v12, v18;
	v12 =	vor.u32 v4, v11;
	v15 =	vadd.f32 v15, v8;
	v13 =	vld.idx.msk [tilespmem:v13+s3+$0x0], $0xffff  }
0x1cb: {  	s21 =	sadd.s32 $0x1, s24;
	v8 =	vor.u32 s24, v5;
	v11 =	vld.idx.msk [tilespmem:v20+s0+$0x0], $0xffff  }
0x1cc: {  	s26 =	sadd.s32 $0x2, s15;
	v18 =	vadd.s32 s21, v0;
	s24 =	sadd.s32 $0x10, s24;
	v19 =	vmul.f32 v22, v19;
	v17 =	vadd.f32 v17, v15;
	v15 =	vld.idx.msk [tilespmem:v20+s3+$0x0], $0xffff  }
0x1cd: {  	_ =	sdelay $0x3  }
0x1ce: {  	v18 =	vand.u32 $0x7F, v18;
	v20 =	vld.idx.msk [tilespmem:v16+s0+$0x0], $0xffff;
	v10 =	vmul.f32 v14, v10;
	v17 =	vadd.f32 v19, v17  }
0x1cf: {  	v14 =	vadd.s32 s26, v0;
	v16 =	vld.idx.msk [tilespmem:v16+s3+$0x0], $0xffff;
	v18 =	vor.u32 v4, v18  }
0x1d0: {  	s21 =	sadd.s32 $0x3, s15;
	v14 =	vand.u32 $0x7F, v14;
	v19 =	vld.idx.msk [tilespmem:v12+s0+$0x0], $0xffff;
	v9 =	vmul.f32 v13, v9;
	v10 =	vadd.f32 v10, v17  }
0x1d1: {  	v12 =	vld.idx.msk [tilespmem:v12+s3+$0x0], $0xffff;
	v13 =	vadd.s32 s21, v0;
	v14 =	vor.u32 v4, v14  }
0x1d2: {  	s26 =	sadd.s32 $0x4, s15;
	v17 =	vld.idx.msk [tilespmem:v8+s0+$0x0], $0xffff;
	v13 =	vand.u32 $0x7F, v13;
	v9 =	vadd.f32 v9, v10;
	v10 =	vmul.f32 v15, v11  }
0x1d3: {  	v8 =	vld.idx.msk [tilespmem:v8+s3+$0x0], $0xffff;
	v13 =	vor.u32 v4, v13;
	v11 =	vadd.s32 s26, v0  }
0x1d4: {  	s23 =	sadd.s32 $0x5, s15;
	v15 =	vld.idx.msk [tilespmem:v18+s0+$0x0], $0xffff;
	v11 =	vand.u32 $0x7F, v11;
	v9 =	vadd.f32 v10, v9;
	v10 =	vmul.f32 v16, v20  }
0x1d5: {  	v18 =	vld.idx.msk [tilespmem:v18+s3+$0x0], $0xffff;
	v16 =	vadd.s32 s23, v0;
	v11 =	vor.u32 v4, v11  }
0x1d6: {  	s24 =	sadd.s32 $0x6, s15;
	v20 =	vld.idx.msk [tilespmem:v14+s0+$0x0], $0xffff;
	v16 =	vand.u32 $0x7F, v16;
	v9 =	vadd.f32 v10, v9;
	v10 =	vmul.f32 v12, v19  }
0x1d7: {  	v14 =	vld.idx.msk [tilespmem:v14+s3+$0x0], $0xffff;
	v12 =	vadd.s32 s24, v0;
	v16 =	vor.u32 v4, v16  }
0x1d8: {  	s26 =	sadd.s32 $0x7, s15;
	v8 =	vmul.f32 v8, v17;
	v19 =	vld.idx.msk [tilespmem:v13+s0+$0x0], $0xffff;
	v12 =	vand.u32 $0x7F, v12;
	v9 =	vadd.f32 v10, v9  }
0x1d9: {  	v13 =	vld.idx.msk [tilespmem:v13+s3+$0x0], $0xffff;
	v10 =	vadd.s32 s26, v0;
	v12 =	vor.u32 v4, v12  }
0x1da: {  	s23 =	sadd.s32 $0x8, s15;
	v17 =	vld.idx.msk [tilespmem:v11+s0+$0x0], $0xffff;
	v10 =	vand.u32 $0x7F, v10;
	v8 =	vadd.f32 v8, v9;
	v9 =	vmul.f32 v18, v15  }
0x1db: {  	v11 =	vld.idx.msk [tilespmem:v11+s3+$0x0], $0xffff;
	v15 =	vadd.s32 s23, v0;
	v10 =	vor.u32 v4, v10  }
0x1dc: {  	s24 =	sadd.s32 $0x9, s15;
	v18 =	vld.idx.msk [tilespmem:v16+s0+$0x0], $0xffff;
	v15 =	vand.u32 $0x78, v15;
	v8 =	vadd.f32 v9, v8;
	v9 =	vmul.f32 v14, v20  }
0x1dd: {  	v16 =	vld.idx.msk [tilespmem:v16+s3+$0x0], $0xffff;
	v14 =	vadd.s32 s24, v0;
	v15 =	vor.u32 v15, v6  }
0x1de: {  	s26 =	sadd.s32 $0xA, s15;
	v20 =	vld.idx.msk [tilespmem:v12+s0+$0x0], $0xffff;
	v14 =	vand.u32 $0x7F, v14;
	v8 =	vadd.f32 v9, v8;
	v9 =	vmul.f32 v13, v19  }
0x1df: {  	v12 =	vld.idx.msk [tilespmem:v12+s3+$0x0], $0xffff;
	v13 =	vadd.s32 s26, v0;
	v14 =	vor.u32 v4, v14  }
0x1e0: {  	s23 =	sadd.s32 $0xB, s15;
	v19 =	vld.idx.msk [tilespmem:v10+s0+$0x0], $0xffff;
	v13 =	vand.u32 $0x7F, v13;
	v8 =	vadd.f32 v9, v8;
	v9 =	vmul.f32 v11, v17  }
0x1e1: {  	v10 =	vld.idx.msk [tilespmem:v10+s3+$0x0], $0xffff;
	v11 =	vadd.s32 s23, v0;
	v13 =	vor.u32 v4, v13  }
0x1e2: {  	s24 =	sadd.s32 $0xC, s15;
	v17 =	vld.idx.msk [tilespmem:v15+s0+$0x0], $0xffff;
	v11 =	vand.u32 $0x7F, v11;
	v8 =	vadd.f32 v9, v8;
	v9 =	vmul.f32 v16, v18  }
0x1e3: {  	v15 =	vld.idx.msk [tilespmem:v15+s3+$0x0], $0xffff;
	v16 =	vadd.s32 s24, v0;
	v11 =	vor.u32 v4, v11  }
0x1e4: {  	s26 =	sadd.s32 $0xD, s15;
	v18 =	vld.idx.msk [tilespmem:v14+s0+$0x0], $0xffff;
	v16 =	vand.u32 $0x7F, v16;
	v8 =	vadd.f32 v9, v8;
	v9 =	vmul.f32 v12, v20  }
0x1e5: {  	v14 =	vld.idx.msk [tilespmem:v14+s3+$0x0], $0xffff;
	v12 =	vadd.s32 s26, v0;
	v16 =	vor.u32 v4, v16  }
0x1e6: {  	s23 =	sadd.s32 $0xE, s15;
	v20 =	vld.idx.msk [tilespmem:v13+s0+$0x0], $0xffff;
	v12 =	vand.u32 $0x7F, v12;
	v8 =	vadd.f32 v9, v8;
	v9 =	vmul.f32 v10, v19  }
0x1e7: {  	v13 =	vld.idx.msk [tilespmem:v13+s3+$0x0], $0xffff;
	v10 =	vadd.s32 s23, v0;
	v12 =	vor.u32 v4, v12  }
0x1e8: {  	s24 =	sadd.s32 $0xF, s15;
	v19 =	vld.idx.msk [tilespmem:v11+s0+$0x0], $0xffff;
	v10 =	vand.u32 $0x7F, v10;
	v8 =	vadd.f32 v9, v8;
	v9 =	vmul.f32 v15, v17  }
0x1e9: {  	v11 =	vld.idx.msk [tilespmem:v11+s3+$0x0], $0xffff;
	v15 =	vadd.s32 s24, v0;
	v10 =	vor.u32 v4, v10  }
0x1ea: {  	v17 =	vld.idx.msk [tilespmem:v16+s0+$0x0], $0xffff;
	v15 =	vand.u32 $0x7F, v15;
	v8 =	vadd.f32 v9, v8;
	v9 =	vmul.f32 v14, v18  }
0x1eb: {  	v14 =	vld.idx.msk [tilespmem:v16+s3+$0x0], $0xffff;
	v15 =	vor.u32 v4, v15  }
0x1ec: {  	v16 =	vld.idx.msk [tilespmem:v12+s0+$0x0], $0xffff;
	v8 =	vadd.f32 v9, v8;
	v9 =	vmul.f32 v13, v20  }
0x1ed: {  	v12 =	vld.idx.msk [tilespmem:v12+s3+$0x0], $0xffff  }
0x1ee: {  	v13 =	vld.idx.msk [tilespmem:v10+s0+$0x0], $0xffff;
	v8 =	vadd.f32 v9, v8;
	v9 =	vmul.f32 v11, v19  }
0x1ef: {  	v10 =	vld.idx.msk [tilespmem:v10+s3+$0x0], $0xffff  }
0x1f0: {  	v11 =	vld.idx.msk [tilespmem:v15+s0+$0x0], $0xffff;
	v8 =	vadd.f32 v9, v8;
	v9 =	vmul.f32 v14, v17  }
0x1f1: {  	v14 =	vld.idx.msk [tilespmem:v15+s3+$0x0], $0xffff  }
0x1f2: {  	v8 =	vadd.f32 v9, v8;
	v9 =	vmul.f32 v12, v16;
	_ =	sdelay $0x1  }
0x1f3: {  	v8 =	vadd.f32 v9, v8;
	v9 =	vmul.f32 v10, v13;
	_ =	sdelay $0x1  }
0x1f4: {  	v8 =	vadd.f32 v9, v8;
	v9 =	vmul.f32 v14, v11;
	_ =	sdelay $0x1  }
0x1f5: {  	v8 =	vadd.f32 v9, v8;
	_ =	sdelay $0x1  }
0x1f6: {  	v9 =	vmul.f32 $2.000000030e-01, v8  }
0x1f7: {  	vm0 =	vge.f32 v8, $0.0e+00  }
0x1f8: {  	v8 =	vsel vm0, v8, v9  }
0x1f9: {  	s26 =	simm.s32 $0x1;
	v8 =	vmul.f32 $1.442695020e+00, v8  }
0x1fa: {  	s21 =	simm.s32 $0xB;
	v12 =	vadd.s32 s26, v0;
	s26 =	simm.s32 $0x5  }
0x1fb: {  	v39 =	vadd.s32 s21, v0;
	s24 =	simm.s32 $0x2;
	v16 =	vadd.s32 s26, v0;
	(erf) = vpow2.f32 v8  }
0x1fc: {  	s26 =	simm.s32 $0xA;
	v46 =	vand.u32 $0x78, v12;
	v13 =	vadd.s32 s24, v0;
	s24 =	simm.s32 $0x4;
	v20 =	vand.u32 $0x78, v16  }
0x1fd: {  	v21 =	vadd.s32 s26, v0;
	s26 =	simm.s32 $0xE;
	v37 =	vand.u32 $0x7, v16;
	v15 =	vadd.s32 s24, v0  }
0x1fe: {  	v27 =	vadd.s32 s26, v0;
	v16 =	vand.u32 $0x78, v21;
	v8 =	vmul.u32 $0x88, v7  }
0x1ff: {  	s15 =	simm.s32 $0x0;
	v21 =	vand.u32 $0x7, v21;
	v41 =	vand.u32 $0x7, v13;
	v13 =	vand.u32 $0x78, v13  }
0x200: {  	s23 =	simm.s32 $0x3;
	s24 =	simm.s32 $0x9;
	v11 =	vor.u32 s15, v5;
	v10 =	vadd.s32 $0x80, v8;
	v9 =	vor.u32 v2, v8  }
0x201: {  	v14 =	vadd.s32 s23, v0;
	v19 =	vadd.s32 s24, v0;
	v7 =	vadd.s32 s15, v9  }
0x202: {  	s26 =	simm.s32 $0x8;
	v23 =	vand.u32 $0x78, v15;
	v33 =	vand.u32 $0x78, v27;
	v27 =	vand.u32 $0x7, v27  }
0x203: {  	s23 =	simm.s32 $0x7;
	v15 =	vand.u32 $0x7, v15;
	v38 =	vor.u32 v4, v16;
	v49 =	vadd.s32 s26, v0  }
0x204: {  	s24 =	simm.s32 $0xC;
	v18 =	vadd.s32 s23, v0;
	v22 =	vand.u32 $0x7, v14;
	s23 =	simm.s32 $0xD;
	v17 =	vadd.s32 v3, v7;
	v7 =	vpop (erf)  }
0x205: {  	v24 =	vand.u32 $0x78, v19;
	v25 =	vadd.s32 s24, v0;
	[tilespmem:v10+s16+$0x0] =	vst.idx.msk $0xffff, v7;
	v10 =	vadd.s32 s23, v0  }
0x206: {  	v14 =	vand.u32 $0x78, v14;
	v34 =	vor.u32 v4, v33;
	v26 =	vand.u32 $0x78, v10  }
0x207: {  	v35 =	vand.u32 $0x7, v19;
	v28 =	vand.u32 $0x7, v10;
	v10 =	vor.u32 v4, v26  }
0x208: {  	v19 =	vor.u32 v4, v20;
	v38 =	vor.u32 v21, v38;
	v31 =	vor.u32 v28, v10  }
0x209: {  	v51 =	vor.u32 v4, v23;
	v49 =	vand.u32 $0x78, v49;
	v29 =	vand.u32 $0x78, v25  }
0x20a: {  	s24 =	simm.s32 $0x6;
	v25 =	vand.u32 $0x7, v25;
	v36 =	vand.u32 $0x7, v18;
	v34 =	vor.u32 v27, v34  }
0x20b: {  	v47 =	vor.u32 v37, v19;
	v19 =	vor.u32 v4, v13;
	v48 =	vadd.s32 s24, v0  }
0x20c: {  	v57 =	vand.u32 $0x78, v18;
	v32 =	vor.u32 v4, v29;
	v52 =	vand.u32 $0x78, v48  }
0x20d: {  	v63 =	vand.u32 $0x7, v48;
	v32 =	vor.u32 v25, v32;
	v53 =	vor.u32 v4, v52;
	v31 =	vld.idx.msk [tilespmem:v31+s3+$0x0], $0xffff  }
0x20e: {  	v30 =	vadd.s32 v8, v24;
	v40 =	vadd.s32 v8, v20;
	v20 =	vand.u32 $0x78, v39  }
0x20f: {  	v24 =	vor.u32 v4, v24;
	v39 =	vand.u32 $0x7, v39;
	v42 =	vor.u32 v4, v20;
	v11 =	vld.idx.msk [tilespmem:v11+s3+$0x0], $0xffff  }
0x210: {  	v43 =	vadd.s32 v8, v16;
	v58 =	vadd.s32 v8, v46;
	v42 =	vor.u32 v39, v42;
	s23 =	simm.s32 $0xF  }
0x211: {  	v59 =	vadd.s32 v8, v13;
	v13 =	vadd.s32 v8, v33;
	v16 =	vadd.s32 s23, v0  }
0x212: {  	v62 =	vadd.s32 v8, v57;
	v44 =	vmul.f32 v31, v7;
	v31 =	vand.u32 $0x78, v16  }
0x213: {  	v24 =	vor.u32 v35, v24;
	v16 =	vand.u32 $0x7, v16;
	v45 =	vor.u32 v4, v31  }
0x214: {  	v11 =	vmul.f32 v11, v7;
	v31 =	vadd.s32 v8, v31;
	v45 =	vor.u32 v16, v45  }
0x215: {  	v31 =	vor.u32 v16, v31;
	v16 =	vld.idx.msk [tilespmem:v42+s3+$0x0], $0xffff;
	v42 =	vand.u32 $0x7, v12;
	v12 =	vor.u32 v4, v46  }
0x216: {  	v20 =	vadd.s32 v8, v20;
	v50 =	vor.u32 v42, v12;
	v12 =	vor.u32 v41, v19  }
0x217: {  	v60 =	vor.u32 v39, v20;
	v26 =	vadd.s32 v8, v26;
	[tilespmem:v17+s16+$0x0] =	vst.idx.msk $0xffff, v11;
	v11 =	vld.idx.msk [tilespmem:v32+s3+$0x0], $0xffff  }
0x218: {  	v24 =	vld.idx.msk [tilespmem:v24+s3+$0x0], $0xffff;
	v10 =	vadd.s32 v8, v14;
	v14 =	vor.u32 v4, v14;
	v61 =	vor.u32 v28, v26  }
0x219: {  	v10 =	vor.u32 v22, v10;
	v18 =	vor.u32 v22, v14;
	v14 =	vadd.s32 v8, v29;
	v17 =	vld.idx.msk [tilespmem:v45+s3+$0x0], $0xffff  }
0x21a: {  	v22 =	vor.u32 v4, v57;
	v54 =	vmul.f32 v16, v7;
	v16 =	vor.u32 v27, v13;
	v27 =	vld.idx.msk [tilespmem:v34+s3+$0x0], $0xffff  }
0x21b: {  	v28 =	vor.u32 v49, v6;
	v22 =	vor.u32 v36, v22;
	v19 =	vor.u32 v25, v14;
	v14 =	vld.idx.msk [tilespmem:v12+s3+$0x0], $0xffff  }
0x21c: {  	v20 =	vmul.f32 v11, v7;
	v11 =	vor.u32 v21, v43;
	v13 =	vadd.s32 v8, v23  }
0x21d: {  	v21 =	vor.u32 v37, v40;
	v13 =	vor.u32 v15, v13;
	v15 =	vor.u32 v15, v51;
	v32 =	vld.idx.msk [tilespmem:v50+s3+$0x0], $0xffff  }
0x21e: {  	[tilespmem:v61+s16+$0x0] =	vst.idx.msk $0xffff, v44;
	v25 =	vor.u32 v41, v59;
	v26 =	vmul.f32 v17, v7;
	v17 =	vld.idx.msk [tilespmem:v38+s3+$0x0], $0xffff  }
0x21f: {  	v23 =	vmul.f32 v24, v7;
	v24 =	vadd.s32 v8, v52;
	v12 =	vadd.s32 v9, v49  }
0x220: {  	v33 =	vmul.f32 v27, v7;
	v29 =	vmul.f32 v14, v7;
	v14 =	vor.u32 v35, v30  }
0x221: {  	v27 =	vld.idx.msk [tilespmem:v47+s3+$0x0], $0xffff;
	v30 =	vor.u32 v42, v58;
	[tilespmem:v31+s16+$0x0] =	vst.idx.msk $0xffff, v26;
	v31 =	vor.u32 v63, v53  }
0x222: {  	s15 =	simm.s32 $0x10;
	v24 =	vor.u32 v63, v24;
	[tilespmem:v60+s16+$0x0] =	vst.idx.msk $0xffff, v54;
	v26 =	vld.idx.msk [tilespmem:v15+s3+$0x0], $0xffff;
	v15 =	vor.u32 v36, v62  }
.LBB2_16:
0x223: {  	v34 =	vor.u32 s15, v5;
	s21 =	sadd.s32 $0x1, s15;
	s24 =	sadd.s32 $0x2, s15;
	s26 =	sadd.s32 $0x3, s15;
	v32 =	vmul.f32 v32, v7;
	v35 =	vmul.f32 v17, v7;
	[tilespmem:v16+s16+$0x0] =	vst.idx.msk $0xffff, v33  }
0x224: {  	v17 =	vadd.s32 s21, v0;
	v16 =	vadd.s32 s24, v0;
	v33 =	vadd.s32 s26, v0;
	s21 =	sadd.s32 $0x4, s15;
	s26 =	sadd.s32 $0x5, s15;
	s24 =	sadd.s32 $0x6, s15;
	v28 =	vld.idx.msk [tilespmem:v28+s3+$0x0], $0xffff  }
0x225: {  	v36 =	vadd.s32 s15, v9;
	s23 =	sadd.s32 $0xA, s15;
	v37 =	vadd.s32 s21, v0;
	v38 =	vadd.s32 s26, v0;
	s21 =	sadd.s32 $0x7, s15;
	s26 =	sadd.s32 $0x9, s15;
	[tilespmem:v25+s16+$0x0] =	vst.idx.msk $0xffff, v29  }
0x226: {  	p2 =	slt.u32 s15, $0x70;
	v25 =	vadd.s32 v3, v36;
	v29 =	vadd.s32 s21, v0;
	v36 =	vadd.s32 s26, v0;
	[tilespmem:v30+s16+$0x0] =	vst.idx.msk $0xffff, v32;
	v30 =	vld.idx.msk [tilespmem:v31+s3+$0x0], $0xffff;
	s26 =	smov.u32 s15;
	s15 =	sadd.s32 $0x10, s15  }
0x227: {  	v27 =	vmul.f32 v27, v7;
	v31 =	vand.u32 $0x78, v38;
	v32 =	vadd.s32 s23, v0;
	v18 =	vld.idx.msk [tilespmem:v18+s3+$0x0], $0xffff;
	[tilespmem:v19+s16+$0x0] =	vst.idx.msk $0xffff, v20  }
0x228: {  	v20 =	vand.u32 $0x7, v33;
	v39 =	vand.u32 $0x78, v36;
	s21 =	sadd.s32 $0xC, s26;
	s23 =	sadd.s32 $0xD, s26;
	v19 =	vld.idx.msk [tilespmem:v34+s3+$0x0], $0xffff;
	v34 =	vand.u32 $0x78, v37  }
0x229: {  	v26 =	vmul.f32 v26, v7;
	v40 =	vadd.s32 s21, v0;
	v41 =	vadd.s32 s23, v0;
	s21 =	sadd.s32 $0xE, s26;
	[tilespmem:v21+s16+$0x0] =	vst.idx.msk $0xffff, v27;
	v21 =	vld.idx.msk [tilespmem:v22+s3+$0x0], $0xffff  }
0x22a: {  	v22 =	vand.u32 $0x78, v41;
	v27 =	vadd.s32 s21, v0;
	v28 =	vmul.f32 v28, v7;
	[tilespmem:v14+s16+$0x0] =	vst.idx.msk $0xffff, v23  }
0x22b: {  	v14 =	vadd.s32 v8, v39;
	v23 =	vand.u32 $0x7, v41;
	v41 =	vor.u32 v4, v22  }
0x22c: {  	v42 =	vand.u32 $0x78, v40;
	v41 =	vor.u32 v23, v41;
	[tilespmem:v13+s16+$0x0] =	vst.idx.msk $0xffff, v26;
	v13 =	vmul.f32 v30, v7  }
0x22d: {  	v26 =	vand.u32 $0x78, v33;
	v30 =	vor.u32 v4, v42;
	v33 =	vand.u32 $0x78, v27;
	[tilespmem:v12+s16+$0x0] =	vst.idx.msk $0xffff, v28  }
0x22e: {  	v27 =	vand.u32 $0x7, v27;
	v12 =	vadd.s32 v8, v26;
	v28 =	vand.u32 $0x7, v40;
	[tilespmem:v24+s16+$0x0] =	vst.idx.msk $0xffff, v13  }
0x22f: {  	v12 =	vor.u32 v20, v12;
	v13 =	vor.u32 v4, v39;
	v24 =	vor.u32 v4, v33  }
0x230: {  	v36 =	vand.u32 $0x7, v36;
	v37 =	vand.u32 $0x7, v37;
	v19 =	vmul.f32 v19, v7;
	[tilespmem:v11+s16+$0x0] =	vst.idx.msk $0xffff, v35  }
0x231: {  	v18 =	vmul.f32 v18, v7;
	v11 =	vor.u32 v4, v31;
	v35 =	vand.u32 $0x7, v29  }
0x232: {  	v38 =	vand.u32 $0x7, v38;
	s21 =	sadd.s32 $0xB, s26;
	v21 =	vmul.f32 v21, v7;
	[tilespmem:v25+s16+$0x0] =	vst.idx.msk $0xffff, v19;
	v19 =	vand.u32 $0x78, v32;
	v25 =	vld.idx.msk [tilespmem:v41+s3+$0x0], $0xffff  }
0x233: {  	v26 =	vor.u32 v4, v26;
	v40 =	vadd.s32 s21, v0;
	v39 =	vor.u32 v4, v19;
	[tilespmem:v10+s16+$0x0] =	vst.idx.msk $0xffff, v18  }
0x234: {  	v31 =	vadd.s32 v8, v31;
	v32 =	vand.u32 $0x7, v32;
	v18 =	vand.u32 $0x78, v40;
	v10 =	vmovc v12;
	[tilespmem:v15+s16+$0x0] =	vst.idx.msk $0xffff, v21  }
0x235: {  	v12 =	vand.u32 $0x7, v40;
	v15 =	vand.u32 $0x7, v16;
	v21 =	vor.u32 v4, v18  }
0x236: {  	s21 =	sadd.s32 $0xF, s26;
	v39 =	vor.u32 v32, v39;
	v40 =	vadd.s32 v8, v18;
	v21 =	vor.u32 v12, v21  }
0x237: {  	v22 =	vadd.s32 v8, v22;
	v41 =	vadd.s32 v8, v19;
	v18 =	vadd.s32 s21, v0  }
0x238: {  	v13 =	vor.u32 v36, v13;
	v19 =	vand.u32 $0x78, v18;
	v43 =	vmul.f32 v25, v7  }
0x239: {  	v18 =	vand.u32 $0x7, v18;
	v25 =	vor.u32 v28, v30;
	v30 =	vor.u32 v4, v19  }
0x23a: {  	v24 =	vor.u32 v27, v24;
	v19 =	vadd.s32 v8, v19;
	v30 =	vor.u32 v18, v30  }
0x23b: {  	v44 =	vand.u32 $0x78, v17;
	v45 =	vor.u32 v38, v11;
	v46 =	vor.u32 v18, v19;
	v11 =	vld.idx.msk [tilespmem:v21+s3+$0x0], $0xffff  }
0x23c: {  	v47 =	vand.u32 $0x7, v17;
	v17 =	vor.u32 v4, v44;
	v16 =	vand.u32 $0x78, v16;
	s21 =	sadd.s32 $0x8, s26  }
0x23d: {  	v48 =	vadd.s32 s24, v0;
	v18 =	vor.u32 v4, v16;
	v19 =	vadd.s32 s21, v0  }
0x23e: {  	v49 =	vor.u32 v4, v34;
	v21 =	vor.u32 v47, v17;
	v17 =	vor.u32 v15, v18;
	v25 =	vld.idx.msk [tilespmem:v25+s3+$0x0], $0xffff  }
0x23f: {  	v50 =	vand.u32 $0x78, v48;
	v29 =	vand.u32 $0x78, v29;
	v51 =	vand.u32 $0x78, v19;
	v30 =	vld.idx.msk [tilespmem:v30+s3+$0x0], $0xffff  }
0x240: {  	v44 =	vadd.s32 v8, v44;
	v52 =	vadd.s32 v8, v16;
	v53 =	vld.idx.msk [tilespmem:v13+s3+$0x0], $0xffff;
	v13 =	vadd.s32 v8, v33  }
0x241: {  	v54 =	vor.u32 v4, v50;
	v55 =	vmul.f32 v11, v7;
	v24 =	vld.idx.msk [tilespmem:v24+s3+$0x0], $0xffff;
	v16 =	vor.u32 v27, v13  }
0x242: {  	v19 =	vadd.s32 v8, v42;
	v18 =	vor.u32 v20, v26;
	v11 =	vadd.s32 v8, v34  }
0x243: {  	v19 =	vor.u32 v28, v19;
	v34 =	vor.u32 v12, v40;
	v13 =	vor.u32 v37, v11;
	v26 =	vld.idx.msk [tilespmem:v17+s3+$0x0], $0xffff  }
0x244: {  	v12 =	vadd.s32 v9, v51;
	v20 =	vmul.f32 v25, v7;
	v17 =	vld.idx.msk [tilespmem:v39+s3+$0x0], $0xffff;
	v39 =	vor.u32 v23, v22  }
0x245: {  	v11 =	vor.u32 v32, v41;
	v22 =	vor.u32 v4, v29;
	v27 =	vmul.f32 v30, v7  }
0x246: {  	v25 =	vor.u32 v15, v52;
	v15 =	vor.u32 v37, v49;
	v32 =	vld.idx.msk [tilespmem:v21+s3+$0x0], $0xffff;
	v21 =	vor.u32 v38, v31  }
.Ltmp6:
0x247: {  	v28 =	vor.u32 v51, v6;
	v37 =	vadd.s32 v8, v29;
	v22 =	vor.u32 v35, v22;
	(pc) =	sbr.rel @p2 .LBB2_16-.Ltmp6, $4  }
0x248: {  	v23 =	vmul.f32 v53, v7;
	v38 =	vand.u32 $0x7, v48;
	v33 =	vmul.f32 v24, v7;
	[tilespmem:v46+s16+$0x0] =	vst.idx.msk $0xffff, v27  }
0x249: {  	v14 =	vor.u32 v36, v14;
	v24 =	vadd.s32 v8, v50;
	v29 =	vmul.f32 v26, v7;
	v27 =	vld.idx.msk [tilespmem:v45+s3+$0x0], $0xffff  }
0x24a: {  	v30 =	vor.u32 v47, v44;
	v31 =	vor.u32 v38, v54;
	[tilespmem:v34+s16+$0x0] =	vst.idx.msk $0xffff, v55  }
0x24b: {  	v24 =	vor.u32 v38, v24;
	v26 =	vld.idx.msk [tilespmem:v15+s3+$0x0], $0xffff;
	v15 =	vor.u32 v35, v37;
	[tilespmem:v39+s16+$0x0] =	vst.idx.msk $0xffff, v43  }
0x24c: {  	_ =	sdelay $0x3  }
0x24d: {  	v4 =	vmul.f32 v32, v7;
	[tilespmem:v16+s16+$0x0] =	vst.idx.msk $0xffff, v33  }
0x24e: {  	v5 =	vld.idx.msk [tilespmem:v28+s3+$0x0], $0xffff;
	[tilespmem:v25+s16+$0x0] =	vst.idx.msk $0xffff, v29  }
0x24f: {  	v6 =	vld.idx.msk [tilespmem:v31+s3+$0x0], $0xffff;
	[tilespmem:v30+s16+$0x0] =	vst.idx.msk $0xffff, v4;
	v4 =	vmul.f32 v27, v7  }
0x250: {  	v8 =	vld.idx.msk [tilespmem:v18+s3+$0x0], $0xffff;
	[tilespmem:v19+s16+$0x0] =	vst.idx.msk $0xffff, v20  }
0x251: {  	v63 =	vmul.f32 v17, v7;
	[tilespmem:v21+s16+$0x0] =	vst.idx.msk $0xffff, v4;
	v4 =	vld.idx.msk [tilespmem:v22+s3+$0x0], $0xffff  }
0x252: {  	[tilespmem:v14+s16+$0x0] =	vst.idx.msk $0xffff, v23;
	v9 =	vmul.f32 v26, v7  }
0x253: {  	[tilespmem:v11+s16+$0x0] =	vst.idx.msk $0xffff, v63;
	v5 =	vmul.f32 v5, v7  }
.Ltmp7:
0x254: {  	v6 =	vmul.f32 v6, v7;
	[tilespmem:v13+s16+$0x0] =	vst.idx.msk $0xffff, v9;
	(pc) =	sbr.rel @p1 .LBB2_13-.Ltmp7, $4  }
0x255: {  	[tilespmem:v12+s16+$0x0] =	vst.idx.msk $0xffff, v5;
	v5 =	vmul.f32 v8, v7  }
0x256: {  	[tilespmem:v24+s16+$0x0] =	vst.idx.msk $0xffff, v6;
	v4 =	vmul.f32 v4, v7  }
0x257: {  	[tilespmem:v10+s16+$0x0] =	vst.idx.msk $0xffff, v5  }
0x258: {  	s15 =	simm.s32 $0x10;
	p2 =	por $0x0, $0x0;
	[tilespmem:v15+s16+$0x0] =	vst.idx.msk $0xffff, v4  }
0x259: {  	s14 =	simm.s32 $0xE0  }
0x25a: {  	[spmem:s2] =	stream.indirect.scatter.add.f32 [tilespmem:s16], [sflag:$0x8], $0x88, s14, s22, $0xb8;
	[tilespmem:$0x1E820] =	vst v63  }
0x25b: {  	_ =	swait.ge [sflag:s31], $0x20  }
0x25c: {  	[sflag:s31] =	ssyncset.done $0x0  }
0x25d: {  	[sflag:s31] =	ssyncadd.s32 $0xFFFFFFE0  }
0x25e: {  	_ =	swait.ge [sflag:s31], $0x20  }
0x25f: {  	[sflag:s31] =	ssyncset.done $0x0  }
0x260: {  	[sflag:s31] =	ssyncadd.s32 $0xFFFFFFE0  }
0x261: {  	[tilespmem:s0], [sflag:$0x5] =	stream.indirect.gather [hbm4b:s1+s22], $0x80, s22, s22, $0xb8;
	[tilespmem:$0x1E820] =	vst v63  }
0x262: {  	s23 =	simm.s32 $0x80  }
0x263: {  	[tilespmem:s3], [sflag:$0x5] =	stream.indirect.gather [hbm4b:s1+s22], $0x80, s23, s22, $0xb8;
	[tilespmem:$0x1E820] =	vst v63  }
0x264: {  	_ =	swait.ge [sflag:s25], $0x1000  }
0x265: {  	[sflag:s25] =	ssyncset.done $0x0  }
0x266: {  	[sflag:s25] =	ssyncadd.s32 $0xFFFFF000  }
0x267: {  	_ =	swait.ge [sflag:s25], $0x1000  }
0x268: {  	[sflag:s25] =	ssyncset.done $0x0  }
0x269: {  	s14 =	simm.s32 @!p0 $0x9;
	[sflag:s25] =	ssyncadd.s32 $0xFFFFF000  }
0x26a: {  	_ =	swait.ge @!p0 [sflag:s14], $0x1100  }
0x26b: {  	[sflag:s14] =	ssyncset.done @!p0 $0x0  }
0x26c: {  	[sflag:s14] =	ssyncadd.s32 @!p0 $0xFFFFEF00  }
0x26d: {  	v4 =	vld [tilespmem:$0x40]  }
0x26e: {  	v5 =	vld [tilespmem:$0x50]  }
0x26f: {  	p0 =	slt.s32 s13, $0x2650  }
0x270: {  	s24 =	rddreg [dreg:$0xc];
	s13 =	simm.s32 @!p0 $0x2650  }
0x271: {  	s13 =	sadd.s32 s13, s24  }
0x272: {  	s14 =	sshrl.u32 s13, $0x3;
	[tilespmem:$0x100] =	vst v4  }
0x273: {  	s21 =	simm.s32 $0x40;
	s13 =	simm.s32 $0x0;
	s15 =	sadd.s32 s5, s14;
	[tilespmem:$0x110] =	vst v5  }
0x274: {  	[tilespmem:s21], [sflag:$0x3] =	stream.linear.gather [hbm4b:s15+s13], $0x20, $0x38;
	[tilespmem:$0x1E820] =	vst v63  }
0x275: {  	s26 =	simm.s32 $0xA0;
	s14 =	sadd.s32 s6, s14  }
0x276: {  	[tilespmem:s26], [sflag:$0x3] =	stream.linear.gather [hbm4b:s14+s13], $0x20, $0x38;
	[tilespmem:$0x1E820] =	vst v63  }
0x277: {  	p1 =	por $0x1, $0x1;
	s14 =	simm.s32 $0x0  }
.LBB2_19:
0x278: {  	v7 =	vor.u32 s14, v0  }
0x279: {  	v4 =	vshll.u32 v7, $0x7  }
0x27a: {  	s15 =	simm.s32 $0x1;
	v5 =	vor.u32 v0, v4  }
0x27b: {  	v8 =	vadd.s32 s15, v0;
	v6 =	vor.u32 s13, v5  }
0x27c: {  	s21 =	simm.s32 $0x2;
	v8 =	vand.u32 $0x7F, v8  }
0x27d: {  	v9 =	vadd.s32 s21, v0;
	v8 =	vor.u32 v4, v8  }
0x27e: {  	s23 =	simm.s32 $0x3;
	v9 =	vand.u32 $0x7F, v9  }
0x27f: {  	v10 =	vadd.s32 s23, v0;
	v9 =	vor.u32 v4, v9  }
0x280: {  	s24 =	simm.s32 $0x4;
	v10 =	vand.u32 $0x7F, v10;
	v11 =	vld.idx.msk [tilespmem:v6+s8+$0x0], $0xffff  }
0x281: {  	v12 =	vadd.s32 s24, v0;
	v10 =	vor.u32 v4, v10;
	v6 =	vld.idx.msk [tilespmem:v6+s9+$0x0], $0xffff  }
0x282: {  	s26 =	simm.s32 $0x5;
	v12 =	vand.u32 $0x7F, v12;
	v13 =	vld.idx.msk [tilespmem:v8+s8+$0x0], $0xffff  }
0x283: {  	v14 =	vadd.s32 s26, v0;
	v12 =	vor.u32 v4, v12;
	v8 =	vld.idx.msk [tilespmem:v8+s9+$0x0], $0xffff  }
0x284: {  	s15 =	simm.s32 $0x6;
	v14 =	vand.u32 $0x7F, v14;
	v15 =	vld.idx.msk [tilespmem:v9+s8+$0x0], $0xffff  }
0x285: {  	v16 =	vadd.s32 s15, v0;
	v14 =	vor.u32 v4, v14;
	v9 =	vld.idx.msk [tilespmem:v9+s9+$0x0], $0xffff  }
0x286: {  	s21 =	simm.s32 $0x7;
	v16 =	vand.u32 $0x7F, v16;
	v17 =	vld.idx.msk [tilespmem:v10+s8+$0x0], $0xffff  }
0x287: {  	s23 =	simm.s32 $0x8;
	v18 =	vadd.s32 s21, v0;
	v10 =	vld.idx.msk [tilespmem:v10+s9+$0x0], $0xffff;
	v6 =	vmul.f32 v6, v11;
	v11 =	vor.u32 v4, v16  }
0x288: {  	v20 =	vadd.s32 s23, v0;
	v18 =	vand.u32 $0x7F, v18;
	v19 =	vld.idx.msk [tilespmem:v12+s8+$0x0], $0xffff;
	v16 =	vimm.f32 $0.0e+00  }
0x289: {  	s24 =	simm.s32 $0x9;
	v12 =	vld.idx.msk [tilespmem:v12+s9+$0x0], $0xffff;
	v8 =	vmul.f32 v8, v13;
	v13 =	vor.u32 v4, v18;
	v16 =	vadd.f32 v6, v16  }
0x28a: {  	v21 =	vadd.s32 s24, v0;
	v20 =	vand.u32 $0x78, v20;
	v18 =	vld.idx.msk [tilespmem:v14+s8+$0x0], $0xffff;
	v6 =	vor.u32 v2, v4  }
0x28b: {  	s26 =	simm.s32 $0xA;
	v9 =	vmul.f32 v9, v15;
	v14 =	vld.idx.msk [tilespmem:v14+s9+$0x0], $0xffff;
	v15 =	vor.u32 v20, v6;
	v8 =	vadd.f32 v8, v16  }
0x28c: {  	v59 =	vadd.s32 s26, v0;
	v20 =	vand.u32 $0x7F, v21;
	v16 =	vld.idx.msk [tilespmem:v11+s8+$0x0], $0xffff  }
0x28d: {  	s15 =	simm.s32 $0xB;
	v8 =	vadd.f32 v9, v8;
	v9 =	vmul.f32 v10, v17;
	v10 =	vld.idx.msk [tilespmem:v11+s9+$0x0], $0xffff;
	v11 =	vor.u32 v4, v20  }
0x28e: {  	v60 =	vadd.s32 s15, v0;
	v17 =	vld.idx.msk [tilespmem:v13+s8+$0x0], $0xffff;
	v20 =	vand.u32 $0x7F, v59  }
0x28f: {  	s21 =	simm.s32 $0xC;
	v8 =	vadd.f32 v9, v8;
	v9 =	vmul.f32 v12, v19;
	v12 =	vld.idx.msk [tilespmem:v13+s9+$0x0], $0xffff;
	v13 =	vor.u32 v4, v20  }
0x290: {  	v61 =	vadd.s32 s21, v0;
	v19 =	vld.idx.msk [tilespmem:v15+s8+$0x0], $0xffff;
	v20 =	vand.u32 $0x7F, v60  }
0x291: {  	v8 =	vadd.f32 v9, v8;
	v9 =	vmul.f32 v14, v18;
	v14 =	vld.idx.msk [tilespmem:v15+s9+$0x0], $0xffff;
	v15 =	vor.u32 v4, v20  }
0x292: {  	v20 =	vand.u32 $0x7F, v61;
	v18 =	vld.idx.msk [tilespmem:v11+s8+$0x0], $0xffff  }
0x293: {  	s23 =	simm.s32 $0xD;
	v11 =	vld.idx.msk [tilespmem:v11+s9+$0x0], $0xffff;
	v8 =	vadd.f32 v9, v8;
	v9 =	vmul.f32 v10, v16;
	v16 =	vor.u32 v4, v20  }
0x294: {  	v62 =	vadd.s32 s23, v0;
	v20 =	vld.idx.msk [tilespmem:v13+s8+$0x0], $0xffff  }
0x295: {  	v10 =	vand.u32 $0x7F, v62;
	v63 =	vld.idx.msk [tilespmem:v13+s9+$0x0], $0xffff;
	v8 =	vadd.f32 v9, v8;
	v9 =	vmul.f32 v12, v17  }
0x296: {  	s24 =	simm.s32 $0xE;
	v22 =	vor.u32 v4, v10;
	v10 =	vld.idx.msk [tilespmem:v15+s8+$0x0], $0xffff  }
0x297: {  	v12 =	vadd.s32 s24, v0;
	v13 =	vmul.f32 v14, v19;
	v14 =	vld.idx.msk [tilespmem:v15+s9+$0x0], $0xffff;
	v8 =	vadd.f32 v9, v8  }
0x298: {  	s26 =	simm.s32 $0xF;
	v12 =	vand.u32 $0x7F, v12;
	v9 =	vld.idx.msk [tilespmem:v16+s8+$0x0], $0xffff  }
0x299: {  	v15 =	vadd.s32 s26, v0;
	v17 =	vadd.f32 v13, v8;
	v13 =	vld.idx.msk [tilespmem:v16+s9+$0x0], $0xffff;
	v16 =	vor.u32 v4, v12  }
0x29a: {  	v15 =	vand.u32 $0x7F, v15  }
0x29b: {  	s15 =	simm.s32 $0x11;
	v19 =	vmul.f32 v11, v18;
	v12 =	vor.u32 v4, v15  }
0x29c: {  	s14 =	simm.s32 $0x10;
	v18 =	vadd.s32 s15, v0;
	v11 =	vld.idx.msk [tilespmem:v22+s8+$0x0], $0xffff  }
0x29d: {  	p0 =	por p1, p1;
	s24 =	simm.s32 $0x12;
	s15 =	simm.s32 $0x20;
	v8 =	vor.u32 s14, v5;
	v15 =	vld.idx.msk [tilespmem:v22+s9+$0x0], $0xffff;
	v17 =	vadd.f32 v19, v17;
	v19 =	vmul.f32 v63, v20  }
.LBB2_20:
0x29e: {  	p1 =	slt.u32 s15, $0x70;
	v18 =	vand.u32 $0x7F, v18;
	v20 =	vadd.s32 s24, v0;
	v21 =	vld.idx.msk [tilespmem:v16+s8+$0x0], $0xffff  }
0x29f: {  	s21 =	sadd.s32 $0x3, s14;
	v10 =	vmul.f32 v14, v10;
	v18 =	vor.u32 v4, v18;
	v17 =	vadd.f32 v19, v17;
	v14 =	vld.idx.msk [tilespmem:v16+s9+$0x0], $0xffff  }
0x2a0: {  	v16 =	vand.u32 $0x7F, v20;
	v19 =	vadd.s32 s21, v0;
	v20 =	vld.idx.msk [tilespmem:v12+s8+$0x0], $0xffff  }
0x2a1: {  	s21 =	sadd.s32 $0x4, s14;
	v16 =	vor.u32 v4, v16;
	v9 =	vmul.f32 v13, v9;
	v10 =	vadd.f32 v10, v17;
	v12 =	vld.idx.msk [tilespmem:v12+s9+$0x0], $0xffff  }
0x2a2: {  	v17 =	vand.u32 $0x7F, v19;
	v19 =	vadd.s32 s21, v0;
	v13 =	vld.idx.msk [tilespmem:v8+s8+$0x0], $0xffff  }
0x2a3: {  	s21 =	sadd.s32 $0x5, s14;
	v17 =	vor.u32 v4, v17;
	v8 =	vld.idx.msk [tilespmem:v8+s9+$0x0], $0xffff;
	v9 =	vadd.f32 v9, v10;
	v10 =	vmul.f32 v15, v11  }
0x2a4: {  	v15 =	vand.u32 $0x7F, v19;
	v19 =	vadd.s32 s21, v0;
	v11 =	vld.idx.msk [tilespmem:v18+s8+$0x0], $0xffff  }
0x2a5: {  	s21 =	sadd.s32 $0x6, s14;
	v15 =	vor.u32 v4, v15;
	v18 =	vld.idx.msk [tilespmem:v18+s9+$0x0], $0xffff;
	v9 =	vadd.f32 v10, v9;
	v10 =	vmul.f32 v14, v21  }
0x2a6: {  	v19 =	vand.u32 $0x7F, v19;
	v21 =	vadd.s32 s21, v0;
	v14 =	vld.idx.msk [tilespmem:v16+s8+$0x0], $0xffff  }
0x2a7: {  	v19 =	vor.u32 v4, v19;
	s21 =	sadd.s32 $0x7, s14;
	v16 =	vld.idx.msk [tilespmem:v16+s9+$0x0], $0xffff;
	v9 =	vadd.f32 v10, v9;
	v10 =	vmul.f32 v12, v20  }
0x2a8: {  	v20 =	vand.u32 $0x7F, v21;
	v21 =	vadd.s32 s21, v0;
	v12 =	vld.idx.msk [tilespmem:v17+s8+$0x0], $0xffff  }
0x2a9: {  	s21 =	sadd.s32 $0x8, s14;
	v8 =	vmul.f32 v8, v13;
	v13 =	vld.idx.msk [tilespmem:v17+s9+$0x0], $0xffff;
	v17 =	vor.u32 v4, v20;
	v9 =	vadd.f32 v10, v9  }
0x2aa: {  	v20 =	vand.u32 $0x7F, v21;
	v21 =	vadd.s32 s21, v0;
	v10 =	vld.idx.msk [tilespmem:v15+s8+$0x0], $0xffff  }
0x2ab: {  	s21 =	sadd.s32 $0x9, s14;
	v8 =	vadd.f32 v8, v9;
	v9 =	vmul.f32 v18, v11;
	v11 =	vld.idx.msk [tilespmem:v15+s9+$0x0], $0xffff;
	v15 =	vor.u32 v4, v20  }
0x2ac: {  	v20 =	vand.u32 $0x78, v21;
	v21 =	vadd.s32 s21, v0;
	v18 =	vld.idx.msk [tilespmem:v19+s8+$0x0], $0xffff  }
0x2ad: {  	s21 =	sadd.s32 $0xA, s14;
	v8 =	vadd.f32 v9, v8;
	v9 =	vmul.f32 v16, v14;
	v14 =	vld.idx.msk [tilespmem:v19+s9+$0x0], $0xffff;
	v16 =	vor.u32 v20, v6  }
0x2ae: {  	v20 =	vand.u32 $0x7F, v21;
	v21 =	vadd.s32 s21, v0;
	v19 =	vld.idx.msk [tilespmem:v17+s8+$0x0], $0xffff  }
0x2af: {  	s21 =	sadd.s32 $0xB, s14;
	v8 =	vadd.f32 v9, v8;
	v9 =	vmul.f32 v13, v12;
	v12 =	vld.idx.msk [tilespmem:v17+s9+$0x0], $0xffff;
	v13 =	vor.u32 v4, v20  }
0x2b0: {  	v20 =	vand.u32 $0x7F, v21;
	v21 =	vadd.s32 s21, v0;
	v17 =	vld.idx.msk [tilespmem:v15+s8+$0x0], $0xffff  }
0x2b1: {  	s21 =	sadd.s32 $0xC, s14;
	v8 =	vadd.f32 v9, v8;
	v9 =	vmul.f32 v11, v10;
	v10 =	vld.idx.msk [tilespmem:v15+s9+$0x0], $0xffff;
	v11 =	vor.u32 v4, v20  }
0x2b2: {  	v20 =	vand.u32 $0x7F, v21;
	v21 =	vadd.s32 s21, v0;
	v15 =	vld.idx.msk [tilespmem:v16+s8+$0x0], $0xffff  }
0x2b3: {  	s21 =	sadd.s32 $0xD, s14;
	v8 =	vadd.f32 v9, v8;
	v9 =	vmul.f32 v14, v18;
	v14 =	vld.idx.msk [tilespmem:v16+s9+$0x0], $0xffff;
	v16 =	vor.u32 v4, v20  }
0x2b4: {  	v20 =	vand.u32 $0x7F, v21;
	v21 =	vadd.s32 s21, v0;
	v18 =	vld.idx.msk [tilespmem:v13+s8+$0x0], $0xffff  }
0x2b5: {  	s21 =	sadd.s32 $0xE, s14;
	v8 =	vadd.f32 v9, v8;
	v9 =	vmul.f32 v12, v19;
	v12 =	vld.idx.msk [tilespmem:v13+s9+$0x0], $0xffff;
	v13 =	vor.u32 v4, v20  }
0x2b6: {  	v20 =	vand.u32 $0x7F, v21;
	v21 =	vadd.s32 s21, v0;
	v19 =	vld.idx.msk [tilespmem:v11+s8+$0x0], $0xffff  }
0x2b7: {  	s21 =	sadd.s32 $0xF, s14;
	s14 =	smov.u32 s15;
	v20 =	vor.u32 v4, v20;
	v8 =	vadd.f32 v9, v8;
	v9 =	vmul.f32 v10, v17;
	v22 =	vld.idx.msk [tilespmem:v11+s9+$0x0], $0xffff  }
0x2b8: {  	v11 =	vand.u32 $0x7F, v21;
	v17 =	vadd.s32 s21, v0;
	v10 =	vld.idx.msk [tilespmem:v16+s8+$0x0], $0xffff  }
.Ltmp8:
0x2b9: {  	v15 =	vmul.f32 v14, v15;
	v8 =	vadd.f32 v9, v8;
	v14 =	vld.idx.msk [tilespmem:v16+s9+$0x0], $0xffff;
	v16 =	vor.u32 v4, v11;
	(pc) =	sbr.rel @p1 .LBB2_20-.Ltmp8, $4  }
0x2ba: {  	v11 =	vand.u32 $0x7F, v17;
	v9 =	vld.idx.msk [tilespmem:v13+s8+$0x0], $0xffff  }
0x2bb: {  	v17 =	vmul.f32 v12, v18;
	v12 =	vor.u32 v4, v11;
	v15 =	vadd.f32 v15, v8;
	v13 =	vld.idx.msk [tilespmem:v13+s9+$0x0], $0xffff  }
0x2bc: {  	s21 =	sadd.s32 $0x1, s15;
	v8 =	vor.u32 s15, v5;
	v11 =	vld.idx.msk [tilespmem:v20+s8+$0x0], $0xffff  }
0x2bd: {  	s24 =	sadd.s32 $0x2, s14;
	v18 =	vadd.s32 s21, v0;
	s15 =	sadd.s32 $0x10, s15;
	v19 =	vmul.f32 v22, v19;
	v17 =	vadd.f32 v17, v15;
	v15 =	vld.idx.msk [tilespmem:v20+s9+$0x0], $0xffff  }
0x2be: {  	_ =	sdelay $0x3  }
0x2bf: {  	v18 =	vand.u32 $0x7F, v18;
	v20 =	vld.idx.msk [tilespmem:v16+s8+$0x0], $0xffff;
	v10 =	vmul.f32 v14, v10;
	v17 =	vadd.f32 v19, v17  }
0x2c0: {  	v14 =	vadd.s32 s24, v0;
	v16 =	vld.idx.msk [tilespmem:v16+s9+$0x0], $0xffff;
	v18 =	vor.u32 v4, v18  }
0x2c1: {  	s15 =	sadd.s32 $0x3, s14;
	v14 =	vand.u32 $0x7F, v14;
	v19 =	vld.idx.msk [tilespmem:v12+s8+$0x0], $0xffff;
	v9 =	vmul.f32 v13, v9;
	v10 =	vadd.f32 v10, v17  }
0x2c2: {  	v12 =	vld.idx.msk [tilespmem:v12+s9+$0x0], $0xffff;
	v13 =	vadd.s32 s15, v0;
	v14 =	vor.u32 v4, v14  }
0x2c3: {  	s26 =	sadd.s32 $0x4, s14;
	v17 =	vld.idx.msk [tilespmem:v8+s8+$0x0], $0xffff;
	v13 =	vand.u32 $0x7F, v13;
	v9 =	vadd.f32 v9, v10;
	v10 =	vmul.f32 v15, v11  }
0x2c4: {  	v8 =	vld.idx.msk [tilespmem:v8+s9+$0x0], $0xffff;
	v13 =	vor.u32 v4, v13;
	v11 =	vadd.s32 s26, v0  }
0x2c5: {  	s21 =	sadd.s32 $0x5, s14;
	v15 =	vld.idx.msk [tilespmem:v18+s8+$0x0], $0xffff;
	v11 =	vand.u32 $0x7F, v11;
	v9 =	vadd.f32 v10, v9;
	v10 =	vmul.f32 v16, v20  }
0x2c6: {  	v18 =	vld.idx.msk [tilespmem:v18+s9+$0x0], $0xffff;
	v16 =	vadd.s32 s21, v0;
	v11 =	vor.u32 v4, v11  }
0x2c7: {  	s23 =	sadd.s32 $0x6, s14;
	v20 =	vld.idx.msk [tilespmem:v14+s8+$0x0], $0xffff;
	v16 =	vand.u32 $0x7F, v16;
	v9 =	vadd.f32 v10, v9;
	v10 =	vmul.f32 v12, v19  }
0x2c8: {  	v14 =	vld.idx.msk [tilespmem:v14+s9+$0x0], $0xffff;
	v12 =	vadd.s32 s23, v0;
	v16 =	vor.u32 v4, v16  }
0x2c9: {  	s24 =	sadd.s32 $0x7, s14;
	v8 =	vmul.f32 v8, v17;
	v19 =	vld.idx.msk [tilespmem:v13+s8+$0x0], $0xffff;
	v12 =	vand.u32 $0x7F, v12;
	v9 =	vadd.f32 v10, v9  }
0x2ca: {  	v13 =	vld.idx.msk [tilespmem:v13+s9+$0x0], $0xffff;
	v10 =	vadd.s32 s24, v0;
	v12 =	vor.u32 v4, v12  }
0x2cb: {  	s26 =	sadd.s32 $0x8, s14;
	v17 =	vld.idx.msk [tilespmem:v11+s8+$0x0], $0xffff;
	v10 =	vand.u32 $0x7F, v10;
	v8 =	vadd.f32 v8, v9;
	v9 =	vmul.f32 v18, v15  }
0x2cc: {  	v11 =	vld.idx.msk [tilespmem:v11+s9+$0x0], $0xffff;
	v15 =	vadd.s32 s26, v0;
	v10 =	vor.u32 v4, v10  }
0x2cd: {  	s21 =	sadd.s32 $0x9, s14;
	v18 =	vld.idx.msk [tilespmem:v16+s8+$0x0], $0xffff;
	v15 =	vand.u32 $0x78, v15;
	v8 =	vadd.f32 v9, v8;
	v9 =	vmul.f32 v14, v20  }
0x2ce: {  	v16 =	vld.idx.msk [tilespmem:v16+s9+$0x0], $0xffff;
	v14 =	vadd.s32 s21, v0;
	v15 =	vor.u32 v15, v6  }
0x2cf: {  	s23 =	sadd.s32 $0xA, s14;
	v20 =	vld.idx.msk [tilespmem:v12+s8+$0x0], $0xffff;
	v14 =	vand.u32 $0x7F, v14;
	v8 =	vadd.f32 v9, v8;
	v9 =	vmul.f32 v13, v19  }
0x2d0: {  	v12 =	vld.idx.msk [tilespmem:v12+s9+$0x0], $0xffff;
	v13 =	vadd.s32 s23, v0;
	v14 =	vor.u32 v4, v14  }
0x2d1: {  	s24 =	sadd.s32 $0xB, s14;
	v19 =	vld.idx.msk [tilespmem:v10+s8+$0x0], $0xffff;
	v13 =	vand.u32 $0x7F, v13;
	v8 =	vadd.f32 v9, v8;
	v9 =	vmul.f32 v11, v17  }
0x2d2: {  	v10 =	vld.idx.msk [tilespmem:v10+s9+$0x0], $0xffff;
	v11 =	vadd.s32 s24, v0;
	v13 =	vor.u32 v4, v13  }
0x2d3: {  	s26 =	sadd.s32 $0xC, s14;
	v17 =	vld.idx.msk [tilespmem:v15+s8+$0x0], $0xffff;
	v11 =	vand.u32 $0x7F, v11;
	v8 =	vadd.f32 v9, v8;
	v9 =	vmul.f32 v16, v18  }
0x2d4: {  	v15 =	vld.idx.msk [tilespmem:v15+s9+$0x0], $0xffff;
	v16 =	vadd.s32 s26, v0;
	v11 =	vor.u32 v4, v11  }
0x2d5: {  	s21 =	sadd.s32 $0xD, s14;
	v18 =	vld.idx.msk [tilespmem:v14+s8+$0x0], $0xffff;
	v16 =	vand.u32 $0x7F, v16;
	v8 =	vadd.f32 v9, v8;
	v9 =	vmul.f32 v12, v20  }
0x2d6: {  	v14 =	vld.idx.msk [tilespmem:v14+s9+$0x0], $0xffff;
	v12 =	vadd.s32 s21, v0;
	v16 =	vor.u32 v4, v16  }
0x2d7: {  	s23 =	sadd.s32 $0xE, s14;
	v20 =	vld.idx.msk [tilespmem:v13+s8+$0x0], $0xffff;
	v12 =	vand.u32 $0x7F, v12;
	v8 =	vadd.f32 v9, v8;
	v9 =	vmul.f32 v10, v19  }
0x2d8: {  	v13 =	vld.idx.msk [tilespmem:v13+s9+$0x0], $0xffff;
	v10 =	vadd.s32 s23, v0;
	v12 =	vor.u32 v4, v12  }
0x2d9: {  	s24 =	sadd.s32 $0xF, s14;
	v19 =	vld.idx.msk [tilespmem:v11+s8+$0x0], $0xffff;
	v10 =	vand.u32 $0x7F, v10;
	v8 =	vadd.f32 v9, v8;
	v9 =	vmul.f32 v15, v17  }
0x2da: {  	v11 =	vld.idx.msk [tilespmem:v11+s9+$0x0], $0xffff;
	v15 =	vadd.s32 s24, v0;
	v10 =	vor.u32 v4, v10  }
0x2db: {  	v17 =	vld.idx.msk [tilespmem:v16+s8+$0x0], $0xffff;
	v15 =	vand.u32 $0x7F, v15;
	v8 =	vadd.f32 v9, v8;
	v9 =	vmul.f32 v14, v18  }
0x2dc: {  	v14 =	vld.idx.msk [tilespmem:v16+s9+$0x0], $0xffff;
	v15 =	vor.u32 v4, v15  }
0x2dd: {  	v16 =	vld.idx.msk [tilespmem:v12+s8+$0x0], $0xffff;
	v8 =	vadd.f32 v9, v8;
	v9 =	vmul.f32 v13, v20  }
0x2de: {  	v12 =	vld.idx.msk [tilespmem:v12+s9+$0x0], $0xffff  }
0x2df: {  	v13 =	vld.idx.msk [tilespmem:v10+s8+$0x0], $0xffff;
	v8 =	vadd.f32 v9, v8;
	v9 =	vmul.f32 v11, v19  }
0x2e0: {  	v10 =	vld.idx.msk [tilespmem:v10+s9+$0x0], $0xffff  }
0x2e1: {  	v11 =	vld.idx.msk [tilespmem:v15+s8+$0x0], $0xffff;
	v8 =	vadd.f32 v9, v8;
	v9 =	vmul.f32 v14, v17  }
0x2e2: {  	v14 =	vld.idx.msk [tilespmem:v15+s9+$0x0], $0xffff  }
0x2e3: {  	v8 =	vadd.f32 v9, v8;
	v9 =	vmul.f32 v12, v16;
	_ =	sdelay $0x1  }
0x2e4: {  	v8 =	vadd.f32 v9, v8;
	v9 =	vmul.f32 v10, v13;
	_ =	sdelay $0x1  }
0x2e5: {  	v8 =	vadd.f32 v9, v8;
	v9 =	vmul.f32 v14, v11;
	_ =	sdelay $0x1  }
0x2e6: {  	v8 =	vadd.f32 v9, v8;
	_ =	sdelay $0x1  }
0x2e7: {  	v9 =	vmul.f32 $2.000000030e-01, v8  }
0x2e8: {  	vm0 =	vge.f32 v8, $0.0e+00  }
0x2e9: {  	v8 =	vsel vm0, v8, v9  }
0x2ea: {  	s24 =	simm.s32 $0x4;
	v8 =	vmul.f32 $1.442695020e+00, v8  }
0x2eb: {  	v15 =	vadd.s32 s24, v0;
	s24 =	simm.s32 $0x9  }
0x2ec: {  	s26 =	simm.s32 $0x1;
	v19 =	vadd.s32 s24, v0;
	v23 =	vand.u32 $0x78, v15;
	(erf) = vpow2.f32 v8  }
0x2ed: {  	s24 =	simm.s32 $0xC;
	v15 =	vand.u32 $0x7, v15;
	v12 =	vadd.s32 s26, v0;
	v24 =	vand.u32 $0x78, v19  }
0x2ee: {  	s26 =	simm.s32 $0x5;
	v25 =	vadd.s32 s24, v0;
	v35 =	vand.u32 $0x7, v19;
	v51 =	vor.u32 v4, v23  }
0x2ef: {  	s24 =	simm.s32 $0x6;
	v16 =	vadd.s32 s26, v0;
	v29 =	vand.u32 $0x78, v25;
	v8 =	vmul.u32 $0x88, v7  }
0x2f0: {  	s21 =	simm.s32 $0x2;
	v25 =	vand.u32 $0x7, v25;
	v46 =	vand.u32 $0x78, v12;
	v48 =	vadd.s32 s24, v0  }
0x2f1: {  	s14 =	simm.s32 $0x0;
	s26 =	simm.s32 $0xA;
	v13 =	vadd.s32 s21, v0;
	v10 =	vadd.s32 $0x80, v8;
	v9 =	vor.u32 v2, v8  }
0x2f2: {  	v20 =	vand.u32 $0x78, v16;
	v21 =	vadd.s32 s26, v0;
	v7 =	vadd.s32 s14, v9  }
0x2f3: {  	s23 =	simm.s32 $0x3;
	s26 =	simm.s32 $0xE;
	v32 =	vor.u32 v4, v29;
	v37 =	vand.u32 $0x7, v16;
	v52 =	vand.u32 $0x78, v48  }
0x2f4: {  	v63 =	vand.u32 $0x7, v48;
	v27 =	vadd.s32 s26, v0;
	v14 =	vadd.s32 s23, v0;
	s23 =	simm.s32 $0x7  }
0x2f5: {  	s21 =	simm.s32 $0xB;
	v19 =	vor.u32 v4, v20;
	v18 =	vadd.s32 s23, v0;
	s23 =	simm.s32 $0xD;
	v17 =	vadd.s32 v3, v7;
	v7 =	vpop (erf)  }
0x2f6: {  	v16 =	vand.u32 $0x78, v21;
	v39 =	vadd.s32 s21, v0;
	[tilespmem:v10+s4+$0x0] =	vst.idx.msk $0xffff, v7;
	v10 =	vadd.s32 s23, v0  }
0x2f7: {  	v21 =	vand.u32 $0x7, v21;
	v41 =	vand.u32 $0x7, v13;
	v26 =	vand.u32 $0x78, v10  }
0x2f8: {  	v32 =	vor.u32 v25, v32;
	v28 =	vand.u32 $0x7, v10;
	v10 =	vor.u32 v4, v26  }
0x2f9: {  	v13 =	vand.u32 $0x78, v13;
	v53 =	vor.u32 v4, v52;
	v31 =	vor.u32 v28, v10  }
0x2fa: {  	v11 =	vor.u32 s14, v5;
	v33 =	vand.u32 $0x78, v27;
	v27 =	vand.u32 $0x7, v27  }
0x2fb: {  	s26 =	simm.s32 $0x8;
	v38 =	vor.u32 v4, v16;
	v47 =	vor.u32 v37, v19;
	v19 =	vor.u32 v4, v13  }
0x2fc: {  	v49 =	vadd.s32 s26, v0;
	v22 =	vand.u32 $0x7, v14;
	v14 =	vand.u32 $0x78, v14  }
0x2fd: {  	v34 =	vor.u32 v4, v33;
	v38 =	vor.u32 v21, v38;
	v49 =	vand.u32 $0x78, v49  }
0x2fe: {  	v36 =	vand.u32 $0x7, v18;
	v34 =	vor.u32 v27, v34;
	v57 =	vand.u32 $0x78, v18;
	v31 =	vld.idx.msk [tilespmem:v31+s9+$0x0], $0xffff  }
0x2ff: {  	v30 =	vadd.s32 v8, v24;
	v40 =	vadd.s32 v8, v20;
	v20 =	vand.u32 $0x78, v39  }
0x300: {  	v24 =	vor.u32 v4, v24;
	v39 =	vand.u32 $0x7, v39;
	v42 =	vor.u32 v4, v20;
	v11 =	vld.idx.msk [tilespmem:v11+s9+$0x0], $0xffff  }
0x301: {  	v43 =	vadd.s32 v8, v16;
	v58 =	vadd.s32 v8, v46;
	v42 =	vor.u32 v39, v42;
	s23 =	simm.s32 $0xF  }
0x302: {  	v59 =	vadd.s32 v8, v13;
	v13 =	vadd.s32 v8, v33;
	v16 =	vadd.s32 s23, v0  }
0x303: {  	v62 =	vadd.s32 v8, v57;
	v44 =	vmul.f32 v31, v7;
	v31 =	vand.u32 $0x78, v16  }
0x304: {  	v24 =	vor.u32 v35, v24;
	v16 =	vand.u32 $0x7, v16;
	v45 =	vor.u32 v4, v31  }
0x305: {  	v11 =	vmul.f32 v11, v7;
	v31 =	vadd.s32 v8, v31;
	v45 =	vor.u32 v16, v45  }
0x306: {  	v31 =	vor.u32 v16, v31;
	v16 =	vld.idx.msk [tilespmem:v42+s9+$0x0], $0xffff;
	v42 =	vand.u32 $0x7, v12;
	v12 =	vor.u32 v4, v46  }
0x307: {  	v20 =	vadd.s32 v8, v20;
	v50 =	vor.u32 v42, v12;
	v12 =	vor.u32 v41, v19  }
0x308: {  	v60 =	vor.u32 v39, v20;
	v26 =	vadd.s32 v8, v26;
	[tilespmem:v17+s4+$0x0] =	vst.idx.msk $0xffff, v11;
	v11 =	vld.idx.msk [tilespmem:v32+s9+$0x0], $0xffff  }
0x309: {  	v24 =	vld.idx.msk [tilespmem:v24+s9+$0x0], $0xffff;
	v10 =	vadd.s32 v8, v14;
	v14 =	vor.u32 v4, v14;
	v61 =	vor.u32 v28, v26  }
0x30a: {  	v10 =	vor.u32 v22, v10;
	v18 =	vor.u32 v22, v14;
	v14 =	vadd.s32 v8, v29;
	v17 =	vld.idx.msk [tilespmem:v45+s9+$0x0], $0xffff  }
0x30b: {  	v22 =	vor.u32 v4, v57;
	v54 =	vmul.f32 v16, v7;
	v16 =	vor.u32 v27, v13;
	v27 =	vld.idx.msk [tilespmem:v34+s9+$0x0], $0xffff  }
0x30c: {  	v28 =	vor.u32 v49, v6;
	v22 =	vor.u32 v36, v22;
	v19 =	vor.u32 v25, v14;
	v14 =	vld.idx.msk [tilespmem:v12+s9+$0x0], $0xffff  }
0x30d: {  	v20 =	vmul.f32 v11, v7;
	v11 =	vor.u32 v21, v43;
	v13 =	vadd.s32 v8, v23  }
0x30e: {  	v21 =	vor.u32 v37, v40;
	v13 =	vor.u32 v15, v13;
	v15 =	vor.u32 v15, v51;
	v32 =	vld.idx.msk [tilespmem:v50+s9+$0x0], $0xffff  }
0x30f: {  	[tilespmem:v61+s4+$0x0] =	vst.idx.msk $0xffff, v44;
	v25 =	vor.u32 v41, v59;
	v26 =	vmul.f32 v17, v7;
	v17 =	vld.idx.msk [tilespmem:v38+s9+$0x0], $0xffff  }
0x310: {  	v23 =	vmul.f32 v24, v7;
	v24 =	vadd.s32 v8, v52;
	v12 =	vadd.s32 v9, v49  }
0x311: {  	v33 =	vmul.f32 v27, v7;
	v29 =	vmul.f32 v14, v7;
	v14 =	vor.u32 v35, v30  }
0x312: {  	v27 =	vld.idx.msk [tilespmem:v47+s9+$0x0], $0xffff;
	v30 =	vor.u32 v42, v58;
	[tilespmem:v31+s4+$0x0] =	vst.idx.msk $0xffff, v26;
	v31 =	vor.u32 v63, v53  }
0x313: {  	s14 =	simm.s32 $0x10;
	v24 =	vor.u32 v63, v24;
	[tilespmem:v60+s4+$0x0] =	vst.idx.msk $0xffff, v54;
	v26 =	vld.idx.msk [tilespmem:v15+s9+$0x0], $0xffff;
	v15 =	vor.u32 v36, v62  }
.LBB2_22:
0x314: {  	v34 =	vor.u32 s14, v5;
	s15 =	sadd.s32 $0x1, s14;
	s21 =	sadd.s32 $0x2, s14;
	s23 =	sadd.s32 $0x3, s14;
	v32 =	vmul.f32 v32, v7;
	v35 =	vmul.f32 v17, v7;
	[tilespmem:v16+s4+$0x0] =	vst.idx.msk $0xffff, v33  }
0x315: {  	v17 =	vadd.s32 s15, v0;
	v16 =	vadd.s32 s21, v0;
	v33 =	vadd.s32 s23, v0;
	s21 =	sadd.s32 $0x4, s14;
	s23 =	sadd.s32 $0x5, s14;
	s15 =	sadd.s32 $0x6, s14;
	v28 =	vld.idx.msk [tilespmem:v28+s9+$0x0], $0xffff  }
0x316: {  	v36 =	vadd.s32 s14, v9;
	s26 =	sadd.s32 $0xA, s14;
	v37 =	vadd.s32 s21, v0;
	v38 =	vadd.s32 s23, v0;
	s21 =	sadd.s32 $0x7, s14;
	s23 =	sadd.s32 $0x9, s14;
	[tilespmem:v25+s4+$0x0] =	vst.idx.msk $0xffff, v29  }
0x317: {  	p1 =	slt.u32 s14, $0x70;
	s24 =	smov.u32 s14;
	v25 =	vadd.s32 v3, v36;
	s14 =	sadd.s32 $0x10, s14;
	v29 =	vadd.s32 s21, v0;
	v36 =	vadd.s32 s23, v0;
	[tilespmem:v30+s4+$0x0] =	vst.idx.msk $0xffff, v32;
	v30 =	vld.idx.msk [tilespmem:v31+s9+$0x0], $0xffff  }
0x318: {  	v27 =	vmul.f32 v27, v7;
	v31 =	vand.u32 $0x78, v38;
	v32 =	vadd.s32 s26, v0;
	v18 =	vld.idx.msk [tilespmem:v18+s9+$0x0], $0xffff;
	[tilespmem:v19+s4+$0x0] =	vst.idx.msk $0xffff, v20  }
0x319: {  	s21 =	sadd.s32 $0xC, s24;
	s23 =	sadd.s32 $0xD, s24;
	v20 =	vand.u32 $0x7, v33;
	v39 =	vand.u32 $0x78, v36;
	v19 =	vld.idx.msk [tilespmem:v34+s9+$0x0], $0xffff;
	v34 =	vand.u32 $0x78, v37  }
0x31a: {  	v40 =	vadd.s32 s21, v0;
	v41 =	vadd.s32 s23, v0;
	s21 =	sadd.s32 $0xE, s24;
	v26 =	vmul.f32 v26, v7;
	[tilespmem:v21+s4+$0x0] =	vst.idx.msk $0xffff, v27;
	v21 =	vld.idx.msk [tilespmem:v22+s9+$0x0], $0xffff  }
0x31b: {  	v22 =	vand.u32 $0x78, v41;
	v27 =	vadd.s32 s21, v0;
	v28 =	vmul.f32 v28, v7;
	[tilespmem:v14+s4+$0x0] =	vst.idx.msk $0xffff, v23  }
0x31c: {  	v14 =	vadd.s32 v8, v39;
	v23 =	vand.u32 $0x7, v41;
	v41 =	vor.u32 v4, v22  }
0x31d: {  	v42 =	vand.u32 $0x78, v40;
	v41 =	vor.u32 v23, v41;
	[tilespmem:v13+s4+$0x0] =	vst.idx.msk $0xffff, v26;
	v13 =	vmul.f32 v30, v7  }
0x31e: {  	v26 =	vand.u32 $0x78, v33;
	v30 =	vor.u32 v4, v42;
	v33 =	vand.u32 $0x78, v27;
	[tilespmem:v12+s4+$0x0] =	vst.idx.msk $0xffff, v28  }
0x31f: {  	v27 =	vand.u32 $0x7, v27;
	v12 =	vadd.s32 v8, v26;
	v28 =	vand.u32 $0x7, v40;
	[tilespmem:v24+s4+$0x0] =	vst.idx.msk $0xffff, v13  }
0x320: {  	v12 =	vor.u32 v20, v12;
	v13 =	vor.u32 v4, v39;
	v24 =	vor.u32 v4, v33  }
0x321: {  	v36 =	vand.u32 $0x7, v36;
	v37 =	vand.u32 $0x7, v37;
	v19 =	vmul.f32 v19, v7;
	[tilespmem:v11+s4+$0x0] =	vst.idx.msk $0xffff, v35  }
0x322: {  	v18 =	vmul.f32 v18, v7;
	v11 =	vor.u32 v4, v31;
	v35 =	vand.u32 $0x7, v29  }
0x323: {  	v38 =	vand.u32 $0x7, v38;
	s21 =	sadd.s32 $0xB, s24;
	v21 =	vmul.f32 v21, v7;
	[tilespmem:v25+s4+$0x0] =	vst.idx.msk $0xffff, v19;
	v19 =	vand.u32 $0x78, v32;
	v25 =	vld.idx.msk [tilespmem:v41+s9+$0x0], $0xffff  }
0x324: {  	v26 =	vor.u32 v4, v26;
	v40 =	vadd.s32 s21, v0;
	v39 =	vor.u32 v4, v19;
	[tilespmem:v10+s4+$0x0] =	vst.idx.msk $0xffff, v18  }
0x325: {  	v31 =	vadd.s32 v8, v31;
	v32 =	vand.u32 $0x7, v32;
	v18 =	vand.u32 $0x78, v40;
	v10 =	vmovc v12;
	[tilespmem:v15+s4+$0x0] =	vst.idx.msk $0xffff, v21  }
0x326: {  	v12 =	vand.u32 $0x7, v40;
	v15 =	vand.u32 $0x7, v16;
	v21 =	vor.u32 v4, v18  }
0x327: {  	s21 =	sadd.s32 $0xF, s24;
	v39 =	vor.u32 v32, v39;
	v40 =	vadd.s32 v8, v18;
	v21 =	vor.u32 v12, v21  }
0x328: {  	v22 =	vadd.s32 v8, v22;
	v41 =	vadd.s32 v8, v19;
	v18 =	vadd.s32 s21, v0  }
0x329: {  	v13 =	vor.u32 v36, v13;
	v19 =	vand.u32 $0x78, v18;
	v43 =	vmul.f32 v25, v7  }
0x32a: {  	v18 =	vand.u32 $0x7, v18;
	v25 =	vor.u32 v28, v30;
	v30 =	vor.u32 v4, v19  }
0x32b: {  	v24 =	vor.u32 v27, v24;
	v19 =	vadd.s32 v8, v19;
	v30 =	vor.u32 v18, v30  }
0x32c: {  	v44 =	vand.u32 $0x78, v17;
	v45 =	vor.u32 v38, v11;
	v46 =	vor.u32 v18, v19;
	v11 =	vld.idx.msk [tilespmem:v21+s9+$0x0], $0xffff  }
0x32d: {  	v47 =	vand.u32 $0x7, v17;
	v17 =	vor.u32 v4, v44;
	v16 =	vand.u32 $0x78, v16;
	s21 =	sadd.s32 $0x8, s24  }
0x32e: {  	v48 =	vadd.s32 s15, v0;
	v18 =	vor.u32 v4, v16;
	v19 =	vadd.s32 s21, v0  }
0x32f: {  	v49 =	vor.u32 v4, v34;
	v21 =	vor.u32 v47, v17;
	v17 =	vor.u32 v15, v18;
	v25 =	vld.idx.msk [tilespmem:v25+s9+$0x0], $0xffff  }
0x330: {  	v50 =	vand.u32 $0x78, v48;
	v29 =	vand.u32 $0x78, v29;
	v51 =	vand.u32 $0x78, v19;
	v30 =	vld.idx.msk [tilespmem:v30+s9+$0x0], $0xffff  }
0x331: {  	v44 =	vadd.s32 v8, v44;
	v52 =	vadd.s32 v8, v16;
	v53 =	vld.idx.msk [tilespmem:v13+s9+$0x0], $0xffff;
	v13 =	vadd.s32 v8, v33  }
0x332: {  	v54 =	vor.u32 v4, v50;
	v55 =	vmul.f32 v11, v7;
	v24 =	vld.idx.msk [tilespmem:v24+s9+$0x0], $0xffff;
	v16 =	vor.u32 v27, v13  }
0x333: {  	v19 =	vadd.s32 v8, v42;
	v18 =	vor.u32 v20, v26;
	v11 =	vadd.s32 v8, v34  }
0x334: {  	v19 =	vor.u32 v28, v19;
	v34 =	vor.u32 v12, v40;
	v13 =	vor.u32 v37, v11;
	v26 =	vld.idx.msk [tilespmem:v17+s9+$0x0], $0xffff  }
0x335: {  	v12 =	vadd.s32 v9, v51;
	v20 =	vmul.f32 v25, v7;
	v17 =	vld.idx.msk [tilespmem:v39+s9+$0x0], $0xffff;
	v39 =	vor.u32 v23, v22  }
0x336: {  	v11 =	vor.u32 v32, v41;
	v22 =	vor.u32 v4, v29;
	v27 =	vmul.f32 v30, v7  }
0x337: {  	v25 =	vor.u32 v15, v52;
	v15 =	vor.u32 v37, v49;
	v32 =	vld.idx.msk [tilespmem:v21+s9+$0x0], $0xffff;
	v21 =	vor.u32 v38, v31  }
.Ltmp9:
0x338: {  	v28 =	vor.u32 v51, v6;
	v37 =	vadd.s32 v8, v29;
	v22 =	vor.u32 v35, v22;
	(pc) =	sbr.rel @p1 .LBB2_22-.Ltmp9, $4  }
0x339: {  	v23 =	vmul.f32 v53, v7;
	v38 =	vand.u32 $0x7, v48;
	v33 =	vmul.f32 v24, v7;
	[tilespmem:v46+s4+$0x0] =	vst.idx.msk $0xffff, v27  }
0x33a: {  	v14 =	vor.u32 v36, v14;
	v24 =	vadd.s32 v8, v50;
	v29 =	vmul.f32 v26, v7;
	v27 =	vld.idx.msk [tilespmem:v45+s9+$0x0], $0xffff  }
0x33b: {  	v30 =	vor.u32 v47, v44;
	v31 =	vor.u32 v38, v54;
	[tilespmem:v34+s4+$0x0] =	vst.idx.msk $0xffff, v55  }
0x33c: {  	v24 =	vor.u32 v38, v24;
	v26 =	vld.idx.msk [tilespmem:v15+s9+$0x0], $0xffff;
	v15 =	vor.u32 v35, v37;
	[tilespmem:v39+s4+$0x0] =	vst.idx.msk $0xffff, v43  }
0x33d: {  	_ =	sdelay $0x3  }
0x33e: {  	v4 =	vmul.f32 v32, v7;
	[tilespmem:v16+s4+$0x0] =	vst.idx.msk $0xffff, v33  }
0x33f: {  	v5 =	vld.idx.msk [tilespmem:v28+s9+$0x0], $0xffff;
	[tilespmem:v25+s4+$0x0] =	vst.idx.msk $0xffff, v29  }
0x340: {  	v6 =	vld.idx.msk [tilespmem:v31+s9+$0x0], $0xffff;
	[tilespmem:v30+s4+$0x0] =	vst.idx.msk $0xffff, v4;
	v4 =	vmul.f32 v27, v7  }
0x341: {  	v8 =	vld.idx.msk [tilespmem:v18+s9+$0x0], $0xffff;
	[tilespmem:v19+s4+$0x0] =	vst.idx.msk $0xffff, v20  }
0x342: {  	v63 =	vmul.f32 v17, v7;
	[tilespmem:v21+s4+$0x0] =	vst.idx.msk $0xffff, v4;
	v4 =	vld.idx.msk [tilespmem:v22+s9+$0x0], $0xffff  }
0x343: {  	[tilespmem:v14+s4+$0x0] =	vst.idx.msk $0xffff, v23;
	v9 =	vmul.f32 v26, v7  }
0x344: {  	[tilespmem:v11+s4+$0x0] =	vst.idx.msk $0xffff, v63;
	v5 =	vmul.f32 v5, v7  }
.Ltmp10:
0x345: {  	v6 =	vmul.f32 v6, v7;
	[tilespmem:v13+s4+$0x0] =	vst.idx.msk $0xffff, v9;
	(pc) =	sbr.rel @p0 .LBB2_19-.Ltmp10, $4  }
0x346: {  	[tilespmem:v12+s4+$0x0] =	vst.idx.msk $0xffff, v5;
	v5 =	vmul.f32 v8, v7  }
0x347: {  	[tilespmem:v24+s4+$0x0] =	vst.idx.msk $0xffff, v6;
	v4 =	vmul.f32 v4, v7  }
0x348: {  	[tilespmem:v10+s4+$0x0] =	vst.idx.msk $0xffff, v5  }
0x349: {  	s14 =	simm.s32 $0x10;
	p1 =	por $0x0, $0x0;
	[tilespmem:v15+s4+$0x0] =	vst.idx.msk $0xffff, v4  }
0x34a: {  	s11 =	sadd.s32 $0x1, s11  }
0x34b: {  	p0 =	sne.s32 s11, $0x68  }
.Ltmp11:
0x34c: {  	_ = 	snop;
	(pc) =	sbr.rel @p0 .LBB2_6-.Ltmp11, $3  }
0x34d: {  	_ =	sdelay $0x1  }
0x34e: {  	s13 =	simm.s32 $0x100;
	s23 =	simm.s32 $0x60  }
0x34f: {  	[spmem:s2] =	stream.indirect.scatter.add.f32 [tilespmem:s4], [sflag:$0x9], $0x88, s13, s22, $0xb8;
	[tilespmem:$0x1E820] =	vst v63  }
0x350: {  	_ =	swait.ge [sflag:s10], $0x1000  }
0x351: {  	[sflag:s10] =	ssyncset.done $0x0  }
0x352: {  	[sflag:s10] =	ssyncadd.s32 $0xFFFFF000  }
0x353: {  	_ =	swait.ge [sflag:s10], $0x1000  }
0x354: {  	[sflag:s10] =	ssyncset.done $0x0  }
0x355: {  	s11 =	simm.s32 $0x7;
	[sflag:s10] =	ssyncadd.s32 $0xFFFFF000  }
0x356: {  	_ =	swait.ge [sflag:s11], $0x1100  }
0x357: {  	[sflag:s11] =	ssyncset.done $0x0  }
0x358: {  	[sflag:s11] =	ssyncadd.s32 $0xFFFFEF00  }
0x359: {  	v4 =	vld [tilespmem:$0x0]  }
0x35a: {  	v5 =	vld [tilespmem:$0x10];
	_ =	sdelay $0x3  }
0x35b: {  	[tilespmem:$0xC0] =	vst v4  }
0x35c: {  	p1 =	por $0x1, $0x1;
	s13 =	simm.s32 $0x0;
	s11 =	simm.s32 $0x0;
	[tilespmem:$0xD0] =	vst v5  }
.LBB2_26:
0x35d: {  	v7 =	vor.u32 s13, v0  }
0x35e: {  	v4 =	vshll.u32 v7, $0x7  }
0x35f: {  	s14 =	simm.s32 $0x1;
	v5 =	vor.u32 v0, v4  }
0x360: {  	v8 =	vadd.s32 s14, v0;
	v6 =	vor.u32 s11, v5  }
0x361: {  	s15 =	simm.s32 $0x2;
	v8 =	vand.u32 $0x7F, v8  }
0x362: {  	v9 =	vadd.s32 s15, v0;
	v8 =	vor.u32 v4, v8  }
0x363: {  	s17 =	simm.s32 $0x3;
	v9 =	vand.u32 $0x7F, v9  }
0x364: {  	v10 =	vadd.s32 s17, v0;
	v9 =	vor.u32 v4, v9  }
0x365: {  	s21 =	simm.s32 $0x4;
	v10 =	vand.u32 $0x7F, v10;
	v11 =	vld.idx.msk [tilespmem:v6+s29+$0x0], $0xffff  }
0x366: {  	v12 =	vadd.s32 s21, v0;
	v10 =	vor.u32 v4, v10;
	v6 =	vld.idx.msk [tilespmem:v6+s30+$0x0], $0xffff  }
0x367: {  	s24 =	simm.s32 $0x5;
	v12 =	vand.u32 $0x7F, v12;
	v13 =	vld.idx.msk [tilespmem:v8+s29+$0x0], $0xffff  }
0x368: {  	v14 =	vadd.s32 s24, v0;
	v12 =	vor.u32 v4, v12;
	v8 =	vld.idx.msk [tilespmem:v8+s30+$0x0], $0xffff  }
0x369: {  	s26 =	simm.s32 $0x6;
	v14 =	vand.u32 $0x7F, v14;
	v15 =	vld.idx.msk [tilespmem:v9+s29+$0x0], $0xffff  }
0x36a: {  	v16 =	vadd.s32 s26, v0;
	s15 =	simm.s32 $0x7;
	v14 =	vor.u32 v4, v14;
	v9 =	vld.idx.msk [tilespmem:v9+s30+$0x0], $0xffff  }
0x36b: {  	s17 =	simm.s32 $0x8;
	v16 =	vand.u32 $0x7F, v16;
	v18 =	vadd.s32 s15, v0;
	v17 =	vld.idx.msk [tilespmem:v10+s29+$0x0], $0xffff;
	v6 =	vmul.f32 v6, v11  }
0x36c: {  	v20 =	vadd.s32 s17, v0;
	v10 =	vld.idx.msk [tilespmem:v10+s30+$0x0], $0xffff;
	v11 =	vor.u32 v4, v16;
	v16 =	vimm.f32 $0.0e+00  }
0x36d: {  	v18 =	vand.u32 $0x7F, v18;
	v19 =	vld.idx.msk [tilespmem:v12+s29+$0x0], $0xffff;
	v8 =	vmul.f32 v8, v13;
	v16 =	vadd.f32 v6, v16  }
0x36e: {  	v20 =	vand.u32 $0x78, v20;
	v12 =	vld.idx.msk [tilespmem:v12+s30+$0x0], $0xffff;
	v13 =	vor.u32 v4, v18  }
0x36f: {  	s21 =	simm.s32 $0x9;
	v18 =	vld.idx.msk [tilespmem:v14+s29+$0x0], $0xffff;
	v9 =	vmul.f32 v9, v15;
	v6 =	vor.u32 v2, v4;
	v8 =	vadd.f32 v8, v16  }
0x370: {  	v21 =	vadd.s32 s21, v0;
	v14 =	vld.idx.msk [tilespmem:v14+s30+$0x0], $0xffff;
	v15 =	vor.u32 v20, v6  }
0x371: {  	s24 =	simm.s32 $0xA;
	v20 =	vand.u32 $0x7F, v21;
	v16 =	vld.idx.msk [tilespmem:v11+s29+$0x0], $0xffff;
	v8 =	vadd.f32 v9, v8;
	v9 =	vmul.f32 v10, v17  }
0x372: {  	v21 =	vadd.s32 s24, v0;
	v10 =	vld.idx.msk [tilespmem:v11+s30+$0x0], $0xffff;
	v11 =	vor.u32 v4, v20  }
0x373: {  	s26 =	simm.s32 $0xB;
	v17 =	vld.idx.msk [tilespmem:v13+s29+$0x0], $0xffff;
	v20 =	vand.u32 $0x7F, v21;
	v8 =	vadd.f32 v9, v8;
	v9 =	vmul.f32 v12, v19  }
0x374: {  	s15 =	simm.s32 $0xC;
	v21 =	vadd.s32 s26, v0;
	v12 =	vld.idx.msk [tilespmem:v13+s30+$0x0], $0xffff;
	v13 =	vor.u32 v4, v20  }
0x375: {  	v19 =	vld.idx.msk [tilespmem:v15+s29+$0x0], $0xffff;
	v20 =	vand.u32 $0x7F, v21;
	v21 =	vadd.s32 s15, v0;
	v8 =	vadd.f32 v9, v8  }
0x376: {  	s17 =	simm.s32 $0xD;
	v9 =	vmul.f32 v14, v18;
	v14 =	vld.idx.msk [tilespmem:v15+s30+$0x0], $0xffff;
	v15 =	vor.u32 v4, v20;
	v20 =	vand.u32 $0x7F, v21  }
0x377: {  	v21 =	vadd.s32 s17, v0;
	v18 =	vld.idx.msk [tilespmem:v11+s29+$0x0], $0xffff;
	v20 =	vor.u32 v4, v20  }
0x378: {  	s21 =	simm.s32 $0xE;
	v8 =	vadd.f32 v9, v8;
	v9 =	vmul.f32 v10, v16;
	v16 =	vld.idx.msk [tilespmem:v11+s30+$0x0], $0xffff;
	v10 =	vand.u32 $0x7F, v21  }
0x379: {  	v11 =	vadd.s32 s21, v0;
	v22 =	vld.idx.msk [tilespmem:v13+s29+$0x0], $0xffff;
	v23 =	vor.u32 v4, v10  }
0x37a: {  	v21 =	vld.idx.msk [tilespmem:v13+s30+$0x0], $0xffff;
	v13 =	vand.u32 $0x7F, v11;
	v8 =	vadd.f32 v9, v8;
	v9 =	vmul.f32 v12, v17  }
0x37b: {  	s24 =	simm.s32 $0xF;
	v17 =	vor.u32 v4, v13;
	v10 =	vld.idx.msk [tilespmem:v15+s29+$0x0], $0xffff  }
0x37c: {  	v12 =	vmul.f32 v14, v19;
	v15 =	vld.idx.msk [tilespmem:v15+s30+$0x0], $0xffff;
	v14 =	vadd.s32 s24, v0;
	v9 =	vadd.f32 v9, v8  }
0x37d: {  	v11 =	vld.idx.msk [tilespmem:v20+s29+$0x0], $0xffff;
	v19 =	vand.u32 $0x7F, v14  }
0x37e: {  	s26 =	simm.s32 $0x11;
	v14 =	vld.idx.msk [tilespmem:v20+s30+$0x0], $0xffff;
	v16 =	vmul.f32 v16, v18;
	v13 =	vor.u32 v4, v19;
	v24 =	vadd.f32 v12, v9  }
0x37f: {  	v8 =	vmov s13;
	s13 =	simm.s32 $0x10;
	v19 =	vadd.s32 s26, v0;
	v12 =	vld.idx.msk [tilespmem:v23+s29+$0x0], $0xffff  }
0x380: {  	p0 =	por p1, p1;
	s14 =	simm.s32 $0x20;
	s15 =	simm.s32 $0x12;
	v9 =	vor.u32 s13, v5;
	v20 =	vmul.f32 v21, v22;
	v18 =	vadd.f32 v16, v24;
	v16 =	vld.idx.msk [tilespmem:v23+s30+$0x0], $0xffff  }
.LBB2_27:
0x381: {  	p1 =	slt.u32 s14, $0x70;
	v19 =	vand.u32 $0x7F, v19;
	v21 =	vadd.s32 s15, v0;
	v22 =	vld.idx.msk [tilespmem:v17+s29+$0x0], $0xffff  }
0x382: {  	s15 =	sadd.s32 $0x3, s13;
	v10 =	vmul.f32 v15, v10;
	v19 =	vor.u32 v4, v19;
	v18 =	vadd.f32 v20, v18;
	v15 =	vld.idx.msk [tilespmem:v17+s30+$0x0], $0xffff  }
0x383: {  	v17 =	vand.u32 $0x7F, v21;
	v20 =	vadd.s32 s15, v0;
	v21 =	vld.idx.msk [tilespmem:v13+s29+$0x0], $0xffff  }
0x384: {  	s15 =	sadd.s32 $0x4, s13;
	v17 =	vor.u32 v4, v17;
	v11 =	vmul.f32 v14, v11;
	v10 =	vadd.f32 v10, v18;
	v13 =	vld.idx.msk [tilespmem:v13+s30+$0x0], $0xffff  }
0x385: {  	v18 =	vand.u32 $0x7F, v20;
	v20 =	vadd.s32 s15, v0;
	v14 =	vld.idx.msk [tilespmem:v9+s29+$0x0], $0xffff  }
0x386: {  	s15 =	sadd.s32 $0x5, s13;
	v18 =	vor.u32 v4, v18;
	v9 =	vld.idx.msk [tilespmem:v9+s30+$0x0], $0xffff;
	v10 =	vadd.f32 v11, v10;
	v11 =	vmul.f32 v16, v12  }
0x387: {  	v16 =	vand.u32 $0x7F, v20;
	v20 =	vadd.s32 s15, v0;
	v12 =	vld.idx.msk [tilespmem:v19+s29+$0x0], $0xffff  }
0x388: {  	s15 =	sadd.s32 $0x6, s13;
	v16 =	vor.u32 v4, v16;
	v19 =	vld.idx.msk [tilespmem:v19+s30+$0x0], $0xffff;
	v10 =	vadd.f32 v11, v10;
	v11 =	vmul.f32 v15, v22  }
0x389: {  	v20 =	vand.u32 $0x7F, v20;
	v22 =	vadd.s32 s15, v0;
	v15 =	vld.idx.msk [tilespmem:v17+s29+$0x0], $0xffff  }
0x38a: {  	v20 =	vor.u32 v4, v20;
	s15 =	sadd.s32 $0x7, s13;
	v17 =	vld.idx.msk [tilespmem:v17+s30+$0x0], $0xffff;
	v10 =	vadd.f32 v11, v10;
	v11 =	vmul.f32 v13, v21  }
0x38b: {  	v21 =	vand.u32 $0x7F, v22;
	v22 =	vadd.s32 s15, v0;
	v13 =	vld.idx.msk [tilespmem:v18+s29+$0x0], $0xffff  }
0x38c: {  	s15 =	sadd.s32 $0x8, s13;
	v9 =	vmul.f32 v9, v14;
	v14 =	vld.idx.msk [tilespmem:v18+s30+$0x0], $0xffff;
	v18 =	vor.u32 v4, v21;
	v10 =	vadd.f32 v11, v10  }
0x38d: {  	v21 =	vand.u32 $0x7F, v22;
	v22 =	vadd.s32 s15, v0;
	v11 =	vld.idx.msk [tilespmem:v16+s29+$0x0], $0xffff  }
0x38e: {  	s15 =	sadd.s32 $0x9, s13;
	v9 =	vadd.f32 v9, v10;
	v10 =	vmul.f32 v19, v12;
	v12 =	vld.idx.msk [tilespmem:v16+s30+$0x0], $0xffff;
	v16 =	vor.u32 v4, v21  }
0x38f: {  	v21 =	vand.u32 $0x78, v22;
	v22 =	vadd.s32 s15, v0;
	v19 =	vld.idx.msk [tilespmem:v20+s29+$0x0], $0xffff  }
0x390: {  	s15 =	sadd.s32 $0xA, s13;
	v9 =	vadd.f32 v10, v9;
	v10 =	vmul.f32 v17, v15;
	v15 =	vld.idx.msk [tilespmem:v20+s30+$0x0], $0xffff;
	v17 =	vor.u32 v21, v6  }
0x391: {  	v21 =	vand.u32 $0x7F, v22;
	v22 =	vadd.s32 s15, v0;
	v20 =	vld.idx.msk [tilespmem:v18+s29+$0x0], $0xffff  }
0x392: {  	s15 =	sadd.s32 $0xB, s13;
	v9 =	vadd.f32 v10, v9;
	v10 =	vmul.f32 v14, v13;
	v13 =	vld.idx.msk [tilespmem:v18+s30+$0x0], $0xffff;
	v14 =	vor.u32 v4, v21  }
0x393: {  	v21 =	vand.u32 $0x7F, v22;
	v22 =	vadd.s32 s15, v0;
	v18 =	vld.idx.msk [tilespmem:v16+s29+$0x0], $0xffff  }
0x394: {  	s15 =	sadd.s32 $0xC, s13;
	v9 =	vadd.f32 v10, v9;
	v10 =	vmul.f32 v12, v11;
	v11 =	vld.idx.msk [tilespmem:v16+s30+$0x0], $0xffff;
	v12 =	vor.u32 v4, v21  }
0x395: {  	v21 =	vand.u32 $0x7F, v22;
	v22 =	vadd.s32 s15, v0;
	v16 =	vld.idx.msk [tilespmem:v17+s29+$0x0], $0xffff  }
0x396: {  	s15 =	sadd.s32 $0xD, s13;
	v9 =	vadd.f32 v10, v9;
	v10 =	vmul.f32 v15, v19;
	v15 =	vld.idx.msk [tilespmem:v17+s30+$0x0], $0xffff;
	v17 =	vor.u32 v4, v21  }
0x397: {  	v21 =	vand.u32 $0x7F, v22;
	v22 =	vadd.s32 s15, v0;
	v19 =	vld.idx.msk [tilespmem:v14+s29+$0x0], $0xffff  }
0x398: {  	s15 =	sadd.s32 $0xE, s13;
	v9 =	vadd.f32 v10, v9;
	v10 =	vmul.f32 v13, v20;
	v13 =	vld.idx.msk [tilespmem:v14+s30+$0x0], $0xffff;
	v14 =	vor.u32 v4, v21  }
0x399: {  	v21 =	vand.u32 $0x7F, v22;
	v22 =	vadd.s32 s15, v0;
	v20 =	vld.idx.msk [tilespmem:v12+s29+$0x0], $0xffff  }
0x39a: {  	s15 =	sadd.s32 $0xF, s13;
	s13 =	smov.u32 s14;
	v11 =	vmul.f32 v11, v18;
	v21 =	vor.u32 v4, v21;
	v9 =	vadd.f32 v10, v9;
	v23 =	vld.idx.msk [tilespmem:v12+s30+$0x0], $0xffff  }
0x39b: {  	v18 =	vadd.s32 s15, v0;
	v12 =	vand.u32 $0x7F, v22;
	v10 =	vld.idx.msk [tilespmem:v17+s29+$0x0], $0xffff  }
.Ltmp12:
0x39c: {  	v16 =	vmul.f32 v15, v16;
	v9 =	vadd.f32 v11, v9;
	v15 =	vld.idx.msk [tilespmem:v17+s30+$0x0], $0xffff;
	v17 =	vor.u32 v4, v12;
	(pc) =	sbr.rel @p1 .LBB2_27-.Ltmp12, $4  }
0x39d: {  	v12 =	vand.u32 $0x7F, v18;
	v11 =	vld.idx.msk [tilespmem:v14+s29+$0x0], $0xffff  }
0x39e: {  	v18 =	vmul.f32 v13, v19;
	v13 =	vor.u32 v4, v12;
	v16 =	vadd.f32 v16, v9;
	v14 =	vld.idx.msk [tilespmem:v14+s30+$0x0], $0xffff  }
0x39f: {  	s15 =	sadd.s32 $0x1, s14;
	v9 =	vor.u32 s14, v5;
	v12 =	vld.idx.msk [tilespmem:v21+s29+$0x0], $0xffff  }
0x3a0: {  	v19 =	vadd.s32 s15, v0;
	s15 =	sadd.s32 $0x2, s13;
	s14 =	sadd.s32 $0x10, s14;
	v20 =	vmul.f32 v23, v20;
	v18 =	vadd.f32 v18, v16;
	v16 =	vld.idx.msk [tilespmem:v21+s30+$0x0], $0xffff  }
0x3a1: {  	_ =	sdelay $0x3  }
0x3a2: {  	v19 =	vand.u32 $0x7F, v19;
	v21 =	vld.idx.msk [tilespmem:v17+s29+$0x0], $0xffff;
	v10 =	vmul.f32 v15, v10;
	v18 =	vadd.f32 v20, v18  }
0x3a3: {  	v15 =	vadd.s32 s15, v0;
	v17 =	vld.idx.msk [tilespmem:v17+s30+$0x0], $0xffff;
	v19 =	vor.u32 v4, v19  }
0x3a4: {  	s14 =	sadd.s32 $0x3, s13;
	v15 =	vand.u32 $0x7F, v15;
	v20 =	vld.idx.msk [tilespmem:v13+s29+$0x0], $0xffff;
	v11 =	vmul.f32 v14, v11;
	v10 =	vadd.f32 v10, v18  }
0x3a5: {  	v13 =	vld.idx.msk [tilespmem:v13+s30+$0x0], $0xffff;
	v14 =	vadd.s32 s14, v0;
	v15 =	vor.u32 v4, v15  }
0x3a6: {  	s26 =	sadd.s32 $0x4, s13;
	v18 =	vld.idx.msk [tilespmem:v9+s29+$0x0], $0xffff;
	v14 =	vand.u32 $0x7F, v14;
	v10 =	vadd.f32 v11, v10;
	v11 =	vmul.f32 v16, v12  }
0x3a7: {  	v9 =	vld.idx.msk [tilespmem:v9+s30+$0x0], $0xffff;
	v14 =	vor.u32 v4, v14;
	v12 =	vadd.s32 s26, v0  }
0x3a8: {  	s15 =	sadd.s32 $0x5, s13;
	v16 =	vld.idx.msk [tilespmem:v19+s29+$0x0], $0xffff;
	v12 =	vand.u32 $0x7F, v12;
	v10 =	vadd.f32 v11, v10;
	v11 =	vmul.f32 v17, v21  }
0x3a9: {  	v19 =	vld.idx.msk [tilespmem:v19+s30+$0x0], $0xffff;
	v17 =	vadd.s32 s15, v0;
	v12 =	vor.u32 v4, v12  }
0x3aa: {  	s17 =	sadd.s32 $0x6, s13;
	v21 =	vld.idx.msk [tilespmem:v15+s29+$0x0], $0xffff;
	v17 =	vand.u32 $0x7F, v17;
	v10 =	vadd.f32 v11, v10;
	v11 =	vmul.f32 v13, v20  }
0x3ab: {  	v15 =	vld.idx.msk [tilespmem:v15+s30+$0x0], $0xffff;
	v13 =	vadd.s32 s17, v0;
	v17 =	vor.u32 v4, v17  }
0x3ac: {  	s21 =	sadd.s32 $0x7, s13;
	v9 =	vmul.f32 v9, v18;
	v20 =	vld.idx.msk [tilespmem:v14+s29+$0x0], $0xffff;
	v13 =	vand.u32 $0x7F, v13;
	v10 =	vadd.f32 v11, v10  }
0x3ad: {  	v14 =	vld.idx.msk [tilespmem:v14+s30+$0x0], $0xffff;
	v11 =	vadd.s32 s21, v0;
	v13 =	vor.u32 v4, v13  }
0x3ae: {  	s24 =	sadd.s32 $0x8, s13;
	v18 =	vld.idx.msk [tilespmem:v12+s29+$0x0], $0xffff;
	v11 =	vand.u32 $0x7F, v11;
	v9 =	vadd.f32 v9, v10;
	v10 =	vmul.f32 v19, v16  }
0x3af: {  	v12 =	vld.idx.msk [tilespmem:v12+s30+$0x0], $0xffff;
	v16 =	vadd.s32 s24, v0;
	v11 =	vor.u32 v4, v11  }
0x3b0: {  	s26 =	sadd.s32 $0x9, s13;
	v19 =	vld.idx.msk [tilespmem:v17+s29+$0x0], $0xffff;
	v16 =	vand.u32 $0x78, v16;
	v9 =	vadd.f32 v10, v9;
	v10 =	vmul.f32 v15, v21  }
0x3b1: {  	v17 =	vld.idx.msk [tilespmem:v17+s30+$0x0], $0xffff;
	v15 =	vadd.s32 s26, v0;
	v16 =	vor.u32 v16, v6  }
0x3b2: {  	s15 =	sadd.s32 $0xA, s13;
	v21 =	vld.idx.msk [tilespmem:v13+s29+$0x0], $0xffff;
	v15 =	vand.u32 $0x7F, v15;
	v9 =	vadd.f32 v10, v9;
	v10 =	vmul.f32 v14, v20  }
0x3b3: {  	v13 =	vld.idx.msk [tilespmem:v13+s30+$0x0], $0xffff;
	v14 =	vadd.s32 s15, v0;
	v15 =	vor.u32 v4, v15  }
0x3b4: {  	s17 =	sadd.s32 $0xB, s13;
	v20 =	vld.idx.msk [tilespmem:v11+s29+$0x0], $0xffff;
	v14 =	vand.u32 $0x7F, v14;
	v9 =	vadd.f32 v10, v9;
	v10 =	vmul.f32 v12, v18  }
0x3b5: {  	v11 =	vld.idx.msk [tilespmem:v11+s30+$0x0], $0xffff;
	v12 =	vadd.s32 s17, v0;
	v14 =	vor.u32 v4, v14  }
0x3b6: {  	s21 =	sadd.s32 $0xC, s13;
	v18 =	vld.idx.msk [tilespmem:v16+s29+$0x0], $0xffff;
	v12 =	vand.u32 $0x7F, v12;
	v9 =	vadd.f32 v10, v9;
	v10 =	vmul.f32 v17, v19  }
0x3b7: {  	v16 =	vld.idx.msk [tilespmem:v16+s30+$0x0], $0xffff;
	v17 =	vadd.s32 s21, v0;
	v12 =	vor.u32 v4, v12  }
0x3b8: {  	s24 =	sadd.s32 $0xD, s13;
	v19 =	vld.idx.msk [tilespmem:v15+s29+$0x0], $0xffff;
	v17 =	vand.u32 $0x7F, v17;
	v9 =	vadd.f32 v10, v9;
	v10 =	vmul.f32 v13, v21  }
0x3b9: {  	v15 =	vld.idx.msk [tilespmem:v15+s30+$0x0], $0xffff;
	v13 =	vadd.s32 s24, v0;
	v17 =	vor.u32 v4, v17  }
0x3ba: {  	s26 =	sadd.s32 $0xE, s13;
	v21 =	vld.idx.msk [tilespmem:v14+s29+$0x0], $0xffff;
	v13 =	vand.u32 $0x7F, v13;
	v9 =	vadd.f32 v10, v9;
	v10 =	vmul.f32 v11, v20  }
0x3bb: {  	v14 =	vld.idx.msk [tilespmem:v14+s30+$0x0], $0xffff;
	v11 =	vadd.s32 s26, v0;
	v13 =	vor.u32 v4, v13  }
0x3bc: {  	s14 =	sadd.s32 $0xF, s13;
	v20 =	vld.idx.msk [tilespmem:v12+s29+$0x0], $0xffff;
	v11 =	vand.u32 $0x7F, v11;
	v9 =	vadd.f32 v10, v9;
	v10 =	vmul.f32 v16, v18  }
0x3bd: {  	v12 =	vld.idx.msk [tilespmem:v12+s30+$0x0], $0xffff;
	v16 =	vadd.s32 s14, v0;
	v11 =	vor.u32 v4, v11  }
0x3be: {  	v18 =	vld.idx.msk [tilespmem:v17+s29+$0x0], $0xffff;
	v16 =	vand.u32 $0x7F, v16;
	v9 =	vadd.f32 v10, v9;
	v10 =	vmul.f32 v15, v19  }
0x3bf: {  	v15 =	vld.idx.msk [tilespmem:v17+s30+$0x0], $0xffff;
	v16 =	vor.u32 v4, v16  }
0x3c0: {  	v17 =	vld.idx.msk [tilespmem:v13+s29+$0x0], $0xffff;
	v9 =	vadd.f32 v10, v9;
	v10 =	vmul.f32 v14, v21  }
0x3c1: {  	v13 =	vld.idx.msk [tilespmem:v13+s30+$0x0], $0xffff  }
0x3c2: {  	v14 =	vld.idx.msk [tilespmem:v11+s29+$0x0], $0xffff;
	v9 =	vadd.f32 v10, v9;
	v10 =	vmul.f32 v12, v20  }
0x3c3: {  	v11 =	vld.idx.msk [tilespmem:v11+s30+$0x0], $0xffff  }
0x3c4: {  	v12 =	vld.idx.msk [tilespmem:v16+s29+$0x0], $0xffff;
	v9 =	vadd.f32 v10, v9;
	v10 =	vmul.f32 v15, v18  }
0x3c5: {  	v15 =	vld.idx.msk [tilespmem:v16+s30+$0x0], $0xffff  }
0x3c6: {  	v9 =	vadd.f32 v10, v9;
	v10 =	vmul.f32 v13, v17;
	_ =	sdelay $0x1  }
0x3c7: {  	v9 =	vadd.f32 v10, v9;
	v10 =	vmul.f32 v11, v14;
	_ =	sdelay $0x1  }
0x3c8: {  	v9 =	vadd.f32 v10, v9;
	v10 =	vmul.f32 v15, v12;
	_ =	sdelay $0x1  }
0x3c9: {  	v9 =	vadd.f32 v10, v9;
	_ =	sdelay $0x1  }
0x3ca: {  	v10 =	vmul.f32 $2.000000030e-01, v9  }
0x3cb: {  	vm0 =	vge.f32 v9, $0.0e+00  }
0x3cc: {  	v9 =	vsel vm0, v9, v10  }
0x3cd: {  	s24 =	simm.s32 $0x4;
	v9 =	vmul.f32 $1.442695020e+00, v9  }
0x3ce: {  	vm15 =	veq.s32 v8, $0x0;
	v16 =	vadd.s32 s24, v0  }
0x3cf: {  	v8 =	vmul.u32 $0x88, v7;
	s21 =	simm.s32 $0x2;
	s26 =	simm.s32 $0x5;
	v23 =	vand.u32 $0x78, v16;
	(erf) = vpow2.f32 v9  }
0x3d0: {  	v35 =	vand.u32 $0x7, v16;
	v13 =	vadd.s32 s21, v0;
	v17 =	vadd.s32 s26, v0;
	s21 =	simm.s32 $0xA  }
0x3d1: {  	s26 =	simm.s32 $0xC;
	v51 =	vor.u32 v4, v23;
	v20 =	vand.u32 $0x78, v17;
	v21 =	vadd.s32 s21, v0  }
0x3d2: {  	s13 =	simm.s32 $0x0;
	s17 =	simm.s32 $0x3;
	v25 =	vadd.s32 s26, v0;
	v17 =	vand.u32 $0x7, v17;
	v41 =	vand.u32 $0x7, v13  }
0x3d3: {  	v13 =	vand.u32 $0x78, v13;
	v11 =	vor.u32 s13, v5;
	v14 =	vadd.s32 s17, v0  }
0x3d4: {  	s26 =	simm.s32 $0x8;
	v29 =	vand.u32 $0x78, v25;
	v25 =	vand.u32 $0x7, v25;
	v16 =	vor.u32 v4, v20  }
0x3d5: {  	s17 =	simm.s32 $0x9;
	v40 =	vadd.s32 v8, v20;
	v49 =	vadd.s32 s26, v0;
	v10 =	vadd.s32 $0x80, v8  }
0x3d6: {  	v52 =	vadd.s32 v8, v13;
	v19 =	vadd.s32 s17, v0;
	v22 =	vand.u32 $0x7, v14  }
0x3d7: {  	s15 =	simm.s32 $0x1;
	v14 =	vand.u32 $0x78, v14;
	v32 =	vor.u32 v4, v29;
	v47 =	vor.u32 v17, v16  }
0x3d8: {  	v49 =	vand.u32 $0x78, v49;
	v12 =	vadd.s32 s15, v0;
	v24 =	vand.u32 $0x78, v19;
	v9 =	vpop (erf)  }
0x3d9: {  	s24 =	simm.s32 $0xD;
	s17 =	simm.s32 $0xB;
	v36 =	vand.u32 $0x7, v19;
	v19 =	vand.u32 $0x78, v21;
	v7 =	vsel vm15, $0x0, v9  }
0x3da: {  	s15 =	simm.s32 $0x7;
	v39 =	vadd.s32 s17, v0;
	v21 =	vand.u32 $0x7, v21;
	[tilespmem:v10+s19+$0x0] =	vst.idx.msk $0xffff, v7;
	v10 =	vadd.s32 s24, v0  }
0x3db: {  	v32 =	vor.u32 v25, v32;
	v18 =	vadd.s32 s15, v0;
	v26 =	vand.u32 $0x78, v10  }
0x3dc: {  	v30 =	vadd.s32 v8, v24;
	v28 =	vand.u32 $0x7, v10;
	v10 =	vor.u32 v4, v26  }
0x3dd: {  	v24 =	vor.u32 v4, v24;
	v38 =	vor.u32 v4, v19;
	v31 =	vor.u32 v28, v10  }
0x3de: {  	s21 =	simm.s32 $0xF;
	v20 =	vand.u32 $0x78, v39;
	v39 =	vand.u32 $0x7, v39;
	v43 =	vadd.s32 v8, v19  }
0x3df: {  	s15 =	simm.s32 $0xE;
	v19 =	vadd.s32 s21, v0;
	v46 =	vand.u32 $0x78, v12;
	v58 =	vand.u32 $0x7, v12  }
0x3e0: {  	v27 =	vadd.s32 s15, v0;
	v37 =	vand.u32 $0x7, v18;
	v42 =	vor.u32 v4, v20  }
0x3e1: {  	v38 =	vor.u32 v21, v38;
	v20 =	vadd.s32 v8, v20;
	v24 =	vor.u32 v36, v24  }
0x3e2: {  	v12 =	vor.u32 v4, v46;
	v59 =	vand.u32 $0x78, v18;
	v46 =	vadd.s32 v8, v46;
	v31 =	vld.idx.msk [tilespmem:v31+s30+$0x0], $0xffff  }
0x3e3: {  	v33 =	vand.u32 $0x78, v27;
	v27 =	vand.u32 $0x7, v27;
	v42 =	vor.u32 v39, v42  }
0x3e4: {  	v50 =	vor.u32 v58, v12;
	v60 =	vor.u32 v39, v20;
	v9 =	vor.u32 v2, v8  }
0x3e5: {  	v62 =	vadd.s32 v8, v59;
	v34 =	vor.u32 v4, v33;
	v15 =	vadd.s32 s13, v9;
	s24 =	simm.s32 $0x6;
	v11 =	vld.idx.msk [tilespmem:v11+s30+$0x0], $0xffff  }
0x3e6: {  	v34 =	vor.u32 v27, v34;
	v15 =	vadd.s32 v3, v15;
	v48 =	vadd.s32 s24, v0  }
0x3e7: {  	v26 =	vadd.s32 v8, v26;
	v44 =	vmul.f32 v31, v7;
	v31 =	vand.u32 $0x78, v19  }
0x3e8: {  	v16 =	vld.idx.msk [tilespmem:v42+s30+$0x0], $0xffff;
	v19 =	vand.u32 $0x7, v19;
	v45 =	vor.u32 v4, v31;
	v31 =	vadd.s32 v8, v31  }
0x3e9: {  	v45 =	vor.u32 v19, v45;
	v31 =	vor.u32 v19, v31;
	v19 =	vor.u32 v4, v13  }
0x3ea: {  	v10 =	vadd.s32 v8, v14;
	v11 =	vmul.f32 v11, v7;
	v12 =	vor.u32 v41, v19  }
0x3eb: {  	v24 =	vld.idx.msk [tilespmem:v24+s30+$0x0], $0xffff;
	v14 =	vor.u32 v4, v14;
	v61 =	vor.u32 v28, v26;
	v10 =	vor.u32 v22, v10  }
0x3ec: {  	v18 =	vor.u32 v22, v14;
	[tilespmem:v15+s19+$0x0] =	vst.idx.msk $0xffff, v11;
	v11 =	vld.idx.msk [tilespmem:v32+s30+$0x0], $0xffff;
	v13 =	vadd.s32 v8, v33  }
0x3ed: {  	v22 =	vor.u32 v4, v59;
	v54 =	vmul.f32 v16, v7;
	v16 =	vor.u32 v27, v13;
	v27 =	vld.idx.msk [tilespmem:v34+s30+$0x0], $0xffff  }
0x3ee: {  	v28 =	vor.u32 v49, v6;
	v14 =	vadd.s32 v8, v29;
	v22 =	vor.u32 v37, v22;
	v45 =	vld.idx.msk [tilespmem:v45+s30+$0x0], $0xffff  }
0x3ef: {  	v63 =	vand.u32 $0x7, v48;
	v15 =	vand.u32 $0x78, v48;
	[tilespmem:v60+s19+$0x0] =	vst.idx.msk $0xffff, v54;
	v19 =	vor.u32 v25, v14;
	v14 =	vld.idx.msk [tilespmem:v12+s30+$0x0], $0xffff  }
0x3f0: {  	v53 =	vor.u32 v4, v15;
	v15 =	vadd.s32 v8, v15;
	v13 =	vadd.s32 v8, v23  }
0x3f1: {  	v32 =	vld.idx.msk [tilespmem:v50+s30+$0x0], $0xffff;
	v20 =	vmul.f32 v11, v7;
	v13 =	vor.u32 v35, v13;
	v35 =	vor.u32 v35, v51  }
0x3f2: {  	v11 =	vor.u32 v21, v43;
	v21 =	vor.u32 v17, v40;
	v17 =	vld.idx.msk [tilespmem:v38+s30+$0x0], $0xffff;
	[tilespmem:v61+s19+$0x0] =	vst.idx.msk $0xffff, v44  }
0x3f3: {  	v25 =	vor.u32 v41, v52;
	v23 =	vmul.f32 v24, v7;
	v26 =	vmul.f32 v45, v7  }
0x3f4: {  	v33 =	vmul.f32 v27, v7;
	v29 =	vmul.f32 v14, v7;
	v14 =	vor.u32 v36, v30  }
0x3f5: {  	v27 =	vld.idx.msk [tilespmem:v47+s30+$0x0], $0xffff;
	v30 =	vor.u32 v58, v46;
	[tilespmem:v31+s19+$0x0] =	vst.idx.msk $0xffff, v26;
	v31 =	vor.u32 v63, v53  }
0x3f6: {  	s13 =	simm.s32 $0x10;
	v24 =	vor.u32 v63, v15;
	v15 =	vor.u32 v37, v62;
	v12 =	vadd.s32 v9, v49;
	v26 =	vld.idx.msk [tilespmem:v35+s30+$0x0], $0xffff  }
.LBB2_29:
0x3f7: {  	v34 =	vor.u32 s13, v5;
	s14 =	sadd.s32 $0x1, s13;
	s15 =	sadd.s32 $0x2, s13;
	s17 =	sadd.s32 $0x3, s13;
	v32 =	vmul.f32 v32, v7;
	v35 =	vmul.f32 v17, v7;
	[tilespmem:v16+s19+$0x0] =	vst.idx.msk $0xffff, v33  }
0x3f8: {  	v17 =	vadd.s32 s14, v0;
	v16 =	vadd.s32 s15, v0;
	v33 =	vadd.s32 s17, v0;
	s15 =	sadd.s32 $0x4, s13;
	s17 =	sadd.s32 $0x5, s13;
	s14 =	sadd.s32 $0x6, s13;
	v28 =	vld.idx.msk [tilespmem:v28+s30+$0x0], $0xffff  }
0x3f9: {  	v36 =	vadd.s32 s13, v9;
	s21 =	sadd.s32 $0xA, s13;
	v37 =	vadd.s32 s15, v0;
	v38 =	vadd.s32 s17, v0;
	s15 =	sadd.s32 $0x7, s13;
	s17 =	sadd.s32 $0x9, s13;
	[tilespmem:v25+s19+$0x0] =	vst.idx.msk $0xffff, v29  }
0x3fa: {  	p1 =	slt.u32 s13, $0x70;
	v25 =	vadd.s32 v3, v36;
	v29 =	vadd.s32 s15, v0;
	v36 =	vadd.s32 s17, v0;
	[tilespmem:v30+s19+$0x0] =	vst.idx.msk $0xffff, v32;
	v30 =	vld.idx.msk [tilespmem:v31+s30+$0x0], $0xffff;
	s15 =	smov.u32 s13;
	s13 =	sadd.s32 $0x10, s13  }
0x3fb: {  	v27 =	vmul.f32 v27, v7;
	v31 =	vand.u32 $0x78, v38;
	v32 =	vadd.s32 s21, v0;
	v18 =	vld.idx.msk [tilespmem:v18+s30+$0x0], $0xffff;
	[tilespmem:v19+s19+$0x0] =	vst.idx.msk $0xffff, v20  }
0x3fc: {  	v20 =	vand.u32 $0x7, v33;
	v39 =	vand.u32 $0x78, v36;
	s17 =	sadd.s32 $0xC, s15;
	s21 =	sadd.s32 $0xD, s15;
	v19 =	vld.idx.msk [tilespmem:v34+s30+$0x0], $0xffff;
	v34 =	vand.u32 $0x78, v37  }
0x3fd: {  	v26 =	vmul.f32 v26, v7;
	v40 =	vadd.s32 s17, v0;
	v41 =	vadd.s32 s21, v0;
	s17 =	sadd.s32 $0xE, s15;
	[tilespmem:v21+s19+$0x0] =	vst.idx.msk $0xffff, v27;
	v21 =	vld.idx.msk [tilespmem:v22+s30+$0x0], $0xffff  }
0x3fe: {  	v22 =	vand.u32 $0x78, v41;
	v27 =	vadd.s32 s17, v0;
	v28 =	vmul.f32 v28, v7;
	[tilespmem:v14+s19+$0x0] =	vst.idx.msk $0xffff, v23  }
0x3ff: {  	v14 =	vadd.s32 v8, v39;
	v23 =	vand.u32 $0x7, v41;
	v41 =	vor.u32 v4, v22  }
0x400: {  	v42 =	vand.u32 $0x78, v40;
	v41 =	vor.u32 v23, v41;
	[tilespmem:v13+s19+$0x0] =	vst.idx.msk $0xffff, v26;
	v13 =	vmul.f32 v30, v7  }
0x401: {  	v26 =	vand.u32 $0x78, v33;
	v30 =	vor.u32 v4, v42;
	v33 =	vand.u32 $0x78, v27;
	[tilespmem:v12+s19+$0x0] =	vst.idx.msk $0xffff, v28  }
0x402: {  	v27 =	vand.u32 $0x7, v27;
	v12 =	vadd.s32 v8, v26;
	v28 =	vand.u32 $0x7, v40;
	[tilespmem:v24+s19+$0x0] =	vst.idx.msk $0xffff, v13  }
0x403: {  	v12 =	vor.u32 v20, v12;
	v13 =	vor.u32 v4, v39;
	v24 =	vor.u32 v4, v33  }
0x404: {  	v36 =	vand.u32 $0x7, v36;
	v37 =	vand.u32 $0x7, v37;
	v19 =	vmul.f32 v19, v7;
	[tilespmem:v11+s19+$0x0] =	vst.idx.msk $0xffff, v35  }
0x405: {  	v18 =	vmul.f32 v18, v7;
	v11 =	vor.u32 v4, v31;
	v35 =	vand.u32 $0x7, v29  }
0x406: {  	v38 =	vand.u32 $0x7, v38;
	s17 =	sadd.s32 $0xB, s15;
	v21 =	vmul.f32 v21, v7;
	[tilespmem:v25+s19+$0x0] =	vst.idx.msk $0xffff, v19;
	v19 =	vand.u32 $0x78, v32;
	v25 =	vld.idx.msk [tilespmem:v41+s30+$0x0], $0xffff  }
0x407: {  	v26 =	vor.u32 v4, v26;
	v40 =	vadd.s32 s17, v0;
	v39 =	vor.u32 v4, v19;
	[tilespmem:v10+s19+$0x0] =	vst.idx.msk $0xffff, v18  }
0x408: {  	v31 =	vadd.s32 v8, v31;
	v32 =	vand.u32 $0x7, v32;
	v18 =	vand.u32 $0x78, v40;
	v10 =	vmovc v12;
	[tilespmem:v15+s19+$0x0] =	vst.idx.msk $0xffff, v21  }
0x409: {  	v12 =	vand.u32 $0x7, v40;
	v15 =	vand.u32 $0x7, v16;
	v21 =	vor.u32 v4, v18  }
0x40a: {  	s17 =	sadd.s32 $0xF, s15;
	v39 =	vor.u32 v32, v39;
	v40 =	vadd.s32 v8, v18;
	v21 =	vor.u32 v12, v21  }
0x40b: {  	v22 =	vadd.s32 v8, v22;
	v41 =	vadd.s32 v8, v19;
	v18 =	vadd.s32 s17, v0  }
0x40c: {  	v13 =	vor.u32 v36, v13;
	v19 =	vand.u32 $0x78, v18;
	v43 =	vmul.f32 v25, v7  }
0x40d: {  	v18 =	vand.u32 $0x7, v18;
	v25 =	vor.u32 v28, v30;
	v30 =	vor.u32 v4, v19  }
0x40e: {  	v24 =	vor.u32 v27, v24;
	v19 =	vadd.s32 v8, v19;
	v30 =	vor.u32 v18, v30  }
0x40f: {  	v44 =	vand.u32 $0x78, v17;
	v45 =	vor.u32 v38, v11;
	v46 =	vor.u32 v18, v19;
	v11 =	vld.idx.msk [tilespmem:v21+s30+$0x0], $0xffff  }
0x410: {  	v47 =	vand.u32 $0x7, v17;
	v17 =	vor.u32 v4, v44;
	s15 =	sadd.s32 $0x8, s15;
	v16 =	vand.u32 $0x78, v16  }
0x411: {  	v48 =	vadd.s32 s14, v0;
	v18 =	vor.u32 v4, v16;
	v19 =	vadd.s32 s15, v0  }
0x412: {  	v49 =	vor.u32 v4, v34;
	v21 =	vor.u32 v47, v17;
	v17 =	vor.u32 v15, v18;
	v25 =	vld.idx.msk [tilespmem:v25+s30+$0x0], $0xffff  }
0x413: {  	v50 =	vand.u32 $0x78, v48;
	v29 =	vand.u32 $0x78, v29;
	v51 =	vand.u32 $0x78, v19;
	v30 =	vld.idx.msk [tilespmem:v30+s30+$0x0], $0xffff  }
0x414: {  	v44 =	vadd.s32 v8, v44;
	v52 =	vadd.s32 v8, v16;
	v53 =	vld.idx.msk [tilespmem:v13+s30+$0x0], $0xffff;
	v13 =	vadd.s32 v8, v33  }
0x415: {  	v54 =	vor.u32 v4, v50;
	v55 =	vmul.f32 v11, v7;
	v24 =	vld.idx.msk [tilespmem:v24+s30+$0x0], $0xffff;
	v16 =	vor.u32 v27, v13  }
0x416: {  	v19 =	vadd.s32 v8, v42;
	v18 =	vor.u32 v20, v26;
	v11 =	vadd.s32 v8, v34  }
0x417: {  	v19 =	vor.u32 v28, v19;
	v34 =	vor.u32 v12, v40;
	v13 =	vor.u32 v37, v11;
	v26 =	vld.idx.msk [tilespmem:v17+s30+$0x0], $0xffff  }
0x418: {  	v12 =	vadd.s32 v9, v51;
	v20 =	vmul.f32 v25, v7;
	v17 =	vld.idx.msk [tilespmem:v39+s30+$0x0], $0xffff;
	v39 =	vor.u32 v23, v22  }
0x419: {  	v11 =	vor.u32 v32, v41;
	v22 =	vor.u32 v4, v29;
	v27 =	vmul.f32 v30, v7  }
0x41a: {  	v25 =	vor.u32 v15, v52;
	v15 =	vor.u32 v37, v49;
	v32 =	vld.idx.msk [tilespmem:v21+s30+$0x0], $0xffff;
	v21 =	vor.u32 v38, v31  }
.Ltmp13:
0x41b: {  	v28 =	vor.u32 v51, v6;
	v37 =	vadd.s32 v8, v29;
	v22 =	vor.u32 v35, v22;
	(pc) =	sbr.rel @p1 .LBB2_29-.Ltmp13, $4  }
0x41c: {  	v23 =	vmul.f32 v53, v7;
	v38 =	vand.u32 $0x7, v48;
	v33 =	vmul.f32 v24, v7;
	[tilespmem:v46+s19+$0x0] =	vst.idx.msk $0xffff, v27  }
0x41d: {  	v14 =	vor.u32 v36, v14;
	v24 =	vadd.s32 v8, v50;
	v29 =	vmul.f32 v26, v7;
	v27 =	vld.idx.msk [tilespmem:v45+s30+$0x0], $0xffff  }
0x41e: {  	v30 =	vor.u32 v47, v44;
	v31 =	vor.u32 v38, v54;
	[tilespmem:v34+s19+$0x0] =	vst.idx.msk $0xffff, v55  }
0x41f: {  	v24 =	vor.u32 v38, v24;
	v26 =	vld.idx.msk [tilespmem:v15+s30+$0x0], $0xffff;
	v15 =	vor.u32 v35, v37;
	[tilespmem:v39+s19+$0x0] =	vst.idx.msk $0xffff, v43  }
0x420: {  	_ =	sdelay $0x3  }
0x421: {  	v4 =	vmul.f32 v32, v7;
	[tilespmem:v16+s19+$0x0] =	vst.idx.msk $0xffff, v33  }
0x422: {  	v5 =	vld.idx.msk [tilespmem:v28+s30+$0x0], $0xffff;
	[tilespmem:v25+s19+$0x0] =	vst.idx.msk $0xffff, v29  }
0x423: {  	v6 =	vld.idx.msk [tilespmem:v31+s30+$0x0], $0xffff;
	[tilespmem:v30+s19+$0x0] =	vst.idx.msk $0xffff, v4;
	v4 =	vmul.f32 v27, v7  }
0x424: {  	v8 =	vld.idx.msk [tilespmem:v18+s30+$0x0], $0xffff;
	[tilespmem:v19+s19+$0x0] =	vst.idx.msk $0xffff, v20  }
0x425: {  	v63 =	vmul.f32 v17, v7;
	[tilespmem:v21+s19+$0x0] =	vst.idx.msk $0xffff, v4;
	v4 =	vld.idx.msk [tilespmem:v22+s30+$0x0], $0xffff  }
0x426: {  	[tilespmem:v14+s19+$0x0] =	vst.idx.msk $0xffff, v23;
	v9 =	vmul.f32 v26, v7  }
0x427: {  	[tilespmem:v11+s19+$0x0] =	vst.idx.msk $0xffff, v63;
	v5 =	vmul.f32 v5, v7  }
.Ltmp14:
0x428: {  	v6 =	vmul.f32 v6, v7;
	[tilespmem:v13+s19+$0x0] =	vst.idx.msk $0xffff, v9;
	(pc) =	sbr.rel @p0 .LBB2_26-.Ltmp14, $4  }
0x429: {  	[tilespmem:v12+s19+$0x0] =	vst.idx.msk $0xffff, v5;
	v5 =	vmul.f32 v8, v7  }
0x42a: {  	[tilespmem:v24+s19+$0x0] =	vst.idx.msk $0xffff, v6;
	v4 =	vmul.f32 v4, v7  }
0x42b: {  	[tilespmem:v10+s19+$0x0] =	vst.idx.msk $0xffff, v5  }
0x42c: {  	s13 =	simm.s32 $0x10;
	p1 =	por $0x0, $0x0;
	[tilespmem:v15+s19+$0x0] =	vst.idx.msk $0xffff, v4  }
0x42d: {  	s11 =	simm.s32 $0x8  }
0x42e: {  	_ =	swait.ge [sflag:s11], $0x1100  }
0x42f: {  	[sflag:s11] =	ssyncset.done $0x0  }
0x430: {  	s15 =	simm.s32 $0x9;
	[sflag:s11] =	ssyncadd.s32 $0xFFFFEF00  }
0x431: {  	_ =	swait.ge [sflag:s15], $0x1100  }
0x432: {  	[sflag:s15] =	ssyncset.done $0x0  }
0x433: {  	s17 =	simm.s32 $0xC0;
	[sflag:s15] =	ssyncadd.s32 $0xFFFFEF00  }
0x434: {  	[spmem:s2] =	stream.indirect.scatter.add.f32 [tilespmem:s19], [sflag:$0xA], $0x88, s17, s22, $0xb8;
	[tilespmem:$0x1E820] =	vst v63  }
0x435: {  	_ =	swait.ge [sflag:s20], $0x1100  }
0x436: {  	[sflag:s20] =	ssyncset.done $0x0  }
0x437: {  	[sflag:s20] =	ssyncadd.s32 $0xFFFFEF00  }
0x438: {  	_ =	swait.ge [sflag:s12], $0x1000  }
0x439: {  	[sflag:s12] =	ssyncset.done $0x0  }
0x43a: {  	[sflag:s12] =	ssyncadd.s32 $0xFFFFF000  }
0x43b: {  	_ =	swait.ge [sflag:s12], $0x1000  }
0x43c: {  	[sflag:s12] =	ssyncset.done $0x0  }
0x43d: {  	[sflag:s12] =	ssyncadd.s32 $0xFFFFF000  }
0x43e: {  	_ =	swait.ge [sflag:s7], $0x20  }
0x43f: {  	[sflag:s7] =	ssyncset.done $0x0  }
0x440: {  	[sflag:s7] =	ssyncadd.s32 $0xFFFFFFE0  }
0x441: {  	_ =	swait.ge [sflag:s7], $0x20  }
0x442: {  	[sflag:s7] =	ssyncset.done $0x0  }
0x443: {  	[sflag:s7] =	ssyncadd.s32 $0xFFFFFFE0  }
0x444: {  	s21 =	stileid.u32;
	[bflag:$0x0] =	sbarrier.arrive $0xFFFF  }
0x445: {  	s11 =	sshll.u32 s21, $0x6;
	s13 =	rddreg [dreg:$0xd]  }
0x446: {  	s11 =	sor.u32 $0x1C0A, s11;
	s14 =	rddreg [dreg:$0xf]  }
0x447: {  	[hbm:s13], [sflag:s11] =	dma.local [spmem:s14], $0x2A80  }
0x448: {  	_ =	swait.ge [sflag:s20], $0x2A80  }
0x449: {  	s24 =	rddreg [dreg:$0x10]  }
0x44a: {  	s26 =	rddreg [dreg:$0xe];
	s13 =	sadd.s32 $0x1, s24  }
0x44b: {  	p0 =	sne.s32 s13, s26  }
.Ltmp15:
0x44c: {  	_ = 	snop;
	(pc) =	sbr.rel @p0 .LBB2_1-.Ltmp15, $3  }
0x44d: {  	_ =	sdelay $0x1  }
0x44e: {  	[sflag:s20] =	ssyncset.done $0x0  }
0x44f: {  	[sflag:s20] =	ssyncadd.s32 $0xFFFFD580  }
0x450: {  	_ =	sfence.sel $0x180000  }
0x451: {  	[bflag:$0x0] =	sbarrier.arrive $0xFFFF  }
0x452: {  	_ =	strace $0x90000047  }
0x453: {  	s0 =	stileid.u32;
	[bflag:$0x2] =	sbarrier.arrive $0xFFFF  }
0x454: {  	p0 =	sne.s32 s0, $0x0;
	s0 =	rddreg [dreg:$0x3]  }
0x455: {  	s0 =	sadd.s32 @!p0 $0x100000, s0  }
0x456: {  	[sflag:s0] =	ssyncadd.tile.s32 @!p0 $0x1;
	_ =	shalt  }
.Lfunc_end2:
_tile_overlayer_lowered:
.L_overlay_start_2:
0x457: {  	(tag) =	ssettag $0x2  }
0x458: {  	s0 =	rddreg [dreg:$0x0];
	s2 =	stileid.u32  }
0x459: {  	s1 =	rddreg [dreg:$0x1];
	p0 =	sne.s32 s2, $0x0  }
0x45a: {  	s3 =	rddreg [dreg:$0x2];
	[bflag:$0x3] =	sbarrier.arrive $0xFFFF;
	s2 =	simm.s32 @!p0 $0x1C0A  }
0x45b: {  	[timem:s3], [sflag:s2] =	dma.local @!p0 [hbm:s0], s1  }
0x45c: {  	s0 =	simm.s32 @!p0 $0xA  }
0x45d: {  	_ =	swait.ge @!p0 [sflag:s0], s1  }
0x45e: {  	s1 =	ssub.s32 @!p0 $0x0, s1;
	[sflag:s0] =	ssyncset.done @!p0 $0x0  }
0x45f: {  	[sflag:s0] =	ssyncadd.s32 @!p0 s1  }
0x460: {  	[bflag:$0x3] =	sbarrier.arrive $0xFFFF  }
0x461: {  	_ =	shalt  }

</sc_bundles>
